<compile_context>
chip_gen: v7x
topology: tpu7x:2x2x1
jax: 0.10.2.dev20260603
libtpu: 0.0.44.dev20260713+nightly
codegen_flags: <defaults>
</compile_context>

<pallas_src>
import functools

import jax
import jax.numpy as jnp
from jax import lax
from jax.experimental import pallas as pl
from jax.experimental.pallas import tpu as pltpu
from jax.experimental.pallas import tpu_sc as plsc

_NUM_EXPERTS = 64
_BLOCK_M = 2048
_N_TOKENS = 16384
_N_CHUNKS = 4
_CHUNK = _N_TOKENS // _N_CHUNKS
_N_WORKERS = 32
_TOK_PER_W = _CHUNK // _N_WORKERS
_GROUPS = _TOK_PER_W // 16


def _matmul_body(x_ref, w_ref, o_ref):
    o_ref[...] = jax.lax.dot_general(
        x_ref[...], w_ref[...], (((1,), (1,)), ((), ())),
        preferred_element_type=jnp.float32,
    )


def _logits_tc(x, W_g):
    n_tokens, dim = x.shape
    return pl.pallas_call(
        _matmul_body,
        grid=(n_tokens // _BLOCK_M,),
        in_specs=[
            pl.BlockSpec((_BLOCK_M, dim), lambda i: (i, 0)),
            pl.BlockSpec((_NUM_EXPERTS, dim), lambda i: (0, 0)),
        ],
        out_specs=pl.BlockSpec((_BLOCK_M, _NUM_EXPERTS), lambda i: (i, 0)),
        out_shape=jax.ShapeDtypeStruct((n_tokens, _NUM_EXPERTS), jnp.float32),
        compiler_params=pltpu.CompilerParams(
            dimension_semantics=("arbitrary",),
            vmem_limit_bytes=64 * 1024 * 1024,
        ),
    )(x, W_g)


def _sc_topk_body(logits_hbm, out_hbm, logits_v, out_v):
    wid = lax.axis_index("s") * 2 + lax.axis_index("c")
    base = wid * _TOK_PER_W
    pltpu.sync_copy(logits_hbm.at[pl.ds(base, _TOK_PER_W)], logits_v)
    lane = lax.broadcasted_iota(jnp.int32, (16,), 0)
    zeros = jnp.zeros((16,), jnp.int32)
    neg = jnp.full((16,), -jnp.inf, jnp.float32)

    def group_body(g, carry):
        row = g * 16 + lane
        v1 = neg
        v2 = neg
        for e in range(_NUM_EXPERTS):
            x = plsc.load_gather(logits_v, [row, zeros + e])
            v1, v2 = jnp.maximum(v1, x), jnp.maximum(v2, jnp.minimum(v1, x))
        e2 = jnp.exp(v2 - v1)
        denom = 1.0 + e2
        plsc.store_scatter(out_v, [row, zeros], 1.0 / denom)
        plsc.store_scatter(out_v, [row, zeros + 1], e2 / denom)
        return carry

    lax.fori_loop(0, _GROUPS, group_body, 0)
    pltpu.sync_copy(out_v, out_hbm.at[pl.ds(base, _TOK_PER_W)])


_sc_topk = pl.kernel(
    _sc_topk_body,
    out_type=jax.ShapeDtypeStruct((_CHUNK, 2), jnp.float32),
    mesh=plsc.VectorSubcoreMesh(core_axis_name="c", subcore_axis_name="s"),
    compiler_params=pltpu.CompilerParams(needs_layout_passes=False),
    scratch_types=[
        pltpu.VMEM((_TOK_PER_W, _NUM_EXPERTS), jnp.float32),
        pltpu.VMEM((_TOK_PER_W, 2), jnp.float32),
    ],
)


@jax.jit
def kernel(x, W_g):
    outs = []
    for c in range(_N_CHUNKS):
        logits = _logits_tc(lax.slice_in_dim(x, c * _CHUNK, (c + 1) * _CHUNK), W_g)
        outs.append(_sc_topk(logits))
    return jnp.concatenate(outs, axis=0)

# --- scband reference (transcript-rebuilt; emitter-appended) ---
"""Pipeline reference for scband-gating-40424232190280 (READ-ONLY COPY).

The authoritative reference and input builder live on the scoring server;
editing this copy changes nothing except your own understanding.
"""

import jax, jax.numpy as jnp
import numpy as np

DIM = 2048
NUM_EXPERTS = 64
TOPK = 2

def setup_inputs(seed: int = 0) -> dict:
    key = jax.random.key(seed)
    kx, kw = jax.random.split(key)
    x = jax.random.normal(kx, (16384, DIM), dtype=jnp.float32)
    # nn.Linear(dim, num_experts, bias=False) -> weight shape [num_experts, dim]
    W_g = jax.random.normal(kw, (NUM_EXPERTS, DIM), dtype=jnp.float32) * (1.0 / np.sqrt(DIM))
    return {"x": x, "W_g": W_g}

def reference(x, W_g):
    # logits = self.W_g(x)
    logits = jnp.dot(x, W_g.T)
    # values, index = torch.topk(logits, k, dim=-1)
    values, index = jax.lax.top_k(logits, TOPK)
    # topk_probs = F.softmax(values)  (softmax over last dim of the top-k values)
    topk_probs = jax.nn.softmax(values, axis=-1)
    return topk_probs

if __name__ == "__main__":
    import jax
    _d = setup_inputs()
    print(jax.jit(kernel)(*tuple(_d.values())))

</pallas_src>

<mosaic_0001>
#map = affine_map<(d0, d1) -> (0, 0)>
module attributes {stable_mosaic.version = 14 : i64} {
  func.func @_sc_topk_body(%arg0: i32, %arg1: i32, %arg2: memref<4096x64xf32, #tpu.memory_space<hbm>>, %arg3: memref<4096x2xf32, #tpu.memory_space<hbm>>, %arg4: memref<128x64xf32, #tpu.memory_space<vmem>>, %arg5: memref<128x2xf32, #tpu.memory_space<vmem>>) attributes {dimension_semantics = [#tpu.dimension_semantics<core_parallel>, #tpu.dimension_semantics<subcore_parallel>], iteration_bounds = array<i64: 2, 16>, scalar_prefetch = 0 : i64, scratch_operands = 2 : i64, tpu.core_type = #tpu.core_type<sc_vector_subcore>, window_params = [{transform_indices = #map}, {transform_indices = #map}]} {
    %mul3A = arith.constant 2 : i32
    %mul3A_0 = arith.muli %arg1, %mul3A : i32
    %add3A = arith.addi %mul3A_0, %arg0 : i32
    %mul3A_1 = arith.constant 128 : i32
    %mul3A_2 = arith.muli %add3A, %mul3A_1 : i32
    "tpu.region"() ({
      %run_scoped3A = tpu.sem_alloc : memref<!tpu.dma_semaphore, #tpu.memory_space<semaphore_mem>>
      %dma_start3A = arith.constant 0 : i32
      %dma_start3A_11 = tpu.memref_slice %arg2[%mul3A_2, %dma_start3A] : memref<4096x64xf32, #tpu.memory_space<hbm>> -> memref<128x64xf32, #tpu.memory_space<hbm>>
      %dma_start3A_12 = arith.constant 0 : i32
      %dma_start3A_13 = tpu.memref_slice %arg2[%mul3A_2, %dma_start3A_12] : memref<4096x64xf32, #tpu.memory_space<hbm>> -> memref<128x64xf32, #tpu.memory_space<hbm>>
      tpu.enqueue_dma source(%dma_start3A_13 : memref<128x64xf32, #tpu.memory_space<hbm>>) target(%arg4 : memref<128x64xf32, #tpu.memory_space<vmem>>) target_semaphore(%run_scoped3A : memref<!tpu.dma_semaphore, #tpu.memory_space<semaphore_mem>>)
      %dma_wait3A = arith.constant 0 : i32
      %dma_wait3A_14 = tpu.memref_slice %arg2[%mul3A_2, %dma_wait3A] : memref<4096x64xf32, #tpu.memory_space<hbm>> -> memref<128x64xf32, #tpu.memory_space<hbm>>
      %dma_wait3A_15 = arith.constant 0 : i32
      %dma_wait3A_16 = tpu.memref_slice %arg2[%mul3A_2, %dma_wait3A_15] : memref<4096x64xf32, #tpu.memory_space<hbm>> -> memref<128x64xf32, #tpu.memory_space<hbm>>
      tpu.wait_dma2 semaphore(%run_scoped3A : memref<!tpu.dma_semaphore, #tpu.memory_space<semaphore_mem>>) src(%dma_wait3A_16 : memref<128x64xf32, #tpu.memory_space<hbm>>) dst(%arg4 : memref<128x64xf32, #tpu.memory_space<vmem>>)
      tpu.yield
    }) : () -> ()
    %iota3A = tpu.iota {dimensions = array<i32: 0>} : vector<16xi32>
    %broadcast_in_dim3A = arith.constant 0 : i32
    %broadcast_in_dim3A_3 = vector.broadcast %broadcast_in_dim3A : i32 to vector<16xi32>
    %broadcast_in_dim3A_4 = arith.constant 0xFF800000 : f32
    %broadcast_in_dim3A_5 = vector.broadcast %broadcast_in_dim3A_4 : f32 to vector<16xf32>
    %scan3A = arith.constant 0 : i32
    %scan3A_6 = arith.constant 0 : i32
    %scan3A_7 = arith.constant 8 : i32
    %scan3A_8 = arith.addi %scan3A_6, %scan3A_7 : i32
    %scan3A_9 = arith.constant 1 : i32
    scf.for %scan3A_11 = %scan3A_6 to %scan3A_8 step %scan3A_9  : i32 {
      %mul3A_12 = arith.constant 16 : i32
      %mul3A_13 = arith.muli %scan3A_11, %mul3A_12 : i32
      %add3A_14 = vector.broadcast %mul3A_13 : i32 to vector<16xi32>
      %add3A_15 = arith.addi %add3A_14, %iota3A : vector<16xi32>
      %add3A_16 = arith.constant 0 : i32
      %add3A_17 = vector.broadcast %add3A_16 : i32 to vector<16xi32>
      %add3A_18 = arith.addi %broadcast_in_dim3A_3, %add3A_17 : vector<16xi32>
      %gather3A = tpu.vector_load_idx %arg4[%add3A_15, %add3A_18] : memref<128x64xf32, #tpu.memory_space<vmem>>[vector<16xi32>, vector<16xi32>], vector<16xf32>,
      %max3A = arith.maximumf %broadcast_in_dim3A_5, %gather3A : vector<16xf32>
      %min3A = arith.minimumf %broadcast_in_dim3A_5, %gather3A : vector<16xf32>
      %max3A_19 = arith.maximumf %broadcast_in_dim3A_5, %min3A : vector<16xf32>
      %add3A_20 = arith.constant 1 : i32
      %add3A_21 = vector.broadcast %add3A_20 : i32 to vector<16xi32>
      %add3A_22 = arith.addi %broadcast_in_dim3A_3, %add3A_21 : vector<16xi32>
      %gather3A_23 = tpu.vector_load_idx %arg4[%add3A_15, %add3A_22] : memref<128x64xf32, #tpu.memory_space<vmem>>[vector<16xi32>, vector<16xi32>], vector<16xf32>,
      %max3A_24 = arith.maximumf %max3A, %gather3A_23 : vector<16xf32>
      %min3A_25 = arith.minimumf %max3A, %gather3A_23 : vector<16xf32>
      %max3A_26 = arith.maximumf %max3A_19, %min3A_25 : vector<16xf32>
      %add3A_27 = arith.constant 2 : i32
      %add3A_28 = vector.broadcast %add3A_27 : i32 to vector<16xi32>
      %add3A_29 = arith.addi %broadcast_in_dim3A_3, %add3A_28 : vector<16xi32>
      %gather3A_30 = tpu.vector_load_idx %arg4[%add3A_15, %add3A_29] : memref<128x64xf32, #tpu.memory_space<vmem>>[vector<16xi32>, vector<16xi32>], vector<16xf32>,
      %max3A_31 = arith.maximumf %max3A_24, %gather3A_30 : vector<16xf32>
      %min3A_32 = arith.minimumf %max3A_24, %gather3A_30 : vector<16xf32>
      %max3A_33 = arith.maximumf %max3A_26, %min3A_32 : vector<16xf32>
      %add3A_34 = arith.constant 3 : i32
      %add3A_35 = vector.broadcast %add3A_34 : i32 to vector<16xi32>
      %add3A_36 = arith.addi %broadcast_in_dim3A_3, %add3A_35 : vector<16xi32>
      %gather3A_37 = tpu.vector_load_idx %arg4[%add3A_15, %add3A_36] : memref<128x64xf32, #tpu.memory_space<vmem>>[vector<16xi32>, vector<16xi32>], vector<16xf32>,
      %max3A_38 = arith.maximumf %max3A_31, %gather3A_37 : vector<16xf32>
      %min3A_39 = arith.minimumf %max3A_31, %gather3A_37 : vector<16xf32>
      %max3A_40 = arith.maximumf %max3A_33, %min3A_39 : vector<16xf32>
      %add3A_41 = arith.constant 4 : i32
      %add3A_42 = vector.broadcast %add3A_41 : i32 to vector<16xi32>
      %add3A_43 = arith.addi %broadcast_in_dim3A_3, %add3A_42 : vector<16xi32>
      %gather3A_44 = tpu.vector_load_idx %arg4[%add3A_15, %add3A_43] : memref<128x64xf32, #tpu.memory_space<vmem>>[vector<16xi32>, vector<16xi32>], vector<16xf32>,
      %max3A_45 = arith.maximumf %max3A_38, %gather3A_44 : vector<16xf32>
      %min3A_46 = arith.minimumf %max3A_38, %gather3A_44 : vector<16xf32>
      %max3A_47 = arith.maximumf %max3A_40, %min3A_46 : vector<16xf32>
      %add3A_48 = arith.constant 5 : i32
      %add3A_49 = vector.broadcast %add3A_48 : i32 to vector<16xi32>
      %add3A_50 = arith.addi %broadcast_in_dim3A_3, %add3A_49 : vector<16xi32>
      %gather3A_51 = tpu.vector_load_idx %arg4[%add3A_15, %add3A_50] : memref<128x64xf32, #tpu.memory_space<vmem>>[vector<16xi32>, vector<16xi32>], vector<16xf32>,
      %max3A_52 = arith.maximumf %max3A_45, %gather3A_51 : vector<16xf32>
      %min3A_53 = arith.minimumf %max3A_45, %gather3A_51 : vector<16xf32>
      %max3A_54 = arith.maximumf %max3A_47, %min3A_53 : vector<16xf32>
      %add3A_55 = arith.constant 6 : i32
      %add3A_56 = vector.broadcast %add3A_55 : i32 to vector<16xi32>
      %add3A_57 = arith.addi %broadcast_in_dim3A_3, %add3A_56 : vector<16xi32>
      %gather3A_58 = tpu.vector_load_idx %arg4[%add3A_15, %add3A_57] : memref<128x64xf32, #tpu.memory_space<vmem>>[vector<16xi32>, vector<16xi32>], vector<16xf32>,
      %max3A_59 = arith.maximumf %max3A_52, %gather3A_58 : vector<16xf32>
      %min3A_60 = arith.minimumf %max3A_52, %gather3A_58 : vector<16xf32>
      %max3A_61 = arith.maximumf %max3A_54, %min3A_60 : vector<16xf32>
      %add3A_62 = arith.constant 7 : i32
      %add3A_63 = vector.broadcast %add3A_62 : i32 to vector<16xi32>
      %add3A_64 = arith.addi %broadcast_in_dim3A_3, %add3A_63 : vector<16xi32>
      %gather3A_65 = tpu.vector_load_idx %arg4[%add3A_15, %add3A_64] : memref<128x64xf32, #tpu.memory_space<vmem>>[vector<16xi32>, vector<16xi32>], vector<16xf32>,
      %max3A_66 = arith.maximumf %max3A_59, %gather3A_65 : vector<16xf32>
      %min3A_67 = arith.minimumf %max3A_59, %gather3A_65 : vector<16xf32>
      %max3A_68 = arith.maximumf %max3A_61, %min3A_67 : vector<16xf32>
      %add3A_69 = arith.constant 8 : i32
      %add3A_70 = vector.broadcast %add3A_69 : i32 to vector<16xi32>
      %add3A_71 = arith.addi %broadcast_in_dim3A_3, %add3A_70 : vector<16xi32>
      %gather3A_72 = tpu.vector_load_idx %arg4[%add3A_15, %add3A_71] : memref<128x64xf32, #tpu.memory_space<vmem>>[vector<16xi32>, vector<16xi32>], vector<16xf32>,
      %max3A_73 = arith.maximumf %max3A_66, %gather3A_72 : vector<16xf32>
      %min3A_74 = arith.minimumf %max3A_66, %gather3A_72 : vector<16xf32>
      %max3A_75 = arith.maximumf %max3A_68, %min3A_74 : vector<16xf32>
      %add3A_76 = arith.constant 9 : i32
      %add3A_77 = vector.broadcast %add3A_76 : i32 to vector<16xi32>
      %add3A_78 = arith.addi %broadcast_in_dim3A_3, %add3A_77 : vector<16xi32>
      %gather3A_79 = tpu.vector_load_idx %arg4[%add3A_15, %add3A_78] : memref<128x64xf32, #tpu.memory_space<vmem>>[vector<16xi32>, vector<16xi32>], vector<16xf32>,
      %max3A_80 = arith.maximumf %max3A_73, %gather3A_79 : vector<16xf32>
      %min3A_81 = arith.minimumf %max3A_73, %gather3A_79 : vector<16xf32>
      %max3A_82 = arith.maximumf %max3A_75, %min3A_81 : vector<16xf32>
      %add3A_83 = arith.constant 10 : i32
      %add3A_84 = vector.broadcast %add3A_83 : i32 to vector<16xi32>
      %add3A_85 = arith.addi %broadcast_in_dim3A_3, %add3A_84 : vector<16xi32>
      %gather3A_86 = tpu.vector_load_idx %arg4[%add3A_15, %add3A_85] : memref<128x64xf32, #tpu.memory_space<vmem>>[vector<16xi32>, vector<16xi32>], vector<16xf32>,
      %max3A_87 = arith.maximumf %max3A_80, %gather3A_86 : vector<16xf32>
      %min3A_88 = arith.minimumf %max3A_80, %gather3A_86 : vector<16xf32>
      %max3A_89 = arith.maximumf %max3A_82, %min3A_88 : vector<16xf32>
      %add3A_90 = arith.constant 11 : i32
      %add3A_91 = vector.broadcast %add3A_90 : i32 to vector<16xi32>
      %add3A_92 = arith.addi %broadcast_in_dim3A_3, %add3A_91 : vector<16xi32>
      %gather3A_93 = tpu.vector_load_idx %arg4[%add3A_15, %add3A_92] : memref<128x64xf32, #tpu.memory_space<vmem>>[vector<16xi32>, vector<16xi32>], vector<16xf32>,
      %max3A_94 = arith.maximumf %max3A_87, %gather3A_93 : vector<16xf32>
      %min3A_95 = arith.minimumf %max3A_87, %gather3A_93 : vector<16xf32>
      %max3A_96 = arith.maximumf %max3A_89, %min3A_95 : vector<16xf32>
      %add3A_97 = arith.constant 12 : i32
      %add3A_98 = vector.broadcast %add3A_97 : i32 to vector<16xi32>
      %add3A_99 = arith.addi %broadcast_in_dim3A_3, %add3A_98 : vector<16xi32>
      %gather3A_100 = tpu.vector_load_idx %arg4[%add3A_15, %add3A_99] : memref<128x64xf32, #tpu.memory_space<vmem>>[vector<16xi32>, vector<16xi32>], vector<16xf32>,
      %max3A_101 = arith.maximumf %max3A_94, %gather3A_100 : vector<16xf32>
      %min3A_102 = arith.minimumf %max3A_94, %gather3A_100 : vector<16xf32>
      %max3A_103 = arith.maximumf %max3A_96, %min3A_102 : vector<16xf32>
      %add3A_104 = arith.constant 13 : i32
      %add3A_105 = vector.broadcast %add3A_104 : i32 to vector<16xi32>
      %add3A_106 = arith.addi %broadcast_in_dim3A_3, %add3A_105 : vector<16xi32>
      %gather3A_107 = tpu.vector_load_idx %arg4[%add3A_15, %add3A_106] : memref<128x64xf32, #tpu.memory_space<vmem>>[vector<16xi32>, vector<16xi32>], vector<16xf32>,
      %max3A_108 = arith.maximumf %max3A_101, %gather3A_107 : vector<16xf32>
      %min3A_109 = arith.minimumf %max3A_101, %gather3A_107 : vector<16xf32>
      %max3A_110 = arith.maximumf %max3A_103, %min3A_109 : vector<16xf32>
      %add3A_111 = arith.constant 14 : i32
      %add3A_112 = vector.broadcast %add3A_111 : i32 to vector<16xi32>
      %add3A_113 = arith.addi %broadcast_in_dim3A_3, %add3A_112 : vector<16xi32>
      %gather3A_114 = tpu.vector_load_idx %arg4[%add3A_15, %add3A_113] : memref<128x64xf32, #tpu.memory_space<vmem>>[vector<16xi32>, vector<16xi32>], vector<16xf32>,
      %max3A_115 = arith.maximumf %max3A_108, %gather3A_114 : vector<16xf32>
      %min3A_116 = arith.minimumf %max3A_108, %gather3A_114 : vector<16xf32>
      %max3A_117 = arith.maximumf %max3A_110, %min3A_116 : vector<16xf32>
      %add3A_118 = arith.constant 15 : i32
      %add3A_119 = vector.broadcast %add3A_118 : i32 to vector<16xi32>
      %add3A_120 = arith.addi %broadcast_in_dim3A_3, %add3A_119 : vector<16xi32>
      %gather3A_121 = tpu.vector_load_idx %arg4[%add3A_15, %add3A_120] : memref<128x64xf32, #tpu.memory_space<vmem>>[vector<16xi32>, vector<16xi32>], vector<16xf32>,
      %max3A_122 = arith.maximumf %max3A_115, %gather3A_121 : vector<16xf32>
      %min3A_123 = arith.minimumf %max3A_115, %gather3A_121 : vector<16xf32>
      %max3A_124 = arith.maximumf %max3A_117, %min3A_123 : vector<16xf32>
      %add3A_125 = arith.constant 16 : i32
      %add3A_126 = vector.broadcast %add3A_125 : i32 to vector<16xi32>
      %add3A_127 = arith.addi %broadcast_in_dim3A_3, %add3A_126 : vector<16xi32>
      %gather3A_128 = tpu.vector_load_idx %arg4[%add3A_15, %add3A_127] : memref<128x64xf32, #tpu.memory_space<vmem>>[vector<16xi32>, vector<16xi32>], vector<16xf32>,
      %max3A_129 = arith.maximumf %max3A_122, %gather3A_128 : vector<16xf32>
      %min3A_130 = arith.minimumf %max3A_122, %gather3A_128 : vector<16xf32>
      %max3A_131 = arith.maximumf %max3A_124, %min3A_130 : vector<16xf32>
      %add3A_132 = arith.constant 17 : i32
      %add3A_133 = vector.broadcast %add3A_132 : i32 to vector<16xi32>
      %add3A_134 = arith.addi %broadcast_in_dim3A_3, %add3A_133 : vector<16xi32>
      %gather3A_135 = tpu.vector_load_idx %arg4[%add3A_15, %add3A_134] : memref<128x64xf32, #tpu.memory_space<vmem>>[vector<16xi32>, vector<16xi32>], vector<16xf32>,
      %max3A_136 = arith.maximumf %max3A_129, %gather3A_135 : vector<16xf32>
      %min3A_137 = arith.minimumf %max3A_129, %gather3A_135 : vector<16xf32>
      %max3A_138 = arith.maximumf %max3A_131, %min3A_137 : vector<16xf32>
      %add3A_139 = arith.constant 18 : i32
      %add3A_140 = vector.broadcast %add3A_139 : i32 to vector<16xi32>
      %add3A_141 = arith.addi %broadcast_in_dim3A_3, %add3A_140 : vector<16xi32>
      %gather3A_142 = tpu.vector_load_idx %arg4[%add3A_15, %add3A_141] : memref<128x64xf32, #tpu.memory_space<vmem>>[vector<16xi32>, vector<16xi32>], vector<16xf32>,
      %max3A_143 = arith.maximumf %max3A_136, %gather3A_142 : vector<16xf32>
      %min3A_144 = arith.minimumf %max3A_136, %gather3A_142 : vector<16xf32>
      %max3A_145 = arith.maximumf %max3A_138, %min3A_144 : vector<16xf32>
      %add3A_146 = arith.constant 19 : i32
      %add3A_147 = vector.broadcast %add3A_146 : i32 to vector<16xi32>
      %add3A_148 = arith.addi %broadcast_in_dim3A_3, %add3A_147 : vector<16xi32>
      %gather3A_149 = tpu.vector_load_idx %arg4[%add3A_15, %add3A_148] : memref<128x64xf32, #tpu.memory_space<vmem>>[vector<16xi32>, vector<16xi32>], vector<16xf32>,
      %max3A_150 = arith.maximumf %max3A_143, %gather3A_149 : vector<16xf32>
      %min3A_151 = arith.minimumf %max3A_143, %gather3A_149 : vector<16xf32>
      %max3A_152 = arith.maximumf %max3A_145, %min3A_151 : vector<16xf32>
      %add3A_153 = arith.constant 20 : i32
      %add3A_154 = vector.broadcast %add3A_153 : i32 to vector<16xi32>
      %add3A_155 = arith.addi %broadcast_in_dim3A_3, %add3A_154 : vector<16xi32>
      %gather3A_156 = tpu.vector_load_idx %arg4[%add3A_15, %add3A_155] : memref<128x64xf32, #tpu.memory_space<vmem>>[vector<16xi32>, vector<16xi32>], vector<16xf32>,
      %max3A_157 = arith.maximumf %max3A_150, %gather3A_156 : vector<16xf32>
      %min3A_158 = arith.minimumf %max3A_150, %gather3A_156 : vector<16xf32>
      %max3A_159 = arith.maximumf %max3A_152, %min3A_158 : vector<16xf32>
      %add3A_160 = arith.constant 21 : i32
      %add3A_161 = vector.broadcast %add3A_160 : i32 to vector<16xi32>
      %add3A_162 = arith.addi %broadcast_in_dim3A_3, %add3A_161 : vector<16xi32>
      %gather3A_163 = tpu.vector_load_idx %arg4[%add3A_15, %add3A_162] : memref<128x64xf32, #tpu.memory_space<vmem>>[vector<16xi32>, vector<16xi32>], vector<16xf32>,
      %max3A_164 = arith.maximumf %max3A_157, %gather3A_163 : vector<16xf32>
      %min3A_165 = arith.minimumf %max3A_157, %gather3A_163 : vector<16xf32>
      %max3A_166 = arith.maximumf %max3A_159, %min3A_165 : vector<16xf32>
      %add3A_167 = arith.constant 22 : i32
      %add3A_168 = vector.broadcast %add3A_167 : i32 to vector<16xi32>
      %add3A_169 = arith.addi %broadcast_in_dim3A_3, %add3A_168 : vector<16xi32>
      %gather3A_170 = tpu.vector_load_idx %arg4[%add3A_15, %add3A_169] : memref<128x64xf32, #tpu.memory_space<vmem>>[vector<16xi32>, vector<16xi32>], vector<16xf32>,
      %max3A_171 = arith.maximumf %max3A_164, %gather3A_170 : vector<16xf32>
      %min3A_172 = arith.minimumf %max3A_164, %gather3A_170 : vector<16xf32>
      %max3A_173 = arith.maximumf %max3A_166, %min3A_172 : vector<16xf32>
      %add3A_174 = arith.constant 23 : i32
      %add3A_175 = vector.broadcast %add3A_174 : i32 to vector<16xi32>
      %add3A_176 = arith.addi %broadcast_in_dim3A_3, %add3A_175 : vector<16xi32>
      %gather3A_177 = tpu.vector_load_idx %arg4[%add3A_15, %add3A_176] : memref<128x64xf32, #tpu.memory_space<vmem>>[vector<16xi32>, vector<16xi32>], vector<16xf32>,
      %max3A_178 = arith.maximumf %max3A_171, %gather3A_177 : vector<16xf32>
      %min3A_179 = arith.minimumf %max3A_171, %gather3A_177 : vector<16xf32>
      %max3A_180 = arith.maximumf %max3A_173, %min3A_179 : vector<16xf32>
      %add3A_181 = arith.constant 24 : i32
      %add3A_182 = vector.broadcast %add3A_181 : i32 to vector<16xi32>
      %add3A_183 = arith.addi %broadcast_in_dim3A_3, %add3A_182 : vector<16xi32>
      %gather3A_184 = tpu.vector_load_idx %arg4[%add3A_15, %add3A_183] : memref<128x64xf32, #tpu.memory_space<vmem>>[vector<16xi32>, vector<16xi32>], vector<16xf32>,
      %max3A_185 = arith.maximumf %max3A_178, %gather3A_184 : vector<16xf32>
      %min3A_186 = arith.minimumf %max3A_178, %gather3A_184 : vector<16xf32>
      %max3A_187 = arith.maximumf %max3A_180, %min3A_186 : vector<16xf32>
      %add3A_188 = arith.constant 25 : i32
      %add3A_189 = vector.broadcast %add3A_188 : i32 to vector<16xi32>
      %add3A_190 = arith.addi %broadcast_in_dim3A_3, %add3A_189 : vector<16xi32>
      %gather3A_191 = tpu.vector_load_idx %arg4[%add3A_15, %add3A_190] : memref<128x64xf32, #tpu.memory_space<vmem>>[vector<16xi32>, vector<16xi32>], vector<16xf32>,
      %max3A_192 = arith.maximumf %max3A_185, %gather3A_191 : vector<16xf32>
      %min3A_193 = arith.minimumf %max3A_185, %gather3A_191 : vector<16xf32>
      %max3A_194 = arith.maximumf %max3A_187, %min3A_193 : vector<16xf32>
      %add3A_195 = arith.constant 26 : i32
      %add3A_196 = vector.broadcast %add3A_195 : i32 to vector<16xi32>
      %add3A_197 = arith.addi %broadcast_in_dim3A_3, %add3A_196 : vector<16xi32>
      %gather3A_198 = tpu.vector_load_idx %arg4[%add3A_15, %add3A_197] : memref<128x64xf32, #tpu.memory_space<vmem>>[vector<16xi32>, vector<16xi32>], vector<16xf32>,
      %max3A_199 = arith.maximumf %max3A_192, %gather3A_198 : vector<16xf32>
      %min3A_200 = arith.minimumf %max3A_192, %gather3A_198 : vector<16xf32>
      %max3A_201 = arith.maximumf %max3A_194, %min3A_200 : vector<16xf32>
      %add3A_202 = arith.constant 27 : i32
      %add3A_203 = vector.broadcast %add3A_202 : i32 to vector<16xi32>
      %add3A_204 = arith.addi %broadcast_in_dim3A_3, %add3A_203 : vector<16xi32>
      %gather3A_205 = tpu.vector_load_idx %arg4[%add3A_15, %add3A_204] : memref<128x64xf32, #tpu.memory_space<vmem>>[vector<16xi32>, vector<16xi32>], vector<16xf32>,
      %max3A_206 = arith.maximumf %max3A_199, %gather3A_205 : vector<16xf32>
      %min3A_207 = arith.minimumf %max3A_199, %gather3A_205 : vector<16xf32>
      %max3A_208 = arith.maximumf %max3A_201, %min3A_207 : vector<16xf32>
      %add3A_209 = arith.constant 28 : i32
      %add3A_210 = vector.broadcast %add3A_209 : i32 to vector<16xi32>
      %add3A_211 = arith.addi %broadcast_in_dim3A_3, %add3A_210 : vector<16xi32>
      %gather3A_212 = tpu.vector_load_idx %arg4[%add3A_15, %add3A_211] : memref<128x64xf32, #tpu.memory_space<vmem>>[vector<16xi32>, vector<16xi32>], vector<16xf32>,
      %max3A_213 = arith.maximumf %max3A_206, %gather3A_212 : vector<16xf32>
      %min3A_214 = arith.minimumf %max3A_206, %gather3A_212 : vector<16xf32>
      %max3A_215 = arith.maximumf %max3A_208, %min3A_214 : vector<16xf32>
      %add3A_216 = arith.constant 29 : i32
      %add3A_217 = vector.broadcast %add3A_216 : i32 to vector<16xi32>
      %add3A_218 = arith.addi %broadcast_in_dim3A_3, %add3A_217 : vector<16xi32>
      %gather3A_219 = tpu.vector_load_idx %arg4[%add3A_15, %add3A_218] : memref<128x64xf32, #tpu.memory_space<vmem>>[vector<16xi32>, vector<16xi32>], vector<16xf32>,
      %max3A_220 = arith.maximumf %max3A_213, %gather3A_219 : vector<16xf32>
      %min3A_221 = arith.minimumf %max3A_213, %gather3A_219 : vector<16xf32>
      %max3A_222 = arith.maximumf %max3A_215, %min3A_221 : vector<16xf32>
      %add3A_223 = arith.constant 30 : i32
      %add3A_224 = vector.broadcast %add3A_223 : i32 to vector<16xi32>
      %add3A_225 = arith.addi %broadcast_in_dim3A_3, %add3A_224 : vector<16xi32>
      %gather3A_226 = tpu.vector_load_idx %arg4[%add3A_15, %add3A_225] : memref<128x64xf32, #tpu.memory_space<vmem>>[vector<16xi32>, vector<16xi32>], vector<16xf32>,
      %max3A_227 = arith.maximumf %max3A_220, %gather3A_226 : vector<16xf32>
      %min3A_228 = arith.minimumf %max3A_220, %gather3A_226 : vector<16xf32>
      %max3A_229 = arith.maximumf %max3A_222, %min3A_228 : vector<16xf32>
      %add3A_230 = arith.constant 31 : i32
      %add3A_231 = vector.broadcast %add3A_230 : i32 to vector<16xi32>
      %add3A_232 = arith.addi %broadcast_in_dim3A_3, %add3A_231 : vector<16xi32>
      %gather3A_233 = tpu.vector_load_idx %arg4[%add3A_15, %add3A_232] : memref<128x64xf32, #tpu.memory_space<vmem>>[vector<16xi32>, vector<16xi32>], vector<16xf32>,
      %max3A_234 = arith.maximumf %max3A_227, %gather3A_233 : vector<16xf32>
      %min3A_235 = arith.minimumf %max3A_227, %gather3A_233 : vector<16xf32>
      %max3A_236 = arith.maximumf %max3A_229, %min3A_235 : vector<16xf32>
      %add3A_237 = arith.constant 32 : i32
      %add3A_238 = vector.broadcast %add3A_237 : i32 to vector<16xi32>
      %add3A_239 = arith.addi %broadcast_in_dim3A_3, %add3A_238 : vector<16xi32>
      %gather3A_240 = tpu.vector_load_idx %arg4[%add3A_15, %add3A_239] : memref<128x64xf32, #tpu.memory_space<vmem>>[vector<16xi32>, vector<16xi32>], vector<16xf32>,
      %max3A_241 = arith.maximumf %max3A_234, %gather3A_240 : vector<16xf32>
      %min3A_242 = arith.minimumf %max3A_234, %gather3A_240 : vector<16xf32>
      %max3A_243 = arith.maximumf %max3A_236, %min3A_242 : vector<16xf32>
      %add3A_244 = arith.constant 33 : i32
      %add3A_245 = vector.broadcast %add3A_244 : i32 to vector<16xi32>
      %add3A_246 = arith.addi %broadcast_in_dim3A_3, %add3A_245 : vector<16xi32>
      %gather3A_247 = tpu.vector_load_idx %arg4[%add3A_15, %add3A_246] : memref<128x64xf32, #tpu.memory_space<vmem>>[vector<16xi32>, vector<16xi32>], vector<16xf32>,
      %max3A_248 = arith.maximumf %max3A_241, %gather3A_247 : vector<16xf32>
      %min3A_249 = arith.minimumf %max3A_241, %gather3A_247 : vector<16xf32>
      %max3A_250 = arith.maximumf %max3A_243, %min3A_249 : vector<16xf32>
      %add3A_251 = arith.constant 34 : i32
      %add3A_252 = vector.broadcast %add3A_251 : i32 to vector<16xi32>
      %add3A_253 = arith.addi %broadcast_in_dim3A_3, %add3A_252 : vector<16xi32>
      %gather3A_254 = tpu.vector_load_idx %arg4[%add3A_15, %add3A_253] : memref<128x64xf32, #tpu.memory_space<vmem>>[vector<16xi32>, vector<16xi32>], vector<16xf32>,
      %max3A_255 = arith.maximumf %max3A_248, %gather3A_254 : vector<16xf32>
      %min3A_256 = arith.minimumf %max3A_248, %gather3A_254 : vector<16xf32>
      %max3A_257 = arith.maximumf %max3A_250, %min3A_256 : vector<16xf32>
      %add3A_258 = arith.constant 35 : i32
      %add3A_259 = vector.broadcast %add3A_258 : i32 to vector<16xi32>
      %add3A_260 = arith.addi %broadcast_in_dim3A_3, %add3A_259 : vector<16xi32>
      %gather3A_261 = tpu.vector_load_idx %arg4[%add3A_15, %add3A_260] : memref<128x64xf32, #tpu.memory_space<vmem>>[vector<16xi32>, vector<16xi32>], vector<16xf32>,
      %max3A_262 = arith.maximumf %max3A_255, %gather3A_261 : vector<16xf32>
      %min3A_263 = arith.minimumf %max3A_255, %gather3A_261 : vector<16xf32>
      %max3A_264 = arith.maximumf %max3A_257, %min3A_263 : vector<16xf32>
      %add3A_265 = arith.constant 36 : i32
      %add3A_266 = vector.broadcast %add3A_265 : i32 to vector<16xi32>
      %add3A_267 = arith.addi %broadcast_in_dim3A_3, %add3A_266 : vector<16xi32>
      %gather3A_268 = tpu.vector_load_idx %arg4[%add3A_15, %add3A_267] : memref<128x64xf32, #tpu.memory_space<vmem>>[vector<16xi32>, vector<16xi32>], vector<16xf32>,
      %max3A_269 = arith.maximumf %max3A_262, %gather3A_268 : vector<16xf32>
      %min3A_270 = arith.minimumf %max3A_262, %gather3A_268 : vector<16xf32>
      %max3A_271 = arith.maximumf %max3A_264, %min3A_270 : vector<16xf32>
      %add3A_272 = arith.constant 37 : i32
      %add3A_273 = vector.broadcast %add3A_272 : i32 to vector<16xi32>
      %add3A_274 = arith.addi %broadcast_in_dim3A_3, %add3A_273 : vector<16xi32>
      %gather3A_275 = tpu.vector_load_idx %arg4[%add3A_15, %add3A_274] : memref<128x64xf32, #tpu.memory_space<vmem>>[vector<16xi32>, vector<16xi32>], vector<16xf32>,
      %max3A_276 = arith.maximumf %max3A_269, %gather3A_275 : vector<16xf32>
      %min3A_277 = arith.minimumf %max3A_269, %gather3A_275 : vector<16xf32>
      %max3A_278 = arith.maximumf %max3A_271, %min3A_277 : vector<16xf32>
      %add3A_279 = arith.constant 38 : i32
      %add3A_280 = vector.broadcast %add3A_279 : i32 to vector<16xi32>
      %add3A_281 = arith.addi %broadcast_in_dim3A_3, %add3A_280 : vector<16xi32>
      %gather3A_282 = tpu.vector_load_idx %arg4[%add3A_15, %add3A_281] : memref<128x64xf32, #tpu.memory_space<vmem>>[vector<16xi32>, vector<16xi32>], vector<16xf32>,
      %max3A_283 = arith.maximumf %max3A_276, %gather3A_282 : vector<16xf32>
      %min3A_284 = arith.minimumf %max3A_276, %gather3A_282 : vector<16xf32>
      %max3A_285 = arith.maximumf %max3A_278, %min3A_284 : vector<16xf32>
      %add3A_286 = arith.constant 39 : i32
      %add3A_287 = vector.broadcast %add3A_286 : i32 to vector<16xi32>
      %add3A_288 = arith.addi %broadcast_in_dim3A_3, %add3A_287 : vector<16xi32>
      %gather3A_289 = tpu.vector_load_idx %arg4[%add3A_15, %add3A_288] : memref<128x64xf32, #tpu.memory_space<vmem>>[vector<16xi32>, vector<16xi32>], vector<16xf32>,
      %max3A_290 = arith.maximumf %max3A_283, %gather3A_289 : vector<16xf32>
      %min3A_291 = arith.minimumf %max3A_283, %gather3A_289 : vector<16xf32>
      %max3A_292 = arith.maximumf %max3A_285, %min3A_291 : vector<16xf32>
      %add3A_293 = arith.constant 40 : i32
      %add3A_294 = vector.broadcast %add3A_293 : i32 to vector<16xi32>
      %add3A_295 = arith.addi %broadcast_in_dim3A_3, %add3A_294 : vector<16xi32>
      %gather3A_296 = tpu.vector_load_idx %arg4[%add3A_15, %add3A_295] : memref<128x64xf32, #tpu.memory_space<vmem>>[vector<16xi32>, vector<16xi32>], vector<16xf32>,
      %max3A_297 = arith.maximumf %max3A_290, %gather3A_296 : vector<16xf32>
      %min3A_298 = arith.minimumf %max3A_290, %gather3A_296 : vector<16xf32>
      %max3A_299 = arith.maximumf %max3A_292, %min3A_298 : vector<16xf32>
      %add3A_300 = arith.constant 41 : i32
      %add3A_301 = vector.broadcast %add3A_300 : i32 to vector<16xi32>
      %add3A_302 = arith.addi %broadcast_in_dim3A_3, %add3A_301 : vector<16xi32>
      %gather3A_303 = tpu.vector_load_idx %arg4[%add3A_15, %add3A_302] : memref<128x64xf32, #tpu.memory_space<vmem>>[vector<16xi32>, vector<16xi32>], vector<16xf32>,
      %max3A_304 = arith.maximumf %max3A_297, %gather3A_303 : vector<16xf32>
      %min3A_305 = arith.minimumf %max3A_297, %gather3A_303 : vector<16xf32>
      %max3A_306 = arith.maximumf %max3A_299, %min3A_305 : vector<16xf32>
      %add3A_307 = arith.constant 42 : i32
      %add3A_308 = vector.broadcast %add3A_307 : i32 to vector<16xi32>
      %add3A_309 = arith.addi %broadcast_in_dim3A_3, %add3A_308 : vector<16xi32>
      %gather3A_310 = tpu.vector_load_idx %arg4[%add3A_15, %add3A_309] : memref<128x64xf32, #tpu.memory_space<vmem>>[vector<16xi32>, vector<16xi32>], vector<16xf32>,
      %max3A_311 = arith.maximumf %max3A_304, %gather3A_310 : vector<16xf32>
      %min3A_312 = arith.minimumf %max3A_304, %gather3A_310 : vector<16xf32>
      %max3A_313 = arith.maximumf %max3A_306, %min3A_312 : vector<16xf32>
      %add3A_314 = arith.constant 43 : i32
      %add3A_315 = vector.broadcast %add3A_314 : i32 to vector<16xi32>
      %add3A_316 = arith.addi %broadcast_in_dim3A_3, %add3A_315 : vector<16xi32>
      %gather3A_317 = tpu.vector_load_idx %arg4[%add3A_15, %add3A_316] : memref<128x64xf32, #tpu.memory_space<vmem>>[vector<16xi32>, vector<16xi32>], vector<16xf32>,
      %max3A_318 = arith.maximumf %max3A_311, %gather3A_317 : vector<16xf32>
      %min3A_319 = arith.minimumf %max3A_311, %gather3A_317 : vector<16xf32>
      %max3A_320 = arith.maximumf %max3A_313, %min3A_319 : vector<16xf32>
      %add3A_321 = arith.constant 44 : i32
      %add3A_322 = vector.broadcast %add3A_321 : i32 to vector<16xi32>
      %add3A_323 = arith.addi %broadcast_in_dim3A_3, %add3A_322 : vector<16xi32>
      %gather3A_324 = tpu.vector_load_idx %arg4[%add3A_15, %add3A_323] : memref<128x64xf32, #tpu.memory_space<vmem>>[vector<16xi32>, vector<16xi32>], vector<16xf32>,
      %max3A_325 = arith.maximumf %max3A_318, %gather3A_324 : vector<16xf32>
      %min3A_326 = arith.minimumf %max3A_318, %gather3A_324 : vector<16xf32>
      %max3A_327 = arith.maximumf %max3A_320, %min3A_326 : vector<16xf32>
      %add3A_328 = arith.constant 45 : i32
      %add3A_329 = vector.broadcast %add3A_328 : i32 to vector<16xi32>
      %add3A_330 = arith.addi %broadcast_in_dim3A_3, %add3A_329 : vector<16xi32>
      %gather3A_331 = tpu.vector_load_idx %arg4[%add3A_15, %add3A_330] : memref<128x64xf32, #tpu.memory_space<vmem>>[vector<16xi32>, vector<16xi32>], vector<16xf32>,
      %max3A_332 = arith.maximumf %max3A_325, %gather3A_331 : vector<16xf32>
      %min3A_333 = arith.minimumf %max3A_325, %gather3A_331 : vector<16xf32>
      %max3A_334 = arith.maximumf %max3A_327, %min3A_333 : vector<16xf32>
      %add3A_335 = arith.constant 46 : i32
      %add3A_336 = vector.broadcast %add3A_335 : i32 to vector<16xi32>
      %add3A_337 = arith.addi %broadcast_in_dim3A_3, %add3A_336 : vector<16xi32>
      %gather3A_338 = tpu.vector_load_idx %arg4[%add3A_15, %add3A_337] : memref<128x64xf32, #tpu.memory_space<vmem>>[vector<16xi32>, vector<16xi32>], vector<16xf32>,
      %max3A_339 = arith.maximumf %max3A_332, %gather3A_338 : vector<16xf32>
      %min3A_340 = arith.minimumf %max3A_332, %gather3A_338 : vector<16xf32>
      %max3A_341 = arith.maximumf %max3A_334, %min3A_340 : vector<16xf32>
      %add3A_342 = arith.constant 47 : i32
      %add3A_343 = vector.broadcast %add3A_342 : i32 to vector<16xi32>
      %add3A_344 = arith.addi %broadcast_in_dim3A_3, %add3A_343 : vector<16xi32>
      %gather3A_345 = tpu.vector_load_idx %arg4[%add3A_15, %add3A_344] : memref<128x64xf32, #tpu.memory_space<vmem>>[vector<16xi32>, vector<16xi32>], vector<16xf32>,
      %max3A_346 = arith.maximumf %max3A_339, %gather3A_345 : vector<16xf32>
      %min3A_347 = arith.minimumf %max3A_339, %gather3A_345 : vector<16xf32>
      %max3A_348 = arith.maximumf %max3A_341, %min3A_347 : vector<16xf32>
      %add3A_349 = arith.constant 48 : i32
      %add3A_350 = vector.broadcast %add3A_349 : i32 to vector<16xi32>
      %add3A_351 = arith.addi %broadcast_in_dim3A_3, %add3A_350 : vector<16xi32>
      %gather3A_352 = tpu.vector_load_idx %arg4[%add3A_15, %add3A_351] : memref<128x64xf32, #tpu.memory_space<vmem>>[vector<16xi32>, vector<16xi32>], vector<16xf32>,
      %max3A_353 = arith.maximumf %max3A_346, %gather3A_352 : vector<16xf32>
      %min3A_354 = arith.minimumf %max3A_346, %gather3A_352 : vector<16xf32>
      %max3A_355 = arith.maximumf %max3A_348, %min3A_354 : vector<16xf32>
      %add3A_356 = arith.constant 49 : i32
      %add3A_357 = vector.broadcast %add3A_356 : i32 to vector<16xi32>
      %add3A_358 = arith.addi %broadcast_in_dim3A_3, %add3A_357 : vector<16xi32>
      %gather3A_359 = tpu.vector_load_idx %arg4[%add3A_15, %add3A_358] : memref<128x64xf32, #tpu.memory_space<vmem>>[vector<16xi32>, vector<16xi32>], vector<16xf32>,
      %max3A_360 = arith.maximumf %max3A_353, %gather3A_359 : vector<16xf32>
      %min3A_361 = arith.minimumf %max3A_353, %gather3A_359 : vector<16xf32>
      %max3A_362 = arith.maximumf %max3A_355, %min3A_361 : vector<16xf32>
      %add3A_363 = arith.constant 50 : i32
      %add3A_364 = vector.broadcast %add3A_363 : i32 to vector<16xi32>
      %add3A_365 = arith.addi %broadcast_in_dim3A_3, %add3A_364 : vector<16xi32>
      %gather3A_366 = tpu.vector_load_idx %arg4[%add3A_15, %add3A_365] : memref<128x64xf32, #tpu.memory_space<vmem>>[vector<16xi32>, vector<16xi32>], vector<16xf32>,
      %max3A_367 = arith.maximumf %max3A_360, %gather3A_366 : vector<16xf32>
      %min3A_368 = arith.minimumf %max3A_360, %gather3A_366 : vector<16xf32>
      %max3A_369 = arith.maximumf %max3A_362, %min3A_368 : vector<16xf32>
      %add3A_370 = arith.constant 51 : i32
      %add3A_371 = vector.broadcast %add3A_370 : i32 to vector<16xi32>
      %add3A_372 = arith.addi %broadcast_in_dim3A_3, %add3A_371 : vector<16xi32>
      %gather3A_373 = tpu.vector_load_idx %arg4[%add3A_15, %add3A_372] : memref<128x64xf32, #tpu.memory_space<vmem>>[vector<16xi32>, vector<16xi32>], vector<16xf32>,
      %max3A_374 = arith.maximumf %max3A_367, %gather3A_373 : vector<16xf32>
      %min3A_375 = arith.minimumf %max3A_367, %gather3A_373 : vector<16xf32>
      %max3A_376 = arith.maximumf %max3A_369, %min3A_375 : vector<16xf32>
      %add3A_377 = arith.constant 52 : i32
      %add3A_378 = vector.broadcast %add3A_377 : i32 to vector<16xi32>
      %add3A_379 = arith.addi %broadcast_in_dim3A_3, %add3A_378 : vector<16xi32>
      %gather3A_380 = tpu.vector_load_idx %arg4[%add3A_15, %add3A_379] : memref<128x64xf32, #tpu.memory_space<vmem>>[vector<16xi32>, vector<16xi32>], vector<16xf32>,
      %max3A_381 = arith.maximumf %max3A_374, %gather3A_380 : vector<16xf32>
      %min3A_382 = arith.minimumf %max3A_374, %gather3A_380 : vector<16xf32>
      %max3A_383 = arith.maximumf %max3A_376, %min3A_382 : vector<16xf32>
      %add3A_384 = arith.constant 53 : i32
      %add3A_385 = vector.broadcast %add3A_384 : i32 to vector<16xi32>
      %add3A_386 = arith.addi %broadcast_in_dim3A_3, %add3A_385 : vector<16xi32>
      %gather3A_387 = tpu.vector_load_idx %arg4[%add3A_15, %add3A_386] : memref<128x64xf32, #tpu.memory_space<vmem>>[vector<16xi32>, vector<16xi32>], vector<16xf32>,
      %max3A_388 = arith.maximumf %max3A_381, %gather3A_387 : vector<16xf32>
      %min3A_389 = arith.minimumf %max3A_381, %gather3A_387 : vector<16xf32>
      %max3A_390 = arith.maximumf %max3A_383, %min3A_389 : vector<16xf32>
      %add3A_391 = arith.constant 54 : i32
      %add3A_392 = vector.broadcast %add3A_391 : i32 to vector<16xi32>
      %add3A_393 = arith.addi %broadcast_in_dim3A_3, %add3A_392 : vector<16xi32>
      %gather3A_394 = tpu.vector_load_idx %arg4[%add3A_15, %add3A_393] : memref<128x64xf32, #tpu.memory_space<vmem>>[vector<16xi32>, vector<16xi32>], vector<16xf32>,
      %max3A_395 = arith.maximumf %max3A_388, %gather3A_394 : vector<16xf32>
      %min3A_396 = arith.minimumf %max3A_388, %gather3A_394 : vector<16xf32>
      %max3A_397 = arith.maximumf %max3A_390, %min3A_396 : vector<16xf32>
      %add3A_398 = arith.constant 55 : i32
      %add3A_399 = vector.broadcast %add3A_398 : i32 to vector<16xi32>
      %add3A_400 = arith.addi %broadcast_in_dim3A_3, %add3A_399 : vector<16xi32>
      %gather3A_401 = tpu.vector_load_idx %arg4[%add3A_15, %add3A_400] : memref<128x64xf32, #tpu.memory_space<vmem>>[vector<16xi32>, vector<16xi32>], vector<16xf32>,
      %max3A_402 = arith.maximumf %max3A_395, %gather3A_401 : vector<16xf32>
      %min3A_403 = arith.minimumf %max3A_395, %gather3A_401 : vector<16xf32>
      %max3A_404 = arith.maximumf %max3A_397, %min3A_403 : vector<16xf32>
      %add3A_405 = arith.constant 56 : i32
      %add3A_406 = vector.broadcast %add3A_405 : i32 to vector<16xi32>
      %add3A_407 = arith.addi %broadcast_in_dim3A_3, %add3A_406 : vector<16xi32>
      %gather3A_408 = tpu.vector_load_idx %arg4[%add3A_15, %add3A_407] : memref<128x64xf32, #tpu.memory_space<vmem>>[vector<16xi32>, vector<16xi32>], vector<16xf32>,
      %max3A_409 = arith.maximumf %max3A_402, %gather3A_408 : vector<16xf32>
      %min3A_410 = arith.minimumf %max3A_402, %gather3A_408 : vector<16xf32>
      %max3A_411 = arith.maximumf %max3A_404, %min3A_410 : vector<16xf32>
      %add3A_412 = arith.constant 57 : i32
      %add3A_413 = vector.broadcast %add3A_412 : i32 to vector<16xi32>
      %add3A_414 = arith.addi %broadcast_in_dim3A_3, %add3A_413 : vector<16xi32>
      %gather3A_415 = tpu.vector_load_idx %arg4[%add3A_15, %add3A_414] : memref<128x64xf32, #tpu.memory_space<vmem>>[vector<16xi32>, vector<16xi32>], vector<16xf32>,
      %max3A_416 = arith.maximumf %max3A_409, %gather3A_415 : vector<16xf32>
      %min3A_417 = arith.minimumf %max3A_409, %gather3A_415 : vector<16xf32>
      %max3A_418 = arith.maximumf %max3A_411, %min3A_417 : vector<16xf32>
      %add3A_419 = arith.constant 58 : i32
      %add3A_420 = vector.broadcast %add3A_419 : i32 to vector<16xi32>
      %add3A_421 = arith.addi %broadcast_in_dim3A_3, %add3A_420 : vector<16xi32>
      %gather3A_422 = tpu.vector_load_idx %arg4[%add3A_15, %add3A_421] : memref<128x64xf32, #tpu.memory_space<vmem>>[vector<16xi32>, vector<16xi32>], vector<16xf32>,
      %max3A_423 = arith.maximumf %max3A_416, %gather3A_422 : vector<16xf32>
      %min3A_424 = arith.minimumf %max3A_416, %gather3A_422 : vector<16xf32>
      %max3A_425 = arith.maximumf %max3A_418, %min3A_424 : vector<16xf32>
      %add3A_426 = arith.constant 59 : i32
      %add3A_427 = vector.broadcast %add3A_426 : i32 to vector<16xi32>
      %add3A_428 = arith.addi %broadcast_in_dim3A_3, %add3A_427 : vector<16xi32>
      %gather3A_429 = tpu.vector_load_idx %arg4[%add3A_15, %add3A_428] : memref<128x64xf32, #tpu.memory_space<vmem>>[vector<16xi32>, vector<16xi32>], vector<16xf32>,
      %max3A_430 = arith.maximumf %max3A_423, %gather3A_429 : vector<16xf32>
      %min3A_431 = arith.minimumf %max3A_423, %gather3A_429 : vector<16xf32>
      %max3A_432 = arith.maximumf %max3A_425, %min3A_431 : vector<16xf32>
      %add3A_433 = arith.constant 60 : i32
      %add3A_434 = vector.broadcast %add3A_433 : i32 to vector<16xi32>
      %add3A_435 = arith.addi %broadcast_in_dim3A_3, %add3A_434 : vector<16xi32>
      %gather3A_436 = tpu.vector_load_idx %arg4[%add3A_15, %add3A_435] : memref<128x64xf32, #tpu.memory_space<vmem>>[vector<16xi32>, vector<16xi32>], vector<16xf32>,
      %max3A_437 = arith.maximumf %max3A_430, %gather3A_436 : vector<16xf32>
      %min3A_438 = arith.minimumf %max3A_430, %gather3A_436 : vector<16xf32>
      %max3A_439 = arith.maximumf %max3A_432, %min3A_438 : vector<16xf32>
      %add3A_440 = arith.constant 61 : i32
      %add3A_441 = vector.broadcast %add3A_440 : i32 to vector<16xi32>
      %add3A_442 = arith.addi %broadcast_in_dim3A_3, %add3A_441 : vector<16xi32>
      %gather3A_443 = tpu.vector_load_idx %arg4[%add3A_15, %add3A_442] : memref<128x64xf32, #tpu.memory_space<vmem>>[vector<16xi32>, vector<16xi32>], vector<16xf32>,
      %max3A_444 = arith.maximumf %max3A_437, %gather3A_443 : vector<16xf32>
      %min3A_445 = arith.minimumf %max3A_437, %gather3A_443 : vector<16xf32>
      %max3A_446 = arith.maximumf %max3A_439, %min3A_445 : vector<16xf32>
      %add3A_447 = arith.constant 62 : i32
      %add3A_448 = vector.broadcast %add3A_447 : i32 to vector<16xi32>
      %add3A_449 = arith.addi %broadcast_in_dim3A_3, %add3A_448 : vector<16xi32>
      %gather3A_450 = tpu.vector_load_idx %arg4[%add3A_15, %add3A_449] : memref<128x64xf32, #tpu.memory_space<vmem>>[vector<16xi32>, vector<16xi32>], vector<16xf32>,
      %max3A_451 = arith.maximumf %max3A_444, %gather3A_450 : vector<16xf32>
      %min3A_452 = arith.minimumf %max3A_444, %gather3A_450 : vector<16xf32>
      %max3A_453 = arith.maximumf %max3A_446, %min3A_452 : vector<16xf32>
      %add3A_454 = arith.constant 63 : i32
      %add3A_455 = vector.broadcast %add3A_454 : i32 to vector<16xi32>
      %add3A_456 = arith.addi %broadcast_in_dim3A_3, %add3A_455 : vector<16xi32>
      %gather3A_457 = tpu.vector_load_idx %arg4[%add3A_15, %add3A_456] : memref<128x64xf32, #tpu.memory_space<vmem>>[vector<16xi32>, vector<16xi32>], vector<16xf32>,
      %max3A_458 = arith.maximumf %max3A_451, %gather3A_457 : vector<16xf32>
      %min3A_459 = arith.minimumf %max3A_451, %gather3A_457 : vector<16xf32>
      %max3A_460 = arith.maximumf %max3A_453, %min3A_459 : vector<16xf32>
      %sub3A = arith.subf %max3A_460, %max3A_458 : vector<16xf32>
      %exp3A = math.exp %sub3A : vector<16xf32>
      %add3A_461 = arith.constant 1.000000e+00 : f32
      %add3A_462 = vector.broadcast %add3A_461 : f32 to vector<16xf32>
      %add3A_463 = arith.addf %add3A_462, %exp3A : vector<16xf32>
      %div3A = arith.constant 1.000000e+00 : f32
      %div3A_464 = vector.broadcast %div3A : f32 to vector<16xf32>
      %div3A_465 = arith.divf %div3A_464, %add3A_463 : vector<16xf32>
      tpu.vector_store_idx %arg5[%add3A_15, %broadcast_in_dim3A_3], %div3A_465 : memref<128x2xf32, #tpu.memory_space<vmem>>[vector<16xi32>, vector<16xi32>], vector<16xf32>,
      %add3A_466 = arith.constant 1 : i32
      %add3A_467 = vector.broadcast %add3A_466 : i32 to vector<16xi32>
      %add3A_468 = arith.addi %broadcast_in_dim3A_3, %add3A_467 : vector<16xi32>
      %div3A_469 = arith.divf %exp3A, %add3A_463 : vector<16xf32>
      tpu.vector_store_idx %arg5[%add3A_15, %add3A_468], %div3A_469 : memref<128x2xf32, #tpu.memory_space<vmem>>[vector<16xi32>, vector<16xi32>], vector<16xf32>,
    }
    %scan3A_10 = arith.constant 8 : i32
    "tpu.region"() ({
      %run_scoped3A = tpu.sem_alloc : memref<!tpu.dma_semaphore, #tpu.memory_space<semaphore_mem>>
      %dma_start3A = arith.constant 0 : i32
      %dma_start3A_11 = tpu.memref_slice %arg3[%mul3A_2, %dma_start3A] : memref<4096x2xf32, #tpu.memory_space<hbm>> -> memref<128x2xf32, #tpu.memory_space<hbm>>
      %dma_start3A_12 = arith.constant 0 : i32
      %dma_start3A_13 = tpu.memref_slice %arg3[%mul3A_2, %dma_start3A_12] : memref<4096x2xf32, #tpu.memory_space<hbm>> -> memref<128x2xf32, #tpu.memory_space<hbm>>
      tpu.enqueue_dma source(%arg5 : memref<128x2xf32, #tpu.memory_space<vmem>>) target(%dma_start3A_13 : memref<128x2xf32, #tpu.memory_space<hbm>>) target_semaphore(%run_scoped3A : memref<!tpu.dma_semaphore, #tpu.memory_space<semaphore_mem>>)
      %dma_wait3A = arith.constant 0 : i32
      %dma_wait3A_14 = tpu.memref_slice %arg3[%mul3A_2, %dma_wait3A] : memref<4096x2xf32, #tpu.memory_space<hbm>> -> memref<128x2xf32, #tpu.memory_space<hbm>>
      %dma_wait3A_15 = arith.constant 0 : i32
      %dma_wait3A_16 = tpu.memref_slice %arg3[%mul3A_2, %dma_wait3A_15] : memref<4096x2xf32, #tpu.memory_space<hbm>> -> memref<128x2xf32, #tpu.memory_space<hbm>>
      tpu.wait_dma2 semaphore(%run_scoped3A : memref<!tpu.dma_semaphore, #tpu.memory_space<semaphore_mem>>) src(%arg5 : memref<128x2xf32, #tpu.memory_space<vmem>>) dst(%dma_wait3A_16 : memref<128x2xf32, #tpu.memory_space<hbm>>)
      tpu.yield
    }) : () -> ()
    return
  }
}

#map = affine_map<(d0, d1) -> (0, 0)>
module attributes {stable_mosaic.version = 14 : i64} {
  func.func @_sc_topk_body(%arg0: i32, %arg1: i32, %arg2: memref<4096x64xf32, #tpu.memory_space<hbm>>, %arg3: memref<4096x2xf32, #tpu.memory_space<hbm>>, %arg4: memref<128x64xf32, #tpu.memory_space<vmem>>, %arg5: memref<128x2xf32, #tpu.memory_space<vmem>>) attributes {dimension_semantics = [#tpu.dimension_semantics<core_parallel>, #tpu.dimension_semantics<subcore_parallel>], iteration_bounds = array<i64: 2, 16>, scalar_prefetch = 0 : i64, scratch_operands = 2 : i64, tpu.core_type = #tpu.core_type<sc_vector_subcore>, window_params = [{transform_indices = #map}, {transform_indices = #map}]} {
    %mul3A = arith.constant 2 : i32
    %mul3A_0 = arith.muli %arg1, %mul3A : i32
    %add3A = arith.addi %mul3A_0, %arg0 : i32
    %mul3A_1 = arith.constant 128 : i32
    %mul3A_2 = arith.muli %add3A, %mul3A_1 : i32
    "tpu.region"() ({
      %run_scoped3A = tpu.sem_alloc : memref<!tpu.dma_semaphore, #tpu.memory_space<semaphore_mem>>
      %dma_start3A = arith.constant 0 : i32
      %dma_start3A_11 = tpu.memref_slice %arg2[%mul3A_2, %dma_start3A] : memref<4096x64xf32, #tpu.memory_space<hbm>> -> memref<128x64xf32, #tpu.memory_space<hbm>>
      %dma_start3A_12 = arith.constant 0 : i32
      %dma_start3A_13 = tpu.memref_slice %arg2[%mul3A_2, %dma_start3A_12] : memref<4096x64xf32, #tpu.memory_space<hbm>> -> memref<128x64xf32, #tpu.memory_space<hbm>>
      tpu.enqueue_dma source(%dma_start3A_13 : memref<128x64xf32, #tpu.memory_space<hbm>>) target(%arg4 : memref<128x64xf32, #tpu.memory_space<vmem>>) target_semaphore(%run_scoped3A : memref<!tpu.dma_semaphore, #tpu.memory_space<semaphore_mem>>)
      %dma_wait3A = arith.constant 0 : i32
      %dma_wait3A_14 = tpu.memref_slice %arg2[%mul3A_2, %dma_wait3A] : memref<4096x64xf32, #tpu.memory_space<hbm>> -> memref<128x64xf32, #tpu.memory_space<hbm>>
      %dma_wait3A_15 = arith.constant 0 : i32
      %dma_wait3A_16 = tpu.memref_slice %arg2[%mul3A_2, %dma_wait3A_15] : memref<4096x64xf32, #tpu.memory_space<hbm>> -> memref<128x64xf32, #tpu.memory_space<hbm>>
      tpu.wait_dma2 semaphore(%run_scoped3A : memref<!tpu.dma_semaphore, #tpu.memory_space<semaphore_mem>>) src(%dma_wait3A_16 : memref<128x64xf32, #tpu.memory_space<hbm>>) dst(%arg4 : memref<128x64xf32, #tpu.memory_space<vmem>>)
      tpu.yield
    }) : () -> ()
    %iota3A = tpu.iota {dimensions = array<i32: 0>} : vector<16xi32>
    %broadcast_in_dim3A = arith.constant 0 : i32
    %broadcast_in_dim3A_3 = vector.broadcast %broadcast_in_dim3A : i32 to vector<16xi32>
    %broadcast_in_dim3A_4 = arith.constant 0xFF800000 : f32
    %broadcast_in_dim3A_5 = vector.broadcast %broadcast_in_dim3A_4 : f32 to vector<16xf32>
    %scan3A = arith.constant 0 : i32
    %scan3A_6 = arith.constant 0 : i32
    %scan3A_7 = arith.constant 8 : i32
    %scan3A_8 = arith.addi %scan3A_6, %scan3A_7 : i32
    %scan3A_9 = arith.constant 1 : i32
    scf.for %scan3A_11 = %scan3A_6 to %scan3A_8 step %scan3A_9  : i32 {
      %mul3A_12 = arith.constant 16 : i32
      %mul3A_13 = arith.muli %scan3A_11, %mul3A_12 : i32
      %add3A_14 = vector.broadcast %mul3A_13 : i32 to vector<16xi32>
      %add3A_15 = arith.addi %add3A_14, %iota3A : vector<16xi32>
      %add3A_16 = arith.constant 0 : i32
      %add3A_17 = vector.broadcast %add3A_16 : i32 to vector<16xi32>
      %add3A_18 = arith.addi %broadcast_in_dim3A_3, %add3A_17 : vector<16xi32>
      %gather3A = tpu.vector_load_idx %arg4[%add3A_15, %add3A_18] : memref<128x64xf32, #tpu.memory_space<vmem>>[vector<16xi32>, vector<16xi32>], vector<16xf32>,
      %max3A = arith.maximumf %broadcast_in_dim3A_5, %gather3A : vector<16xf32>
      %min3A = arith.minimumf %broadcast_in_dim3A_5, %gather3A : vector<16xf32>
      %max3A_19 = arith.maximumf %broadcast_in_dim3A_5, %min3A : vector<16xf32>
      %add3A_20 = arith.constant 1 : i32
      %add3A_21 = vector.broadcast %add3A_20 : i32 to vector<16xi32>
      %add3A_22 = arith.addi %broadcast_in_dim3A_3, %add3A_21 : vector<16xi32>
      %gather3A_23 = tpu.vector_load_idx %arg4[%add3A_15, %add3A_22] : memref<128x64xf32, #tpu.memory_space<vmem>>[vector<16xi32>, vector<16xi32>], vector<16xf32>,
      %max3A_24 = arith.maximumf %max3A, %gather3A_23 : vector<16xf32>
      %min3A_25 = arith.minimumf %max3A, %gather3A_23 : vector<16xf32>
      %max3A_26 = arith.maximumf %max3A_19, %min3A_25 : vector<16xf32>
      %add3A_27 = arith.constant 2 : i32
      %add3A_28 = vector.broadcast %add3A_27 : i32 to vector<16xi32>
      %add3A_29 = arith.addi %broadcast_in_dim3A_3, %add3A_28 : vector<16xi32>
      %gather3A_30 = tpu.vector_load_idx %arg4[%add3A_15, %add3A_29] : memref<128x64xf32, #tpu.memory_space<vmem>>[vector<16xi32>, vector<16xi32>], vector<16xf32>,
      %max3A_31 = arith.maximumf %max3A_24, %gather3A_30 : vector<16xf32>
      %min3A_32 = arith.minimumf %max3A_24, %gather3A_30 : vector<16xf32>
      %max3A_33 = arith.maximumf %max3A_26, %min3A_32 : vector<16xf32>
      %add3A_34 = arith.constant 3 : i32
      %add3A_35 = vector.broadcast %add3A_34 : i32 to vector<16xi32>
      %add3A_36 = arith.addi %broadcast_in_dim3A_3, %add3A_35 : vector<16xi32>
      %gather3A_37 = tpu.vector_load_idx %arg4[%add3A_15, %add3A_36] : memref<128x64xf32, #tpu.memory_space<vmem>>[vector<16xi32>, vector<16xi32>], vector<16xf32>,
      %max3A_38 = arith.maximumf %max3A_31, %gather3A_37 : vector<16xf32>
      %min3A_39 = arith.minimumf %max3A_31, %gather3A_37 : vector<16xf32>
      %max3A_40 = arith.maximumf %max3A_33, %min3A_39 : vector<16xf32>
      %add3A_41 = arith.constant 4 : i32
      %add3A_42 = vector.broadcast %add3A_41 : i32 to vector<16xi32>
      %add3A_43 = arith.addi %broadcast_in_dim3A_3, %add3A_42 : vector<16xi32>
      %gather3A_44 = tpu.vector_load_idx %arg4[%add3A_15, %add3A_43] : memref<128x64xf32, #tpu.memory_space<vmem>>[vector<16xi32>, vector<16xi32>], vector<16xf32>,
      %max3A_45 = arith.maximumf %max3A_38, %gather3A_44 : vector<16xf32>
      %min3A_46 = arith.minimumf %max3A_38, %gather3A_44 : vector<16xf32>
      %max3A_47 = arith.maximumf %max3A_40, %min3A_46 : vector<16xf32>
      %add3A_48 = arith.constant 5 : i32
      %add3A_49 = vector.broadcast %add3A_48 : i32 to vector<16xi32>
      %add3A_50 = arith.addi %broadcast_in_dim3A_3, %add3A_49 : vector<16xi32>
      %gather3A_51 = tpu.vector_load_idx %arg4[%add3A_15, %add3A_50] : memref<128x64xf32, #tpu.memory_space<vmem>>[vector<16xi32>, vector<16xi32>], vector<16xf32>,
      %max3A_52 = arith.maximumf %max3A_45, %gather3A_51 : vector<16xf32>
      %min3A_53 = arith.minimumf %max3A_45, %gather3A_51 : vector<16xf32>
      %max3A_54 = arith.maximumf %max3A_47, %min3A_53 : vector<16xf32>
      %add3A_55 = arith.constant 6 : i32
      %add3A_56 = vector.broadcast %add3A_55 : i32 to vector<16xi32>
      %add3A_57 = arith.addi %broadcast_in_dim3A_3, %add3A_56 : vector<16xi32>
      %gather3A_58 = tpu.vector_load_idx %arg4[%add3A_15, %add3A_57] : memref<128x64xf32, #tpu.memory_space<vmem>>[vector<16xi32>, vector<16xi32>], vector<16xf32>,
      %max3A_59 = arith.maximumf %max3A_52, %gather3A_58 : vector<16xf32>
      %min3A_60 = arith.minimumf %max3A_52, %gather3A_58 : vector<16xf32>
      %max3A_61 = arith.maximumf %max3A_54, %min3A_60 : vector<16xf32>
      %add3A_62 = arith.constant 7 : i32
      %add3A_63 = vector.broadcast %add3A_62 : i32 to vector<16xi32>
      %add3A_64 = arith.addi %broadcast_in_dim3A_3, %add3A_63 : vector<16xi32>
      %gather3A_65 = tpu.vector_load_idx %arg4[%add3A_15, %add3A_64] : memref<128x64xf32, #tpu.memory_space<vmem>>[vector<16xi32>, vector<16xi32>], vector<16xf32>,
      %max3A_66 = arith.maximumf %max3A_59, %gather3A_65 : vector<16xf32>
      %min3A_67 = arith.minimumf %max3A_59, %gather3A_65 : vector<16xf32>
      %max3A_68 = arith.maximumf %max3A_61, %min3A_67 : vector<16xf32>
      %add3A_69 = arith.constant 8 : i32
      %add3A_70 = vector.broadcast %add3A_69 : i32 to vector<16xi32>
      %add3A_71 = arith.addi %broadcast_in_dim3A_3, %add3A_70 : vector<16xi32>
      %gather3A_72 = tpu.vector_load_idx %arg4[%add3A_15, %add3A_71] : memref<128x64xf32, #tpu.memory_space<vmem>>[vector<16xi32>, vector<16xi32>], vector<16xf32>,
      %max3A_73 = arith.maximumf %max3A_66, %gather3A_72 : vector<16xf32>
      %min3A_74 = arith.minimumf %max3A_66, %gather3A_72 : vector<16xf32>
      %max3A_75 = arith.maximumf %max3A_68, %min3A_74 : vector<16xf32>
      %add3A_76 = arith.constant 9 : i32
      %add3A_77 = vector.broadcast %add3A_76 : i32 to vector<16xi32>
      %add3A_78 = arith.addi %broadcast_in_dim3A_3, %add3A_77 : vector<16xi32>
      %gather3A_79 = tpu.vector_load_idx %arg4[%add3A_15, %add3A_78] : memref<128x64xf32, #tpu.memory_space<vmem>>[vector<16xi32>, vector<16xi32>], vector<16xf32>,
      %max3A_80 = arith.maximumf %max3A_73, %gather3A_79 : vector<16xf32>
      %min3A_81 = arith.minimumf %max3A_73, %gather3A_79 : vector<16xf32>
      %max3A_82 = arith.maximumf %max3A_75, %min3A_81 : vector<16xf32>
      %add3A_83 = arith.constant 10 : i32
      %add3A_84 = vector.broadcast %add3A_83 : i32 to vector<16xi32>
      %add3A_85 = arith.addi %broadcast_in_dim3A_3, %add3A_84 : vector<16xi32>
      %gather3A_86 = tpu.vector_load_idx %arg4[%add3A_15, %add3A_85] : memref<128x64xf32, #tpu.memory_space<vmem>>[vector<16xi32>, vector<16xi32>], vector<16xf32>,
      %max3A_87 = arith.maximumf %max3A_80, %gather3A_86 : vector<16xf32>
      %min3A_88 = arith.minimumf %max3A_80, %gather3A_86 : vector<16xf32>
      %max3A_89 = arith.maximumf %max3A_82, %min3A_88 : vector<16xf32>
      %add3A_90 = arith.constant 11 : i32
      %add3A_91 = vector.broadcast %add3A_90 : i32 to vector<16xi32>
      %add3A_92 = arith.addi %broadcast_in_dim3A_3, %add3A_91 : vector<16xi32>
      %gather3A_93 = tpu.vector_load_idx %arg4[%add3A_15, %add3A_92] : memref<128x64xf32, #tpu.memory_space<vmem>>[vector<16xi32>, vector<16xi32>], vector<16xf32>,
      %max3A_94 = arith.maximumf %max3A_87, %gather3A_93 : vector<16xf32>
      %min3A_95 = arith.minimumf %max3A_87, %gather3A_93 : vector<16xf32>
      %max3A_96 = arith.maximumf %max3A_89, %min3A_95 : vector<16xf32>
      %add3A_97 = arith.constant 12 : i32
      %add3A_98 = vector.broadcast %add3A_97 : i32 to vector<16xi32>
      %add3A_99 = arith.addi %broadcast_in_dim3A_3, %add3A_98 : vector<16xi32>
      %gather3A_100 = tpu.vector_load_idx %arg4[%add3A_15, %add3A_99] : memref<128x64xf32, #tpu.memory_space<vmem>>[vector<16xi32>, vector<16xi32>], vector<16xf32>,
      %max3A_101 = arith.maximumf %max3A_94, %gather3A_100 : vector<16xf32>
      %min3A_102 = arith.minimumf %max3A_94, %gather3A_100 : vector<16xf32>
      %max3A_103 = arith.maximumf %max3A_96, %min3A_102 : vector<16xf32>
      %add3A_104 = arith.constant 13 : i32
      %add3A_105 = vector.broadcast %add3A_104 : i32 to vector<16xi32>
      %add3A_106 = arith.addi %broadcast_in_dim3A_3, %add3A_105 : vector<16xi32>
      %gather3A_107 = tpu.vector_load_idx %arg4[%add3A_15, %add3A_106] : memref<128x64xf32, #tpu.memory_space<vmem>>[vector<16xi32>, vector<16xi32>], vector<16xf32>,
      %max3A_108 = arith.maximumf %max3A_101, %gather3A_107 : vector<16xf32>
      %min3A_109 = arith.minimumf %max3A_101, %gather3A_107 : vector<16xf32>
      %max3A_110 = arith.maximumf %max3A_103, %min3A_109 : vector<16xf32>
      %add3A_111 = arith.constant 14 : i32
      %add3A_112 = vector.broadcast %add3A_111 : i32 to vector<16xi32>
      %add3A_113 = arith.addi %broadcast_in_dim3A_3, %add3A_112 : vector<16xi32>
      %gather3A_114 = tpu.vector_load_idx %arg4[%add3A_15, %add3A_113] : memref<128x64xf32, #tpu.memory_space<vmem>>[vector<16xi32>, vector<16xi32>], vector<16xf32>,
      %max3A_115 = arith.maximumf %max3A_108, %gather3A_114 : vector<16xf32>
      %min3A_116 = arith.minimumf %max3A_108, %gather3A_114 : vector<16xf32>
      %max3A_117 = arith.maximumf %max3A_110, %min3A_116 : vector<16xf32>
      %add3A_118 = arith.constant 15 : i32
      %add3A_119 = vector.broadcast %add3A_118 : i32 to vector<16xi32>
      %add3A_120 = arith.addi %broadcast_in_dim3A_3, %add3A_119 : vector<16xi32>
      %gather3A_121 = tpu.vector_load_idx %arg4[%add3A_15, %add3A_120] : memref<128x64xf32, #tpu.memory_space<vmem>>[vector<16xi32>, vector<16xi32>], vector<16xf32>,
      %max3A_122 = arith.maximumf %max3A_115, %gather3A_121 : vector<16xf32>
      %min3A_123 = arith.minimumf %max3A_115, %gather3A_121 : vector<16xf32>
      %max3A_124 = arith.maximumf %max3A_117, %min3A_123 : vector<16xf32>
      %add3A_125 = arith.constant 16 : i32
      %add3A_126 = vector.broadcast %add3A_125 : i32 to vector<16xi32>
      %add3A_127 = arith.addi %broadcast_in_dim3A_3, %add3A_126 : vector<16xi32>
      %gather3A_128 = tpu.vector_load_idx %arg4[%add3A_15, %add3A_127] : memref<128x64xf32, #tpu.memory_space<vmem>>[vector<16xi32>, vector<16xi32>], vector<16xf32>,
      %max3A_129 = arith.maximumf %max3A_122, %gather3A_128 : vector<16xf32>
      %min3A_130 = arith.minimumf %max3A_122, %gather3A_128 : vector<16xf32>
      %max3A_131 = arith.maximumf %max3A_124, %min3A_130 : vector<16xf32>
      %add3A_132 = arith.constant 17 : i32
      %add3A_133 = vector.broadcast %add3A_132 : i32 to vector<16xi32>
      %add3A_134 = arith.addi %broadcast_in_dim3A_3, %add3A_133 : vector<16xi32>
      %gather3A_135 = tpu.vector_load_idx %arg4[%add3A_15, %add3A_134] : memref<128x64xf32, #tpu.memory_space<vmem>>[vector<16xi32>, vector<16xi32>], vector<16xf32>,
      %max3A_136 = arith.maximumf %max3A_129, %gather3A_135 : vector<16xf32>
      %min3A_137 = arith.minimumf %max3A_129, %gather3A_135 : vector<16xf32>
      %max3A_138 = arith.maximumf %max3A_131, %min3A_137 : vector<16xf32>
      %add3A_139 = arith.constant 18 : i32
      %add3A_140 = vector.broadcast %add3A_139 : i32 to vector<16xi32>
      %add3A_141 = arith.addi %broadcast_in_dim3A_3, %add3A_140 : vector<16xi32>
      %gather3A_142 = tpu.vector_load_idx %arg4[%add3A_15, %add3A_141] : memref<128x64xf32, #tpu.memory_space<vmem>>[vector<16xi32>, vector<16xi32>], vector<16xf32>,
      %max3A_143 = arith.maximumf %max3A_136, %gather3A_142 : vector<16xf32>
      %min3A_144 = arith.minimumf %max3A_136, %gather3A_142 : vector<16xf32>
      %max3A_145 = arith.maximumf %max3A_138, %min3A_144 : vector<16xf32>
      %add3A_146 = arith.constant 19 : i32
      %add3A_147 = vector.broadcast %add3A_146 : i32 to vector<16xi32>
      %add3A_148 = arith.addi %broadcast_in_dim3A_3, %add3A_147 : vector<16xi32>
      %gather3A_149 = tpu.vector_load_idx %arg4[%add3A_15, %add3A_148] : memref<128x64xf32, #tpu.memory_space<vmem>>[vector<16xi32>, vector<16xi32>], vector<16xf32>,
      %max3A_150 = arith.maximumf %max3A_143, %gather3A_149 : vector<16xf32>
      %min3A_151 = arith.minimumf %max3A_143, %gather3A_149 : vector<16xf32>
      %max3A_152 = arith.maximumf %max3A_145, %min3A_151 : vector<16xf32>
      %add3A_153 = arith.constant 20 : i32
      %add3A_154 = vector.broadcast %add3A_153 : i32 to vector<16xi32>
      %add3A_155 = arith.addi %broadcast_in_dim3A_3, %add3A_154 : vector<16xi32>
      %gather3A_156 = tpu.vector_load_idx %arg4[%add3A_15, %add3A_155] : memref<128x64xf32, #tpu.memory_space<vmem>>[vector<16xi32>, vector<16xi32>], vector<16xf32>,
      %max3A_157 = arith.maximumf %max3A_150, %gather3A_156 : vector<16xf32>
      %min3A_158 = arith.minimumf %max3A_150, %gather3A_156 : vector<16xf32>
      %max3A_159 = arith.maximumf %max3A_152, %min3A_158 : vector<16xf32>
      %add3A_160 = arith.constant 21 : i32
      %add3A_161 = vector.broadcast %add3A_160 : i32 to vector<16xi32>
      %add3A_162 = arith.addi %broadcast_in_dim3A_3, %add3A_161 : vector<16xi32>
      %gather3A_163 = tpu.vector_load_idx %arg4[%add3A_15, %add3A_162] : memref<128x64xf32, #tpu.memory_space<vmem>>[vector<16xi32>, vector<16xi32>], vector<16xf32>,
      %max3A_164 = arith.maximumf %max3A_157, %gather3A_163 : vector<16xf32>
      %min3A_165 = arith.minimumf %max3A_157, %gather3A_163 : vector<16xf32>
      %max3A_166 = arith.maximumf %max3A_159, %min3A_165 : vector<16xf32>
      %add3A_167 = arith.constant 22 : i32
      %add3A_168 = vector.broadcast %add3A_167 : i32 to vector<16xi32>
      %add3A_169 = arith.addi %broadcast_in_dim3A_3, %add3A_168 : vector<16xi32>
      %gather3A_170 = tpu.vector_load_idx %arg4[%add3A_15, %add3A_169] : memref<128x64xf32, #tpu.memory_space<vmem>>[vector<16xi32>, vector<16xi32>], vector<16xf32>,
      %max3A_171 = arith.maximumf %max3A_164, %gather3A_170 : vector<16xf32>
      %min3A_172 = arith.minimumf %max3A_164, %gather3A_170 : vector<16xf32>
      %max3A_173 = arith.maximumf %max3A_166, %min3A_172 : vector<16xf32>
      %add3A_174 = arith.constant 23 : i32
      %add3A_175 = vector.broadcast %add3A_174 : i32 to vector<16xi32>
      %add3A_176 = arith.addi %broadcast_in_dim3A_3, %add3A_175 : vector<16xi32>
      %gather3A_177 = tpu.vector_load_idx %arg4[%add3A_15, %add3A_176] : memref<128x64xf32, #tpu.memory_space<vmem>>[vector<16xi32>, vector<16xi32>], vector<16xf32>,
      %max3A_178 = arith.maximumf %max3A_171, %gather3A_177 : vector<16xf32>
      %min3A_179 = arith.minimumf %max3A_171, %gather3A_177 : vector<16xf32>
      %max3A_180 = arith.maximumf %max3A_173, %min3A_179 : vector<16xf32>
      %add3A_181 = arith.constant 24 : i32
      %add3A_182 = vector.broadcast %add3A_181 : i32 to vector<16xi32>
      %add3A_183 = arith.addi %broadcast_in_dim3A_3, %add3A_182 : vector<16xi32>
      %gather3A_184 = tpu.vector_load_idx %arg4[%add3A_15, %add3A_183] : memref<128x64xf32, #tpu.memory_space<vmem>>[vector<16xi32>, vector<16xi32>], vector<16xf32>,
      %max3A_185 = arith.maximumf %max3A_178, %gather3A_184 : vector<16xf32>
      %min3A_186 = arith.minimumf %max3A_178, %gather3A_184 : vector<16xf32>
      %max3A_187 = arith.maximumf %max3A_180, %min3A_186 : vector<16xf32>
      %add3A_188 = arith.constant 25 : i32
      %add3A_189 = vector.broadcast %add3A_188 : i32 to vector<16xi32>
      %add3A_190 = arith.addi %broadcast_in_dim3A_3, %add3A_189 : vector<16xi32>
      %gather3A_191 = tpu.vector_load_idx %arg4[%add3A_15, %add3A_190] : memref<128x64xf32, #tpu.memory_space<vmem>>[vector<16xi32>, vector<16xi32>], vector<16xf32>,
      %max3A_192 = arith.maximumf %max3A_185, %gather3A_191 : vector<16xf32>
      %min3A_193 = arith.minimumf %max3A_185, %gather3A_191 : vector<16xf32>
      %max3A_194 = arith.maximumf %max3A_187, %min3A_193 : vector<16xf32>
      %add3A_195 = arith.constant 26 : i32
      %add3A_196 = vector.broadcast %add3A_195 : i32 to vector<16xi32>
      %add3A_197 = arith.addi %broadcast_in_dim3A_3, %add3A_196 : vector<16xi32>
      %gather3A_198 = tpu.vector_load_idx %arg4[%add3A_15, %add3A_197] : memref<128x64xf32, #tpu.memory_space<vmem>>[vector<16xi32>, vector<16xi32>], vector<16xf32>,
      %max3A_199 = arith.maximumf %max3A_192, %gather3A_198 : vector<16xf32>
      %min3A_200 = arith.minimumf %max3A_192, %gather3A_198 : vector<16xf32>
      %max3A_201 = arith.maximumf %max3A_194, %min3A_200 : vector<16xf32>
      %add3A_202 = arith.constant 27 : i32
      %add3A_203 = vector.broadcast %add3A_202 : i32 to vector<16xi32>
      %add3A_204 = arith.addi %broadcast_in_dim3A_3, %add3A_203 : vector<16xi32>
      %gather3A_205 = tpu.vector_load_idx %arg4[%add3A_15, %add3A_204] : memref<128x64xf32, #tpu.memory_space<vmem>>[vector<16xi32>, vector<16xi32>], vector<16xf32>,
      %max3A_206 = arith.maximumf %max3A_199, %gather3A_205 : vector<16xf32>
      %min3A_207 = arith.minimumf %max3A_199, %gather3A_205 : vector<16xf32>
      %max3A_208 = arith.maximumf %max3A_201, %min3A_207 : vector<16xf32>
      %add3A_209 = arith.constant 28 : i32
      %add3A_210 = vector.broadcast %add3A_209 : i32 to vector<16xi32>
      %add3A_211 = arith.addi %broadcast_in_dim3A_3, %add3A_210 : vector<16xi32>
      %gather3A_212 = tpu.vector_load_idx %arg4[%add3A_15, %add3A_211] : memref<128x64xf32, #tpu.memory_space<vmem>>[vector<16xi32>, vector<16xi32>], vector<16xf32>,
      %max3A_213 = arith.maximumf %max3A_206, %gather3A_212 : vector<16xf32>
      %min3A_214 = arith.minimumf %max3A_206, %gather3A_212 : vector<16xf32>
      %max3A_215 = arith.maximumf %max3A_208, %min3A_214 : vector<16xf32>
      %add3A_216 = arith.constant 29 : i32
      %add3A_217 = vector.broadcast %add3A_216 : i32 to vector<16xi32>
      %add3A_218 = arith.addi %broadcast_in_dim3A_3, %add3A_217 : vector<16xi32>
      %gather3A_219 = tpu.vector_load_idx %arg4[%add3A_15, %add3A_218] : memref<128x64xf32, #tpu.memory_space<vmem>>[vector<16xi32>, vector<16xi32>], vector<16xf32>,
      %max3A_220 = arith.maximumf %max3A_213, %gather3A_219 : vector<16xf32>
      %min3A_221 = arith.minimumf %max3A_213, %gather3A_219 : vector<16xf32>
      %max3A_222 = arith.maximumf %max3A_215, %min3A_221 : vector<16xf32>
      %add3A_223 = arith.constant 30 : i32
      %add3A_224 = vector.broadcast %add3A_223 : i32 to vector<16xi32>
      %add3A_225 = arith.addi %broadcast_in_dim3A_3, %add3A_224 : vector<16xi32>
      %gather3A_226 = tpu.vector_load_idx %arg4[%add3A_15, %add3A_225] : memref<128x64xf32, #tpu.memory_space<vmem>>[vector<16xi32>, vector<16xi32>], vector<16xf32>,
      %max3A_227 = arith.maximumf %max3A_220, %gather3A_226 : vector<16xf32>
      %min3A_228 = arith.minimumf %max3A_220, %gather3A_226 : vector<16xf32>
      %max3A_229 = arith.maximumf %max3A_222, %min3A_228 : vector<16xf32>
      %add3A_230 = arith.constant 31 : i32
      %add3A_231 = vector.broadcast %add3A_230 : i32 to vector<16xi32>
      %add3A_232 = arith.addi %broadcast_in_dim3A_3, %add3A_231 : vector<16xi32>
      %gather3A_233 = tpu.vector_load_idx %arg4[%add3A_15, %add3A_232] : memref<128x64xf32, #tpu.memory_space<vmem>>[vector<16xi32>, vector<16xi32>], vector<16xf32>,
      %max3A_234 = arith.maximumf %max3A_227, %gather3A_233 : vector<16xf32>
      %min3A_235 = arith.minimumf %max3A_227, %gather3A_233 : vector<16xf32>
      %max3A_236 = arith.maximumf %max3A_229, %min3A_235 : vector<16xf32>
      %add3A_237 = arith.constant 32 : i32
      %add3A_238 = vector.broadcast %add3A_237 : i32 to vector<16xi32>
      %add3A_239 = arith.addi %broadcast_in_dim3A_3, %add3A_238 : vector<16xi32>
      %gather3A_240 = tpu.vector_load_idx %arg4[%add3A_15, %add3A_239] : memref<128x64xf32, #tpu.memory_space<vmem>>[vector<16xi32>, vector<16xi32>], vector<16xf32>,
      %max3A_241 = arith.maximumf %max3A_234, %gather3A_240 : vector<16xf32>
      %min3A_242 = arith.minimumf %max3A_234, %gather3A_240 : vector<16xf32>
      %max3A_243 = arith.maximumf %max3A_236, %min3A_242 : vector<16xf32>
      %add3A_244 = arith.constant 33 : i32
      %add3A_245 = vector.broadcast %add3A_244 : i32 to vector<16xi32>
      %add3A_246 = arith.addi %broadcast_in_dim3A_3, %add3A_245 : vector<16xi32>
      %gather3A_247 = tpu.vector_load_idx %arg4[%add3A_15, %add3A_246] : memref<128x64xf32, #tpu.memory_space<vmem>>[vector<16xi32>, vector<16xi32>], vector<16xf32>,
      %max3A_248 = arith.maximumf %max3A_241, %gather3A_247 : vector<16xf32>
      %min3A_249 = arith.minimumf %max3A_241, %gather3A_247 : vector<16xf32>
      %max3A_250 = arith.maximumf %max3A_243, %min3A_249 : vector<16xf32>
      %add3A_251 = arith.constant 34 : i32
      %add3A_252 = vector.broadcast %add3A_251 : i32 to vector<16xi32>
      %add3A_253 = arith.addi %broadcast_in_dim3A_3, %add3A_252 : vector<16xi32>
      %gather3A_254 = tpu.vector_load_idx %arg4[%add3A_15, %add3A_253] : memref<128x64xf32, #tpu.memory_space<vmem>>[vector<16xi32>, vector<16xi32>], vector<16xf32>,
      %max3A_255 = arith.maximumf %max3A_248, %gather3A_254 : vector<16xf32>
      %min3A_256 = arith.minimumf %max3A_248, %gather3A_254 : vector<16xf32>
      %max3A_257 = arith.maximumf %max3A_250, %min3A_256 : vector<16xf32>
      %add3A_258 = arith.constant 35 : i32
      %add3A_259 = vector.broadcast %add3A_258 : i32 to vector<16xi32>
      %add3A_260 = arith.addi %broadcast_in_dim3A_3, %add3A_259 : vector<16xi32>
      %gather3A_261 = tpu.vector_load_idx %arg4[%add3A_15, %add3A_260] : memref<128x64xf32, #tpu.memory_space<vmem>>[vector<16xi32>, vector<16xi32>], vector<16xf32>,
      %max3A_262 = arith.maximumf %max3A_255, %gather3A_261 : vector<16xf32>
      %min3A_263 = arith.minimumf %max3A_255, %gather3A_261 : vector<16xf32>
      %max3A_264 = arith.maximumf %max3A_257, %min3A_263 : vector<16xf32>
      %add3A_265 = arith.constant 36 : i32
      %add3A_266 = vector.broadcast %add3A_265 : i32 to vector<16xi32>
      %add3A_267 = arith.addi %broadcast_in_dim3A_3, %add3A_266 : vector<16xi32>
      %gather3A_268 = tpu.vector_load_idx %arg4[%add3A_15, %add3A_267] : memref<128x64xf32, #tpu.memory_space<vmem>>[vector<16xi32>, vector<16xi32>], vector<16xf32>,
      %max3A_269 = arith.maximumf %max3A_262, %gather3A_268 : vector<16xf32>
      %min3A_270 = arith.minimumf %max3A_262, %gather3A_268 : vector<16xf32>
      %max3A_271 = arith.maximumf %max3A_264, %min3A_270 : vector<16xf32>
      %add3A_272 = arith.constant 37 : i32
      %add3A_273 = vector.broadcast %add3A_272 : i32 to vector<16xi32>
      %add3A_274 = arith.addi %broadcast_in_dim3A_3, %add3A_273 : vector<16xi32>
      %gather3A_275 = tpu.vector_load_idx %arg4[%add3A_15, %add3A_274] : memref<128x64xf32, #tpu.memory_space<vmem>>[vector<16xi32>, vector<16xi32>], vector<16xf32>,
      %max3A_276 = arith.maximumf %max3A_269, %gather3A_275 : vector<16xf32>
      %min3A_277 = arith.minimumf %max3A_269, %gather3A_275 : vector<16xf32>
      %max3A_278 = arith.maximumf %max3A_271, %min3A_277 : vector<16xf32>
      %add3A_279 = arith.constant 38 : i32
      %add3A_280 = vector.broadcast %add3A_279 : i32 to vector<16xi32>
      %add3A_281 = arith.addi %broadcast_in_dim3A_3, %add3A_280 : vector<16xi32>
      %gather3A_282 = tpu.vector_load_idx %arg4[%add3A_15, %add3A_281] : memref<128x64xf32, #tpu.memory_space<vmem>>[vector<16xi32>, vector<16xi32>], vector<16xf32>,
      %max3A_283 = arith.maximumf %max3A_276, %gather3A_282 : vector<16xf32>
      %min3A_284 = arith.minimumf %max3A_276, %gather3A_282 : vector<16xf32>
      %max3A_285 = arith.maximumf %max3A_278, %min3A_284 : vector<16xf32>
      %add3A_286 = arith.constant 39 : i32
      %add3A_287 = vector.broadcast %add3A_286 : i32 to vector<16xi32>
      %add3A_288 = arith.addi %broadcast_in_dim3A_3, %add3A_287 : vector<16xi32>
      %gather3A_289 = tpu.vector_load_idx %arg4[%add3A_15, %add3A_288] : memref<128x64xf32, #tpu.memory_space<vmem>>[vector<16xi32>, vector<16xi32>], vector<16xf32>,
      %max3A_290 = arith.maximumf %max3A_283, %gather3A_289 : vector<16xf32>
      %min3A_291 = arith.minimumf %max3A_283, %gather3A_289 : vector<16xf32>
      %max3A_292 = arith.maximumf %max3A_285, %min3A_291 : vector<16xf32>
      %add3A_293 = arith.constant 40 : i32
      %add3A_294 = vector.broadcast %add3A_293 : i32 to vector<16xi32>
      %add3A_295 = arith.addi %broadcast_in_dim3A_3, %add3A_294 : vector<16xi32>
      %gather3A_296 = tpu.vector_load_idx %arg4[%add3A_15, %add3A_295] : memref<128x64xf32, #tpu.memory_space<vmem>>[vector<16xi32>, vector<16xi32>], vector<16xf32>,
      %max3A_297 = arith.maximumf %max3A_290, %gather3A_296 : vector<16xf32>
      %min3A_298 = arith.minimumf %max3A_290, %gather3A_296 : vector<16xf32>
      %max3A_299 = arith.maximumf %max3A_292, %min3A_298 : vector<16xf32>
      %add3A_300 = arith.constant 41 : i32
      %add3A_301 = vector.broadcast %add3A_300 : i32 to vector<16xi32>
      %add3A_302 = arith.addi %broadcast_in_dim3A_3, %add3A_301 : vector<16xi32>
      %gather3A_303 = tpu.vector_load_idx %arg4[%add3A_15, %add3A_302] : memref<128x64xf32, #tpu.memory_space<vmem>>[vector<16xi32>, vector<16xi32>], vector<16xf32>,
      %max3A_304 = arith.maximumf %max3A_297, %gather3A_303 : vector<16xf32>
      %min3A_305 = arith.minimumf %max3A_297, %gather3A_303 : vector<16xf32>
      %max3A_306 = arith.maximumf %max3A_299, %min3A_305 : vector<16xf32>
      %add3A_307 = arith.constant 42 : i32
      %add3A_308 = vector.broadcast %add3A_307 : i32 to vector<16xi32>
      %add3A_309 = arith.addi %broadcast_in_dim3A_3, %add3A_308 : vector<16xi32>
      %gather3A_310 = tpu.vector_load_idx %arg4[%add3A_15, %add3A_309] : memref<128x64xf32, #tpu.memory_space<vmem>>[vector<16xi32>, vector<16xi32>], vector<16xf32>,
      %max3A_311 = arith.maximumf %max3A_304, %gather3A_310 : vector<16xf32>
      %min3A_312 = arith.minimumf %max3A_304, %gather3A_310 : vector<16xf32>
      %max3A_313 = arith.maximumf %max3A_306, %min3A_312 : vector<16xf32>
      %add3A_314 = arith.constant 43 : i32
      %add3A_315 = vector.broadcast %add3A_314 : i32 to vector<16xi32>
      %add3A_316 = arith.addi %broadcast_in_dim3A_3, %add3A_315 : vector<16xi32>
      %gather3A_317 = tpu.vector_load_idx %arg4[%add3A_15, %add3A_316] : memref<128x64xf32, #tpu.memory_space<vmem>>[vector<16xi32>, vector<16xi32>], vector<16xf32>,
      %max3A_318 = arith.maximumf %max3A_311, %gather3A_317 : vector<16xf32>
      %min3A_319 = arith.minimumf %max3A_311, %gather3A_317 : vector<16xf32>
      %max3A_320 = arith.maximumf %max3A_313, %min3A_319 : vector<16xf32>
      %add3A_321 = arith.constant 44 : i32
      %add3A_322 = vector.broadcast %add3A_321 : i32 to vector<16xi32>
      %add3A_323 = arith.addi %broadcast_in_dim3A_3, %add3A_322 : vector<16xi32>
      %gather3A_324 = tpu.vector_load_idx %arg4[%add3A_15, %add3A_323] : memref<128x64xf32, #tpu.memory_space<vmem>>[vector<16xi32>, vector<16xi32>], vector<16xf32>,
      %max3A_325 = arith.maximumf %max3A_318, %gather3A_324 : vector<16xf32>
      %min3A_326 = arith.minimumf %max3A_318, %gather3A_324 : vector<16xf32>
      %max3A_327 = arith.maximumf %max3A_320, %min3A_326 : vector<16xf32>
      %add3A_328 = arith.constant 45 : i32
      %add3A_329 = vector.broadcast %add3A_328 : i32 to vector<16xi32>
      %add3A_330 = arith.addi %broadcast_in_dim3A_3, %add3A_329 : vector<16xi32>
      %gather3A_331 = tpu.vector_load_idx %arg4[%add3A_15, %add3A_330] : memref<128x64xf32, #tpu.memory_space<vmem>>[vector<16xi32>, vector<16xi32>], vector<16xf32>,
      %max3A_332 = arith.maximumf %max3A_325, %gather3A_331 : vector<16xf32>
      %min3A_333 = arith.minimumf %max3A_325, %gather3A_331 : vector<16xf32>
      %max3A_334 = arith.maximumf %max3A_327, %min3A_333 : vector<16xf32>
      %add3A_335 = arith.constant 46 : i32
      %add3A_336 = vector.broadcast %add3A_335 : i32 to vector<16xi32>
      %add3A_337 = arith.addi %broadcast_in_dim3A_3, %add3A_336 : vector<16xi32>
      %gather3A_338 = tpu.vector_load_idx %arg4[%add3A_15, %add3A_337] : memref<128x64xf32, #tpu.memory_space<vmem>>[vector<16xi32>, vector<16xi32>], vector<16xf32>,
      %max3A_339 = arith.maximumf %max3A_332, %gather3A_338 : vector<16xf32>
      %min3A_340 = arith.minimumf %max3A_332, %gather3A_338 : vector<16xf32>
      %max3A_341 = arith.maximumf %max3A_334, %min3A_340 : vector<16xf32>
      %add3A_342 = arith.constant 47 : i32
      %add3A_343 = vector.broadcast %add3A_342 : i32 to vector<16xi32>
      %add3A_344 = arith.addi %broadcast_in_dim3A_3, %add3A_343 : vector<16xi32>
      %gather3A_345 = tpu.vector_load_idx %arg4[%add3A_15, %add3A_344] : memref<128x64xf32, #tpu.memory_space<vmem>>[vector<16xi32>, vector<16xi32>], vector<16xf32>,
      %max3A_346 = arith.maximumf %max3A_339, %gather3A_345 : vector<16xf32>
      %min3A_347 = arith.minimumf %max3A_339, %gather3A_345 : vector<16xf32>
      %max3A_348 = arith.maximumf %max3A_341, %min3A_347 : vector<16xf32>
      %add3A_349 = arith.constant 48 : i32
      %add3A_350 = vector.broadcast %add3A_349 : i32 to vector<16xi32>
      %add3A_351 = arith.addi %broadcast_in_dim3A_3, %add3A_350 : vector<16xi32>
      %gather3A_352 = tpu.vector_load_idx %arg4[%add3A_15, %add3A_351] : memref<128x64xf32, #tpu.memory_space<vmem>>[vector<16xi32>, vector<16xi32>], vector<16xf32>,
      %max3A_353 = arith.maximumf %max3A_346, %gather3A_352 : vector<16xf32>
      %min3A_354 = arith.minimumf %max3A_346, %gather3A_352 : vector<16xf32>
      %max3A_355 = arith.maximumf %max3A_348, %min3A_354 : vector<16xf32>
      %add3A_356 = arith.constant 49 : i32
      %add3A_357 = vector.broadcast %add3A_356 : i32 to vector<16xi32>
      %add3A_358 = arith.addi %broadcast_in_dim3A_3, %add3A_357 : vector<16xi32>
      %gather3A_359 = tpu.vector_load_idx %arg4[%add3A_15, %add3A_358] : memref<128x64xf32, #tpu.memory_space<vmem>>[vector<16xi32>, vector<16xi32>], vector<16xf32>,
      %max3A_360 = arith.maximumf %max3A_353, %gather3A_359 : vector<16xf32>
      %min3A_361 = arith.minimumf %max3A_353, %gather3A_359 : vector<16xf32>
      %max3A_362 = arith.maximumf %max3A_355, %min3A_361 : vector<16xf32>
      %add3A_363 = arith.constant 50 : i32
      %add3A_364 = vector.broadcast %add3A_363 : i32 to vector<16xi32>
      %add3A_365 = arith.addi %broadcast_in_dim3A_3, %add3A_364 : vector<16xi32>
      %gather3A_366 = tpu.vector_load_idx %arg4[%add3A_15, %add3A_365] : memref<128x64xf32, #tpu.memory_space<vmem>>[vector<16xi32>, vector<16xi32>], vector<16xf32>,
      %max3A_367 = arith.maximumf %max3A_360, %gather3A_366 : vector<16xf32>
      %min3A_368 = arith.minimumf %max3A_360, %gather3A_366 : vector<16xf32>
      %max3A_369 = arith.maximumf %max3A_362, %min3A_368 : vector<16xf32>
      %add3A_370 = arith.constant 51 : i32
      %add3A_371 = vector.broadcast %add3A_370 : i32 to vector<16xi32>
      %add3A_372 = arith.addi %broadcast_in_dim3A_3, %add3A_371 : vector<16xi32>
      %gather3A_373 = tpu.vector_load_idx %arg4[%add3A_15, %add3A_372] : memref<128x64xf32, #tpu.memory_space<vmem>>[vector<16xi32>, vector<16xi32>], vector<16xf32>,
      %max3A_374 = arith.maximumf %max3A_367, %gather3A_373 : vector<16xf32>
      %min3A_375 = arith.minimumf %max3A_367, %gather3A_373 : vector<16xf32>
      %max3A_376 = arith.maximumf %max3A_369, %min3A_375 : vector<16xf32>
      %add3A_377 = arith.constant 52 : i32
      %add3A_378 = vector.broadcast %add3A_377 : i32 to vector<16xi32>
      %add3A_379 = arith.addi %broadcast_in_dim3A_3, %add3A_378 : vector<16xi32>
      %gather3A_380 = tpu.vector_load_idx %arg4[%add3A_15, %add3A_379] : memref<128x64xf32, #tpu.memory_space<vmem>>[vector<16xi32>, vector<16xi32>], vector<16xf32>,
      %max3A_381 = arith.maximumf %max3A_374, %gather3A_380 : vector<16xf32>
      %min3A_382 = arith.minimumf %max3A_374, %gather3A_380 : vector<16xf32>
      %max3A_383 = arith.maximumf %max3A_376, %min3A_382 : vector<16xf32>
      %add3A_384 = arith.constant 53 : i32
      %add3A_385 = vector.broadcast %add3A_384 : i32 to vector<16xi32>
      %add3A_386 = arith.addi %broadcast_in_dim3A_3, %add3A_385 : vector<16xi32>
      %gather3A_387 = tpu.vector_load_idx %arg4[%add3A_15, %add3A_386] : memref<128x64xf32, #tpu.memory_space<vmem>>[vector<16xi32>, vector<16xi32>], vector<16xf32>,
      %max3A_388 = arith.maximumf %max3A_381, %gather3A_387 : vector<16xf32>
      %min3A_389 = arith.minimumf %max3A_381, %gather3A_387 : vector<16xf32>
      %max3A_390 = arith.maximumf %max3A_383, %min3A_389 : vector<16xf32>
      %add3A_391 = arith.constant 54 : i32
      %add3A_392 = vector.broadcast %add3A_391 : i32 to vector<16xi32>
      %add3A_393 = arith.addi %broadcast_in_dim3A_3, %add3A_392 : vector<16xi32>
      %gather3A_394 = tpu.vector_load_idx %arg4[%add3A_15, %add3A_393] : memref<128x64xf32, #tpu.memory_space<vmem>>[vector<16xi32>, vector<16xi32>], vector<16xf32>,
      %max3A_395 = arith.maximumf %max3A_388, %gather3A_394 : vector<16xf32>
      %min3A_396 = arith.minimumf %max3A_388, %gather3A_394 : vector<16xf32>
      %max3A_397 = arith.maximumf %max3A_390, %min3A_396 : vector<16xf32>
      %add3A_398 = arith.constant 55 : i32
      %add3A_399 = vector.broadcast %add3A_398 : i32 to vector<16xi32>
      %add3A_400 = arith.addi %broadcast_in_dim3A_3, %add3A_399 : vector<16xi32>
      %gather3A_401 = tpu.vector_load_idx %arg4[%add3A_15, %add3A_400] : memref<128x64xf32, #tpu.memory_space<vmem>>[vector<16xi32>, vector<16xi32>], vector<16xf32>,
      %max3A_402 = arith.maximumf %max3A_395, %gather3A_401 : vector<16xf32>
      %min3A_403 = arith.minimumf %max3A_395, %gather3A_401 : vector<16xf32>
      %max3A_404 = arith.maximumf %max3A_397, %min3A_403 : vector<16xf32>
      %add3A_405 = arith.constant 56 : i32
      %add3A_406 = vector.broadcast %add3A_405 : i32 to vector<16xi32>
      %add3A_407 = arith.addi %broadcast_in_dim3A_3, %add3A_406 : vector<16xi32>
      %gather3A_408 = tpu.vector_load_idx %arg4[%add3A_15, %add3A_407] : memref<128x64xf32, #tpu.memory_space<vmem>>[vector<16xi32>, vector<16xi32>], vector<16xf32>,
      %max3A_409 = arith.maximumf %max3A_402, %gather3A_408 : vector<16xf32>
      %min3A_410 = arith.minimumf %max3A_402, %gather3A_408 : vector<16xf32>
      %max3A_411 = arith.maximumf %max3A_404, %min3A_410 : vector<16xf32>
      %add3A_412 = arith.constant 57 : i32
      %add3A_413 = vector.broadcast %add3A_412 : i32 to vector<16xi32>
      %add3A_414 = arith.addi %broadcast_in_dim3A_3, %add3A_413 : vector<16xi32>
      %gather3A_415 = tpu.vector_load_idx %arg4[%add3A_15, %add3A_414] : memref<128x64xf32, #tpu.memory_space<vmem>>[vector<16xi32>, vector<16xi32>], vector<16xf32>,
      %max3A_416 = arith.maximumf %max3A_409, %gather3A_415 : vector<16xf32>
      %min3A_417 = arith.minimumf %max3A_409, %gather3A_415 : vector<16xf32>
      %max3A_418 = arith.maximumf %max3A_411, %min3A_417 : vector<16xf32>
      %add3A_419 = arith.constant 58 : i32
      %add3A_420 = vector.broadcast %add3A_419 : i32 to vector<16xi32>
      %add3A_421 = arith.addi %broadcast_in_dim3A_3, %add3A_420 : vector<16xi32>
      %gather3A_422 = tpu.vector_load_idx %arg4[%add3A_15, %add3A_421] : memref<128x64xf32, #tpu.memory_space<vmem>>[vector<16xi32>, vector<16xi32>], vector<16xf32>,
      %max3A_423 = arith.maximumf %max3A_416, %gather3A_422 : vector<16xf32>
      %min3A_424 = arith.minimumf %max3A_416, %gather3A_422 : vector<16xf32>
      %max3A_425 = arith.maximumf %max3A_418, %min3A_424 : vector<16xf32>
      %add3A_426 = arith.constant 59 : i32
      %add3A_427 = vector.broadcast %add3A_426 : i32 to vector<16xi32>
      %add3A_428 = arith.addi %broadcast_in_dim3A_3, %add3A_427 : vector<16xi32>
      %gather3A_429 = tpu.vector_load_idx %arg4[%add3A_15, %add3A_428] : memref<128x64xf32, #tpu.memory_space<vmem>>[vector<16xi32>, vector<16xi32>], vector<16xf32>,
      %max3A_430 = arith.maximumf %max3A_423, %gather3A_429 : vector<16xf32>
      %min3A_431 = arith.minimumf %max3A_423, %gather3A_429 : vector<16xf32>
      %max3A_432 = arith.maximumf %max3A_425, %min3A_431 : vector<16xf32>
      %add3A_433 = arith.constant 60 : i32
      %add3A_434 = vector.broadcast %add3A_433 : i32 to vector<16xi32>
      %add3A_435 = arith.addi %broadcast_in_dim3A_3, %add3A_434 : vector<16xi32>
      %gather3A_436 = tpu.vector_load_idx %arg4[%add3A_15, %add3A_435] : memref<128x64xf32, #tpu.memory_space<vmem>>[vector<16xi32>, vector<16xi32>], vector<16xf32>,
      %max3A_437 = arith.maximumf %max3A_430, %gather3A_436 : vector<16xf32>
      %min3A_438 = arith.minimumf %max3A_430, %gather3A_436 : vector<16xf32>
      %max3A_439 = arith.maximumf %max3A_432, %min3A_438 : vector<16xf32>
      %add3A_440 = arith.constant 61 : i32
      %add3A_441 = vector.broadcast %add3A_440 : i32 to vector<16xi32>
      %add3A_442 = arith.addi %broadcast_in_dim3A_3, %add3A_441 : vector<16xi32>
      %gather3A_443 = tpu.vector_load_idx %arg4[%add3A_15, %add3A_442] : memref<128x64xf32, #tpu.memory_space<vmem>>[vector<16xi32>, vector<16xi32>], vector<16xf32>,
      %max3A_444 = arith.maximumf %max3A_437, %gather3A_443 : vector<16xf32>
      %min3A_445 = arith.minimumf %max3A_437, %gather3A_443 : vector<16xf32>
      %max3A_446 = arith.maximumf %max3A_439, %min3A_445 : vector<16xf32>
      %add3A_447 = arith.constant 62 : i32
      %add3A_448 = vector.broadcast %add3A_447 : i32 to vector<16xi32>
      %add3A_449 = arith.addi %broadcast_in_dim3A_3, %add3A_448 : vector<16xi32>
      %gather3A_450 = tpu.vector_load_idx %arg4[%add3A_15, %add3A_449] : memref<128x64xf32, #tpu.memory_space<vmem>>[vector<16xi32>, vector<16xi32>], vector<16xf32>,
      %max3A_451 = arith.maximumf %max3A_444, %gather3A_450 : vector<16xf32>
      %min3A_452 = arith.minimumf %max3A_444, %gather3A_450 : vector<16xf32>
      %max3A_453 = arith.maximumf %max3A_446, %min3A_452 : vector<16xf32>
      %add3A_454 = arith.constant 63 : i32
      %add3A_455 = vector.broadcast %add3A_454 : i32 to vector<16xi32>
      %add3A_456 = arith.addi %broadcast_in_dim3A_3, %add3A_455 : vector<16xi32>
      %gather3A_457 = tpu.vector_load_idx %arg4[%add3A_15, %add3A_456] : memref<128x64xf32, #tpu.memory_space<vmem>>[vector<16xi32>, vector<16xi32>], vector<16xf32>,
      %max3A_458 = arith.maximumf %max3A_451, %gather3A_457 : vector<16xf32>
      %min3A_459 = arith.minimumf %max3A_451, %gather3A_457 : vector<16xf32>
      %max3A_460 = arith.maximumf %max3A_453, %min3A_459 : vector<16xf32>
      %sub3A = arith.subf %max3A_460, %max3A_458 : vector<16xf32>
      %exp3A = math.exp %sub3A : vector<16xf32>
      %add3A_461 = arith.constant 1.000000e+00 : f32
      %add3A_462 = vector.broadcast %add3A_461 : f32 to vector<16xf32>
      %add3A_463 = arith.addf %add3A_462, %exp3A : vector<16xf32>
      %div3A = arith.constant 1.000000e+00 : f32
      %div3A_464 = vector.broadcast %div3A : f32 to vector<16xf32>
      %div3A_465 = arith.divf %div3A_464, %add3A_463 : vector<16xf32>
      tpu.vector_store_idx %arg5[%add3A_15, %broadcast_in_dim3A_3], %div3A_465 : memref<128x2xf32, #tpu.memory_space<vmem>>[vector<16xi32>, vector<16xi32>], vector<16xf32>,
      %add3A_466 = arith.constant 1 : i32
      %add3A_467 = vector.broadcast %add3A_466 : i32 to vector<16xi32>
      %add3A_468 = arith.addi %broadcast_in_dim3A_3, %add3A_467 : vector<16xi32>
      %div3A_469 = arith.divf %exp3A, %add3A_463 : vector<16xf32>
      tpu.vector_store_idx %arg5[%add3A_15, %add3A_468], %div3A_469 : memref<128x2xf32, #tpu.memory_space<vmem>>[vector<16xi32>, vector<16xi32>], vector<16xf32>,
    }
    %scan3A_10 = arith.constant 8 : i32
    "tpu.region"() ({
      %run_scoped3A = tpu.sem_alloc : memref<!tpu.dma_semaphore, #tpu.memory_space<semaphore_mem>>
      %dma_start3A = arith.constant 0 : i32
      %dma_start3A_11 = tpu.memref_slice %arg3[%mul3A_2, %dma_start3A] : memref<4096x2xf32, #tpu.memory_space<hbm>> -> memref<128x2xf32, #tpu.memory_space<hbm>>
      %dma_start3A_12 = arith.constant 0 : i32
      %dma_start3A_13 = tpu.memref_slice %arg3[%mul3A_2, %dma_start3A_12] : memref<4096x2xf32, #tpu.memory_space<hbm>> -> memref<128x2xf32, #tpu.memory_space<hbm>>
      tpu.enqueue_dma source(%arg5 : memref<128x2xf32, #tpu.memory_space<vmem>>) target(%dma_start3A_13 : memref<128x2xf32, #tpu.memory_space<hbm>>) target_semaphore(%run_scoped3A : memref<!tpu.dma_semaphore, #tpu.memory_space<semaphore_mem>>)
      %dma_wait3A = arith.constant 0 : i32
      %dma_wait3A_14 = tpu.memref_slice %arg3[%mul3A_2, %dma_wait3A] : memref<4096x2xf32, #tpu.memory_space<hbm>> -> memref<128x2xf32, #tpu.memory_space<hbm>>
      %dma_wait3A_15 = arith.constant 0 : i32
      %dma_wait3A_16 = tpu.memref_slice %arg3[%mul3A_2, %dma_wait3A_15] : memref<4096x2xf32, #tpu.memory_space<hbm>> -> memref<128x2xf32, #tpu.memory_space<hbm>>
      tpu.wait_dma2 semaphore(%run_scoped3A : memref<!tpu.dma_semaphore, #tpu.memory_space<semaphore_mem>>) src(%arg5 : memref<128x2xf32, #tpu.memory_space<vmem>>) dst(%dma_wait3A_16 : memref<128x2xf32, #tpu.memory_space<hbm>>)
      tpu.yield
    }) : () -> ()
    return
  }
}

#map = affine_map<(d0, d1) -> (0, 0)>
module attributes {stable_mosaic.version = 14 : i64} {
  func.func @_sc_topk_body(%arg0: i32, %arg1: i32, %arg2: memref<4096x64xf32, #tpu.memory_space<hbm>>, %arg3: memref<4096x2xf32, #tpu.memory_space<hbm>>, %arg4: memref<128x64xf32, #tpu.memory_space<vmem>>, %arg5: memref<128x2xf32, #tpu.memory_space<vmem>>) attributes {dimension_semantics = [#tpu.dimension_semantics<core_parallel>, #tpu.dimension_semantics<subcore_parallel>], iteration_bounds = array<i64: 2, 16>, scalar_prefetch = 0 : i64, scratch_operands = 2 : i64, tpu.core_type = #tpu.core_type<sc_vector_subcore>, window_params = [{transform_indices = #map}, {transform_indices = #map}]} {
    %mul3A = arith.constant 2 : i32
    %mul3A_0 = arith.muli %arg1, %mul3A : i32
    %add3A = arith.addi %mul3A_0, %arg0 : i32
    %mul3A_1 = arith.constant 128 : i32
    %mul3A_2 = arith.muli %add3A, %mul3A_1 : i32
    "tpu.region"() ({
      %run_scoped3A = tpu.sem_alloc : memref<!tpu.dma_semaphore, #tpu.memory_space<semaphore_mem>>
      %dma_start3A = arith.constant 0 : i32
      %dma_start3A_11 = tpu.memref_slice %arg2[%mul3A_2, %dma_start3A] : memref<4096x64xf32, #tpu.memory_space<hbm>> -> memref<128x64xf32, #tpu.memory_space<hbm>>
      %dma_start3A_12 = arith.constant 0 : i32
      %dma_start3A_13 = tpu.memref_slice %arg2[%mul3A_2, %dma_start3A_12] : memref<4096x64xf32, #tpu.memory_space<hbm>> -> memref<128x64xf32, #tpu.memory_space<hbm>>
      tpu.enqueue_dma source(%dma_start3A_13 : memref<128x64xf32, #tpu.memory_space<hbm>>) target(%arg4 : memref<128x64xf32, #tpu.memory_space<vmem>>) target_semaphore(%run_scoped3A : memref<!tpu.dma_semaphore, #tpu.memory_space<semaphore_mem>>)
      %dma_wait3A = arith.constant 0 : i32
      %dma_wait3A_14 = tpu.memref_slice %arg2[%mul3A_2, %dma_wait3A] : memref<4096x64xf32, #tpu.memory_space<hbm>> -> memref<128x64xf32, #tpu.memory_space<hbm>>
      %dma_wait3A_15 = arith.constant 0 : i32
      %dma_wait3A_16 = tpu.memref_slice %arg2[%mul3A_2, %dma_wait3A_15] : memref<4096x64xf32, #tpu.memory_space<hbm>> -> memref<128x64xf32, #tpu.memory_space<hbm>>
      tpu.wait_dma2 semaphore(%run_scoped3A : memref<!tpu.dma_semaphore, #tpu.memory_space<semaphore_mem>>) src(%dma_wait3A_16 : memref<128x64xf32, #tpu.memory_space<hbm>>) dst(%arg4 : memref<128x64xf32, #tpu.memory_space<vmem>>)
      tpu.yield
    }) : () -> ()
    %iota3A = tpu.iota {dimensions = array<i32: 0>} : vector<16xi32>
    %broadcast_in_dim3A = arith.constant 0 : i32
    %broadcast_in_dim3A_3 = vector.broadcast %broadcast_in_dim3A : i32 to vector<16xi32>
    %broadcast_in_dim3A_4 = arith.constant 0xFF800000 : f32
    %broadcast_in_dim3A_5 = vector.broadcast %broadcast_in_dim3A_4 : f32 to vector<16xf32>
    %scan3A = arith.constant 0 : i32
    %scan3A_6 = arith.constant 0 : i32
    %scan3A_7 = arith.constant 8 : i32
    %scan3A_8 = arith.addi %scan3A_6, %scan3A_7 : i32
    %scan3A_9 = arith.constant 1 : i32
    scf.for %scan3A_11 = %scan3A_6 to %scan3A_8 step %scan3A_9  : i32 {
      %mul3A_12 = arith.constant 16 : i32
      %mul3A_13 = arith.muli %scan3A_11, %mul3A_12 : i32
      %add3A_14 = vector.broadcast %mul3A_13 : i32 to vector<16xi32>
      %add3A_15 = arith.addi %add3A_14, %iota3A : vector<16xi32>
      %add3A_16 = arith.constant 0 : i32
      %add3A_17 = vector.broadcast %add3A_16 : i32 to vector<16xi32>
      %add3A_18 = arith.addi %broadcast_in_dim3A_3, %add3A_17 : vector<16xi32>
      %gather3A = tpu.vector_load_idx %arg4[%add3A_15, %add3A_18] : memref<128x64xf32, #tpu.memory_space<vmem>>[vector<16xi32>, vector<16xi32>], vector<16xf32>,
      %max3A = arith.maximumf %broadcast_in_dim3A_5, %gather3A : vector<16xf32>
      %min3A = arith.minimumf %broadcast_in_dim3A_5, %gather3A : vector<16xf32>
      %max3A_19 = arith.maximumf %broadcast_in_dim3A_5, %min3A : vector<16xf32>
      %add3A_20 = arith.constant 1 : i32
      %add3A_21 = vector.broadcast %add3A_20 : i32 to vector<16xi32>
      %add3A_22 = arith.addi %broadcast_in_dim3A_3, %add3A_21 : vector<16xi32>
      %gather3A_23 = tpu.vector_load_idx %arg4[%add3A_15, %add3A_22] : memref<128x64xf32, #tpu.memory_space<vmem>>[vector<16xi32>, vector<16xi32>], vector<16xf32>,
      %max3A_24 = arith.maximumf %max3A, %gather3A_23 : vector<16xf32>
      %min3A_25 = arith.minimumf %max3A, %gather3A_23 : vector<16xf32>
      %max3A_26 = arith.maximumf %max3A_19, %min3A_25 : vector<16xf32>
      %add3A_27 = arith.constant 2 : i32
      %add3A_28 = vector.broadcast %add3A_27 : i32 to vector<16xi32>
      %add3A_29 = arith.addi %broadcast_in_dim3A_3, %add3A_28 : vector<16xi32>
      %gather3A_30 = tpu.vector_load_idx %arg4[%add3A_15, %add3A_29] : memref<128x64xf32, #tpu.memory_space<vmem>>[vector<16xi32>, vector<16xi32>], vector<16xf32>,
      %max3A_31 = arith.maximumf %max3A_24, %gather3A_30 : vector<16xf32>
      %min3A_32 = arith.minimumf %max3A_24, %gather3A_30 : vector<16xf32>
      %max3A_33 = arith.maximumf %max3A_26, %min3A_32 : vector<16xf32>
      %add3A_34 = arith.constant 3 : i32
      %add3A_35 = vector.broadcast %add3A_34 : i32 to vector<16xi32>
      %add3A_36 = arith.addi %broadcast_in_dim3A_3, %add3A_35 : vector<16xi32>
      %gather3A_37 = tpu.vector_load_idx %arg4[%add3A_15, %add3A_36] : memref<128x64xf32, #tpu.memory_space<vmem>>[vector<16xi32>, vector<16xi32>], vector<16xf32>,
      %max3A_38 = arith.maximumf %max3A_31, %gather3A_37 : vector<16xf32>
      %min3A_39 = arith.minimumf %max3A_31, %gather3A_37 : vector<16xf32>
      %max3A_40 = arith.maximumf %max3A_33, %min3A_39 : vector<16xf32>
      %add3A_41 = arith.constant 4 : i32
      %add3A_42 = vector.broadcast %add3A_41 : i32 to vector<16xi32>
      %add3A_43 = arith.addi %broadcast_in_dim3A_3, %add3A_42 : vector<16xi32>
      %gather3A_44 = tpu.vector_load_idx %arg4[%add3A_15, %add3A_43] : memref<128x64xf32, #tpu.memory_space<vmem>>[vector<16xi32>, vector<16xi32>], vector<16xf32>,
      %max3A_45 = arith.maximumf %max3A_38, %gather3A_44 : vector<16xf32>
      %min3A_46 = arith.minimumf %max3A_38, %gather3A_44 : vector<16xf32>
      %max3A_47 = arith.maximumf %max3A_40, %min3A_46 : vector<16xf32>
      %add3A_48 = arith.constant 5 : i32
      %add3A_49 = vector.broadcast %add3A_48 : i32 to vector<16xi32>
      %add3A_50 = arith.addi %broadcast_in_dim3A_3, %add3A_49 : vector<16xi32>
      %gather3A_51 = tpu.vector_load_idx %arg4[%add3A_15, %add3A_50] : memref<128x64xf32, #tpu.memory_space<vmem>>[vector<16xi32>, vector<16xi32>], vector<16xf32>,
      %max3A_52 = arith.maximumf %max3A_45, %gather3A_51 : vector<16xf32>
      %min3A_53 = arith.minimumf %max3A_45, %gather3A_51 : vector<16xf32>
      %max3A_54 = arith.maximumf %max3A_47, %min3A_53 : vector<16xf32>
      %add3A_55 = arith.constant 6 : i32
      %add3A_56 = vector.broadcast %add3A_55 : i32 to vector<16xi32>
      %add3A_57 = arith.addi %broadcast_in_dim3A_3, %add3A_56 : vector<16xi32>
      %gather3A_58 = tpu.vector_load_idx %arg4[%add3A_15, %add3A_57] : memref<128x64xf32, #tpu.memory_space<vmem>>[vector<16xi32>, vector<16xi32>], vector<16xf32>,
      %max3A_59 = arith.maximumf %max3A_52, %gather3A_58 : vector<16xf32>
      %min3A_60 = arith.minimumf %max3A_52, %gather3A_58 : vector<16xf32>
      %max3A_61 = arith.maximumf %max3A_54, %min3A_60 : vector<16xf32>
      %add3A_62 = arith.constant 7 : i32
      %add3A_63 = vector.broadcast %add3A_62 : i32 to vector<16xi32>
      %add3A_64 = arith.addi %broadcast_in_dim3A_3, %add3A_63 : vector<16xi32>
      %gather3A_65 = tpu.vector_load_idx %arg4[%add3A_15, %add3A_64] : memref<128x64xf32, #tpu.memory_space<vmem>>[vector<16xi32>, vector<16xi32>], vector<16xf32>,
      %max3A_66 = arith.maximumf %max3A_59, %gather3A_65 : vector<16xf32>
      %min3A_67 = arith.minimumf %max3A_59, %gather3A_65 : vector<16xf32>
      %max3A_68 = arith.maximumf %max3A_61, %min3A_67 : vector<16xf32>
      %add3A_69 = arith.constant 8 : i32
      %add3A_70 = vector.broadcast %add3A_69 : i32 to vector<16xi32>
      %add3A_71 = arith.addi %broadcast_in_dim3A_3, %add3A_70 : vector<16xi32>
      %gather3A_72 = tpu.vector_load_idx %arg4[%add3A_15, %add3A_71] : memref<128x64xf32, #tpu.memory_space<vmem>>[vector<16xi32>, vector<16xi32>], vector<16xf32>,
      %max3A_73 = arith.maximumf %max3A_66, %gather3A_72 : vector<16xf32>
      %min3A_74 = arith.minimumf %max3A_66, %gather3A_72 : vector<16xf32>
      %max3A_75 = arith.maximumf %max3A_68, %min3A_74 : vector<16xf32>
      %add3A_76 = arith.constant 9 : i32
      %add3A_77 = vector.broadcast %add3A_76 : i32 to vector<16xi32>
      %add3A_78 = arith.addi %broadcast_in_dim3A_3, %add3A_77 : vector<16xi32>
      %gather3A_79 = tpu.vector_load_idx %arg4[%add3A_15, %add3A_78] : memref<128x64xf32, #tpu.memory_space<vmem>>[vector<16xi32>, vector<16xi32>], vector<16xf32>,
      %max3A_80 = arith.maximumf %max3A_73, %gather3A_79 : vector<16xf32>
      %min3A_81 = arith.minimumf %max3A_73, %gather3A_79 : vector<16xf32>
      %max3A_82 = arith.maximumf %max3A_75, %min3A_81 : vector<16xf32>
      %add3A_83 = arith.constant 10 : i32
      %add3A_84 = vector.broadcast %add3A_83 : i32 to vector<16xi32>
      %add3A_85 = arith.addi %broadcast_in_dim3A_3, %add3A_84 : vector<16xi32>
      %gather3A_86 = tpu.vector_load_idx %arg4[%add3A_15, %add3A_85] : memref<128x64xf32, #tpu.memory_space<vmem>>[vector<16xi32>, vector<16xi32>], vector<16xf32>,
      %max3A_87 = arith.maximumf %max3A_80, %gather3A_86 : vector<16xf32>
      %min3A_88 = arith.minimumf %max3A_80, %gather3A_86 : vector<16xf32>
      %max3A_89 = arith.maximumf %max3A_82, %min3A_88 : vector<16xf32>
      %add3A_90 = arith.constant 11 : i32
      %add3A_91 = vector.broadcast %add3A_90 : i32 to vector<16xi32>
      %add3A_92 = arith.addi %broadcast_in_dim3A_3, %add3A_91 : vector<16xi32>
      %gather3A_93 = tpu.vector_load_idx %arg4[%add3A_15, %add3A_92] : memref<128x64xf32, #tpu.memory_space<vmem>>[vector<16xi32>, vector<16xi32>], vector<16xf32>,
      %max3A_94 = arith.maximumf %max3A_87, %gather3A_93 : vector<16xf32>
      %min3A_95 = arith.minimumf %max3A_87, %gather3A_93 : vector<16xf32>
      %max3A_96 = arith.maximumf %max3A_89, %min3A_95 : vector<16xf32>
      %add3A_97 = arith.constant 12 : i32
      %add3A_98 = vector.broadcast %add3A_97 : i32 to vector<16xi32>
      %add3A_99 = arith.addi %broadcast_in_dim3A_3, %add3A_98 : vector<16xi32>
      %gather3A_100 = tpu.vector_load_idx %arg4[%add3A_15, %add3A_99] : memref<128x64xf32, #tpu.memory_space<vmem>>[vector<16xi32>, vector<16xi32>], vector<16xf32>,
      %max3A_101 = arith.maximumf %max3A_94, %gather3A_100 : vector<16xf32>
      %min3A_102 = arith.minimumf %max3A_94, %gather3A_100 : vector<16xf32>
      %max3A_103 = arith.maximumf %max3A_96, %min3A_102 : vector<16xf32>
      %add3A_104 = arith.constant 13 : i32
      %add3A_105 = vector.broadcast %add3A_104 : i32 to vector<16xi32>
      %add3A_106 = arith.addi %broadcast_in_dim3A_3, %add3A_105 : vector<16xi32>
      %gather3A_107 = tpu.vector_load_idx %arg4[%add3A_15, %add3A_106] : memref<128x64xf32, #tpu.memory_space<vmem>>[vector<16xi32>, vector<16xi32>], vector<16xf32>,
      %max3A_108 = arith.maximumf %max3A_101, %gather3A_107 : vector<16xf32>
      %min3A_109 = arith.minimumf %max3A_101, %gather3A_107 : vector<16xf32>
      %max3A_110 = arith.maximumf %max3A_103, %min3A_109 : vector<16xf32>
      %add3A_111 = arith.constant 14 : i32
      %add3A_112 = vector.broadcast %add3A_111 : i32 to vector<16xi32>
      %add3A_113 = arith.addi %broadcast_in_dim3A_3, %add3A_112 : vector<16xi32>
      %gather3A_114 = tpu.vector_load_idx %arg4[%add3A_15, %add3A_113] : memref<128x64xf32, #tpu.memory_space<vmem>>[vector<16xi32>, vector<16xi32>], vector<16xf32>,
      %max3A_115 = arith.maximumf %max3A_108, %gather3A_114 : vector<16xf32>
      %min3A_116 = arith.minimumf %max3A_108, %gather3A_114 : vector<16xf32>
      %max3A_117 = arith.maximumf %max3A_110, %min3A_116 : vector<16xf32>
      %add3A_118 = arith.constant 15 : i32
      %add3A_119 = vector.broadcast %add3A_118 : i32 to vector<16xi32>
      %add3A_120 = arith.addi %broadcast_in_dim3A_3, %add3A_119 : vector<16xi32>
      %gather3A_121 = tpu.vector_load_idx %arg4[%add3A_15, %add3A_120] : memref<128x64xf32, #tpu.memory_space<vmem>>[vector<16xi32>, vector<16xi32>], vector<16xf32>,
      %max3A_122 = arith.maximumf %max3A_115, %gather3A_121 : vector<16xf32>
      %min3A_123 = arith.minimumf %max3A_115, %gather3A_121 : vector<16xf32>
      %max3A_124 = arith.maximumf %max3A_117, %min3A_123 : vector<16xf32>
      %add3A_125 = arith.constant 16 : i32
      %add3A_126 = vector.broadcast %add3A_125 : i32 to vector<16xi32>
      %add3A_127 = arith.addi %broadcast_in_dim3A_3, %add3A_126 : vector<16xi32>
      %gather3A_128 = tpu.vector_load_idx %arg4[%add3A_15, %add3A_127] : memref<128x64xf32, #tpu.memory_space<vmem>>[vector<16xi32>, vector<16xi32>], vector<16xf32>,
      %max3A_129 = arith.maximumf %max3A_122, %gather3A_128 : vector<16xf32>
      %min3A_130 = arith.minimumf %max3A_122, %gather3A_128 : vector<16xf32>
      %max3A_131 = arith.maximumf %max3A_124, %min3A_130 : vector<16xf32>
      %add3A_132 = arith.constant 17 : i32
      %add3A_133 = vector.broadcast %add3A_132 : i32 to vector<16xi32>
      %add3A_134 = arith.addi %broadcast_in_dim3A_3, %add3A_133 : vector<16xi32>
      %gather3A_135 = tpu.vector_load_idx %arg4[%add3A_15, %add3A_134] : memref<128x64xf32, #tpu.memory_space<vmem>>[vector<16xi32>, vector<16xi32>], vector<16xf32>,
      %max3A_136 = arith.maximumf %max3A_129, %gather3A_135 : vector<16xf32>
      %min3A_137 = arith.minimumf %max3A_129, %gather3A_135 : vector<16xf32>
      %max3A_138 = arith.maximumf %max3A_131, %min3A_137 : vector<16xf32>
      %add3A_139 = arith.constant 18 : i32
      %add3A_140 = vector.broadcast %add3A_139 : i32 to vector<16xi32>
      %add3A_141 = arith.addi %broadcast_in_dim3A_3, %add3A_140 : vector<16xi32>
      %gather3A_142 = tpu.vector_load_idx %arg4[%add3A_15, %add3A_141] : memref<128x64xf32, #tpu.memory_space<vmem>>[vector<16xi32>, vector<16xi32>], vector<16xf32>,
      %max3A_143 = arith.maximumf %max3A_136, %gather3A_142 : vector<16xf32>
      %min3A_144 = arith.minimumf %max3A_136, %gather3A_142 : vector<16xf32>
      %max3A_145 = arith.maximumf %max3A_138, %min3A_144 : vector<16xf32>
      %add3A_146 = arith.constant 19 : i32
      %add3A_147 = vector.broadcast %add3A_146 : i32 to vector<16xi32>
      %add3A_148 = arith.addi %broadcast_in_dim3A_3, %add3A_147 : vector<16xi32>
      %gather3A_149 = tpu.vector_load_idx %arg4[%add3A_15, %add3A_148] : memref<128x64xf32, #tpu.memory_space<vmem>>[vector<16xi32>, vector<16xi32>], vector<16xf32>,
      %max3A_150 = arith.maximumf %max3A_143, %gather3A_149 : vector<16xf32>
      %min3A_151 = arith.minimumf %max3A_143, %gather3A_149 : vector<16xf32>
      %max3A_152 = arith.maximumf %max3A_145, %min3A_151 : vector<16xf32>
      %add3A_153 = arith.constant 20 : i32
      %add3A_154 = vector.broadcast %add3A_153 : i32 to vector<16xi32>
      %add3A_155 = arith.addi %broadcast_in_dim3A_3, %add3A_154 : vector<16xi32>
      %gather3A_156 = tpu.vector_load_idx %arg4[%add3A_15, %add3A_155] : memref<128x64xf32, #tpu.memory_space<vmem>>[vector<16xi32>, vector<16xi32>], vector<16xf32>,
      %max3A_157 = arith.maximumf %max3A_150, %gather3A_156 : vector<16xf32>
      %min3A_158 = arith.minimumf %max3A_150, %gather3A_156 : vector<16xf32>
      %max3A_159 = arith.maximumf %max3A_152, %min3A_158 : vector<16xf32>
      %add3A_160 = arith.constant 21 : i32
      %add3A_161 = vector.broadcast %add3A_160 : i32 to vector<16xi32>
      %add3A_162 = arith.addi %broadcast_in_dim3A_3, %add3A_161 : vector<16xi32>
      %gather3A_163 = tpu.vector_load_idx %arg4[%add3A_15, %add3A_162] : memref<128x64xf32, #tpu.memory_space<vmem>>[vector<16xi32>, vector<16xi32>], vector<16xf32>,
      %max3A_164 = arith.maximumf %max3A_157, %gather3A_163 : vector<16xf32>
      %min3A_165 = arith.minimumf %max3A_157, %gather3A_163 : vector<16xf32>
      %max3A_166 = arith.maximumf %max3A_159, %min3A_165 : vector<16xf32>
      %add3A_167 = arith.constant 22 : i32
      %add3A_168 = vector.broadcast %add3A_167 : i32 to vector<16xi32>
      %add3A_169 = arith.addi %broadcast_in_dim3A_3, %add3A_168 : vector<16xi32>
      %gather3A_170 = tpu.vector_load_idx %arg4[%add3A_15, %add3A_169] : memref<128x64xf32, #tpu.memory_space<vmem>>[vector<16xi32>, vector<16xi32>], vector<16xf32>,
      %max3A_171 = arith.maximumf %max3A_164, %gather3A_170 : vector<16xf32>
      %min3A_172 = arith.minimumf %max3A_164, %gather3A_170 : vector<16xf32>
      %max3A_173 = arith.maximumf %max3A_166, %min3A_172 : vector<16xf32>
      %add3A_174 = arith.constant 23 : i32
      %add3A_175 = vector.broadcast %add3A_174 : i32 to vector<16xi32>
      %add3A_176 = arith.addi %broadcast_in_dim3A_3, %add3A_175 : vector<16xi32>
      %gather3A_177 = tpu.vector_load_idx %arg4[%add3A_15, %add3A_176] : memref<128x64xf32, #tpu.memory_space<vmem>>[vector<16xi32>, vector<16xi32>], vector<16xf32>,
      %max3A_178 = arith.maximumf %max3A_171, %gather3A_177 : vector<16xf32>
      %min3A_179 = arith.minimumf %max3A_171, %gather3A_177 : vector<16xf32>
      %max3A_180 = arith.maximumf %max3A_173, %min3A_179 : vector<16xf32>
      %add3A_181 = arith.constant 24 : i32
      %add3A_182 = vector.broadcast %add3A_181 : i32 to vector<16xi32>
      %add3A_183 = arith.addi %broadcast_in_dim3A_3, %add3A_182 : vector<16xi32>
      %gather3A_184 = tpu.vector_load_idx %arg4[%add3A_15, %add3A_183] : memref<128x64xf32, #tpu.memory_space<vmem>>[vector<16xi32>, vector<16xi32>], vector<16xf32>,
      %max3A_185 = arith.maximumf %max3A_178, %gather3A_184 : vector<16xf32>
      %min3A_186 = arith.minimumf %max3A_178, %gather3A_184 : vector<16xf32>
      %max3A_187 = arith.maximumf %max3A_180, %min3A_186 : vector<16xf32>
      %add3A_188 = arith.constant 25 : i32
      %add3A_189 = vector.broadcast %add3A_188 : i32 to vector<16xi32>
      %add3A_190 = arith.addi %broadcast_in_dim3A_3, %add3A_189 : vector<16xi32>
      %gather3A_191 = tpu.vector_load_idx %arg4[%add3A_15, %add3A_190] : memref<128x64xf32, #tpu.memory_space<vmem>>[vector<16xi32>, vector<16xi32>], vector<16xf32>,
      %max3A_192 = arith.maximumf %max3A_185, %gather3A_191 : vector<16xf32>
      %min3A_193 = arith.minimumf %max3A_185, %gather3A_191 : vector<16xf32>
      %max3A_194 = arith.maximumf %max3A_187, %min3A_193 : vector<16xf32>
      %add3A_195 = arith.constant 26 : i32
      %add3A_196 = vector.broadcast %add3A_195 : i32 to vector<16xi32>
      %add3A_197 = arith.addi %broadcast_in_dim3A_3, %add3A_196 : vector<16xi32>
      %gather3A_198 = tpu.vector_load_idx %arg4[%add3A_15, %add3A_197] : memref<128x64xf32, #tpu.memory_space<vmem>>[vector<16xi32>, vector<16xi32>], vector<16xf32>,
      %max3A_199 = arith.maximumf %max3A_192, %gather3A_198 : vector<16xf32>
      %min3A_200 = arith.minimumf %max3A_192, %gather3A_198 : vector<16xf32>
      %max3A_201 = arith.maximumf %max3A_194, %min3A_200 : vector<16xf32>
      %add3A_202 = arith.constant 27 : i32
      %add3A_203 = vector.broadcast %add3A_202 : i32 to vector<16xi32>
      %add3A_204 = arith.addi %broadcast_in_dim3A_3, %add3A_203 : vector<16xi32>
      %gather3A_205 = tpu.vector_load_idx %arg4[%add3A_15, %add3A_204] : memref<128x64xf32, #tpu.memory_space<vmem>>[vector<16xi32>, vector<16xi32>], vector<16xf32>,
      %max3A_206 = arith.maximumf %max3A_199, %gather3A_205 : vector<16xf32>
      %min3A_207 = arith.minimumf %max3A_199, %gather3A_205 : vector<16xf32>
      %max3A_208 = arith.maximumf %max3A_201, %min3A_207 : vector<16xf32>
      %add3A_209 = arith.constant 28 : i32
      %add3A_210 = vector.broadcast %add3A_209 : i32 to vector<16xi32>
      %add3A_211 = arith.addi %broadcast_in_dim3A_3, %add3A_210 : vector<16xi32>
      %gather3A_212 = tpu.vector_load_idx %arg4[%add3A_15, %add3A_211] : memref<128x64xf32, #tpu.memory_space<vmem>>[vector<16xi32>, vector<16xi32>], vector<16xf32>,
      %max3A_213 = arith.maximumf %max3A_206, %gather3A_212 : vector<16xf32>
      %min3A_214 = arith.minimumf %max3A_206, %gather3A_212 : vector<16xf32>
      %max3A_215 = arith.maximumf %max3A_208, %min3A_214 : vector<16xf32>
      %add3A_216 = arith.constant 29 : i32
      %add3A_217 = vector.broadcast %add3A_216 : i32 to vector<16xi32>
      %add3A_218 = arith.addi %broadcast_in_dim3A_3, %add3A_217 : vector<16xi32>
      %gather3A_219 = tpu.vector_load_idx %arg4[%add3A_15, %add3A_218] : memref<128x64xf32, #tpu.memory_space<vmem>>[vector<16xi32>, vector<16xi32>], vector<16xf32>,
      %max3A_220 = arith.maximumf %max3A_213, %gather3A_219 : vector<16xf32>
      %min3A_221 = arith.minimumf %max3A_213, %gather3A_219 : vector<16xf32>
      %max3A_222 = arith.maximumf %max3A_215, %min3A_221 : vector<16xf32>
      %add3A_223 = arith.constant 30 : i32
      %add3A_224 = vector.broadcast %add3A_223 : i32 to vector<16xi32>
      %add3A_225 = arith.addi %broadcast_in_dim3A_3, %add3A_224 : vector<16xi32>
      %gather3A_226 = tpu.vector_load_idx %arg4[%add3A_15, %add3A_225] : memref<128x64xf32, #tpu.memory_space<vmem>>[vector<16xi32>, vector<16xi32>], vector<16xf32>,
      %max3A_227 = arith.maximumf %max3A_220, %gather3A_226 : vector<16xf32>
      %min3A_228 = arith.minimumf %max3A_220, %gather3A_226 : vector<16xf32>
      %max3A_229 = arith.maximumf %max3A_222, %min3A_228 : vector<16xf32>
      %add3A_230 = arith.constant 31 : i32
      %add3A_231 = vector.broadcast %add3A_230 : i32 to vector<16xi32>
      %add3A_232 = arith.addi %broadcast_in_dim3A_3, %add3A_231 : vector<16xi32>
      %gather3A_233 = tpu.vector_load_idx %arg4[%add3A_15, %add3A_232] : memref<128x64xf32, #tpu.memory_space<vmem>>[vector<16xi32>, vector<16xi32>], vector<16xf32>,
      %max3A_234 = arith.maximumf %max3A_227, %gather3A_233 : vector<16xf32>
      %min3A_235 = arith.minimumf %max3A_227, %gather3A_233 : vector<16xf32>
      %max3A_236 = arith.maximumf %max3A_229, %min3A_235 : vector<16xf32>
      %add3A_237 = arith.constant 32 : i32
      %add3A_238 = vector.broadcast %add3A_237 : i32 to vector<16xi32>
      %add3A_239 = arith.addi %broadcast_in_dim3A_3, %add3A_238 : vector<16xi32>
      %gather3A_240 = tpu.vector_load_idx %arg4[%add3A_15, %add3A_239] : memref<128x64xf32, #tpu.memory_space<vmem>>[vector<16xi32>, vector<16xi32>], vector<16xf32>,
      %max3A_241 = arith.maximumf %max3A_234, %gather3A_240 : vector<16xf32>
      %min3A_242 = arith.minimumf %max3A_234, %gather3A_240 : vector<16xf32>
      %max3A_243 = arith.maximumf %max3A_236, %min3A_242 : vector<16xf32>
      %add3A_244 = arith.constant 33 : i32
      %add3A_245 = vector.broadcast %add3A_244 : i32 to vector<16xi32>
      %add3A_246 = arith.addi %broadcast_in_dim3A_3, %add3A_245 : vector<16xi32>
      %gather3A_247 = tpu.vector_load_idx %arg4[%add3A_15, %add3A_246] : memref<128x64xf32, #tpu.memory_space<vmem>>[vector<16xi32>, vector<16xi32>], vector<16xf32>,
      %max3A_248 = arith.maximumf %max3A_241, %gather3A_247 : vector<16xf32>
      %min3A_249 = arith.minimumf %max3A_241, %gather3A_247 : vector<16xf32>
      %max3A_250 = arith.maximumf %max3A_243, %min3A_249 : vector<16xf32>
      %add3A_251 = arith.constant 34 : i32
      %add3A_252 = vector.broadcast %add3A_251 : i32 to vector<16xi32>
      %add3A_253 = arith.addi %broadcast_in_dim3A_3, %add3A_252 : vector<16xi32>
      %gather3A_254 = tpu.vector_load_idx %arg4[%add3A_15, %add3A_253] : memref<128x64xf32, #tpu.memory_space<vmem>>[vector<16xi32>, vector<16xi32>], vector<16xf32>,
      %max3A_255 = arith.maximumf %max3A_248, %gather3A_254 : vector<16xf32>
      %min3A_256 = arith.minimumf %max3A_248, %gather3A_254 : vector<16xf32>
      %max3A_257 = arith.maximumf %max3A_250, %min3A_256 : vector<16xf32>
      %add3A_258 = arith.constant 35 : i32
      %add3A_259 = vector.broadcast %add3A_258 : i32 to vector<16xi32>
      %add3A_260 = arith.addi %broadcast_in_dim3A_3, %add3A_259 : vector<16xi32>
      %gather3A_261 = tpu.vector_load_idx %arg4[%add3A_15, %add3A_260] : memref<128x64xf32, #tpu.memory_space<vmem>>[vector<16xi32>, vector<16xi32>], vector<16xf32>,
      %max3A_262 = arith.maximumf %max3A_255, %gather3A_261 : vector<16xf32>
      %min3A_263 = arith.minimumf %max3A_255, %gather3A_261 : vector<16xf32>
      %max3A_264 = arith.maximumf %max3A_257, %min3A_263 : vector<16xf32>
      %add3A_265 = arith.constant 36 : i32
      %add3A_266 = vector.broadcast %add3A_265 : i32 to vector<16xi32>
      %add3A_267 = arith.addi %broadcast_in_dim3A_3, %add3A_266 : vector<16xi32>
      %gather3A_268 = tpu.vector_load_idx %arg4[%add3A_15, %add3A_267] : memref<128x64xf32, #tpu.memory_space<vmem>>[vector<16xi32>, vector<16xi32>], vector<16xf32>,
      %max3A_269 = arith.maximumf %max3A_262, %gather3A_268 : vector<16xf32>
      %min3A_270 = arith.minimumf %max3A_262, %gather3A_268 : vector<16xf32>
      %max3A_271 = arith.maximumf %max3A_264, %min3A_270 : vector<16xf32>
      %add3A_272 = arith.constant 37 : i32
      %add3A_273 = vector.broadcast %add3A_272 : i32 to vector<16xi32>
      %add3A_274 = arith.addi %broadcast_in_dim3A_3, %add3A_273 : vector<16xi32>
      %gather3A_275 = tpu.vector_load_idx %arg4[%add3A_15, %add3A_274] : memref<128x64xf32, #tpu.memory_space<vmem>>[vector<16xi32>, vector<16xi32>], vector<16xf32>,
      %max3A_276 = arith.maximumf %max3A_269, %gather3A_275 : vector<16xf32>
      %min3A_277 = arith.minimumf %max3A_269, %gather3A_275 : vector<16xf32>
      %max3A_278 = arith.maximumf %max3A_271, %min3A_277 : vector<16xf32>
      %add3A_279 = arith.constant 38 : i32
      %add3A_280 = vector.broadcast %add3A_279 : i32 to vector<16xi32>
      %add3A_281 = arith.addi %broadcast_in_dim3A_3, %add3A_280 : vector<16xi32>
      %gather3A_282 = tpu.vector_load_idx %arg4[%add3A_15, %add3A_281] : memref<128x64xf32, #tpu.memory_space<vmem>>[vector<16xi32>, vector<16xi32>], vector<16xf32>,
      %max3A_283 = arith.maximumf %max3A_276, %gather3A_282 : vector<16xf32>
      %min3A_284 = arith.minimumf %max3A_276, %gather3A_282 : vector<16xf32>
      %max3A_285 = arith.maximumf %max3A_278, %min3A_284 : vector<16xf32>
      %add3A_286 = arith.constant 39 : i32
      %add3A_287 = vector.broadcast %add3A_286 : i32 to vector<16xi32>
      %add3A_288 = arith.addi %broadcast_in_dim3A_3, %add3A_287 : vector<16xi32>
      %gather3A_289 = tpu.vector_load_idx %arg4[%add3A_15, %add3A_288] : memref<128x64xf32, #tpu.memory_space<vmem>>[vector<16xi32>, vector<16xi32>], vector<16xf32>,
      %max3A_290 = arith.maximumf %max3A_283, %gather3A_289 : vector<16xf32>
      %min3A_291 = arith.minimumf %max3A_283, %gather3A_289 : vector<16xf32>
      %max3A_292 = arith.maximumf %max3A_285, %min3A_291 : vector<16xf32>
      %add3A_293 = arith.constant 40 : i32
      %add3A_294 = vector.broadcast %add3A_293 : i32 to vector<16xi32>
      %add3A_295 = arith.addi %broadcast_in_dim3A_3, %add3A_294 : vector<16xi32>
      %gather3A_296 = tpu.vector_load_idx %arg4[%add3A_15, %add3A_295] : memref<128x64xf32, #tpu.memory_space<vmem>>[vector<16xi32>, vector<16xi32>], vector<16xf32>,
      %max3A_297 = arith.maximumf %max3A_290, %gather3A_296 : vector<16xf32>
      %min3A_298 = arith.minimumf %max3A_290, %gather3A_296 : vector<16xf32>
      %max3A_299 = arith.maximumf %max3A_292, %min3A_298 : vector<16xf32>
      %add3A_300 = arith.constant 41 : i32
      %add3A_301 = vector.broadcast %add3A_300 : i32 to vector<16xi32>
      %add3A_302 = arith.addi %broadcast_in_dim3A_3, %add3A_301 : vector<16xi32>
      %gather3A_303 = tpu.vector_load_idx %arg4[%add3A_15, %add3A_302] : memref<128x64xf32, #tpu.memory_space<vmem>>[vector<16xi32>, vector<16xi32>], vector<16xf32>,
      %max3A_304 = arith.maximumf %max3A_297, %gather3A_303 : vector<16xf32>
      %min3A_305 = arith.minimumf %max3A_297, %gather3A_303 : vector<16xf32>
      %max3A_306 = arith.maximumf %max3A_299, %min3A_305 : vector<16xf32>
      %add3A_307 = arith.constant 42 : i32
      %add3A_308 = vector.broadcast %add3A_307 : i32 to vector<16xi32>
      %add3A_309 = arith.addi %broadcast_in_dim3A_3, %add3A_308 : vector<16xi32>
      %gather3A_310 = tpu.vector_load_idx %arg4[%add3A_15, %add3A_309] : memref<128x64xf32, #tpu.memory_space<vmem>>[vector<16xi32>, vector<16xi32>], vector<16xf32>,
      %max3A_311 = arith.maximumf %max3A_304, %gather3A_310 : vector<16xf32>
      %min3A_312 = arith.minimumf %max3A_304, %gather3A_310 : vector<16xf32>
      %max3A_313 = arith.maximumf %max3A_306, %min3A_312 : vector<16xf32>
      %add3A_314 = arith.constant 43 : i32
      %add3A_315 = vector.broadcast %add3A_314 : i32 to vector<16xi32>
      %add3A_316 = arith.addi %broadcast_in_dim3A_3, %add3A_315 : vector<16xi32>
      %gather3A_317 = tpu.vector_load_idx %arg4[%add3A_15, %add3A_316] : memref<128x64xf32, #tpu.memory_space<vmem>>[vector<16xi32>, vector<16xi32>], vector<16xf32>,
      %max3A_318 = arith.maximumf %max3A_311, %gather3A_317 : vector<16xf32>
      %min3A_319 = arith.minimumf %max3A_311, %gather3A_317 : vector<16xf32>
      %max3A_320 = arith.maximumf %max3A_313, %min3A_319 : vector<16xf32>
      %add3A_321 = arith.constant 44 : i32
      %add3A_322 = vector.broadcast %add3A_321 : i32 to vector<16xi32>
      %add3A_323 = arith.addi %broadcast_in_dim3A_3, %add3A_322 : vector<16xi32>
      %gather3A_324 = tpu.vector_load_idx %arg4[%add3A_15, %add3A_323] : memref<128x64xf32, #tpu.memory_space<vmem>>[vector<16xi32>, vector<16xi32>], vector<16xf32>,
      %max3A_325 = arith.maximumf %max3A_318, %gather3A_324 : vector<16xf32>
      %min3A_326 = arith.minimumf %max3A_318, %gather3A_324 : vector<16xf32>
      %max3A_327 = arith.maximumf %max3A_320, %min3A_326 : vector<16xf32>
      %add3A_328 = arith.constant 45 : i32
      %add3A_329 = vector.broadcast %add3A_328 : i32 to vector<16xi32>
      %add3A_330 = arith.addi %broadcast_in_dim3A_3, %add3A_329 : vector<16xi32>
      %gather3A_331 = tpu.vector_load_idx %arg4[%add3A_15, %add3A_330] : memref<128x64xf32, #tpu.memory_space<vmem>>[vector<16xi32>, vector<16xi32>], vector<16xf32>,
      %max3A_332 = arith.maximumf %max3A_325, %gather3A_331 : vector<16xf32>
      %min3A_333 = arith.minimumf %max3A_325, %gather3A_331 : vector<16xf32>
      %max3A_334 = arith.maximumf %max3A_327, %min3A_333 : vector<16xf32>
      %add3A_335 = arith.constant 46 : i32
      %add3A_336 = vector.broadcast %add3A_335 : i32 to vector<16xi32>
      %add3A_337 = arith.addi %broadcast_in_dim3A_3, %add3A_336 : vector<16xi32>
      %gather3A_338 = tpu.vector_load_idx %arg4[%add3A_15, %add3A_337] : memref<128x64xf32, #tpu.memory_space<vmem>>[vector<16xi32>, vector<16xi32>], vector<16xf32>,
      %max3A_339 = arith.maximumf %max3A_332, %gather3A_338 : vector<16xf32>
      %min3A_340 = arith.minimumf %max3A_332, %gather3A_338 : vector<16xf32>
      %max3A_341 = arith.maximumf %max3A_334, %min3A_340 : vector<16xf32>
      %add3A_342 = arith.constant 47 : i32
      %add3A_343 = vector.broadcast %add3A_342 : i32 to vector<16xi32>
      %add3A_344 = arith.addi %broadcast_in_dim3A_3, %add3A_343 : vector<16xi32>
      %gather3A_345 = tpu.vector_load_idx %arg4[%add3A_15, %add3A_344] : memref<128x64xf32, #tpu.memory_space<vmem>>[vector<16xi32>, vector<16xi32>], vector<16xf32>,
      %max3A_346 = arith.maximumf %max3A_339, %gather3A_345 : vector<16xf32>
      %min3A_347 = arith.minimumf %max3A_339, %gather3A_345 : vector<16xf32>
      %max3A_348 = arith.maximumf %max3A_341, %min3A_347 : vector<16xf32>
      %add3A_349 = arith.constant 48 : i32
      %add3A_350 = vector.broadcast %add3A_349 : i32 to vector<16xi32>
      %add3A_351 = arith.addi %broadcast_in_dim3A_3, %add3A_350 : vector<16xi32>
      %gather3A_352 = tpu.vector_load_idx %arg4[%add3A_15, %add3A_351] : memref<128x64xf32, #tpu.memory_space<vmem>>[vector<16xi32>, vector<16xi32>], vector<16xf32>,
      %max3A_353 = arith.maximumf %max3A_346, %gather3A_352 : vector<16xf32>
      %min3A_354 = arith.minimumf %max3A_346, %gather3A_352 : vector<16xf32>
      %max3A_355 = arith.maximumf %max3A_348, %min3A_354 : vector<16xf32>
      %add3A_356 = arith.constant 49 : i32
      %add3A_357 = vector.broadcast %add3A_356 : i32 to vector<16xi32>
      %add3A_358 = arith.addi %broadcast_in_dim3A_3, %add3A_357 : vector<16xi32>
      %gather3A_359 = tpu.vector_load_idx %arg4[%add3A_15, %add3A_358] : memref<128x64xf32, #tpu.memory_space<vmem>>[vector<16xi32>, vector<16xi32>], vector<16xf32>,
      %max3A_360 = arith.maximumf %max3A_353, %gather3A_359 : vector<16xf32>
      %min3A_361 = arith.minimumf %max3A_353, %gather3A_359 : vector<16xf32>
      %max3A_362 = arith.maximumf %max3A_355, %min3A_361 : vector<16xf32>
      %add3A_363 = arith.constant 50 : i32
      %add3A_364 = vector.broadcast %add3A_363 : i32 to vector<16xi32>
      %add3A_365 = arith.addi %broadcast_in_dim3A_3, %add3A_364 : vector<16xi32>
      %gather3A_366 = tpu.vector_load_idx %arg4[%add3A_15, %add3A_365] : memref<128x64xf32, #tpu.memory_space<vmem>>[vector<16xi32>, vector<16xi32>], vector<16xf32>,
      %max3A_367 = arith.maximumf %max3A_360, %gather3A_366 : vector<16xf32>
      %min3A_368 = arith.minimumf %max3A_360, %gather3A_366 : vector<16xf32>
      %max3A_369 = arith.maximumf %max3A_362, %min3A_368 : vector<16xf32>
      %add3A_370 = arith.constant 51 : i32
      %add3A_371 = vector.broadcast %add3A_370 : i32 to vector<16xi32>
      %add3A_372 = arith.addi %broadcast_in_dim3A_3, %add3A_371 : vector<16xi32>
      %gather3A_373 = tpu.vector_load_idx %arg4[%add3A_15, %add3A_372] : memref<128x64xf32, #tpu.memory_space<vmem>>[vector<16xi32>, vector<16xi32>], vector<16xf32>,
      %max3A_374 = arith.maximumf %max3A_367, %gather3A_373 : vector<16xf32>
      %min3A_375 = arith.minimumf %max3A_367, %gather3A_373 : vector<16xf32>
      %max3A_376 = arith.maximumf %max3A_369, %min3A_375 : vector<16xf32>
      %add3A_377 = arith.constant 52 : i32
      %add3A_378 = vector.broadcast %add3A_377 : i32 to vector<16xi32>
      %add3A_379 = arith.addi %broadcast_in_dim3A_3, %add3A_378 : vector<16xi32>
      %gather3A_380 = tpu.vector_load_idx %arg4[%add3A_15, %add3A_379] : memref<128x64xf32, #tpu.memory_space<vmem>>[vector<16xi32>, vector<16xi32>], vector<16xf32>,
      %max3A_381 = arith.maximumf %max3A_374, %gather3A_380 : vector<16xf32>
      %min3A_382 = arith.minimumf %max3A_374, %gather3A_380 : vector<16xf32>
      %max3A_383 = arith.maximumf %max3A_376, %min3A_382 : vector<16xf32>
      %add3A_384 = arith.constant 53 : i32
      %add3A_385 = vector.broadcast %add3A_384 : i32 to vector<16xi32>
      %add3A_386 = arith.addi %broadcast_in_dim3A_3, %add3A_385 : vector<16xi32>
      %gather3A_387 = tpu.vector_load_idx %arg4[%add3A_15, %add3A_386] : memref<128x64xf32, #tpu.memory_space<vmem>>[vector<16xi32>, vector<16xi32>], vector<16xf32>,
      %max3A_388 = arith.maximumf %max3A_381, %gather3A_387 : vector<16xf32>
      %min3A_389 = arith.minimumf %max3A_381, %gather3A_387 : vector<16xf32>
      %max3A_390 = arith.maximumf %max3A_383, %min3A_389 : vector<16xf32>
      %add3A_391 = arith.constant 54 : i32
      %add3A_392 = vector.broadcast %add3A_391 : i32 to vector<16xi32>
      %add3A_393 = arith.addi %broadcast_in_dim3A_3, %add3A_392 : vector<16xi32>
      %gather3A_394 = tpu.vector_load_idx %arg4[%add3A_15, %add3A_393] : memref<128x64xf32, #tpu.memory_space<vmem>>[vector<16xi32>, vector<16xi32>], vector<16xf32>,
      %max3A_395 = arith.maximumf %max3A_388, %gather3A_394 : vector<16xf32>
      %min3A_396 = arith.minimumf %max3A_388, %gather3A_394 : vector<16xf32>
      %max3A_397 = arith.maximumf %max3A_390, %min3A_396 : vector<16xf32>
      %add3A_398 = arith.constant 55 : i32
      %add3A_399 = vector.broadcast %add3A_398 : i32 to vector<16xi32>
      %add3A_400 = arith.addi %broadcast_in_dim3A_3, %add3A_399 : vector<16xi32>
      %gather3A_401 = tpu.vector_load_idx %arg4[%add3A_15, %add3A_400] : memref<128x64xf32, #tpu.memory_space<vmem>>[vector<16xi32>, vector<16xi32>], vector<16xf32>,
      %max3A_402 = arith.maximumf %max3A_395, %gather3A_401 : vector<16xf32>
      %min3A_403 = arith.minimumf %max3A_395, %gather3A_401 : vector<16xf32>
      %max3A_404 = arith.maximumf %max3A_397, %min3A_403 : vector<16xf32>
      %add3A_405 = arith.constant 56 : i32
      %add3A_406 = vector.broadcast %add3A_405 : i32 to vector<16xi32>
      %add3A_407 = arith.addi %broadcast_in_dim3A_3, %add3A_406 : vector<16xi32>
      %gather3A_408 = tpu.vector_load_idx %arg4[%add3A_15, %add3A_407] : memref<128x64xf32, #tpu.memory_space<vmem>>[vector<16xi32>, vector<16xi32>], vector<16xf32>,
      %max3A_409 = arith.maximumf %max3A_402, %gather3A_408 : vector<16xf32>
      %min3A_410 = arith.minimumf %max3A_402, %gather3A_408 : vector<16xf32>
      %max3A_411 = arith.maximumf %max3A_404, %min3A_410 : vector<16xf32>
      %add3A_412 = arith.constant 57 : i32
      %add3A_413 = vector.broadcast %add3A_412 : i32 to vector<16xi32>
      %add3A_414 = arith.addi %broadcast_in_dim3A_3, %add3A_413 : vector<16xi32>
      %gather3A_415 = tpu.vector_load_idx %arg4[%add3A_15, %add3A_414] : memref<128x64xf32, #tpu.memory_space<vmem>>[vector<16xi32>, vector<16xi32>], vector<16xf32>,
      %max3A_416 = arith.maximumf %max3A_409, %gather3A_415 : vector<16xf32>
      %min3A_417 = arith.minimumf %max3A_409, %gather3A_415 : vector<16xf32>
      %max3A_418 = arith.maximumf %max3A_411, %min3A_417 : vector<16xf32>
      %add3A_419 = arith.constant 58 : i32
      %add3A_420 = vector.broadcast %add3A_419 : i32 to vector<16xi32>
      %add3A_421 = arith.addi %broadcast_in_dim3A_3, %add3A_420 : vector<16xi32>
      %gather3A_422 = tpu.vector_load_idx %arg4[%add3A_15, %add3A_421] : memref<128x64xf32, #tpu.memory_space<vmem>>[vector<16xi32>, vector<16xi32>], vector<16xf32>,
      %max3A_423 = arith.maximumf %max3A_416, %gather3A_422 : vector<16xf32>
      %min3A_424 = arith.minimumf %max3A_416, %gather3A_422 : vector<16xf32>
      %max3A_425 = arith.maximumf %max3A_418, %min3A_424 : vector<16xf32>
      %add3A_426 = arith.constant 59 : i32
      %add3A_427 = vector.broadcast %add3A_426 : i32 to vector<16xi32>
      %add3A_428 = arith.addi %broadcast_in_dim3A_3, %add3A_427 : vector<16xi32>
      %gather3A_429 = tpu.vector_load_idx %arg4[%add3A_15, %add3A_428] : memref<128x64xf32, #tpu.memory_space<vmem>>[vector<16xi32>, vector<16xi32>], vector<16xf32>,
      %max3A_430 = arith.maximumf %max3A_423, %gather3A_429 : vector<16xf32>
      %min3A_431 = arith.minimumf %max3A_423, %gather3A_429 : vector<16xf32>
      %max3A_432 = arith.maximumf %max3A_425, %min3A_431 : vector<16xf32>
      %add3A_433 = arith.constant 60 : i32
      %add3A_434 = vector.broadcast %add3A_433 : i32 to vector<16xi32>
      %add3A_435 = arith.addi %broadcast_in_dim3A_3, %add3A_434 : vector<16xi32>
      %gather3A_436 = tpu.vector_load_idx %arg4[%add3A_15, %add3A_435] : memref<128x64xf32, #tpu.memory_space<vmem>>[vector<16xi32>, vector<16xi32>], vector<16xf32>,
      %max3A_437 = arith.maximumf %max3A_430, %gather3A_436 : vector<16xf32>
      %min3A_438 = arith.minimumf %max3A_430, %gather3A_436 : vector<16xf32>
      %max3A_439 = arith.maximumf %max3A_432, %min3A_438 : vector<16xf32>
      %add3A_440 = arith.constant 61 : i32
      %add3A_441 = vector.broadcast %add3A_440 : i32 to vector<16xi32>
      %add3A_442 = arith.addi %broadcast_in_dim3A_3, %add3A_441 : vector<16xi32>
      %gather3A_443 = tpu.vector_load_idx %arg4[%add3A_15, %add3A_442] : memref<128x64xf32, #tpu.memory_space<vmem>>[vector<16xi32>, vector<16xi32>], vector<16xf32>,
      %max3A_444 = arith.maximumf %max3A_437, %gather3A_443 : vector<16xf32>
      %min3A_445 = arith.minimumf %max3A_437, %gather3A_443 : vector<16xf32>
      %max3A_446 = arith.maximumf %max3A_439, %min3A_445 : vector<16xf32>
      %add3A_447 = arith.constant 62 : i32
      %add3A_448 = vector.broadcast %add3A_447 : i32 to vector<16xi32>
      %add3A_449 = arith.addi %broadcast_in_dim3A_3, %add3A_448 : vector<16xi32>
      %gather3A_450 = tpu.vector_load_idx %arg4[%add3A_15, %add3A_449] : memref<128x64xf32, #tpu.memory_space<vmem>>[vector<16xi32>, vector<16xi32>], vector<16xf32>,
      %max3A_451 = arith.maximumf %max3A_444, %gather3A_450 : vector<16xf32>
      %min3A_452 = arith.minimumf %max3A_444, %gather3A_450 : vector<16xf32>
      %max3A_453 = arith.maximumf %max3A_446, %min3A_452 : vector<16xf32>
      %add3A_454 = arith.constant 63 : i32
      %add3A_455 = vector.broadcast %add3A_454 : i32 to vector<16xi32>
      %add3A_456 = arith.addi %broadcast_in_dim3A_3, %add3A_455 : vector<16xi32>
      %gather3A_457 = tpu.vector_load_idx %arg4[%add3A_15, %add3A_456] : memref<128x64xf32, #tpu.memory_space<vmem>>[vector<16xi32>, vector<16xi32>], vector<16xf32>,
      %max3A_458 = arith.maximumf %max3A_451, %gather3A_457 : vector<16xf32>
      %min3A_459 = arith.minimumf %max3A_451, %gather3A_457 : vector<16xf32>
      %max3A_460 = arith.maximumf %max3A_453, %min3A_459 : vector<16xf32>
      %sub3A = arith.subf %max3A_460, %max3A_458 : vector<16xf32>
      %exp3A = math.exp %sub3A : vector<16xf32>
      %add3A_461 = arith.constant 1.000000e+00 : f32
      %add3A_462 = vector.broadcast %add3A_461 : f32 to vector<16xf32>
      %add3A_463 = arith.addf %add3A_462, %exp3A : vector<16xf32>
      %div3A = arith.constant 1.000000e+00 : f32
      %div3A_464 = vector.broadcast %div3A : f32 to vector<16xf32>
      %div3A_465 = arith.divf %div3A_464, %add3A_463 : vector<16xf32>
      tpu.vector_store_idx %arg5[%add3A_15, %broadcast_in_dim3A_3], %div3A_465 : memref<128x2xf32, #tpu.memory_space<vmem>>[vector<16xi32>, vector<16xi32>], vector<16xf32>,
      %add3A_466 = arith.constant 1 : i32
      %add3A_467 = vector.broadcast %add3A_466 : i32 to vector<16xi32>
      %add3A_468 = arith.addi %broadcast_in_dim3A_3, %add3A_467 : vector<16xi32>
      %div3A_469 = arith.divf %exp3A, %add3A_463 : vector<16xf32>
      tpu.vector_store_idx %arg5[%add3A_15, %add3A_468], %div3A_469 : memref<128x2xf32, #tpu.memory_space<vmem>>[vector<16xi32>, vector<16xi32>], vector<16xf32>,
    }
    %scan3A_10 = arith.constant 8 : i32
    "tpu.region"() ({
      %run_scoped3A = tpu.sem_alloc : memref<!tpu.dma_semaphore, #tpu.memory_space<semaphore_mem>>
      %dma_start3A = arith.constant 0 : i32
      %dma_start3A_11 = tpu.memref_slice %arg3[%mul3A_2, %dma_start3A] : memref<4096x2xf32, #tpu.memory_space<hbm>> -> memref<128x2xf32, #tpu.memory_space<hbm>>
      %dma_start3A_12 = arith.constant 0 : i32
      %dma_start3A_13 = tpu.memref_slice %arg3[%mul3A_2, %dma_start3A_12] : memref<4096x2xf32, #tpu.memory_space<hbm>> -> memref<128x2xf32, #tpu.memory_space<hbm>>
      tpu.enqueue_dma source(%arg5 : memref<128x2xf32, #tpu.memory_space<vmem>>) target(%dma_start3A_13 : memref<128x2xf32, #tpu.memory_space<hbm>>) target_semaphore(%run_scoped3A : memref<!tpu.dma_semaphore, #tpu.memory_space<semaphore_mem>>)
      %dma_wait3A = arith.constant 0 : i32
      %dma_wait3A_14 = tpu.memref_slice %arg3[%mul3A_2, %dma_wait3A] : memref<4096x2xf32, #tpu.memory_space<hbm>> -> memref<128x2xf32, #tpu.memory_space<hbm>>
      %dma_wait3A_15 = arith.constant 0 : i32
      %dma_wait3A_16 = tpu.memref_slice %arg3[%mul3A_2, %dma_wait3A_15] : memref<4096x2xf32, #tpu.memory_space<hbm>> -> memref<128x2xf32, #tpu.memory_space<hbm>>
      tpu.wait_dma2 semaphore(%run_scoped3A : memref<!tpu.dma_semaphore, #tpu.memory_space<semaphore_mem>>) src(%arg5 : memref<128x2xf32, #tpu.memory_space<vmem>>) dst(%dma_wait3A_16 : memref<128x2xf32, #tpu.memory_space<hbm>>)
      tpu.yield
    }) : () -> ()
    return
  }
}

#map = affine_map<(d0, d1) -> (0, 0)>
module attributes {stable_mosaic.version = 14 : i64} {
  func.func @_sc_topk_body(%arg0: i32, %arg1: i32, %arg2: memref<4096x64xf32, #tpu.memory_space<hbm>>, %arg3: memref<4096x2xf32, #tpu.memory_space<hbm>>, %arg4: memref<128x64xf32, #tpu.memory_space<vmem>>, %arg5: memref<128x2xf32, #tpu.memory_space<vmem>>) attributes {dimension_semantics = [#tpu.dimension_semantics<core_parallel>, #tpu.dimension_semantics<subcore_parallel>], iteration_bounds = array<i64: 2, 16>, scalar_prefetch = 0 : i64, scratch_operands = 2 : i64, tpu.core_type = #tpu.core_type<sc_vector_subcore>, window_params = [{transform_indices = #map}, {transform_indices = #map}]} {
    %mul3A = arith.constant 2 : i32
    %mul3A_0 = arith.muli %arg1, %mul3A : i32
    %add3A = arith.addi %mul3A_0, %arg0 : i32
    %mul3A_1 = arith.constant 128 : i32
    %mul3A_2 = arith.muli %add3A, %mul3A_1 : i32
    "tpu.region"() ({
      %run_scoped3A = tpu.sem_alloc : memref<!tpu.dma_semaphore, #tpu.memory_space<semaphore_mem>>
      %dma_start3A = arith.constant 0 : i32
      %dma_start3A_11 = tpu.memref_slice %arg2[%mul3A_2, %dma_start3A] : memref<4096x64xf32, #tpu.memory_space<hbm>> -> memref<128x64xf32, #tpu.memory_space<hbm>>
      %dma_start3A_12 = arith.constant 0 : i32
      %dma_start3A_13 = tpu.memref_slice %arg2[%mul3A_2, %dma_start3A_12] : memref<4096x64xf32, #tpu.memory_space<hbm>> -> memref<128x64xf32, #tpu.memory_space<hbm>>
      tpu.enqueue_dma source(%dma_start3A_13 : memref<128x64xf32, #tpu.memory_space<hbm>>) target(%arg4 : memref<128x64xf32, #tpu.memory_space<vmem>>) target_semaphore(%run_scoped3A : memref<!tpu.dma_semaphore, #tpu.memory_space<semaphore_mem>>)
      %dma_wait3A = arith.constant 0 : i32
      %dma_wait3A_14 = tpu.memref_slice %arg2[%mul3A_2, %dma_wait3A] : memref<4096x64xf32, #tpu.memory_space<hbm>> -> memref<128x64xf32, #tpu.memory_space<hbm>>
      %dma_wait3A_15 = arith.constant 0 : i32
      %dma_wait3A_16 = tpu.memref_slice %arg2[%mul3A_2, %dma_wait3A_15] : memref<4096x64xf32, #tpu.memory_space<hbm>> -> memref<128x64xf32, #tpu.memory_space<hbm>>
      tpu.wait_dma2 semaphore(%run_scoped3A : memref<!tpu.dma_semaphore, #tpu.memory_space<semaphore_mem>>) src(%dma_wait3A_16 : memref<128x64xf32, #tpu.memory_space<hbm>>) dst(%arg4 : memref<128x64xf32, #tpu.memory_space<vmem>>)
      tpu.yield
    }) : () -> ()
    %iota3A = tpu.iota {dimensions = array<i32: 0>} : vector<16xi32>
    %broadcast_in_dim3A = arith.constant 0 : i32
    %broadcast_in_dim3A_3 = vector.broadcast %broadcast_in_dim3A : i32 to vector<16xi32>
    %broadcast_in_dim3A_4 = arith.constant 0xFF800000 : f32
    %broadcast_in_dim3A_5 = vector.broadcast %broadcast_in_dim3A_4 : f32 to vector<16xf32>
    %scan3A = arith.constant 0 : i32
    %scan3A_6 = arith.constant 0 : i32
    %scan3A_7 = arith.constant 8 : i32
    %scan3A_8 = arith.addi %scan3A_6, %scan3A_7 : i32
    %scan3A_9 = arith.constant 1 : i32
    scf.for %scan3A_11 = %scan3A_6 to %scan3A_8 step %scan3A_9  : i32 {
      %mul3A_12 = arith.constant 16 : i32
      %mul3A_13 = arith.muli %scan3A_11, %mul3A_12 : i32
      %add3A_14 = vector.broadcast %mul3A_13 : i32 to vector<16xi32>
      %add3A_15 = arith.addi %add3A_14, %iota3A : vector<16xi32>
      %add3A_16 = arith.constant 0 : i32
      %add3A_17 = vector.broadcast %add3A_16 : i32 to vector<16xi32>
      %add3A_18 = arith.addi %broadcast_in_dim3A_3, %add3A_17 : vector<16xi32>
      %gather3A = tpu.vector_load_idx %arg4[%add3A_15, %add3A_18] : memref<128x64xf32, #tpu.memory_space<vmem>>[vector<16xi32>, vector<16xi32>], vector<16xf32>,
      %max3A = arith.maximumf %broadcast_in_dim3A_5, %gather3A : vector<16xf32>
      %min3A = arith.minimumf %broadcast_in_dim3A_5, %gather3A : vector<16xf32>
      %max3A_19 = arith.maximumf %broadcast_in_dim3A_5, %min3A : vector<16xf32>
      %add3A_20 = arith.constant 1 : i32
      %add3A_21 = vector.broadcast %add3A_20 : i32 to vector<16xi32>
      %add3A_22 = arith.addi %broadcast_in_dim3A_3, %add3A_21 : vector<16xi32>
      %gather3A_23 = tpu.vector_load_idx %arg4[%add3A_15, %add3A_22] : memref<128x64xf32, #tpu.memory_space<vmem>>[vector<16xi32>, vector<16xi32>], vector<16xf32>,
      %max3A_24 = arith.maximumf %max3A, %gather3A_23 : vector<16xf32>
      %min3A_25 = arith.minimumf %max3A, %gather3A_23 : vector<16xf32>
      %max3A_26 = arith.maximumf %max3A_19, %min3A_25 : vector<16xf32>
      %add3A_27 = arith.constant 2 : i32
      %add3A_28 = vector.broadcast %add3A_27 : i32 to vector<16xi32>
      %add3A_29 = arith.addi %broadcast_in_dim3A_3, %add3A_28 : vector<16xi32>
      %gather3A_30 = tpu.vector_load_idx %arg4[%add3A_15, %add3A_29] : memref<128x64xf32, #tpu.memory_space<vmem>>[vector<16xi32>, vector<16xi32>], vector<16xf32>,
      %max3A_31 = arith.maximumf %max3A_24, %gather3A_30 : vector<16xf32>
      %min3A_32 = arith.minimumf %max3A_24, %gather3A_30 : vector<16xf32>
      %max3A_33 = arith.maximumf %max3A_26, %min3A_32 : vector<16xf32>
      %add3A_34 = arith.constant 3 : i32
      %add3A_35 = vector.broadcast %add3A_34 : i32 to vector<16xi32>
      %add3A_36 = arith.addi %broadcast_in_dim3A_3, %add3A_35 : vector<16xi32>
      %gather3A_37 = tpu.vector_load_idx %arg4[%add3A_15, %add3A_36] : memref<128x64xf32, #tpu.memory_space<vmem>>[vector<16xi32>, vector<16xi32>], vector<16xf32>,
      %max3A_38 = arith.maximumf %max3A_31, %gather3A_37 : vector<16xf32>
      %min3A_39 = arith.minimumf %max3A_31, %gather3A_37 : vector<16xf32>
      %max3A_40 = arith.maximumf %max3A_33, %min3A_39 : vector<16xf32>
      %add3A_41 = arith.constant 4 : i32
      %add3A_42 = vector.broadcast %add3A_41 : i32 to vector<16xi32>
      %add3A_43 = arith.addi %broadcast_in_dim3A_3, %add3A_42 : vector<16xi32>
      %gather3A_44 = tpu.vector_load_idx %arg4[%add3A_15, %add3A_43] : memref<128x64xf32, #tpu.memory_space<vmem>>[vector<16xi32>, vector<16xi32>], vector<16xf32>,
      %max3A_45 = arith.maximumf %max3A_38, %gather3A_44 : vector<16xf32>
      %min3A_46 = arith.minimumf %max3A_38, %gather3A_44 : vector<16xf32>
      %max3A_47 = arith.maximumf %max3A_40, %min3A_46 : vector<16xf32>
      %add3A_48 = arith.constant 5 : i32
      %add3A_49 = vector.broadcast %add3A_48 : i32 to vector<16xi32>
      %add3A_50 = arith.addi %broadcast_in_dim3A_3, %add3A_49 : vector<16xi32>
      %gather3A_51 = tpu.vector_load_idx %arg4[%add3A_15, %add3A_50] : memref<128x64xf32, #tpu.memory_space<vmem>>[vector<16xi32>, vector<16xi32>], vector<16xf32>,
      %max3A_52 = arith.maximumf %max3A_45, %gather3A_51 : vector<16xf32>
      %min3A_53 = arith.minimumf %max3A_45, %gather3A_51 : vector<16xf32>
      %max3A_54 = arith.maximumf %max3A_47, %min3A_53 : vector<16xf32>
      %add3A_55 = arith.constant 6 : i32
      %add3A_56 = vector.broadcast %add3A_55 : i32 to vector<16xi32>
      %add3A_57 = arith.addi %broadcast_in_dim3A_3, %add3A_56 : vector<16xi32>
      %gather3A_58 = tpu.vector_load_idx %arg4[%add3A_15, %add3A_57] : memref<128x64xf32, #tpu.memory_space<vmem>>[vector<16xi32>, vector<16xi32>], vector<16xf32>,
      %max3A_59 = arith.maximumf %max3A_52, %gather3A_58 : vector<16xf32>
      %min3A_60 = arith.minimumf %max3A_52, %gather3A_58 : vector<16xf32>
      %max3A_61 = arith.maximumf %max3A_54, %min3A_60 : vector<16xf32>
      %add3A_62 = arith.constant 7 : i32
      %add3A_63 = vector.broadcast %add3A_62 : i32 to vector<16xi32>
      %add3A_64 = arith.addi %broadcast_in_dim3A_3, %add3A_63 : vector<16xi32>
      %gather3A_65 = tpu.vector_load_idx %arg4[%add3A_15, %add3A_64] : memref<128x64xf32, #tpu.memory_space<vmem>>[vector<16xi32>, vector<16xi32>], vector<16xf32>,
      %max3A_66 = arith.maximumf %max3A_59, %gather3A_65 : vector<16xf32>
      %min3A_67 = arith.minimumf %max3A_59, %gather3A_65 : vector<16xf32>
      %max3A_68 = arith.maximumf %max3A_61, %min3A_67 : vector<16xf32>
      %add3A_69 = arith.constant 8 : i32
      %add3A_70 = vector.broadcast %add3A_69 : i32 to vector<16xi32>
      %add3A_71 = arith.addi %broadcast_in_dim3A_3, %add3A_70 : vector<16xi32>
      %gather3A_72 = tpu.vector_load_idx %arg4[%add3A_15, %add3A_71] : memref<128x64xf32, #tpu.memory_space<vmem>>[vector<16xi32>, vector<16xi32>], vector<16xf32>,
      %max3A_73 = arith.maximumf %max3A_66, %gather3A_72 : vector<16xf32>
      %min3A_74 = arith.minimumf %max3A_66, %gather3A_72 : vector<16xf32>
      %max3A_75 = arith.maximumf %max3A_68, %min3A_74 : vector<16xf32>
      %add3A_76 = arith.constant 9 : i32
      %add3A_77 = vector.broadcast %add3A_76 : i32 to vector<16xi32>
      %add3A_78 = arith.addi %broadcast_in_dim3A_3, %add3A_77 : vector<16xi32>
      %gather3A_79 = tpu.vector_load_idx %arg4[%add3A_15, %add3A_78] : memref<128x64xf32, #tpu.memory_space<vmem>>[vector<16xi32>, vector<16xi32>], vector<16xf32>,
      %max3A_80 = arith.maximumf %max3A_73, %gather3A_79 : vector<16xf32>
      %min3A_81 = arith.minimumf %max3A_73, %gather3A_79 : vector<16xf32>
      %max3A_82 = arith.maximumf %max3A_75, %min3A_81 : vector<16xf32>
      %add3A_83 = arith.constant 10 : i32
      %add3A_84 = vector.broadcast %add3A_83 : i32 to vector<16xi32>
      %add3A_85 = arith.addi %broadcast_in_dim3A_3, %add3A_84 : vector<16xi32>
      %gather3A_86 = tpu.vector_load_idx %arg4[%add3A_15, %add3A_85] : memref<128x64xf32, #tpu.memory_space<vmem>>[vector<16xi32>, vector<16xi32>], vector<16xf32>,
      %max3A_87 = arith.maximumf %max3A_80, %gather3A_86 : vector<16xf32>
      %min3A_88 = arith.minimumf %max3A_80, %gather3A_86 : vector<16xf32>
      %max3A_89 = arith.maximumf %max3A_82, %min3A_88 : vector<16xf32>
      %add3A_90 = arith.constant 11 : i32
      %add3A_91 = vector.broadcast %add3A_90 : i32 to vector<16xi32>
      %add3A_92 = arith.addi %broadcast_in_dim3A_3, %add3A_91 : vector<16xi32>
      %gather3A_93 = tpu.vector_load_idx %arg4[%add3A_15, %add3A_92] : memref<128x64xf32, #tpu.memory_space<vmem>>[vector<16xi32>, vector<16xi32>], vector<16xf32>,
      %max3A_94 = arith.maximumf %max3A_87, %gather3A_93 : vector<16xf32>
      %min3A_95 = arith.minimumf %max3A_87, %gather3A_93 : vector<16xf32>
      %max3A_96 = arith.maximumf %max3A_89, %min3A_95 : vector<16xf32>
      %add3A_97 = arith.constant 12 : i32
      %add3A_98 = vector.broadcast %add3A_97 : i32 to vector<16xi32>
      %add3A_99 = arith.addi %broadcast_in_dim3A_3, %add3A_98 : vector<16xi32>
      %gather3A_100 = tpu.vector_load_idx %arg4[%add3A_15, %add3A_99] : memref<128x64xf32, #tpu.memory_space<vmem>>[vector<16xi32>, vector<16xi32>], vector<16xf32>,
      %max3A_101 = arith.maximumf %max3A_94, %gather3A_100 : vector<16xf32>
      %min3A_102 = arith.minimumf %max3A_94, %gather3A_100 : vector<16xf32>
      %max3A_103 = arith.maximumf %max3A_96, %min3A_102 : vector<16xf32>
      %add3A_104 = arith.constant 13 : i32
      %add3A_105 = vector.broadcast %add3A_104 : i32 to vector<16xi32>
      %add3A_106 = arith.addi %broadcast_in_dim3A_3, %add3A_105 : vector<16xi32>
      %gather3A_107 = tpu.vector_load_idx %arg4[%add3A_15, %add3A_106] : memref<128x64xf32, #tpu.memory_space<vmem>>[vector<16xi32>, vector<16xi32>], vector<16xf32>,
      %max3A_108 = arith.maximumf %max3A_101, %gather3A_107 : vector<16xf32>
      %min3A_109 = arith.minimumf %max3A_101, %gather3A_107 : vector<16xf32>
      %max3A_110 = arith.maximumf %max3A_103, %min3A_109 : vector<16xf32>
      %add3A_111 = arith.constant 14 : i32
      %add3A_112 = vector.broadcast %add3A_111 : i32 to vector<16xi32>
      %add3A_113 = arith.addi %broadcast_in_dim3A_3, %add3A_112 : vector<16xi32>
      %gather3A_114 = tpu.vector_load_idx %arg4[%add3A_15, %add3A_113] : memref<128x64xf32, #tpu.memory_space<vmem>>[vector<16xi32>, vector<16xi32>], vector<16xf32>,
      %max3A_115 = arith.maximumf %max3A_108, %gather3A_114 : vector<16xf32>
      %min3A_116 = arith.minimumf %max3A_108, %gather3A_114 : vector<16xf32>
      %max3A_117 = arith.maximumf %max3A_110, %min3A_116 : vector<16xf32>
      %add3A_118 = arith.constant 15 : i32
      %add3A_119 = vector.broadcast %add3A_118 : i32 to vector<16xi32>
      %add3A_120 = arith.addi %broadcast_in_dim3A_3, %add3A_119 : vector<16xi32>
      %gather3A_121 = tpu.vector_load_idx %arg4[%add3A_15, %add3A_120] : memref<128x64xf32, #tpu.memory_space<vmem>>[vector<16xi32>, vector<16xi32>], vector<16xf32>,
      %max3A_122 = arith.maximumf %max3A_115, %gather3A_121 : vector<16xf32>
      %min3A_123 = arith.minimumf %max3A_115, %gather3A_121 : vector<16xf32>
      %max3A_124 = arith.maximumf %max3A_117, %min3A_123 : vector<16xf32>
      %add3A_125 = arith.constant 16 : i32
      %add3A_126 = vector.broadcast %add3A_125 : i32 to vector<16xi32>
      %add3A_127 = arith.addi %broadcast_in_dim3A_3, %add3A_126 : vector<16xi32>
      %gather3A_128 = tpu.vector_load_idx %arg4[%add3A_15, %add3A_127] : memref<128x64xf32, #tpu.memory_space<vmem>>[vector<16xi32>, vector<16xi32>], vector<16xf32>,
      %max3A_129 = arith.maximumf %max3A_122, %gather3A_128 : vector<16xf32>
      %min3A_130 = arith.minimumf %max3A_122, %gather3A_128 : vector<16xf32>
      %max3A_131 = arith.maximumf %max3A_124, %min3A_130 : vector<16xf32>
      %add3A_132 = arith.constant 17 : i32
      %add3A_133 = vector.broadcast %add3A_132 : i32 to vector<16xi32>
      %add3A_134 = arith.addi %broadcast_in_dim3A_3, %add3A_133 : vector<16xi32>
      %gather3A_135 = tpu.vector_load_idx %arg4[%add3A_15, %add3A_134] : memref<128x64xf32, #tpu.memory_space<vmem>>[vector<16xi32>, vector<16xi32>], vector<16xf32>,
      %max3A_136 = arith.maximumf %max3A_129, %gather3A_135 : vector<16xf32>
      %min3A_137 = arith.minimumf %max3A_129, %gather3A_135 : vector<16xf32>
      %max3A_138 = arith.maximumf %max3A_131, %min3A_137 : vector<16xf32>
      %add3A_139 = arith.constant 18 : i32
      %add3A_140 = vector.broadcast %add3A_139 : i32 to vector<16xi32>
      %add3A_141 = arith.addi %broadcast_in_dim3A_3, %add3A_140 : vector<16xi32>
      %gather3A_142 = tpu.vector_load_idx %arg4[%add3A_15, %add3A_141] : memref<128x64xf32, #tpu.memory_space<vmem>>[vector<16xi32>, vector<16xi32>], vector<16xf32>,
      %max3A_143 = arith.maximumf %max3A_136, %gather3A_142 : vector<16xf32>
      %min3A_144 = arith.minimumf %max3A_136, %gather3A_142 : vector<16xf32>
      %max3A_145 = arith.maximumf %max3A_138, %min3A_144 : vector<16xf32>
      %add3A_146 = arith.constant 19 : i32
      %add3A_147 = vector.broadcast %add3A_146 : i32 to vector<16xi32>
      %add3A_148 = arith.addi %broadcast_in_dim3A_3, %add3A_147 : vector<16xi32>
      %gather3A_149 = tpu.vector_load_idx %arg4[%add3A_15, %add3A_148] : memref<128x64xf32, #tpu.memory_space<vmem>>[vector<16xi32>, vector<16xi32>], vector<16xf32>,
      %max3A_150 = arith.maximumf %max3A_143, %gather3A_149 : vector<16xf32>
      %min3A_151 = arith.minimumf %max3A_143, %gather3A_149 : vector<16xf32>
      %max3A_152 = arith.maximumf %max3A_145, %min3A_151 : vector<16xf32>
      %add3A_153 = arith.constant 20 : i32
      %add3A_154 = vector.broadcast %add3A_153 : i32 to vector<16xi32>
      %add3A_155 = arith.addi %broadcast_in_dim3A_3, %add3A_154 : vector<16xi32>
      %gather3A_156 = tpu.vector_load_idx %arg4[%add3A_15, %add3A_155] : memref<128x64xf32, #tpu.memory_space<vmem>>[vector<16xi32>, vector<16xi32>], vector<16xf32>,
      %max3A_157 = arith.maximumf %max3A_150, %gather3A_156 : vector<16xf32>
      %min3A_158 = arith.minimumf %max3A_150, %gather3A_156 : vector<16xf32>
      %max3A_159 = arith.maximumf %max3A_152, %min3A_158 : vector<16xf32>
      %add3A_160 = arith.constant 21 : i32
      %add3A_161 = vector.broadcast %add3A_160 : i32 to vector<16xi32>
      %add3A_162 = arith.addi %broadcast_in_dim3A_3, %add3A_161 : vector<16xi32>
      %gather3A_163 = tpu.vector_load_idx %arg4[%add3A_15, %add3A_162] : memref<128x64xf32, #tpu.memory_space<vmem>>[vector<16xi32>, vector<16xi32>], vector<16xf32>,
      %max3A_164 = arith.maximumf %max3A_157, %gather3A_163 : vector<16xf32>
      %min3A_165 = arith.minimumf %max3A_157, %gather3A_163 : vector<16xf32>
      %max3A_166 = arith.maximumf %max3A_159, %min3A_165 : vector<16xf32>
      %add3A_167 = arith.constant 22 : i32
      %add3A_168 = vector.broadcast %add3A_167 : i32 to vector<16xi32>
      %add3A_169 = arith.addi %broadcast_in_dim3A_3, %add3A_168 : vector<16xi32>
      %gather3A_170 = tpu.vector_load_idx %arg4[%add3A_15, %add3A_169] : memref<128x64xf32, #tpu.memory_space<vmem>>[vector<16xi32>, vector<16xi32>], vector<16xf32>,
      %max3A_171 = arith.maximumf %max3A_164, %gather3A_170 : vector<16xf32>
      %min3A_172 = arith.minimumf %max3A_164, %gather3A_170 : vector<16xf32>
      %max3A_173 = arith.maximumf %max3A_166, %min3A_172 : vector<16xf32>
      %add3A_174 = arith.constant 23 : i32
      %add3A_175 = vector.broadcast %add3A_174 : i32 to vector<16xi32>
      %add3A_176 = arith.addi %broadcast_in_dim3A_3, %add3A_175 : vector<16xi32>
      %gather3A_177 = tpu.vector_load_idx %arg4[%add3A_15, %add3A_176] : memref<128x64xf32, #tpu.memory_space<vmem>>[vector<16xi32>, vector<16xi32>], vector<16xf32>,
      %max3A_178 = arith.maximumf %max3A_171, %gather3A_177 : vector<16xf32>
      %min3A_179 = arith.minimumf %max3A_171, %gather3A_177 : vector<16xf32>
      %max3A_180 = arith.maximumf %max3A_173, %min3A_179 : vector<16xf32>
      %add3A_181 = arith.constant 24 : i32
      %add3A_182 = vector.broadcast %add3A_181 : i32 to vector<16xi32>
      %add3A_183 = arith.addi %broadcast_in_dim3A_3, %add3A_182 : vector<16xi32>
      %gather3A_184 = tpu.vector_load_idx %arg4[%add3A_15, %add3A_183] : memref<128x64xf32, #tpu.memory_space<vmem>>[vector<16xi32>, vector<16xi32>], vector<16xf32>,
      %max3A_185 = arith.maximumf %max3A_178, %gather3A_184 : vector<16xf32>
      %min3A_186 = arith.minimumf %max3A_178, %gather3A_184 : vector<16xf32>
      %max3A_187 = arith.maximumf %max3A_180, %min3A_186 : vector<16xf32>
      %add3A_188 = arith.constant 25 : i32
      %add3A_189 = vector.broadcast %add3A_188 : i32 to vector<16xi32>
      %add3A_190 = arith.addi %broadcast_in_dim3A_3, %add3A_189 : vector<16xi32>
      %gather3A_191 = tpu.vector_load_idx %arg4[%add3A_15, %add3A_190] : memref<128x64xf32, #tpu.memory_space<vmem>>[vector<16xi32>, vector<16xi32>], vector<16xf32>,
      %max3A_192 = arith.maximumf %max3A_185, %gather3A_191 : vector<16xf32>
      %min3A_193 = arith.minimumf %max3A_185, %gather3A_191 : vector<16xf32>
      %max3A_194 = arith.maximumf %max3A_187, %min3A_193 : vector<16xf32>
      %add3A_195 = arith.constant 26 : i32
      %add3A_196 = vector.broadcast %add3A_195 : i32 to vector<16xi32>
      %add3A_197 = arith.addi %broadcast_in_dim3A_3, %add3A_196 : vector<16xi32>
      %gather3A_198 = tpu.vector_load_idx %arg4[%add3A_15, %add3A_197] : memref<128x64xf32, #tpu.memory_space<vmem>>[vector<16xi32>, vector<16xi32>], vector<16xf32>,
      %max3A_199 = arith.maximumf %max3A_192, %gather3A_198 : vector<16xf32>
      %min3A_200 = arith.minimumf %max3A_192, %gather3A_198 : vector<16xf32>
      %max3A_201 = arith.maximumf %max3A_194, %min3A_200 : vector<16xf32>
      %add3A_202 = arith.constant 27 : i32
      %add3A_203 = vector.broadcast %add3A_202 : i32 to vector<16xi32>
      %add3A_204 = arith.addi %broadcast_in_dim3A_3, %add3A_203 : vector<16xi32>
      %gather3A_205 = tpu.vector_load_idx %arg4[%add3A_15, %add3A_204] : memref<128x64xf32, #tpu.memory_space<vmem>>[vector<16xi32>, vector<16xi32>], vector<16xf32>,
      %max3A_206 = arith.maximumf %max3A_199, %gather3A_205 : vector<16xf32>
      %min3A_207 = arith.minimumf %max3A_199, %gather3A_205 : vector<16xf32>
      %max3A_208 = arith.maximumf %max3A_201, %min3A_207 : vector<16xf32>
      %add3A_209 = arith.constant 28 : i32
      %add3A_210 = vector.broadcast %add3A_209 : i32 to vector<16xi32>
      %add3A_211 = arith.addi %broadcast_in_dim3A_3, %add3A_210 : vector<16xi32>
      %gather3A_212 = tpu.vector_load_idx %arg4[%add3A_15, %add3A_211] : memref<128x64xf32, #tpu.memory_space<vmem>>[vector<16xi32>, vector<16xi32>], vector<16xf32>,
      %max3A_213 = arith.maximumf %max3A_206, %gather3A_212 : vector<16xf32>
      %min3A_214 = arith.minimumf %max3A_206, %gather3A_212 : vector<16xf32>
      %max3A_215 = arith.maximumf %max3A_208, %min3A_214 : vector<16xf32>
      %add3A_216 = arith.constant 29 : i32
      %add3A_217 = vector.broadcast %add3A_216 : i32 to vector<16xi32>
      %add3A_218 = arith.addi %broadcast_in_dim3A_3, %add3A_217 : vector<16xi32>
      %gather3A_219 = tpu.vector_load_idx %arg4[%add3A_15, %add3A_218] : memref<128x64xf32, #tpu.memory_space<vmem>>[vector<16xi32>, vector<16xi32>], vector<16xf32>,
      %max3A_220 = arith.maximumf %max3A_213, %gather3A_219 : vector<16xf32>
      %min3A_221 = arith.minimumf %max3A_213, %gather3A_219 : vector<16xf32>
      %max3A_222 = arith.maximumf %max3A_215, %min3A_221 : vector<16xf32>
      %add3A_223 = arith.constant 30 : i32
      %add3A_224 = vector.broadcast %add3A_223 : i32 to vector<16xi32>
      %add3A_225 = arith.addi %broadcast_in_dim3A_3, %add3A_224 : vector<16xi32>
      %gather3A_226 = tpu.vector_load_idx %arg4[%add3A_15, %add3A_225] : memref<128x64xf32, #tpu.memory_space<vmem>>[vector<16xi32>, vector<16xi32>], vector<16xf32>,
      %max3A_227 = arith.maximumf %max3A_220, %gather3A_226 : vector<16xf32>
      %min3A_228 = arith.minimumf %max3A_220, %gather3A_226 : vector<16xf32>
      %max3A_229 = arith.maximumf %max3A_222, %min3A_228 : vector<16xf32>
      %add3A_230 = arith.constant 31 : i32
      %add3A_231 = vector.broadcast %add3A_230 : i32 to vector<16xi32>
      %add3A_232 = arith.addi %broadcast_in_dim3A_3, %add3A_231 : vector<16xi32>
      %gather3A_233 = tpu.vector_load_idx %arg4[%add3A_15, %add3A_232] : memref<128x64xf32, #tpu.memory_space<vmem>>[vector<16xi32>, vector<16xi32>], vector<16xf32>,
      %max3A_234 = arith.maximumf %max3A_227, %gather3A_233 : vector<16xf32>
      %min3A_235 = arith.minimumf %max3A_227, %gather3A_233 : vector<16xf32>
      %max3A_236 = arith.maximumf %max3A_229, %min3A_235 : vector<16xf32>
      %add3A_237 = arith.constant 32 : i32
      %add3A_238 = vector.broadcast %add3A_237 : i32 to vector<16xi32>
      %add3A_239 = arith.addi %broadcast_in_dim3A_3, %add3A_238 : vector<16xi32>
      %gather3A_240 = tpu.vector_load_idx %arg4[%add3A_15, %add3A_239] : memref<128x64xf32, #tpu.memory_space<vmem>>[vector<16xi32>, vector<16xi32>], vector<16xf32>,
      %max3A_241 = arith.maximumf %max3A_234, %gather3A_240 : vector<16xf32>
      %min3A_242 = arith.minimumf %max3A_234, %gather3A_240 : vector<16xf32>
      %max3A_243 = arith.maximumf %max3A_236, %min3A_242 : vector<16xf32>
      %add3A_244 = arith.constant 33 : i32
      %add3A_245 = vector.broadcast %add3A_244 : i32 to vector<16xi32>
      %add3A_246 = arith.addi %broadcast_in_dim3A_3, %add3A_245 : vector<16xi32>
      %gather3A_247 = tpu.vector_load_idx %arg4[%add3A_15, %add3A_246] : memref<128x64xf32, #tpu.memory_space<vmem>>[vector<16xi32>, vector<16xi32>], vector<16xf32>,
      %max3A_248 = arith.maximumf %max3A_241, %gather3A_247 : vector<16xf32>
      %min3A_249 = arith.minimumf %max3A_241, %gather3A_247 : vector<16xf32>
      %max3A_250 = arith.maximumf %max3A_243, %min3A_249 : vector<16xf32>
      %add3A_251 = arith.constant 34 : i32
      %add3A_252 = vector.broadcast %add3A_251 : i32 to vector<16xi32>
      %add3A_253 = arith.addi %broadcast_in_dim3A_3, %add3A_252 : vector<16xi32>
      %gather3A_254 = tpu.vector_load_idx %arg4[%add3A_15, %add3A_253] : memref<128x64xf32, #tpu.memory_space<vmem>>[vector<16xi32>, vector<16xi32>], vector<16xf32>,
      %max3A_255 = arith.maximumf %max3A_248, %gather3A_254 : vector<16xf32>
      %min3A_256 = arith.minimumf %max3A_248, %gather3A_254 : vector<16xf32>
      %max3A_257 = arith.maximumf %max3A_250, %min3A_256 : vector<16xf32>
      %add3A_258 = arith.constant 35 : i32
      %add3A_259 = vector.broadcast %add3A_258 : i32 to vector<16xi32>
      %add3A_260 = arith.addi %broadcast_in_dim3A_3, %add3A_259 : vector<16xi32>
      %gather3A_261 = tpu.vector_load_idx %arg4[%add3A_15, %add3A_260] : memref<128x64xf32, #tpu.memory_space<vmem>>[vector<16xi32>, vector<16xi32>], vector<16xf32>,
      %max3A_262 = arith.maximumf %max3A_255, %gather3A_261 : vector<16xf32>
      %min3A_263 = arith.minimumf %max3A_255, %gather3A_261 : vector<16xf32>
      %max3A_264 = arith.maximumf %max3A_257, %min3A_263 : vector<16xf32>
      %add3A_265 = arith.constant 36 : i32
      %add3A_266 = vector.broadcast %add3A_265 : i32 to vector<16xi32>
      %add3A_267 = arith.addi %broadcast_in_dim3A_3, %add3A_266 : vector<16xi32>
      %gather3A_268 = tpu.vector_load_idx %arg4[%add3A_15, %add3A_267] : memref<128x64xf32, #tpu.memory_space<vmem>>[vector<16xi32>, vector<16xi32>], vector<16xf32>,
      %max3A_269 = arith.maximumf %max3A_262, %gather3A_268 : vector<16xf32>
      %min3A_270 = arith.minimumf %max3A_262, %gather3A_268 : vector<16xf32>
      %max3A_271 = arith.maximumf %max3A_264, %min3A_270 : vector<16xf32>
      %add3A_272 = arith.constant 37 : i32
      %add3A_273 = vector.broadcast %add3A_272 : i32 to vector<16xi32>
      %add3A_274 = arith.addi %broadcast_in_dim3A_3, %add3A_273 : vector<16xi32>
      %gather3A_275 = tpu.vector_load_idx %arg4[%add3A_15, %add3A_274] : memref<128x64xf32, #tpu.memory_space<vmem>>[vector<16xi32>, vector<16xi32>], vector<16xf32>,
      %max3A_276 = arith.maximumf %max3A_269, %gather3A_275 : vector<16xf32>
      %min3A_277 = arith.minimumf %max3A_269, %gather3A_275 : vector<16xf32>
      %max3A_278 = arith.maximumf %max3A_271, %min3A_277 : vector<16xf32>
      %add3A_279 = arith.constant 38 : i32
      %add3A_280 = vector.broadcast %add3A_279 : i32 to vector<16xi32>
      %add3A_281 = arith.addi %broadcast_in_dim3A_3, %add3A_280 : vector<16xi32>
      %gather3A_282 = tpu.vector_load_idx %arg4[%add3A_15, %add3A_281] : memref<128x64xf32, #tpu.memory_space<vmem>>[vector<16xi32>, vector<16xi32>], vector<16xf32>,
      %max3A_283 = arith.maximumf %max3A_276, %gather3A_282 : vector<16xf32>
      %min3A_284 = arith.minimumf %max3A_276, %gather3A_282 : vector<16xf32>
      %max3A_285 = arith.maximumf %max3A_278, %min3A_284 : vector<16xf32>
      %add3A_286 = arith.constant 39 : i32
      %add3A_287 = vector.broadcast %add3A_286 : i32 to vector<16xi32>
      %add3A_288 = arith.addi %broadcast_in_dim3A_3, %add3A_287 : vector<16xi32>
      %gather3A_289 = tpu.vector_load_idx %arg4[%add3A_15, %add3A_288] : memref<128x64xf32, #tpu.memory_space<vmem>>[vector<16xi32>, vector<16xi32>], vector<16xf32>,
      %max3A_290 = arith.maximumf %max3A_283, %gather3A_289 : vector<16xf32>
      %min3A_291 = arith.minimumf %max3A_283, %gather3A_289 : vector<16xf32>
      %max3A_292 = arith.maximumf %max3A_285, %min3A_291 : vector<16xf32>
      %add3A_293 = arith.constant 40 : i32
      %add3A_294 = vector.broadcast %add3A_293 : i32 to vector<16xi32>
      %add3A_295 = arith.addi %broadcast_in_dim3A_3, %add3A_294 : vector<16xi32>
      %gather3A_296 = tpu.vector_load_idx %arg4[%add3A_15, %add3A_295] : memref<128x64xf32, #tpu.memory_space<vmem>>[vector<16xi32>, vector<16xi32>], vector<16xf32>,
      %max3A_297 = arith.maximumf %max3A_290, %gather3A_296 : vector<16xf32>
      %min3A_298 = arith.minimumf %max3A_290, %gather3A_296 : vector<16xf32>
      %max3A_299 = arith.maximumf %max3A_292, %min3A_298 : vector<16xf32>
      %add3A_300 = arith.constant 41 : i32
      %add3A_301 = vector.broadcast %add3A_300 : i32 to vector<16xi32>
      %add3A_302 = arith.addi %broadcast_in_dim3A_3, %add3A_301 : vector<16xi32>
      %gather3A_303 = tpu.vector_load_idx %arg4[%add3A_15, %add3A_302] : memref<128x64xf32, #tpu.memory_space<vmem>>[vector<16xi32>, vector<16xi32>], vector<16xf32>,
      %max3A_304 = arith.maximumf %max3A_297, %gather3A_303 : vector<16xf32>
      %min3A_305 = arith.minimumf %max3A_297, %gather3A_303 : vector<16xf32>
      %max3A_306 = arith.maximumf %max3A_299, %min3A_305 : vector<16xf32>
      %add3A_307 = arith.constant 42 : i32
      %add3A_308 = vector.broadcast %add3A_307 : i32 to vector<16xi32>
      %add3A_309 = arith.addi %broadcast_in_dim3A_3, %add3A_308 : vector<16xi32>
      %gather3A_310 = tpu.vector_load_idx %arg4[%add3A_15, %add3A_309] : memref<128x64xf32, #tpu.memory_space<vmem>>[vector<16xi32>, vector<16xi32>], vector<16xf32>,
      %max3A_311 = arith.maximumf %max3A_304, %gather3A_310 : vector<16xf32>
      %min3A_312 = arith.minimumf %max3A_304, %gather3A_310 : vector<16xf32>
      %max3A_313 = arith.maximumf %max3A_306, %min3A_312 : vector<16xf32>
      %add3A_314 = arith.constant 43 : i32
      %add3A_315 = vector.broadcast %add3A_314 : i32 to vector<16xi32>
      %add3A_316 = arith.addi %broadcast_in_dim3A_3, %add3A_315 : vector<16xi32>
      %gather3A_317 = tpu.vector_load_idx %arg4[%add3A_15, %add3A_316] : memref<128x64xf32, #tpu.memory_space<vmem>>[vector<16xi32>, vector<16xi32>], vector<16xf32>,
      %max3A_318 = arith.maximumf %max3A_311, %gather3A_317 : vector<16xf32>
      %min3A_319 = arith.minimumf %max3A_311, %gather3A_317 : vector<16xf32>
      %max3A_320 = arith.maximumf %max3A_313, %min3A_319 : vector<16xf32>
      %add3A_321 = arith.constant 44 : i32
      %add3A_322 = vector.broadcast %add3A_321 : i32 to vector<16xi32>
      %add3A_323 = arith.addi %broadcast_in_dim3A_3, %add3A_322 : vector<16xi32>
      %gather3A_324 = tpu.vector_load_idx %arg4[%add3A_15, %add3A_323] : memref<128x64xf32, #tpu.memory_space<vmem>>[vector<16xi32>, vector<16xi32>], vector<16xf32>,
      %max3A_325 = arith.maximumf %max3A_318, %gather3A_324 : vector<16xf32>
      %min3A_326 = arith.minimumf %max3A_318, %gather3A_324 : vector<16xf32>
      %max3A_327 = arith.maximumf %max3A_320, %min3A_326 : vector<16xf32>
      %add3A_328 = arith.constant 45 : i32
      %add3A_329 = vector.broadcast %add3A_328 : i32 to vector<16xi32>
      %add3A_330 = arith.addi %broadcast_in_dim3A_3, %add3A_329 : vector<16xi32>
      %gather3A_331 = tpu.vector_load_idx %arg4[%add3A_15, %add3A_330] : memref<128x64xf32, #tpu.memory_space<vmem>>[vector<16xi32>, vector<16xi32>], vector<16xf32>,
      %max3A_332 = arith.maximumf %max3A_325, %gather3A_331 : vector<16xf32>
      %min3A_333 = arith.minimumf %max3A_325, %gather3A_331 : vector<16xf32>
      %max3A_334 = arith.maximumf %max3A_327, %min3A_333 : vector<16xf32>
      %add3A_335 = arith.constant 46 : i32
      %add3A_336 = vector.broadcast %add3A_335 : i32 to vector<16xi32>
      %add3A_337 = arith.addi %broadcast_in_dim3A_3, %add3A_336 : vector<16xi32>
      %gather3A_338 = tpu.vector_load_idx %arg4[%add3A_15, %add3A_337] : memref<128x64xf32, #tpu.memory_space<vmem>>[vector<16xi32>, vector<16xi32>], vector<16xf32>,
      %max3A_339 = arith.maximumf %max3A_332, %gather3A_338 : vector<16xf32>
      %min3A_340 = arith.minimumf %max3A_332, %gather3A_338 : vector<16xf32>
      %max3A_341 = arith.maximumf %max3A_334, %min3A_340 : vector<16xf32>
      %add3A_342 = arith.constant 47 : i32
      %add3A_343 = vector.broadcast %add3A_342 : i32 to vector<16xi32>
      %add3A_344 = arith.addi %broadcast_in_dim3A_3, %add3A_343 : vector<16xi32>
      %gather3A_345 = tpu.vector_load_idx %arg4[%add3A_15, %add3A_344] : memref<128x64xf32, #tpu.memory_space<vmem>>[vector<16xi32>, vector<16xi32>], vector<16xf32>,
      %max3A_346 = arith.maximumf %max3A_339, %gather3A_345 : vector<16xf32>
      %min3A_347 = arith.minimumf %max3A_339, %gather3A_345 : vector<16xf32>
      %max3A_348 = arith.maximumf %max3A_341, %min3A_347 : vector<16xf32>
      %add3A_349 = arith.constant 48 : i32
      %add3A_350 = vector.broadcast %add3A_349 : i32 to vector<16xi32>
      %add3A_351 = arith.addi %broadcast_in_dim3A_3, %add3A_350 : vector<16xi32>
      %gather3A_352 = tpu.vector_load_idx %arg4[%add3A_15, %add3A_351] : memref<128x64xf32, #tpu.memory_space<vmem>>[vector<16xi32>, vector<16xi32>], vector<16xf32>,
      %max3A_353 = arith.maximumf %max3A_346, %gather3A_352 : vector<16xf32>
      %min3A_354 = arith.minimumf %max3A_346, %gather3A_352 : vector<16xf32>
      %max3A_355 = arith.maximumf %max3A_348, %min3A_354 : vector<16xf32>
      %add3A_356 = arith.constant 49 : i32
      %add3A_357 = vector.broadcast %add3A_356 : i32 to vector<16xi32>
      %add3A_358 = arith.addi %broadcast_in_dim3A_3, %add3A_357 : vector<16xi32>
      %gather3A_359 = tpu.vector_load_idx %arg4[%add3A_15, %add3A_358] : memref<128x64xf32, #tpu.memory_space<vmem>>[vector<16xi32>, vector<16xi32>], vector<16xf32>,
      %max3A_360 = arith.maximumf %max3A_353, %gather3A_359 : vector<16xf32>
      %min3A_361 = arith.minimumf %max3A_353, %gather3A_359 : vector<16xf32>
      %max3A_362 = arith.maximumf %max3A_355, %min3A_361 : vector<16xf32>
      %add3A_363 = arith.constant 50 : i32
      %add3A_364 = vector.broadcast %add3A_363 : i32 to vector<16xi32>
      %add3A_365 = arith.addi %broadcast_in_dim3A_3, %add3A_364 : vector<16xi32>
      %gather3A_366 = tpu.vector_load_idx %arg4[%add3A_15, %add3A_365] : memref<128x64xf32, #tpu.memory_space<vmem>>[vector<16xi32>, vector<16xi32>], vector<16xf32>,
      %max3A_367 = arith.maximumf %max3A_360, %gather3A_366 : vector<16xf32>
      %min3A_368 = arith.minimumf %max3A_360, %gather3A_366 : vector<16xf32>
      %max3A_369 = arith.maximumf %max3A_362, %min3A_368 : vector<16xf32>
      %add3A_370 = arith.constant 51 : i32
      %add3A_371 = vector.broadcast %add3A_370 : i32 to vector<16xi32>
      %add3A_372 = arith.addi %broadcast_in_dim3A_3, %add3A_371 : vector<16xi32>
      %gather3A_373 = tpu.vector_load_idx %arg4[%add3A_15, %add3A_372] : memref<128x64xf32, #tpu.memory_space<vmem>>[vector<16xi32>, vector<16xi32>], vector<16xf32>,
      %max3A_374 = arith.maximumf %max3A_367, %gather3A_373 : vector<16xf32>
      %min3A_375 = arith.minimumf %max3A_367, %gather3A_373 : vector<16xf32>
      %max3A_376 = arith.maximumf %max3A_369, %min3A_375 : vector<16xf32>
      %add3A_377 = arith.constant 52 : i32
      %add3A_378 = vector.broadcast %add3A_377 : i32 to vector<16xi32>
      %add3A_379 = arith.addi %broadcast_in_dim3A_3, %add3A_378 : vector<16xi32>
      %gather3A_380 = tpu.vector_load_idx %arg4[%add3A_15, %add3A_379] : memref<128x64xf32, #tpu.memory_space<vmem>>[vector<16xi32>, vector<16xi32>], vector<16xf32>,
      %max3A_381 = arith.maximumf %max3A_374, %gather3A_380 : vector<16xf32>
      %min3A_382 = arith.minimumf %max3A_374, %gather3A_380 : vector<16xf32>
      %max3A_383 = arith.maximumf %max3A_376, %min3A_382 : vector<16xf32>
      %add3A_384 = arith.constant 53 : i32
      %add3A_385 = vector.broadcast %add3A_384 : i32 to vector<16xi32>
      %add3A_386 = arith.addi %broadcast_in_dim3A_3, %add3A_385 : vector<16xi32>
      %gather3A_387 = tpu.vector_load_idx %arg4[%add3A_15, %add3A_386] : memref<128x64xf32, #tpu.memory_space<vmem>>[vector<16xi32>, vector<16xi32>], vector<16xf32>,
      %max3A_388 = arith.maximumf %max3A_381, %gather3A_387 : vector<16xf32>
      %min3A_389 = arith.minimumf %max3A_381, %gather3A_387 : vector<16xf32>
      %max3A_390 = arith.maximumf %max3A_383, %min3A_389 : vector<16xf32>
      %add3A_391 = arith.constant 54 : i32
      %add3A_392 = vector.broadcast %add3A_391 : i32 to vector<16xi32>
      %add3A_393 = arith.addi %broadcast_in_dim3A_3, %add3A_392 : vector<16xi32>
      %gather3A_394 = tpu.vector_load_idx %arg4[%add3A_15, %add3A_393] : memref<128x64xf32, #tpu.memory_space<vmem>>[vector<16xi32>, vector<16xi32>], vector<16xf32>,
      %max3A_395 = arith.maximumf %max3A_388, %gather3A_394 : vector<16xf32>
      %min3A_396 = arith.minimumf %max3A_388, %gather3A_394 : vector<16xf32>
      %max3A_397 = arith.maximumf %max3A_390, %min3A_396 : vector<16xf32>
      %add3A_398 = arith.constant 55 : i32
      %add3A_399 = vector.broadcast %add3A_398 : i32 to vector<16xi32>
      %add3A_400 = arith.addi %broadcast_in_dim3A_3, %add3A_399 : vector<16xi32>
      %gather3A_401 = tpu.vector_load_idx %arg4[%add3A_15, %add3A_400] : memref<128x64xf32, #tpu.memory_space<vmem>>[vector<16xi32>, vector<16xi32>], vector<16xf32>,
      %max3A_402 = arith.maximumf %max3A_395, %gather3A_401 : vector<16xf32>
      %min3A_403 = arith.minimumf %max3A_395, %gather3A_401 : vector<16xf32>
      %max3A_404 = arith.maximumf %max3A_397, %min3A_403 : vector<16xf32>
      %add3A_405 = arith.constant 56 : i32
      %add3A_406 = vector.broadcast %add3A_405 : i32 to vector<16xi32>
      %add3A_407 = arith.addi %broadcast_in_dim3A_3, %add3A_406 : vector<16xi32>
      %gather3A_408 = tpu.vector_load_idx %arg4[%add3A_15, %add3A_407] : memref<128x64xf32, #tpu.memory_space<vmem>>[vector<16xi32>, vector<16xi32>], vector<16xf32>,
      %max3A_409 = arith.maximumf %max3A_402, %gather3A_408 : vector<16xf32>
      %min3A_410 = arith.minimumf %max3A_402, %gather3A_408 : vector<16xf32>
      %max3A_411 = arith.maximumf %max3A_404, %min3A_410 : vector<16xf32>
      %add3A_412 = arith.constant 57 : i32
      %add3A_413 = vector.broadcast %add3A_412 : i32 to vector<16xi32>
      %add3A_414 = arith.addi %broadcast_in_dim3A_3, %add3A_413 : vector<16xi32>
      %gather3A_415 = tpu.vector_load_idx %arg4[%add3A_15, %add3A_414] : memref<128x64xf32, #tpu.memory_space<vmem>>[vector<16xi32>, vector<16xi32>], vector<16xf32>,
      %max3A_416 = arith.maximumf %max3A_409, %gather3A_415 : vector<16xf32>
      %min3A_417 = arith.minimumf %max3A_409, %gather3A_415 : vector<16xf32>
      %max3A_418 = arith.maximumf %max3A_411, %min3A_417 : vector<16xf32>
      %add3A_419 = arith.constant 58 : i32
      %add3A_420 = vector.broadcast %add3A_419 : i32 to vector<16xi32>
      %add3A_421 = arith.addi %broadcast_in_dim3A_3, %add3A_420 : vector<16xi32>
      %gather3A_422 = tpu.vector_load_idx %arg4[%add3A_15, %add3A_421] : memref<128x64xf32, #tpu.memory_space<vmem>>[vector<16xi32>, vector<16xi32>], vector<16xf32>,
      %max3A_423 = arith.maximumf %max3A_416, %gather3A_422 : vector<16xf32>
      %min3A_424 = arith.minimumf %max3A_416, %gather3A_422 : vector<16xf32>
      %max3A_425 = arith.maximumf %max3A_418, %min3A_424 : vector<16xf32>
      %add3A_426 = arith.constant 59 : i32
      %add3A_427 = vector.broadcast %add3A_426 : i32 to vector<16xi32>
      %add3A_428 = arith.addi %broadcast_in_dim3A_3, %add3A_427 : vector<16xi32>
      %gather3A_429 = tpu.vector_load_idx %arg4[%add3A_15, %add3A_428] : memref<128x64xf32, #tpu.memory_space<vmem>>[vector<16xi32>, vector<16xi32>], vector<16xf32>,
      %max3A_430 = arith.maximumf %max3A_423, %gather3A_429 : vector<16xf32>
      %min3A_431 = arith.minimumf %max3A_423, %gather3A_429 : vector<16xf32>
      %max3A_432 = arith.maximumf %max3A_425, %min3A_431 : vector<16xf32>
      %add3A_433 = arith.constant 60 : i32
      %add3A_434 = vector.broadcast %add3A_433 : i32 to vector<16xi32>
      %add3A_435 = arith.addi %broadcast_in_dim3A_3, %add3A_434 : vector<16xi32>
      %gather3A_436 = tpu.vector_load_idx %arg4[%add3A_15, %add3A_435] : memref<128x64xf32, #tpu.memory_space<vmem>>[vector<16xi32>, vector<16xi32>], vector<16xf32>,
      %max3A_437 = arith.maximumf %max3A_430, %gather3A_436 : vector<16xf32>
      %min3A_438 = arith.minimumf %max3A_430, %gather3A_436 : vector<16xf32>
      %max3A_439 = arith.maximumf %max3A_432, %min3A_438 : vector<16xf32>
      %add3A_440 = arith.constant 61 : i32
      %add3A_441 = vector.broadcast %add3A_440 : i32 to vector<16xi32>
      %add3A_442 = arith.addi %broadcast_in_dim3A_3, %add3A_441 : vector<16xi32>
      %gather3A_443 = tpu.vector_load_idx %arg4[%add3A_15, %add3A_442] : memref<128x64xf32, #tpu.memory_space<vmem>>[vector<16xi32>, vector<16xi32>], vector<16xf32>,
      %max3A_444 = arith.maximumf %max3A_437, %gather3A_443 : vector<16xf32>
      %min3A_445 = arith.minimumf %max3A_437, %gather3A_443 : vector<16xf32>
      %max3A_446 = arith.maximumf %max3A_439, %min3A_445 : vector<16xf32>
      %add3A_447 = arith.constant 62 : i32
      %add3A_448 = vector.broadcast %add3A_447 : i32 to vector<16xi32>
      %add3A_449 = arith.addi %broadcast_in_dim3A_3, %add3A_448 : vector<16xi32>
      %gather3A_450 = tpu.vector_load_idx %arg4[%add3A_15, %add3A_449] : memref<128x64xf32, #tpu.memory_space<vmem>>[vector<16xi32>, vector<16xi32>], vector<16xf32>,
      %max3A_451 = arith.maximumf %max3A_444, %gather3A_450 : vector<16xf32>
      %min3A_452 = arith.minimumf %max3A_444, %gather3A_450 : vector<16xf32>
      %max3A_453 = arith.maximumf %max3A_446, %min3A_452 : vector<16xf32>
      %add3A_454 = arith.constant 63 : i32
      %add3A_455 = vector.broadcast %add3A_454 : i32 to vector<16xi32>
      %add3A_456 = arith.addi %broadcast_in_dim3A_3, %add3A_455 : vector<16xi32>
      %gather3A_457 = tpu.vector_load_idx %arg4[%add3A_15, %add3A_456] : memref<128x64xf32, #tpu.memory_space<vmem>>[vector<16xi32>, vector<16xi32>], vector<16xf32>,
      %max3A_458 = arith.maximumf %max3A_451, %gather3A_457 : vector<16xf32>
      %min3A_459 = arith.minimumf %max3A_451, %gather3A_457 : vector<16xf32>
      %max3A_460 = arith.maximumf %max3A_453, %min3A_459 : vector<16xf32>
      %sub3A = arith.subf %max3A_460, %max3A_458 : vector<16xf32>
      %exp3A = math.exp %sub3A : vector<16xf32>
      %add3A_461 = arith.constant 1.000000e+00 : f32
      %add3A_462 = vector.broadcast %add3A_461 : f32 to vector<16xf32>
      %add3A_463 = arith.addf %add3A_462, %exp3A : vector<16xf32>
      %div3A = arith.constant 1.000000e+00 : f32
      %div3A_464 = vector.broadcast %div3A : f32 to vector<16xf32>
      %div3A_465 = arith.divf %div3A_464, %add3A_463 : vector<16xf32>
      tpu.vector_store_idx %arg5[%add3A_15, %broadcast_in_dim3A_3], %div3A_465 : memref<128x2xf32, #tpu.memory_space<vmem>>[vector<16xi32>, vector<16xi32>], vector<16xf32>,
      %add3A_466 = arith.constant 1 : i32
      %add3A_467 = vector.broadcast %add3A_466 : i32 to vector<16xi32>
      %add3A_468 = arith.addi %broadcast_in_dim3A_3, %add3A_467 : vector<16xi32>
      %div3A_469 = arith.divf %exp3A, %add3A_463 : vector<16xf32>
      tpu.vector_store_idx %arg5[%add3A_15, %add3A_468], %div3A_469 : memref<128x2xf32, #tpu.memory_space<vmem>>[vector<16xi32>, vector<16xi32>], vector<16xf32>,
    }
    %scan3A_10 = arith.constant 8 : i32
    "tpu.region"() ({
      %run_scoped3A = tpu.sem_alloc : memref<!tpu.dma_semaphore, #tpu.memory_space<semaphore_mem>>
      %dma_start3A = arith.constant 0 : i32
      %dma_start3A_11 = tpu.memref_slice %arg3[%mul3A_2, %dma_start3A] : memref<4096x2xf32, #tpu.memory_space<hbm>> -> memref<128x2xf32, #tpu.memory_space<hbm>>
      %dma_start3A_12 = arith.constant 0 : i32
      %dma_start3A_13 = tpu.memref_slice %arg3[%mul3A_2, %dma_start3A_12] : memref<4096x2xf32, #tpu.memory_space<hbm>> -> memref<128x2xf32, #tpu.memory_space<hbm>>
      tpu.enqueue_dma source(%arg5 : memref<128x2xf32, #tpu.memory_space<vmem>>) target(%dma_start3A_13 : memref<128x2xf32, #tpu.memory_space<hbm>>) target_semaphore(%run_scoped3A : memref<!tpu.dma_semaphore, #tpu.memory_space<semaphore_mem>>)
      %dma_wait3A = arith.constant 0 : i32
      %dma_wait3A_14 = tpu.memref_slice %arg3[%mul3A_2, %dma_wait3A] : memref<4096x2xf32, #tpu.memory_space<hbm>> -> memref<128x2xf32, #tpu.memory_space<hbm>>
      %dma_wait3A_15 = arith.constant 0 : i32
      %dma_wait3A_16 = tpu.memref_slice %arg3[%mul3A_2, %dma_wait3A_15] : memref<4096x2xf32, #tpu.memory_space<hbm>> -> memref<128x2xf32, #tpu.memory_space<hbm>>
      tpu.wait_dma2 semaphore(%run_scoped3A : memref<!tpu.dma_semaphore, #tpu.memory_space<semaphore_mem>>) src(%arg5 : memref<128x2xf32, #tpu.memory_space<vmem>>) dst(%dma_wait3A_16 : memref<128x2xf32, #tpu.memory_space<hbm>>)
      tpu.yield
    }) : () -> ()
    return
  }
}

module attributes {stable_mosaic.version = 14 : i64} {
  func.func @_matmul_body(%arg0: i32, %arg1: memref<2048x2048xf32, #tpu.memory_space<vmem>>, %arg2: memref<64x2048xf32, #tpu.memory_space<vmem>>, %arg3: memref<2048x64xf32, #tpu.memory_space<vmem>>) attributes {dimension_semantics = [#tpu.dimension_semantics<arbitrary>], iteration_bounds = array<i64: 2>, scalar_prefetch = 0 : i64, scratch_operands = 0 : i64, tpu.core_type = #tpu.core_type<tc>, window_params = [{transform_indices = @transform_0, window_bounds = array<i64: 2048, 2048>}, {pipeline_mode = #tpu.pipeline_mode<synchronous>, transform_indices = @transform_1, window_bounds = array<i64: 64, 2048>}, {transform_indices = @transform_2, window_bounds = array<i64: 2048, 64>}]} {
    %get3A = arith.constant 0 : index
    %get3A_0 = arith.constant 0 : index
    %get3A_1 = vector.load %arg1[%get3A, %get3A_0] : memref<2048x2048xf32, #tpu.memory_space<vmem>>, vector<2048x2048xf32>
    %get3A_2 = arith.constant 0 : index
    %get3A_3 = arith.constant 0 : index
    %get3A_4 = vector.load %arg2[%get3A_2, %get3A_3] : memref<64x2048xf32, #tpu.memory_space<vmem>>, vector<64x2048xf32>
    %dot_general3A = arith.constant dense<0.000000e+00> : vector<2048x64xf32>
    %dot_general3A_5 = tpu.matmul %get3A_1, %get3A_4, %dot_general3A {dimension_numbers = #tpu.dot_dimension_numbers<[1], [1], [0], [0], [0, 0, 1, 0], [], []>, transpose_lhs_hint = false} : vector<2048x2048xf32>, vector<64x2048xf32>, vector<2048x64xf32> -> vector<2048x64xf32>
    %swap3A = arith.constant 0 : index
    %swap3A_6 = arith.constant 0 : index
    %swap3A_7 = vector.load %arg3[%swap3A, %swap3A_6] : memref<2048x64xf32, #tpu.memory_space<vmem>>, vector<2048x64xf32>
    tpu.vector_store %arg3[%swap3A, %swap3A_6], %dot_general3A_5 {strides = array<i32>} : memref<2048x64xf32, #tpu.memory_space<vmem>>, vector<2048x64xf32>,
    return
  }
  func.func @transform_0(%arg0: i32) -> (i32, i32) {
    %c0_i32 = arith.constant 0 : i32
    %c0_i32_0 = arith.constant 0 : i32
    return %arg0, %c0_i32 : i32, i32
  }
  func.func @transform_1(%arg0: i32) -> (i32, i32) {
    %c0_i32 = arith.constant 0 : i32
    %c0_i32_0 = arith.constant 0 : i32
    %c0_i32_1 = arith.constant 0 : i32
    return %c0_i32, %c0_i32_0 : i32, i32
  }
  func.func @transform_2(%arg0: i32) -> (i32, i32) {
    %c0_i32 = arith.constant 0 : i32
    %c0_i32_0 = arith.constant 0 : i32
    return %arg0, %c0_i32 : i32, i32
  }
}

</mosaic_0001>

<sc_bundles>
// kernel: kernel.10.cloned.1.call-start
scs
__scs_entry_jumppad:
0x0: {  	(pc) =	sbr.rel $0x88, $3  }
0x1: {  	(tag) =	ssettag $0x0;
	lr =	simm.s32 $0x1  }
0x2: {  	[smem:$0x3F9F] =	sst lr;
	_ =	strace $0xD0000000  }
0x3: {  	_ = 	snop  }
0x4: {  	_ = 	snop  }
0x5: {  	_ = 	snop  }
0x6: {  	_ = 	snop  }
0x7: {  	_ = 	snop  }
__scs_overlays_trampoline_lowered:
0x8: {  	[smem:$0x3FAE] =	sst s0  }
0x9: {  	[smem:$0x3FAF] =	sst s1  }
0xa: {  	[smem:$0x3FB0] =	sst s2  }
0xb: {  	[smem:$0x3FB1] =	sst s3  }
0xc: {  	[smem:$0x3FB2] =	sst s4  }
0xd: {  	[smem:$0x3FB3] =	sst s5  }
0xe: {  	[smem:$0x3FB4] =	sst s6  }
0xf: {  	[smem:$0x3FB5] =	sst s7  }
0x10: {  	[smem:$0x3FB6] =	sst s8  }
0x11: {  	[smem:$0x3FB7] =	sst s9;
	s0 =	simm.s32 @!p0 $0x0  }
0x12: {  	s1 =	sld [smem:$0x3F9D];
	s0 =	simm.s32 @p0 $0x1  }
0x13: {  	[smem:$0x3FB8] =	sst s0;
	s0 =	simm.s32 @!p1 $0x0  }
0x14: {  	s2 =	sld [smem:$0x3F9C];
	s0 =	simm.s32 @p1 $0x1  }
0x15: {  	[smem:$0x3FB9] =	sst s0;
	s0 =	simm.s32 @!p2 $0x0  }
0x16: {  	s3 =	sld [smem:$0x3FDB];
	s0 =	simm.s32 @p2 $0x1  }
0x17: {  	s4 =	simm.s32 $0x1BF5;
	[smem:$0x3FBB] =	sst s0  }
0x18: {  	s0 =	sld [smem:$0x3F9E];
	_ =	swait.ge [sflag:s4], $0x0  }
0x19: {  	s7 =	sld [smem:$0x3F9F]  }
0x1a: {  	s8 =	sadd.s32 $0xFFFFE003, lr  }
0x1b: {  	s9 =	sadd.s32 $0xFFFFFEF7, lr;
	s5 =	simm.s32 $0xFFFFFFFF;
	p2 =	slt.u32 s8, $0xFFFFF086  }
0x1c: {  	p1 =	slt.u32 s9, $0xF7A;
	s5 =	simm.s32 @!p2 $0x0  }
0x1d: {  	s5 =	simm.s32 @p1 $0x1;
	p0 =	seq.s32 s7, s2  }
0x1e: {  	s7 =	smul.u32 @!p0 $0xF7A, s2;
	p2 =	seq.s32 @!p0 s5, $0x0  }
0x1f: {  	s9 =	smul.u32 $0xF7A, s1;
	s8 =	simm.s32 @!p0 $0x1BF5;
	p2 =	por !p2, p0  }
0x20: {  	[sflag:s8] =	ssyncset.s32 @!p0 $0xFFFFF086;
	s6 =	sadd.s32 @!p0 s3, s7;
	s7 =	simm.s32 @!p0 $0x108  }
0x21: {  	s3 =	sadd.s32 s3, s9;
	s6 =	sadd.s32 @!p0 $0x88, s6;
	s7 =	simm.s32 @p2 $0x1082  }
0x22: {  	[simem:s7], [sflag:s8] =	dma.local @!p0 [hbm:s6], $0xF7A  }
0x23: {  	s9 =	sor.u32 $0xD0000000, s2;
	s6 =	simm.s32 $0x108;
	_ =	swait.ge @!p0 [sflag:s8], $0x0  }
0x24: {  	s3 =	sadd.s32 $0x88, s3;
	s6 =	simm.s32 @!p1 $0x1082;
	[sflag:s4] =	ssyncset.s32 $0xFFFFF086  }
0x25: {  	[simem:s6], [sflag:s4] =	dma.local [hbm:s3], $0xF7A  }
0x26: {  	[smem:$0x3F9F] =	sst s1;
	(tag) =	ssettag s2;
	_ =	strace s9  }
0x27: {  	s1 =	sld [smem:$0x3FAF]  }
0x28: {  	s2 =	sld [smem:$0x3FB0]  }
0x29: {  	s4 =	sld [smem:$0x3FB2]  }
0x2a: {  	p0 =	seq.s32 s5, $0x0;
	s5 =	sld [smem:$0x3FB3]  }
0x2b: {  	s6 =	sld [smem:$0x3FB4]  }
0x2c: {  	s7 =	sld [smem:$0x3FB5]  }
0x2d: {  	s3 =	simm.s32 $0x108;
	s8 =	sld [smem:$0x3FB6]  }
0x2e: {  	s3 =	simm.s32 @!p0 $0x1082;
	s9 =	sld [smem:$0x3FB7]  }
0x2f: {  	lr =	sadd.s32 s0, s3;
	s0 =	sld [smem:$0x3FAE]  }
0x30: {  	s3 =	sld [smem:$0x3FB1]  }
0x31: {  	[smem:$0x3FBA] =	sst s10  }
0x32: {  	s10 =	sld [smem:$0x3FB8];
	_ =	sdelay $0x3  }
0x33: {  	p0 =	seq.s32 s10, $0x1;
	s10 =	sld [smem:$0x3FBA];
	_ =	sdelay $0x3  }
0x34: {  	[smem:$0x3FBA] =	sst s10  }
0x35: {  	s10 =	sld [smem:$0x3FB9];
	_ =	sdelay $0x3  }
0x36: {  	p1 =	seq.s32 s10, $0x1;
	s10 =	sld [smem:$0x3FBA];
	_ =	sdelay $0x3  }
0x37: {  	[smem:$0x3FBA] =	sst s10  }
0x38: {  	s10 =	sld [smem:$0x3FBB]  }
0x39: {  	_ = 	snop;
	(pc) =	sbr.ind lr, $3  }
0x3a: {  	_ = 	snop  }
0x3b: {  	_ = 	snop  }
0x3c: {  	p2 =	seq.s32 s10, $0x1;
	s10 =	sld [smem:$0x3FBA]  }
0x3d: {  	_ =	shalt  }
0x3e: {  	_ =	shalt  }
0x3f: {  	_ =	shalt  }
0x40: {  	_ =	shalt  }
0x41: {  	_ =	shalt  }
0x42: {  	_ =	shalt  }
0x43: {  	_ =	shalt  }
0x44: {  	_ =	shalt  }
0x45: {  	_ =	shalt  }
0x46: {  	_ =	shalt  }
0x47: {  	_ =	shalt  }
0x48: {  	_ =	shalt  }
0x49: {  	_ =	shalt  }
0x4a: {  	_ =	shalt  }
0x4b: {  	_ =	shalt  }
0x4c: {  	_ =	shalt  }
0x4d: {  	_ =	shalt  }
0x4e: {  	_ =	shalt  }
0x4f: {  	_ =	shalt  }
0x50: {  	_ =	shalt  }
0x51: {  	_ =	shalt  }
0x52: {  	_ =	shalt  }
0x53: {  	_ =	shalt  }
0x54: {  	_ =	shalt  }
0x55: {  	_ =	shalt  }
0x56: {  	_ =	shalt  }
0x57: {  	_ =	shalt  }
0x58: {  	_ =	shalt  }
0x59: {  	_ =	shalt  }
0x5a: {  	_ =	shalt  }
0x5b: {  	_ =	shalt  }
0x5c: {  	_ =	shalt  }
0x5d: {  	_ =	shalt  }
0x5e: {  	_ =	shalt  }
0x5f: {  	_ =	shalt  }
0x60: {  	_ =	shalt  }
0x61: {  	_ =	shalt  }
0x62: {  	_ =	shalt  }
0x63: {  	_ =	shalt  }
0x64: {  	_ =	shalt  }
0x65: {  	_ =	shalt  }
0x66: {  	_ =	shalt  }
0x67: {  	_ =	shalt  }
0x68: {  	_ =	shalt  }
0x69: {  	_ =	shalt  }
0x6a: {  	_ =	shalt  }
0x6b: {  	_ =	shalt  }
0x6c: {  	_ =	shalt  }
0x6d: {  	_ =	shalt  }
0x6e: {  	_ =	shalt  }
0x6f: {  	_ =	shalt  }
0x70: {  	_ =	shalt  }
0x71: {  	_ =	shalt  }
0x72: {  	_ =	shalt  }
0x73: {  	_ =	shalt  }
0x74: {  	_ =	shalt  }
0x75: {  	_ =	shalt  }
0x76: {  	_ =	shalt  }
0x77: {  	_ =	shalt  }
0x78: {  	_ =	shalt  }
0x79: {  	_ =	shalt  }
0x7a: {  	_ =	shalt  }
0x7b: {  	_ =	shalt  }
0x7c: {  	_ =	shalt  }
0x7d: {  	_ =	shalt  }
0x7e: {  	_ =	shalt  }
0x7f: {  	_ =	shalt  }
0x80: {  	_ =	shalt  }
0x81: {  	_ =	shalt  }
0x82: {  	_ =	shalt  }
0x83: {  	_ =	shalt  }
0x84: {  	_ =	shalt  }
0x85: {  	_ =	shalt  }
0x86: {  	_ =	shalt  }
0x87: {  	_ =	shalt  }
.Lfunc_end0:
.L_simem_size_0:
called_computation_lowered:
.L_overlay_start_0:
0x88: {  	s2 =	sld [smem:$0x3FD9]  }
0x89: {  	s3 =	sld [smem:$0x3FFE];
	_ =	sdelay $0x1  }
0x8a: {  	s1 =	srdreg.scid  }
0x8b: {  	s0 =	sand.u32 $0x1, s1  }
0x8c: {  	s17 =	sshll.u32 s0, $0xA;
	s2 =	sadd.s32 s3, s2  }
0x8d: {  	s2 =	sadd.s32 s2, s17  }
0x8e: {  	[smem:$0x3FC6] =	sst s2  }
0x8f: {  	_ = 	snop  }
0x90: {  	(tm) =	ssettm $0x1  }
0x91: {  	s18 =	sld [smem:$0x3FFB];
	_ =	sdelay $0x3  }
0x92: {  	_ =	strace s18  }
0x93: {  	s2 =	sld [smem:$0x3FFC];
	_ =	sdelay $0x3  }
0x94: {  	_ =	strace s2  }
0x95: {  	s2 =	sld [smem:$0x3FFD];
	_ =	sdelay $0x3  }
0x96: {  	_ =	strace s2  }
0x97: {  	_ =	strace $0x8FFFFFFF  }
0x98: {  	s19 =	sld [smem:$0x3FDB];
	_ =	sdelay $0x1  }
0x99: {  	s20 =	simm.s32 $_scs_section_size  }
0x9a: {  	s4 =	simm.s32 $_size__tile_overlayer_lowered;
	s5 =	simm.s32 $_tile_overlayer_lowered  }
0x9b: {  	s6 =	simm.s32 $0x1BFF;
	s21 =	sshll.u32 s5, $0x1;
	s3 =	sadd.s32 s20, s19  }
0x9c: {  	s22 =	simm.s32 $0x0;
	s4 =	sshll.u32 s4, $0x1;
	s5 =	sadd.s32 s21, s3  }
0x9d: {  	[timem:s22], [sflag:s6] =	dma.local [hbm:s5], s4  }
0x9e: {  	_ =	swait.ge [sflag:s6], s4  }
0x9f: {  	s4 =	ssub.s32 $0x0, s4;
	[sflag:s6] =	ssyncset.done $0x0  }
0xa0: {  	[sflag:s6] =	ssyncadd.s32 s4;
	_ =	sdelay $0x1  }
0xa1: {  	s23 =	simm.s32 $0x1B8B  }
0xa2: {  	_ =	swait.ge [sflag:s23], $0x1  }
0xa3: {  	[sflag:s23] =	ssyncset.done $0x0  }
0xa4: {  	[sflag:s23] =	ssyncadd.s32 $0xFFFFFFFF  }
0xa5: {  	s4 =	sld [smem:$0x0]  }
0xa6: {  	s5 =	sand.u32 $0xFFFFFFFE, s1  }
0xa7: {  	p0 =	sne.s32 s1, s5  }
0xa8: {  	s5 =	sshll.u32 @p0 s5, $0xE  }
0xa9: {  	s5 =	sadd.s32 @p0 $0x11B8D, s5;
	s6 =	sshll.u32 @p0 s4, $0x11  }
0xaa: {  	s5 =	sor.u32 @p0 s6, s5  }
0xab: {  	[sflag:s5] =	ssyncadd.remote.s32 @p0 $0x1;
	_ =	sdelay $0x1  }
0xac: {  	s5 =	simm.s32 @p0 $0x1B8D  }
0xad: {  	_ =	swait.eq @p0 [sflag:s5], $0x1  }
0xae: {  	[sflag:s5] =	ssyncadd.s32 @p0 $0xFFFFFFFF  }
0xaf: {  	s6 =	sshll.u32 @!p0 s1, $0xE  }
0xb0: {  	s6 =	sor.u32 @!p0 $0x4000, s6;
	s5 =	simm.s32 @!p0 $0x1B8D  }
0xb1: {  	s4 =	sshll.u32 @!p0 s4, $0x11;
	s6 =	sadd.s32 @!p0 $0x11B8D, s6;
	_ =	swait.eq @!p0 [sflag:s5], $0x1  }
0xb2: {  	s4 =	sor.u32 @!p0 s4, s6;
	[sflag:s5] =	ssyncadd.s32 @!p0 $0xFFFFFFFF  }
0xb3: {  	s25 =	simm.s32 $0x1B8E;
	s24 =	sld [smem:$0x3FFE];
	[sflag:s4] =	ssyncadd.remote.s32 @!p0 $0x1  }
0xb4: {  	s26 =	simm.s32 $execute0_lowered;
	[smem:$0x3FD2] =	sst s25  }
0xb5: {  	s5 =	sshll.u32 s26, $0x1;
	_ =	strace $0x8000004F;
	[dreg:$0x1] =	wrdreg $0xFFFFFFFF  }
0xb6: {  	s28 =	simm.s32 $_size_execute0_lowered;
	s3 =	sadd.s32 s3, s5;
	[dreg:$0x0] =	wrdreg $0x0  }
0xb7: {  	s5 =	sshll.u32 s28, $0x1;
	[dreg:$0x2] =	wrdreg s3  }
0xb8: {  	[dreg:$0x3] =	wrdreg s5  }
0xb9: {  	[dreg:$0x4] =	wrdreg $0xC0  }
0xba: {  	_ =	task [dreg:s22], $0x5FFFF  }
0xbb: {  	[dreg:$0x1] =	wrdreg $0xFFFFFFFF  }
0xbc: {  	[dreg:$0x0] =	wrdreg $0x60  }
0xbd: {  	[dreg:$0x2] =	wrdreg s24  }
0xbe: {  	[dreg:$0x3] =	wrdreg $0x9  }
0xbf: {  	_ =	task.clear_ibuf [dreg:s22], $0x4FFFF;
	_ =	strace $0x9000004F  }
0xc0: {  	s29 =	simm.s32 $0x9;
	_ =	strace $0x80000051  }
0xc1: {  	_ =	swait.ge [sflag:s29], $0x1  }
0xc2: {  	[sflag:s29] =	ssyncadd.s32 $0xFFFFFFFF  }
0xc3: {  	_ =	strace $0x90000051  }
0xc4: {  	_ =	sfence  }
0xc5: {  	s30 =	sld [smem:$0x0];
	_ =	sdelay $0x2  }
0xc6: {  	s31 =	sshll.u32 s1, $0xD;
	s1 =	sshrl.u32 s1, $0x2  }
0xc7: {  	s4 =	sand.u32 $0x4000, s31;
	s1 =	sadd.s32 s1, s30  }
0xc8: {  	s0 =	sor.u32 s4, s0;
	s1 =	sshll.u32 s1, $0x11  }
0xc9: {  	s0 =	sor.u32 s1, s0  }
0xca: {  	s0 =	sadd.s32 $0x8F2B, s0  }
0xcb: {  	[sflag:s0] =	ssyncadd.remote.s32 $0x1  }
0xcc: {  	_ =	sfence.sel $0xFFFF  }
0xcd: {  	[dreg:$0x0] =	wrdreg $0xFFFFFFFF;
	(pc) =	sbr.abs _section_cstart, $3  }
0xce: {  	[dreg:$0x1] =	wrdreg $0xFFFFFFFF  }
0xcf: {  	_ =	task.clear_ibuf [dreg:s22], $0x2FFFF;
	_ =	strace $0x9FFFFFFF  }
0xd0: {  	(tm) =	ssettm $0x7FFFFFFF  }
0xd1: {  	_ =	shalt  }
tec
execute0_lowered:
.L_overlay_start_1:
0x0: {  	(tag) =	ssettag $0x1  }
0x1: {  	s3 =	rddreg [dreg:$0x0]  }
0x2: {  	s0 =	rddreg [dreg:$0x1];
	s4 =	srdreg.scid  }
0x3: {  	s2 =	simm.s32 $0x0;
	s1 =	stileid.u32;
	s4 =	sand.u32 $0x1, s4  }
0x4: {  	s7 =	simm.s32 $0x4000;
	s5 =	sshll.u32 s1, $0xC;
	s6 =	sshll.u32 s4, $0xB  }
0x5: {  	v0 =	vlaneseq.u32;
	s8 =	simm.s32 $0x0;
	s4 =	ssub.s32 $0x2, s4;
	s5 =	sor.u32 s6, s5  }
0x6: {  	[smem:$0x7FF] =	sst s2;
	v16 =	vmul.u32 $0x80, v0;
	s31 =	sshrl.u32 s4, $0x1;
	s5 =	sadd.s32 s5, s3  }
0x7: {  	_ =	strace $0x80000050;
	s6 =	ssub.s32 s4, s31;
	s3 =	sadd.s32 $0x51200, s5  }
0x8: {  	[tilespmem:$0x1FFF0] =	vst v16;
	s4 =	sadd.s32 $0x61200, s5;
	s5 =	smax.u32 s6, $0x1;
	s6 =	simm.s32 $0x1  }
.LBB2_1:
0x9: {  	v1 =	vmov s2  }
0xa: {  	v1 =	vshll.u32 v1, $0x7  }
0xb: {  	v2 =	vor.u32 v16, v1  }
0xc: {  	[tilespmem:s2], [sflag:$0x1] =	stream.linear.gather [hbm4b:s3+s2], $0x4000, $0x38;
	v17 =	vor.u32 $0x1, v2;
	[tilespmem:$0x8000] =	vst v63  }
0xd: {  	_ =	swait.ge [sflag:s6], $0x4000;
	v3 =	vor.u32 $0x2, v2  }
0xe: {  	[sflag:s6] =	ssyncset.done $0x0;
	v4 =	vor.u32 $0x3, v2  }
0xf: {  	[sflag:s6] =	ssyncadd.s32 $0xFFFFC000;
	v5 =	vor.u32 $0x4, v2  }
0x10: {  	v6 =	vld.idx.msk [tilespmem:v2+s2+$0x0], $0xffff  }
0x11: {  	v8 =	vor.u32 $0x5, v2;
	v7 =	vld.idx.msk [tilespmem:v17+s2+$0x0], $0xffff  }
0x12: {  	v10 =	vor.u32 $0x6, v2;
	v9 =	vld.idx.msk [tilespmem:v3+s2+$0x0], $0xffff  }
0x13: {  	v4 =	vld.idx.msk [tilespmem:v4+s2+$0x0], $0xffff  }
0x14: {  	v11 =	vor.u32 $0x7, v2;
	v12 =	vor.u32 $0x8, v2;
	v15 =	vor.u32 $0xA, v2;
	v5 =	vld.idx.msk [tilespmem:v5+s2+$0x0], $0xffff  }
0x15: {  	v44 =	vor.u32 $0xC, v2;
	v46 =	vor.u32 $0xE, v2;
	v13 =	vmin.f32 v6, $-Inf  }
0x16: {  	v8 =	vld.idx.msk [tilespmem:v8+s2+$0x0], $0xffff;
	v14 =	vmax.f32 v6, v7;
	v6 =	vmin.f32 v6, v7;
	v7 =	vor.u32 $0x9, v2  }
0x17: {  	v10 =	vld.idx.msk [tilespmem:v10+s2+$0x0], $0xffff;
	v6 =	vmax.f32 v13, v6;
	v41 =	vmax.f32 v14, v9;
	v9 =	vmin.f32 v14, v9  }
0x18: {  	v42 =	vmax.f32 v41, v4;
	v13 =	vmin.f32 v41, v4;
	v6 =	vmax.f32 v6, v9  }
0x19: {  	v11 =	vld.idx.msk [tilespmem:v11+s2+$0x0], $0xffff;
	v9 =	vor.u32 $0xB, v2;
	v6 =	vmax.f32 v6, v13;
	v43 =	vmin.f32 v42, v5  }
0x1a: {  	v47 =	vor.u32 $0x10, v2;
	v12 =	vld.idx.msk [tilespmem:v12+s2+$0x0], $0xffff;
	v5 =	vmax.f32 v42, v5;
	v6 =	vmax.f32 v6, v43  }
0x1b: {  	v45 =	vmax.f32 v5, v8;
	v5 =	vmin.f32 v5, v8;
	v8 =	vor.u32 $0xD, v2;
	v7 =	vld.idx.msk [tilespmem:v7+s2+$0x0], $0xffff  }
0x1c: {  	v15 =	vld.idx.msk [tilespmem:v15+s2+$0x0], $0xffff;
	v5 =	vmax.f32 v6, v5;
	v6 =	vmax.f32 v45, v10;
	v10 =	vmin.f32 v45, v10  }
0x1d: {  	v48 =	vor.u32 $0x14, v2;
	v49 =	vor.u32 $0x16, v2;
	v5 =	vmax.f32 v5, v10  }
0x1e: {  	v10 =	vmin.f32 v6, v11;
	v6 =	vmax.f32 v6, v11;
	v11 =	vor.u32 $0xF, v2;
	v9 =	vld.idx.msk [tilespmem:v9+s2+$0x0], $0xffff  }
0x1f: {  	v14 =	vld.idx.msk [tilespmem:v44+s2+$0x0], $0xffff;
	v5 =	vmax.f32 v5, v10;
	v10 =	vmax.f32 v6, v12;
	v6 =	vmin.f32 v6, v12  }
0x20: {  	v5 =	vmax.f32 v5, v6;
	v6 =	vmax.f32 v10, v7;
	v7 =	vmin.f32 v10, v7  }
0x21: {  	v8 =	vld.idx.msk [tilespmem:v8+s2+$0x0], $0xffff;
	v10 =	vor.u32 $0x11, v2;
	v5 =	vmax.f32 v5, v7;
	v7 =	vmin.f32 v6, v15  }
0x22: {  	v13 =	vld.idx.msk [tilespmem:v46+s2+$0x0], $0xffff;
	v6 =	vmax.f32 v6, v15;
	v15 =	vor.u32 $0x12, v2;
	v5 =	vmax.f32 v5, v7  }
0x23: {  	v11 =	vld.idx.msk [tilespmem:v11+s2+$0x0], $0xffff;
	v7 =	vmax.f32 v6, v9;
	v6 =	vmin.f32 v6, v9;
	v9 =	vor.u32 $0x13, v2  }
0x24: {  	v12 =	vld.idx.msk [tilespmem:v47+s2+$0x0], $0xffff;
	v5 =	vmax.f32 v5, v6;
	v6 =	vmax.f32 v7, v14;
	v7 =	vmin.f32 v7, v14  }
0x25: {  	v50 =	vor.u32 $0x18, v2;
	v51 =	vor.u32 $0x1C, v2;
	v5 =	vmax.f32 v5, v7  }
0x26: {  	v7 =	vmin.f32 v6, v8;
	v6 =	vmax.f32 v6, v8;
	v8 =	vor.u32 $0x15, v2;
	v10 =	vld.idx.msk [tilespmem:v10+s2+$0x0], $0xffff  }
0x27: {  	v5 =	vmax.f32 v5, v7;
	v7 =	vmax.f32 v6, v13;
	v6 =	vmin.f32 v6, v13;
	v15 =	vld.idx.msk [tilespmem:v15+s2+$0x0], $0xffff  }
0x28: {  	v5 =	vmax.f32 v5, v6;
	v6 =	vmax.f32 v7, v11;
	v7 =	vmin.f32 v7, v11  }
0x29: {  	v11 =	vor.u32 $0x17, v2;
	v9 =	vld.idx.msk [tilespmem:v9+s2+$0x0], $0xffff;
	v5 =	vmax.f32 v5, v7;
	v7 =	vmin.f32 v6, v12  }
0x2a: {  	v52 =	vor.u32 $0x1E, v2;
	v14 =	vld.idx.msk [tilespmem:v48+s2+$0x0], $0xffff;
	v6 =	vmax.f32 v6, v12;
	v5 =	vmax.f32 v5, v7  }
0x2b: {  	v8 =	vld.idx.msk [tilespmem:v8+s2+$0x0], $0xffff;
	v7 =	vmax.f32 v6, v10;
	v6 =	vmin.f32 v6, v10;
	v10 =	vor.u32 $0x19, v2  }
0x2c: {  	v13 =	vld.idx.msk [tilespmem:v49+s2+$0x0], $0xffff;
	v5 =	vmax.f32 v5, v6;
	v6 =	vmax.f32 v7, v15;
	v7 =	vmin.f32 v7, v15  }
0x2d: {  	v53 =	vor.u32 $0x20, v2;
	v15 =	vor.u32 $0x1A, v2;
	v5 =	vmax.f32 v5, v7  }
0x2e: {  	v11 =	vld.idx.msk [tilespmem:v11+s2+$0x0], $0xffff;
	v7 =	vmin.f32 v6, v9;
	v6 =	vmax.f32 v6, v9;
	v9 =	vor.u32 $0x1B, v2  }
0x2f: {  	v12 =	vld.idx.msk [tilespmem:v50+s2+$0x0], $0xffff;
	v5 =	vmax.f32 v5, v7;
	v7 =	vmax.f32 v6, v14;
	v6 =	vmin.f32 v6, v14  }
0x30: {  	v5 =	vmax.f32 v5, v6;
	v6 =	vmax.f32 v7, v8;
	v7 =	vmin.f32 v7, v8;
	v10 =	vld.idx.msk [tilespmem:v10+s2+$0x0], $0xffff  }
0x31: {  	v8 =	vor.u32 $0x1D, v2;
	v5 =	vmax.f32 v5, v7;
	v7 =	vmin.f32 v6, v13  }
0x32: {  	v54 =	vor.u32 $0x24, v2;
	v6 =	vmax.f32 v6, v13;
	v15 =	vld.idx.msk [tilespmem:v15+s2+$0x0], $0xffff;
	v5 =	vmax.f32 v5, v7  }
0x33: {  	v7 =	vmax.f32 v6, v11;
	v6 =	vmin.f32 v6, v11;
	v11 =	vor.u32 $0x1F, v2;
	v9 =	vld.idx.msk [tilespmem:v9+s2+$0x0], $0xffff  }
0x34: {  	v14 =	vld.idx.msk [tilespmem:v51+s2+$0x0], $0xffff;
	v5 =	vmax.f32 v5, v6;
	v6 =	vmax.f32 v7, v12;
	v7 =	vmin.f32 v7, v12  }
0x35: {  	v55 =	vor.u32 $0x26, v2;
	v5 =	vmax.f32 v5, v7;
	v7 =	vmin.f32 v6, v10  }
0x36: {  	v8 =	vld.idx.msk [tilespmem:v8+s2+$0x0], $0xffff;
	v6 =	vmax.f32 v6, v10;
	v10 =	vor.u32 $0x21, v2;
	v5 =	vmax.f32 v5, v7  }
0x37: {  	v13 =	vld.idx.msk [tilespmem:v52+s2+$0x0], $0xffff;
	v7 =	vmax.f32 v6, v15;
	v6 =	vmin.f32 v6, v15;
	v15 =	vor.u32 $0x22, v2  }
0x38: {  	v5 =	vmax.f32 v5, v6;
	v6 =	vmax.f32 v7, v9;
	v7 =	vmin.f32 v7, v9  }
0x39: {  	v11 =	vld.idx.msk [tilespmem:v11+s2+$0x0], $0xffff;
	v9 =	vor.u32 $0x23, v2;
	v5 =	vmax.f32 v5, v7;
	v7 =	vmin.f32 v6, v14  }
0x3a: {  	v56 =	vor.u32 $0x28, v2;
	v12 =	vld.idx.msk [tilespmem:v53+s2+$0x0], $0xffff;
	v6 =	vmax.f32 v6, v14;
	v5 =	vmax.f32 v5, v7  }
0x3b: {  	v7 =	vmax.f32 v6, v8;
	v6 =	vmin.f32 v6, v8;
	v8 =	vor.u32 $0x25, v2;
	v10 =	vld.idx.msk [tilespmem:v10+s2+$0x0], $0xffff  }
0x3c: {  	v5 =	vmax.f32 v5, v6;
	v6 =	vmax.f32 v7, v13;
	v7 =	vmin.f32 v7, v13;
	v15 =	vld.idx.msk [tilespmem:v15+s2+$0x0], $0xffff  }
0x3d: {  	v57 =	vor.u32 $0x2C, v2;
	v58 =	vor.u32 $0x2E, v2;
	v5 =	vmax.f32 v5, v7  }
0x3e: {  	v7 =	vmin.f32 v6, v11;
	v6 =	vmax.f32 v6, v11;
	v11 =	vor.u32 $0x27, v2;
	v9 =	vld.idx.msk [tilespmem:v9+s2+$0x0], $0xffff  }
0x3f: {  	v14 =	vld.idx.msk [tilespmem:v54+s2+$0x0], $0xffff;
	v5 =	vmax.f32 v5, v7;
	v7 =	vmax.f32 v6, v12;
	v6 =	vmin.f32 v6, v12  }
0x40: {  	v5 =	vmax.f32 v5, v6;
	v6 =	vmax.f32 v7, v10;
	v7 =	vmin.f32 v7, v10  }
0x41: {  	v8 =	vld.idx.msk [tilespmem:v8+s2+$0x0], $0xffff;
	v10 =	vor.u32 $0x29, v2;
	v5 =	vmax.f32 v5, v7;
	v7 =	vmin.f32 v6, v15  }
0x42: {  	v13 =	vld.idx.msk [tilespmem:v55+s2+$0x0], $0xffff;
	v6 =	vmax.f32 v6, v15;
	v15 =	vor.u32 $0x2A, v2;
	v5 =	vmax.f32 v5, v7  }
0x43: {  	v11 =	vld.idx.msk [tilespmem:v11+s2+$0x0], $0xffff;
	v7 =	vmax.f32 v6, v9;
	v6 =	vmin.f32 v6, v9;
	v9 =	vor.u32 $0x2B, v2  }
0x44: {  	v12 =	vld.idx.msk [tilespmem:v56+s2+$0x0], $0xffff;
	v5 =	vmax.f32 v5, v6;
	v6 =	vmax.f32 v7, v14;
	v7 =	vmin.f32 v7, v14  }
0x45: {  	v59 =	vor.u32 $0x30, v2;
	v60 =	vor.u32 $0x34, v2;
	v5 =	vmax.f32 v5, v7  }
0x46: {  	v7 =	vmin.f32 v6, v8;
	v6 =	vmax.f32 v6, v8;
	v8 =	vor.u32 $0x2D, v2;
	v10 =	vld.idx.msk [tilespmem:v10+s2+$0x0], $0xffff  }
0x47: {  	v5 =	vmax.f32 v5, v7;
	v7 =	vmax.f32 v6, v13;
	v6 =	vmin.f32 v6, v13;
	v15 =	vld.idx.msk [tilespmem:v15+s2+$0x0], $0xffff  }
0x48: {  	v5 =	vmax.f32 v5, v6;
	v6 =	vmax.f32 v7, v11;
	v7 =	vmin.f32 v7, v11  }
0x49: {  	v11 =	vor.u32 $0x2F, v2;
	v9 =	vld.idx.msk [tilespmem:v9+s2+$0x0], $0xffff;
	v5 =	vmax.f32 v5, v7;
	v7 =	vmin.f32 v6, v12  }
0x4a: {  	v61 =	vor.u32 $0x36, v2;
	v14 =	vld.idx.msk [tilespmem:v57+s2+$0x0], $0xffff;
	v6 =	vmax.f32 v6, v12;
	v5 =	vmax.f32 v5, v7  }
0x4b: {  	v8 =	vld.idx.msk [tilespmem:v8+s2+$0x0], $0xffff;
	v7 =	vmax.f32 v6, v10;
	v6 =	vmin.f32 v6, v10;
	v10 =	vor.u32 $0x31, v2  }
0x4c: {  	v13 =	vld.idx.msk [tilespmem:v58+s2+$0x0], $0xffff;
	v5 =	vmax.f32 v5, v6;
	v6 =	vmax.f32 v7, v15;
	v7 =	vmin.f32 v7, v15  }
0x4d: {  	v62 =	vor.u32 $0x39, v2;
	v15 =	vor.u32 $0x32, v2;
	v5 =	vmax.f32 v5, v7  }
0x4e: {  	v11 =	vld.idx.msk [tilespmem:v11+s2+$0x0], $0xffff;
	v7 =	vmin.f32 v6, v9;
	v6 =	vmax.f32 v6, v9;
	v9 =	vor.u32 $0x33, v2  }
0x4f: {  	v12 =	vld.idx.msk [tilespmem:v59+s2+$0x0], $0xffff;
	v5 =	vmax.f32 v5, v7;
	v7 =	vmax.f32 v6, v14;
	v6 =	vmin.f32 v6, v14  }
0x50: {  	v5 =	vmax.f32 v5, v6;
	v6 =	vmax.f32 v7, v8;
	v7 =	vmin.f32 v7, v8;
	v10 =	vld.idx.msk [tilespmem:v10+s2+$0x0], $0xffff  }
0x51: {  	v8 =	vor.u32 $0x35, v2;
	v5 =	vmax.f32 v5, v7;
	v7 =	vmin.f32 v6, v13  }
0x52: {  	v4 =	vor.u32 $0x38, v2;
	v6 =	vmax.f32 v6, v13;
	v15 =	vld.idx.msk [tilespmem:v15+s2+$0x0], $0xffff;
	v5 =	vmax.f32 v5, v7  }
0x53: {  	v7 =	vmax.f32 v6, v11;
	v6 =	vmin.f32 v6, v11;
	v11 =	vor.u32 $0x37, v2;
	v9 =	vld.idx.msk [tilespmem:v9+s2+$0x0], $0xffff  }
0x54: {  	v14 =	vld.idx.msk [tilespmem:v60+s2+$0x0], $0xffff;
	v5 =	vmax.f32 v5, v6;
	v6 =	vmax.f32 v7, v12;
	v7 =	vmin.f32 v7, v12  }
0x55: {  	v3 =	vor.u32 $0x3B, v2;
	v5 =	vmax.f32 v5, v7;
	v7 =	vmin.f32 v6, v10  }
0x56: {  	v8 =	vld.idx.msk [tilespmem:v8+s2+$0x0], $0xffff;
	v6 =	vmax.f32 v6, v10;
	v10 =	vor.u32 $0x3A, v2;
	v5 =	vmax.f32 v5, v7  }
0x57: {  	v13 =	vld.idx.msk [tilespmem:v61+s2+$0x0], $0xffff;
	v7 =	vmax.f32 v6, v15;
	v6 =	vmin.f32 v6, v15;
	v15 =	vor.u32 $0x3C, v2  }
0x58: {  	v11 =	vld.idx.msk [tilespmem:v11+s2+$0x0], $0xffff;
	v5 =	vmax.f32 v5, v6;
	v6 =	vmax.f32 v7, v9;
	v7 =	vmin.f32 v7, v9  }
0x59: {  	v4 =	vld.idx.msk [tilespmem:v4+s2+$0x0], $0xffff;
	v9 =	vor.u32 $0x3D, v2;
	v5 =	vmax.f32 v5, v7;
	v7 =	vmin.f32 v6, v14  }
0x5a: {  	v63 =	vor.u32 $0x3E, v2;
	v12 =	vld.idx.msk [tilespmem:v62+s2+$0x0], $0xffff;
	v6 =	vmax.f32 v6, v14;
	v5 =	vmax.f32 v5, v7  }
0x5b: {  	v7 =	vmax.f32 v6, v8;
	v6 =	vmin.f32 v6, v8;
	v8 =	vor.u32 $0x3F, v2;
	v10 =	vld.idx.msk [tilespmem:v10+s2+$0x0], $0xffff  }
0x5c: {  	v3 =	vld.idx.msk [tilespmem:v3+s2+$0x0], $0xffff;
	v5 =	vmax.f32 v5, v6;
	v6 =	vmax.f32 v7, v13;
	v7 =	vmin.f32 v7, v13  }
0x5d: {  	v5 =	vmax.f32 v5, v7;
	v7 =	vmax.f32 v6, v11;
	v6 =	vmin.f32 v6, v11;
	v11 =	vld.idx.msk [tilespmem:v15+s2+$0x0], $0xffff  }
0x5e: {  	v5 =	vmax.f32 v5, v6;
	v6 =	vmax.f32 v7, v4;
	v4 =	vmin.f32 v7, v4;
	v7 =	vld.idx.msk [tilespmem:v9+s2+$0x0], $0xffff  }
0x5f: {  	v9 =	vld.idx.msk [tilespmem:v63+s2+$0x0], $0xffff;
	v4 =	vmax.f32 v5, v4;
	v5 =	vmax.f32 v6, v12;
	v6 =	vmin.f32 v6, v12  }
0x60: {  	v4 =	vmax.f32 v4, v6;
	v8 =	vld.idx.msk [tilespmem:v8+s2+$0x0], $0xffff;
	v6 =	vmax.f32 v5, v10;
	v5 =	vmin.f32 v5, v10  }
0x61: {  	v4 =	vmax.f32 v4, v5;
	v5 =	vmax.f32 v6, v3;
	v3 =	vmin.f32 v6, v3  }
0x62: {  	v3 =	vmax.f32 v4, v3;
	v4 =	vmax.f32 v5, v11;
	v5 =	vmin.f32 v5, v11  }
0x63: {  	v3 =	vmax.f32 v3, v5;
	v5 =	vmax.f32 v4, v7;
	v4 =	vmin.f32 v4, v7  }
0x64: {  	v3 =	vmax.f32 v3, v4;
	v4 =	vmax.f32 v5, v9;
	v5 =	vmin.f32 v5, v9  }
0x65: {  	v3 =	vmax.f32 v3, v5;
	v5 =	vmin.f32 v4, v8  }
0x66: {  	v4 =	vmax.f32 v4, v8;
	v3 =	vmax.f32 v3, v5  }
0x67: {  	v3 =	vsub.f32 v3, v4;
	_ =	sdelay $0x1  }
0x68: {  	v3 =	vmul.f32 $1.442695020e+00, v3;
	_ =	sdelay $0x1  }
0x69: {  	(erf) = vpow2.f32 v3;
	_ =	sdelay $0x7  }
0x6a: {  	s9 =	simm.s32 $0x10  }
0x6b: {  	v3 =	vmov s9;
	v11 =	vpop (erf)  }
0x6c: {  	v3 =	vshll.u32 v3, $0x7;
	v5 =	vadd.f32 $1.000000000e+00, v11  }
0x6d: {  	v4 =	vor.u32 v16, v3  }
0x6e: {  	s9 =	simm.s32 $0x20;
	v3 =	vor.u32 $0x1, v4;
	v10 =	vor.u32 $0x2, v4;
	(erf) = vrcp.f32 v5  }
.LBB2_2:
0x6f: {  	v12 =	vor.u32 $0x4, v4;
	v36 =	vor.u32 $0x5, v4  }
0x70: {  	v0 =	vor.u32 $0x3B, v4;
	v41 =	vor.u32 $0x7, v4;
	v44 =	vor.u32 $0x8, v4  }
0x71: {  	v6 =	vor.u32 $0x38, v4;
	v45 =	vor.u32 $0xA, v4;
	v46 =	vor.u32 $0xB, v4  }
0x72: {  	v7 =	vor.u32 $0x36, v4;
	v47 =	vor.u32 $0xD, v4;
	v48 =	vor.u32 $0xE, v4  }
0x73: {  	v8 =	vor.u32 $0x33, v4;
	v49 =	vor.u32 $0x10, v4;
	v50 =	vor.u32 $0x11, v4  }
0x74: {  	v9 =	vor.u32 $0x30, v4;
	v43 =	vor.u32 $0x13, v4;
	v42 =	vor.u32 $0x14, v4  }
0x75: {  	v16 =	vor.u32 $0x2C, v4;
	v39 =	vor.u32 $0x16, v4;
	v38 =	vor.u32 $0x17, v4  }
0x76: {  	v15 =	vor.u32 $0x2D, v4;
	v51 =	vor.u32 $0xF, v4;
	v37 =	vor.u32 $0x19, v4  }
0x77: {  	v35 =	vor.u32 $0x1A, v4;
	v34 =	vor.u32 $0x1C, v4;
	v33 =	vor.u32 $0x1D, v4;
	v13 =	vpop (erf)  }
0x78: {  	v23 =	vor.u32 $0x27, v4;
	v32 =	vor.u32 $0x1F, v4;
	v30 =	vor.u32 $0x20, v4;
	[tilespmem:v2+s7+$0x0] =	vst.idx.msk $0xffff, v13;
	v2 =	vmovc v4  }
0x79: {  	v11 =	vmul.f32 v13, v11;
	v52 =	vor.u32 $0x6, v2;
	v53 =	vor.u32 $0xC, v2  }
0x7a: {  	v29 =	vor.u32 $0x22, v2;
	v60 =	vor.u32 $0x3, v2;
	v54 =	vor.u32 $0x9, v2  }
0x7b: {  	v24 =	vor.u32 $0x2A, v2;
	v55 =	vor.u32 $0x12, v2;
	v26 =	vor.u32 $0x28, v2  }
0x7c: {  	v25 =	vor.u32 $0x29, v2;
	v31 =	vor.u32 $0x24, v2;
	v28 =	vor.u32 $0x25, v2;
	[tilespmem:v17+s7+$0x0] =	vst.idx.msk $0xffff, v11  }
0x7d: {  	v21 =	vor.u32 $0x2F, v2;
	v27 =	vor.u32 $0x26, v2;
	v20 =	vor.u32 $0x31, v2;
	v56 =	vld.idx.msk [tilespmem:v4+s2+$0x0], $0xffff  }
0x7e: {  	v19 =	vor.u32 $0x32, v2;
	v22 =	vor.u32 $0x2E, v2;
	v18 =	vor.u32 $0x34, v2;
	v57 =	vld.idx.msk [tilespmem:v3+s2+$0x0], $0xffff  }
0x7f: {  	[tilespmem:$0x1FFD0] =	vst v0;
	v0 =	vmovc v3;
	v14 =	vor.u32 $0x37, v2;
	v62 =	vor.u32 $0x18, v2;
	v40 =	vor.u32 $0x21, v2;
	v58 =	vld.idx.msk [tilespmem:v10+s2+$0x0], $0xffff  }
0x80: {  	[tilespmem:$0x1FFE0] =	vst v0;
	v13 =	vor.u32 $0x39, v2;
	v5 =	vor.u32 $0x3F, v2;
	v0 =	vor.u32 $0x1E, v2;
	v61 =	vld.idx.msk [tilespmem:v12+s2+$0x0], $0xffff  }
0x81: {  	v17 =	vor.u32 $0x35, v2;
	v11 =	vor.u32 $0x3D, v2;
	v10 =	vor.u32 $0x3A, v2;
	v59 =	vld.idx.msk [tilespmem:v60+s2+$0x0], $0xffff  }
0x82: {  	v63 =	vld.idx.msk [tilespmem:v36+s2+$0x0], $0xffff;
	v3 =	vor.u32 $0x1B, v2;
	v4 =	vor.u32 $0x3E, v2;
	v12 =	vor.u32 $0x3C, v2  }
0x83: {  	v44 =	vld.idx.msk [tilespmem:v44+s2+$0x0], $0xffff;
	v36 =	vmin.f32 v56, $-Inf;
	v1 =	vmax.f32 v56, v57;
	v56 =	vmin.f32 v56, v57  }
0x84: {  	v52 =	vld.idx.msk [tilespmem:v52+s2+$0x0], $0xffff;
	v36 =	vmax.f32 v36, v56;
	v56 =	vmax.f32 v1, v58;
	v1 =	vmin.f32 v1, v58  }
0x85: {  	v60 =	vor.u32 $0x15, v2;
	v57 =	vld.idx.msk [tilespmem:v41+s2+$0x0], $0xffff;
	v41 =	vor.u32 $0x23, v2;
	v1 =	vmax.f32 v36, v1  }
0x86: {  	v45 =	vld.idx.msk [tilespmem:v45+s2+$0x0], $0xffff;
	v36 =	vor.u32 $0x2B, v2;
	v58 =	vmax.f32 v56, v59;
	v56 =	vmin.f32 v56, v59  }
0x87: {  	v54 =	vld.idx.msk [tilespmem:v54+s2+$0x0], $0xffff;
	v59 =	vmax.f32 v58, v61;
	v58 =	vmin.f32 v58, v61;
	v1 =	vmax.f32 v1, v56  }
0x88: {  	v46 =	vld.idx.msk [tilespmem:v46+s2+$0x0], $0xffff;
	v56 =	vmax.f32 v59, v63;
	v1 =	vmax.f32 v1, v58;
	v61 =	vmin.f32 v59, v63  }
0x89: {  	v47 =	vld.idx.msk [tilespmem:v47+s2+$0x0], $0xffff;
	v63 =	vmax.f32 v56, v52;
	v1 =	vmax.f32 v1, v61;
	v52 =	vmin.f32 v56, v52  }
0x8a: {  	v53 =	vld.idx.msk [tilespmem:v53+s2+$0x0], $0xffff;
	v56 =	vmax.f32 v63, v57;
	v1 =	vmax.f32 v1, v52;
	v61 =	vmin.f32 v63, v57  }
0x8b: {  	v48 =	vld.idx.msk [tilespmem:v48+s2+$0x0], $0xffff;
	v63 =	vmax.f32 v56, v44;
	v1 =	vmax.f32 v1, v61;
	v44 =	vmin.f32 v56, v44  }
0x8c: {  	v51 =	vld.idx.msk [tilespmem:v51+s2+$0x0], $0xffff;
	v61 =	vmax.f32 v63, v54;
	v1 =	vmax.f32 v1, v44;
	v63 =	vmin.f32 v63, v54  }
0x8d: {  	v49 =	vld.idx.msk [tilespmem:v49+s2+$0x0], $0xffff;
	v57 =	vmax.f32 v61, v45;
	v1 =	vmax.f32 v1, v63;
	v58 =	vmin.f32 v61, v45  }
0x8e: {  	v50 =	vld.idx.msk [tilespmem:v50+s2+$0x0], $0xffff;
	v59 =	vmax.f32 v57, v46;
	v1 =	vmax.f32 v1, v58;
	v61 =	vmin.f32 v57, v46  }
0x8f: {  	v43 =	vld.idx.msk [tilespmem:v43+s2+$0x0], $0xffff;
	v63 =	vmax.f32 v59, v53;
	v1 =	vmax.f32 v1, v61;
	v53 =	vmin.f32 v59, v53  }
0x90: {  	v52 =	vld.idx.msk [tilespmem:v55+s2+$0x0], $0xffff;
	v54 =	vmax.f32 v63, v47;
	v1 =	vmax.f32 v1, v53;
	v55 =	vmin.f32 v63, v47  }
0x91: {  	v42 =	vld.idx.msk [tilespmem:v42+s2+$0x0], $0xffff;
	v56 =	vmax.f32 v54, v48;
	v1 =	vmax.f32 v1, v55;
	v57 =	vmin.f32 v54, v48  }
0x92: {  	v39 =	vld.idx.msk [tilespmem:v39+s2+$0x0], $0xffff;
	v58 =	vmax.f32 v56, v51;
	v1 =	vmax.f32 v1, v57;
	v59 =	vmin.f32 v56, v51  }
0x93: {  	v47 =	vld.idx.msk [tilespmem:v60+s2+$0x0], $0xffff;
	v60 =	vmax.f32 v58, v49;
	v1 =	vmax.f32 v1, v59;
	v61 =	vmin.f32 v58, v49  }
0x94: {  	v38 =	vld.idx.msk [tilespmem:v38+s2+$0x0], $0xffff;
	v63 =	vmax.f32 v60, v50;
	v1 =	vmax.f32 v1, v61;
	v53 =	vmin.f32 v60, v50  }
0x95: {  	v37 =	vld.idx.msk [tilespmem:v37+s2+$0x0], $0xffff;
	v54 =	vmax.f32 v63, v52;
	v1 =	vmax.f32 v1, v53;
	v56 =	vmin.f32 v63, v52  }
0x96: {  	v55 =	vld.idx.msk [tilespmem:v62+s2+$0x0], $0xffff;
	v57 =	vmax.f32 v54, v43;
	v1 =	vmax.f32 v1, v56;
	v43 =	vmin.f32 v54, v43  }
0x97: {  	v35 =	vld.idx.msk [tilespmem:v35+s2+$0x0], $0xffff;
	v58 =	vmax.f32 v57, v42;
	v1 =	vmax.f32 v1, v43;
	v42 =	vmin.f32 v57, v42  }
0x98: {  	v34 =	vld.idx.msk [tilespmem:v34+s2+$0x0], $0xffff;
	v59 =	vmax.f32 v58, v47;
	v1 =	vmax.f32 v1, v42;
	v60 =	vmin.f32 v58, v47  }
0x99: {  	v3 =	vld.idx.msk [tilespmem:v3+s2+$0x0], $0xffff;
	v61 =	vmax.f32 v59, v39;
	v1 =	vmax.f32 v1, v60;
	v39 =	vmin.f32 v59, v39  }
0x9a: {  	v33 =	vld.idx.msk [tilespmem:v33+s2+$0x0], $0xffff;
	v62 =	vmax.f32 v61, v38;
	v1 =	vmax.f32 v1, v39;
	v38 =	vmin.f32 v61, v38  }
0x9b: {  	v32 =	vld.idx.msk [tilespmem:v32+s2+$0x0], $0xffff;
	v63 =	vmax.f32 v62, v55;
	v1 =	vmax.f32 v1, v38;
	v45 =	vmin.f32 v62, v55  }
0x9c: {  	v0 =	vld.idx.msk [tilespmem:v0+s2+$0x0], $0xffff;
	v46 =	vmax.f32 v63, v37;
	v1 =	vmax.f32 v1, v45;
	v37 =	vmin.f32 v63, v37  }
0x9d: {  	v30 =	vld.idx.msk [tilespmem:v30+s2+$0x0], $0xffff;
	v47 =	vmax.f32 v46, v35;
	v1 =	vmax.f32 v1, v37;
	v35 =	vmin.f32 v46, v35  }
0x9e: {  	v23 =	vld.idx.msk [tilespmem:v23+s2+$0x0], $0xffff;
	v48 =	vmax.f32 v47, v3;
	v1 =	vmax.f32 v1, v35;
	v3 =	vmin.f32 v47, v3  }
0x9f: {  	v49 =	vld.idx.msk [tilespmem:v40+s2+$0x0], $0xffff;
	v50 =	vmax.f32 v48, v34;
	v1 =	vmax.f32 v1, v3;
	v3 =	vmin.f32 v48, v34  }
0xa0: {  	v29 =	vld.idx.msk [tilespmem:v29+s2+$0x0], $0xffff;
	v51 =	vmax.f32 v50, v33;
	v1 =	vmax.f32 v1, v3;
	v3 =	vmin.f32 v50, v33  }
0xa1: {  	v52 =	vld.idx.msk [tilespmem:v41+s2+$0x0], $0xffff;
	v53 =	vmax.f32 v51, v0;
	v1 =	vmax.f32 v1, v3;
	v0 =	vmin.f32 v51, v0  }
0xa2: {  	v31 =	vld.idx.msk [tilespmem:v31+s2+$0x0], $0xffff;
	v3 =	vmax.f32 v53, v32;
	v0 =	vmax.f32 v1, v0;
	v1 =	vmin.f32 v53, v32  }
0xa3: {  	v28 =	vld.idx.msk [tilespmem:v28+s2+$0x0], $0xffff;
	v54 =	vmax.f32 v3, v30;
	v0 =	vmax.f32 v0, v1;
	v1 =	vmin.f32 v3, v30  }
0xa4: {  	v27 =	vld.idx.msk [tilespmem:v27+s2+$0x0], $0xffff;
	v3 =	vmax.f32 v54, v49;
	v0 =	vmax.f32 v0, v1;
	v1 =	vmin.f32 v54, v49  }
0xa5: {  	v16 =	vld.idx.msk [tilespmem:v16+s2+$0x0], $0xffff;
	v55 =	vmax.f32 v3, v29;
	v0 =	vmax.f32 v0, v1;
	v1 =	vmin.f32 v3, v29  }
0xa6: {  	v26 =	vld.idx.msk [tilespmem:v26+s2+$0x0], $0xffff;
	v3 =	vmax.f32 v55, v52;
	v0 =	vmax.f32 v0, v1;
	v1 =	vmin.f32 v55, v52  }
0xa7: {  	v25 =	vld.idx.msk [tilespmem:v25+s2+$0x0], $0xffff;
	v56 =	vmax.f32 v3, v31;
	v0 =	vmax.f32 v0, v1;
	v1 =	vmin.f32 v3, v31  }
0xa8: {  	v24 =	vld.idx.msk [tilespmem:v24+s2+$0x0], $0xffff;
	v3 =	vmax.f32 v56, v28;
	v0 =	vmax.f32 v0, v1;
	v1 =	vmin.f32 v56, v28  }
0xa9: {  	v57 =	vld.idx.msk [tilespmem:v36+s2+$0x0], $0xffff;
	v58 =	vmax.f32 v3, v27;
	v0 =	vmax.f32 v0, v1;
	v1 =	vmin.f32 v3, v27  }
0xaa: {  	v15 =	vld.idx.msk [tilespmem:v15+s2+$0x0], $0xffff;
	v3 =	vmax.f32 v58, v23;
	v0 =	vmax.f32 v0, v1;
	v1 =	vmin.f32 v58, v23  }
0xab: {  	v9 =	vld.idx.msk [tilespmem:v9+s2+$0x0], $0xffff;
	v59 =	vmax.f32 v3, v26;
	v0 =	vmax.f32 v0, v1;
	v1 =	vmin.f32 v3, v26  }
0xac: {  	v22 =	vld.idx.msk [tilespmem:v22+s2+$0x0], $0xffff;
	v3 =	vmax.f32 v59, v25;
	v0 =	vmax.f32 v0, v1;
	v1 =	vmin.f32 v59, v25  }
0xad: {  	v21 =	vld.idx.msk [tilespmem:v21+s2+$0x0], $0xffff;
	v60 =	vmax.f32 v3, v24;
	v0 =	vmax.f32 v0, v1;
	v1 =	vmin.f32 v3, v24  }
0xae: {  	v8 =	vld.idx.msk [tilespmem:v8+s2+$0x0], $0xffff;
	v3 =	vmax.f32 v60, v57;
	v0 =	vmax.f32 v0, v1;
	v1 =	vmin.f32 v60, v57  }
0xaf: {  	v20 =	vld.idx.msk [tilespmem:v20+s2+$0x0], $0xffff;
	v61 =	vmax.f32 v3, v16;
	v0 =	vmax.f32 v0, v1;
	v1 =	vmin.f32 v3, v16  }
0xb0: {  	v19 =	vld.idx.msk [tilespmem:v19+s2+$0x0], $0xffff;
	v3 =	vmax.f32 v61, v15;
	v0 =	vmax.f32 v0, v1;
	v1 =	vmin.f32 v61, v15  }
0xb1: {  	v63 =	vld [tilespmem:$0x1FFD0];
	v15 =	vmax.f32 v3, v22;
	v0 =	vmax.f32 v0, v1;
	v1 =	vmin.f32 v3, v22  }
0xb2: {  	v16 =	vld.idx.msk [tilespmem:v18+s2+$0x0], $0xffff;
	v3 =	vmax.f32 v15, v21;
	v0 =	vmax.f32 v0, v1;
	v1 =	vmin.f32 v15, v21  }
0xb3: {  	v17 =	vld.idx.msk [tilespmem:v17+s2+$0x0], $0xffff;
	v15 =	vmax.f32 v3, v9;
	v0 =	vmax.f32 v0, v1;
	v1 =	vmin.f32 v3, v9  }
0xb4: {  	v7 =	vld.idx.msk [tilespmem:v7+s2+$0x0], $0xffff;
	v3 =	vmax.f32 v15, v20;
	v0 =	vmax.f32 v0, v1;
	v1 =	vmin.f32 v15, v20  }
0xb5: {  	v9 =	vld.idx.msk [tilespmem:v14+s2+$0x0], $0xffff;
	v62 =	vmax.f32 v3, v19;
	v0 =	vmax.f32 v0, v1;
	v1 =	vmin.f32 v3, v19  }
0xb6: {  	v6 =	vld.idx.msk [tilespmem:v6+s2+$0x0], $0xffff;
	v3 =	vmax.f32 v62, v8;
	v0 =	vmax.f32 v0, v1;
	v1 =	vmin.f32 v62, v8  }
0xb7: {  	v13 =	vld.idx.msk [tilespmem:v13+s2+$0x0], $0xffff;
	v8 =	vmax.f32 v3, v16;
	v0 =	vmax.f32 v0, v1;
	v1 =	vmin.f32 v3, v16  }
0xb8: {  	v10 =	vld.idx.msk [tilespmem:v10+s2+$0x0], $0xffff;
	v3 =	vmax.f32 v8, v17;
	v0 =	vmax.f32 v0, v1;
	v1 =	vmin.f32 v8, v17  }
0xb9: {  	v14 =	vld.idx.msk [tilespmem:v63+s2+$0x0], $0xffff;
	v8 =	vmax.f32 v3, v7;
	v0 =	vmax.f32 v0, v1;
	v1 =	vmin.f32 v3, v7  }
0xba: {  	v12 =	vld.idx.msk [tilespmem:v12+s2+$0x0], $0xffff;
	v3 =	vmax.f32 v8, v9;
	v0 =	vmax.f32 v0, v1;
	v1 =	vmin.f32 v8, v9  }
0xbb: {  	v7 =	vld.idx.msk [tilespmem:v11+s2+$0x0], $0xffff;
	v8 =	vmax.f32 v3, v6;
	v0 =	vmax.f32 v0, v1;
	v1 =	vmin.f32 v3, v6  }
0xbc: {  	v4 =	vld.idx.msk [tilespmem:v4+s2+$0x0], $0xffff;
	v3 =	vmax.f32 v8, v13;
	v0 =	vmax.f32 v0, v1;
	v1 =	vmin.f32 v8, v13  }
0xbd: {  	v5 =	vld.idx.msk [tilespmem:v5+s2+$0x0], $0xffff;
	v6 =	vmax.f32 v3, v10;
	v0 =	vmax.f32 v0, v1;
	v1 =	vmin.f32 v3, v10  }
0xbe: {  	v3 =	vmax.f32 v6, v14;
	v0 =	vmax.f32 v0, v1;
	v1 =	vmin.f32 v6, v14  }
0xbf: {  	v6 =	vmax.f32 v3, v12;
	v0 =	vmax.f32 v0, v1;
	v1 =	vmin.f32 v3, v12  }
0xc0: {  	v3 =	vmax.f32 v6, v7;
	v0 =	vmax.f32 v0, v1;
	v1 =	vmin.f32 v6, v7  }
0xc1: {  	v6 =	vmax.f32 v3, v4;
	v0 =	vmax.f32 v0, v1;
	v1 =	vmin.f32 v3, v4  }
0xc2: {  	v0 =	vmax.f32 v0, v1;
	v1 =	vmin.f32 v6, v5  }
0xc3: {  	v3 =	vmax.f32 v6, v5;
	v0 =	vmax.f32 v0, v1  }
0xc4: {  	v0 =	vsub.f32 v0, v3;
	_ =	sdelay $0x1  }
0xc5: {  	v0 =	vmul.f32 $1.442695020e+00, v0;
	_ =	sdelay $0x1  }
0xc6: {  	(erf) = vpow2.f32 v0;
	_ =	sdelay $0x5  }
0xc7: {  	v16 =	vld [tilespmem:$0x1FFF0]  }
0xc8: {  	p0 =	sne.s32 s9, $0x70  }
.Ltmp0:
0xc9: {  	s10 =	smov.u32 s9;
	(pc) =	sbr.rel @p0 .LBB2_2-.Ltmp0, $4  }
0xca: {  	v0 =	vmov s10;
	v11 =	vpop (erf)  }
0xcb: {  	v0 =	vshll.u32 v0, $0x7;
	v1 =	vadd.f32 $1.000000000e+00, v11  }
0xcc: {  	v4 =	vor.u32 v16, v0  }
0xcd: {  	s9 =	sadd.s32 $0x10, s9;
	v17 =	vld [tilespmem:$0x1FFE0];
	v3 =	vor.u32 $0x1, v4;
	v10 =	vor.u32 $0x2, v4;
	(erf) = vrcp.f32 v1  }
0xce: {  	_ =	sdelay $0x7  }
0xcf: {  	v28 =	vor.u32 $0x3, v4;
	v29 =	vor.u32 $0x4, v4;
	v0 =	vpop (erf)  }
0xd0: {  	v7 =	vor.u32 $0x5, v4;
	v9 =	vor.u32 $0x6, v4;
	v1 =	vmul.f32 v0, v11  }
0xd1: {  	v30 =	vor.u32 $0x7, v4;
	v31 =	vor.u32 $0x8, v4;
	v33 =	vor.u32 $0x9, v4;
	[tilespmem:v2+s7+$0x0] =	vst.idx.msk $0xffff, v0  }
0xd2: {  	v14 =	vor.u32 $0xA, v4;
	v36 =	vor.u32 $0xB, v4;
	v38 =	vor.u32 $0xC, v4;
	[tilespmem:v17+s7+$0x0] =	vst.idx.msk $0xffff, v1  }
0xd3: {  	v40 =	vor.u32 $0xD, v4;
	v42 =	vor.u32 $0xE, v4;
	v44 =	vor.u32 $0xF, v4;
	v5 =	vld.idx.msk [tilespmem:v4+s2+$0x0], $0xffff  }
0xd4: {  	v46 =	vor.u32 $0x10, v4;
	v48 =	vor.u32 $0x11, v4;
	v50 =	vor.u32 $0x12, v4;
	v6 =	vld.idx.msk [tilespmem:v3+s2+$0x0], $0xffff  }
0xd5: {  	v52 =	vor.u32 $0x13, v4;
	v54 =	vor.u32 $0x14, v4;
	v56 =	vor.u32 $0x15, v4;
	v8 =	vld.idx.msk [tilespmem:v10+s2+$0x0], $0xffff  }
0xd6: {  	v58 =	vor.u32 $0x16, v4;
	v60 =	vor.u32 $0x17, v4;
	v62 =	vor.u32 $0x18, v4;
	v0 =	vld.idx.msk [tilespmem:v28+s2+$0x0], $0xffff  }
0xd7: {  	v20 =	vor.u32 $0x19, v4;
	v22 =	vor.u32 $0x1A, v4;
	v24 =	vor.u32 $0x1B, v4;
	v12 =	vld.idx.msk [tilespmem:v29+s2+$0x0], $0xffff  }
0xd8: {  	v26 =	vor.u32 $0x1C, v4;
	v2 =	vor.u32 $0x38, v4;
	v1 =	vor.u32 $0x3B, v4;
	v7 =	vld.idx.msk [tilespmem:v7+s2+$0x0], $0xffff  }
0xd9: {  	v9 =	vld.idx.msk [tilespmem:v9+s2+$0x0], $0xffff;
	v32 =	vmin.f32 v5, $-Inf;
	v13 =	vmax.f32 v5, v6;
	v5 =	vmin.f32 v5, v6  }
0xda: {  	v10 =	vld.idx.msk [tilespmem:v30+s2+$0x0], $0xffff;
	v28 =	vor.u32 $0x1D, v4;
	v30 =	vor.u32 $0x1E, v4;
	v5 =	vmax.f32 v32, v5  }
0xdb: {  	v11 =	vld.idx.msk [tilespmem:v31+s2+$0x0], $0xffff;
	v34 =	vmax.f32 v13, v8;
	v8 =	vmin.f32 v13, v8;
	v32 =	vor.u32 $0x1F, v4  }
0xdc: {  	v13 =	vld.idx.msk [tilespmem:v38+s2+$0x0], $0xffff;
	v38 =	vor.u32 $0x22, v4;
	v35 =	vmax.f32 v34, v0;
	v0 =	vmin.f32 v34, v0  }
0xdd: {  	v5 =	vmax.f32 v5, v8;
	v8 =	vld.idx.msk [tilespmem:v36+s2+$0x0], $0xffff;
	v34 =	vor.u32 $0x20, v4;
	v36 =	vor.u32 $0x21, v4  }
0xde: {  	v14 =	vld.idx.msk [tilespmem:v14+s2+$0x0], $0xffff;
	v0 =	vmax.f32 v5, v0;
	v37 =	vmin.f32 v35, v12;
	v12 =	vmax.f32 v35, v12  }
0xdf: {  	v6 =	vld.idx.msk [tilespmem:v33+s2+$0x0], $0xffff;
	v0 =	vmax.f32 v0, v37;
	v39 =	vmax.f32 v12, v7;
	v7 =	vmin.f32 v12, v7  }
0xe0: {  	v12 =	vld.idx.msk [tilespmem:v40+s2+$0x0], $0xffff;
	v40 =	vor.u32 $0x23, v4;
	v0 =	vmax.f32 v0, v7;
	v5 =	vmin.f32 v39, v9  }
0xe1: {  	v41 =	vmax.f32 v39, v9;
	v9 =	vld.idx.msk [tilespmem:v42+s2+$0x0], $0xffff;
	v42 =	vor.u32 $0x24, v4;
	v0 =	vmax.f32 v0, v5  }
0xe2: {  	v43 =	vmin.f32 v41, v10;
	v7 =	vmax.f32 v41, v10;
	v10 =	vld.idx.msk [tilespmem:v44+s2+$0x0], $0xffff;
	v44 =	vor.u32 $0x25, v4  }
0xe3: {  	v0 =	vmax.f32 v0, v43;
	v45 =	vmax.f32 v7, v11;
	v7 =	vmin.f32 v7, v11  }
0xe4: {  	v11 =	vld.idx.msk [tilespmem:v46+s2+$0x0], $0xffff;
	v46 =	vor.u32 $0x26, v4;
	v0 =	vmax.f32 v0, v7;
	v5 =	vmin.f32 v45, v6  }
0xe5: {  	v47 =	vmax.f32 v45, v6;
	v6 =	vld.idx.msk [tilespmem:v48+s2+$0x0], $0xffff;
	v48 =	vor.u32 $0x27, v4;
	v0 =	vmax.f32 v0, v5  }
0xe6: {  	v49 =	vmin.f32 v47, v14;
	v7 =	vmax.f32 v47, v14;
	v14 =	vld.idx.msk [tilespmem:v50+s2+$0x0], $0xffff;
	v50 =	vor.u32 $0x28, v4  }
0xe7: {  	v0 =	vmax.f32 v0, v49;
	v51 =	vmax.f32 v7, v8;
	v7 =	vmin.f32 v7, v8  }
0xe8: {  	v8 =	vld.idx.msk [tilespmem:v52+s2+$0x0], $0xffff;
	v52 =	vor.u32 $0x29, v4;
	v0 =	vmax.f32 v0, v7;
	v5 =	vmin.f32 v51, v13  }
0xe9: {  	v53 =	vmax.f32 v51, v13;
	v13 =	vld.idx.msk [tilespmem:v54+s2+$0x0], $0xffff;
	v54 =	vor.u32 $0x2A, v4;
	v0 =	vmax.f32 v0, v5  }
0xea: {  	v55 =	vmin.f32 v53, v12;
	v7 =	vmax.f32 v53, v12;
	v12 =	vld.idx.msk [tilespmem:v56+s2+$0x0], $0xffff;
	v56 =	vor.u32 $0x2B, v4  }
0xeb: {  	v0 =	vmax.f32 v0, v55;
	v57 =	vmax.f32 v7, v9;
	v7 =	vmin.f32 v7, v9  }
0xec: {  	v9 =	vld.idx.msk [tilespmem:v58+s2+$0x0], $0xffff;
	v58 =	vor.u32 $0x2C, v4;
	v0 =	vmax.f32 v0, v7;
	v5 =	vmin.f32 v57, v10  }
0xed: {  	v59 =	vmax.f32 v57, v10;
	v10 =	vld.idx.msk [tilespmem:v60+s2+$0x0], $0xffff;
	v60 =	vor.u32 $0x2D, v4;
	v0 =	vmax.f32 v0, v5  }
0xee: {  	v61 =	vmin.f32 v59, v11;
	v7 =	vmax.f32 v59, v11;
	v11 =	vld.idx.msk [tilespmem:v62+s2+$0x0], $0xffff;
	v62 =	vor.u32 $0x2E, v4  }
0xef: {  	v0 =	vmax.f32 v0, v61;
	v63 =	vmax.f32 v7, v6;
	v6 =	vmin.f32 v7, v6  }
0xf0: {  	v7 =	vld.idx.msk [tilespmem:v20+s2+$0x0], $0xffff;
	v20 =	vor.u32 $0x2F, v4;
	v0 =	vmax.f32 v0, v6;
	v5 =	vmin.f32 v63, v14  }
0xf1: {  	v21 =	vmax.f32 v63, v14;
	v14 =	vld.idx.msk [tilespmem:v22+s2+$0x0], $0xffff;
	v22 =	vor.u32 $0x30, v4;
	v0 =	vmax.f32 v0, v5  }
0xf2: {  	v23 =	vmin.f32 v21, v8;
	v6 =	vmax.f32 v21, v8;
	v8 =	vld.idx.msk [tilespmem:v24+s2+$0x0], $0xffff;
	v24 =	vor.u32 $0x31, v4  }
0xf3: {  	v0 =	vmax.f32 v0, v23;
	v25 =	vmax.f32 v6, v13;
	v6 =	vmin.f32 v6, v13  }
0xf4: {  	v13 =	vld.idx.msk [tilespmem:v26+s2+$0x0], $0xffff;
	v26 =	vor.u32 $0x32, v4;
	v0 =	vmax.f32 v0, v6;
	v5 =	vmin.f32 v25, v12  }
0xf5: {  	v27 =	vmax.f32 v25, v12;
	v12 =	vld.idx.msk [tilespmem:v28+s2+$0x0], $0xffff;
	v28 =	vor.u32 $0x33, v4;
	v0 =	vmax.f32 v0, v5  }
0xf6: {  	v29 =	vmin.f32 v27, v9;
	v6 =	vmax.f32 v27, v9;
	v9 =	vld.idx.msk [tilespmem:v30+s2+$0x0], $0xffff;
	v30 =	vor.u32 $0x34, v4  }
0xf7: {  	v0 =	vmax.f32 v0, v29;
	v31 =	vmax.f32 v6, v10;
	v6 =	vmin.f32 v6, v10  }
0xf8: {  	v10 =	vld.idx.msk [tilespmem:v32+s2+$0x0], $0xffff;
	v32 =	vor.u32 $0x35, v4;
	v0 =	vmax.f32 v0, v6;
	v5 =	vmin.f32 v31, v11  }
0xf9: {  	v33 =	vmax.f32 v31, v11;
	v11 =	vld.idx.msk [tilespmem:v34+s2+$0x0], $0xffff;
	v34 =	vor.u32 $0x36, v4;
	v0 =	vmax.f32 v0, v5  }
0xfa: {  	v35 =	vmin.f32 v33, v7;
	v6 =	vmax.f32 v33, v7;
	v7 =	vld.idx.msk [tilespmem:v36+s2+$0x0], $0xffff;
	v36 =	vor.u32 $0x37, v4  }
0xfb: {  	v0 =	vmax.f32 v0, v35;
	v37 =	vmax.f32 v6, v14;
	v6 =	vmin.f32 v6, v14  }
0xfc: {  	v14 =	vld.idx.msk [tilespmem:v38+s2+$0x0], $0xffff;
	v38 =	vor.u32 $0x39, v4;
	v0 =	vmax.f32 v0, v6;
	v5 =	vmin.f32 v37, v8  }
0xfd: {  	v39 =	vmax.f32 v37, v8;
	v8 =	vld.idx.msk [tilespmem:v40+s2+$0x0], $0xffff;
	v40 =	vor.u32 $0x3A, v4;
	v0 =	vmax.f32 v0, v5  }
0xfe: {  	v41 =	vmin.f32 v39, v13;
	v6 =	vmax.f32 v39, v13;
	v13 =	vld.idx.msk [tilespmem:v42+s2+$0x0], $0xffff;
	v42 =	vor.u32 $0x3C, v4  }
0xff: {  	v0 =	vmax.f32 v0, v41;
	v43 =	vmax.f32 v6, v12;
	v6 =	vmin.f32 v6, v12  }
0x100: {  	v12 =	vld.idx.msk [tilespmem:v44+s2+$0x0], $0xffff;
	v44 =	vor.u32 $0x3D, v4;
	v0 =	vmax.f32 v0, v6;
	v5 =	vmin.f32 v43, v9  }
0x101: {  	v45 =	vmax.f32 v43, v9;
	v9 =	vld.idx.msk [tilespmem:v46+s2+$0x0], $0xffff;
	v46 =	vor.u32 $0x3E, v4;
	v0 =	vmax.f32 v0, v5  }
0x102: {  	v47 =	vmin.f32 v45, v10;
	v6 =	vmax.f32 v45, v10;
	v10 =	vld.idx.msk [tilespmem:v48+s2+$0x0], $0xffff;
	v48 =	vor.u32 $0x3F, v4  }
0x103: {  	v0 =	vmax.f32 v0, v47;
	v49 =	vmax.f32 v6, v11;
	v6 =	vmin.f32 v6, v11  }
0x104: {  	v0 =	vmax.f32 v0, v6;
	v51 =	vmax.f32 v49, v7;
	v5 =	vmin.f32 v49, v7  }
0x105: {  	v0 =	vmax.f32 v0, v5;
	v53 =	vmin.f32 v51, v14;
	v6 =	vmax.f32 v51, v14  }
0x106: {  	v11 =	vld.idx.msk [tilespmem:v50+s2+$0x0], $0xffff;
	v0 =	vmax.f32 v0, v53;
	v55 =	vmax.f32 v6, v8;
	v6 =	vmin.f32 v6, v8  }
0x107: {  	v7 =	vld.idx.msk [tilespmem:v52+s2+$0x0], $0xffff;
	v0 =	vmax.f32 v0, v6;
	v57 =	vmax.f32 v55, v13;
	v5 =	vmin.f32 v55, v13  }
0x108: {  	v14 =	vld.idx.msk [tilespmem:v54+s2+$0x0], $0xffff;
	v0 =	vmax.f32 v0, v5;
	v59 =	vmin.f32 v57, v12;
	v6 =	vmax.f32 v57, v12  }
0x109: {  	v8 =	vld.idx.msk [tilespmem:v56+s2+$0x0], $0xffff;
	v0 =	vmax.f32 v0, v59;
	v61 =	vmax.f32 v6, v9;
	v6 =	vmin.f32 v6, v9  }
0x10a: {  	v13 =	vld.idx.msk [tilespmem:v58+s2+$0x0], $0xffff;
	v0 =	vmax.f32 v0, v6;
	v63 =	vmax.f32 v61, v10;
	v5 =	vmin.f32 v61, v10  }
0x10b: {  	v12 =	vld.idx.msk [tilespmem:v60+s2+$0x0], $0xffff;
	v0 =	vmax.f32 v0, v5;
	v21 =	vmin.f32 v63, v11;
	v6 =	vmax.f32 v63, v11  }
0x10c: {  	v9 =	vld.idx.msk [tilespmem:v62+s2+$0x0], $0xffff;
	v0 =	vmax.f32 v0, v21;
	v23 =	vmax.f32 v6, v7;
	v6 =	vmin.f32 v6, v7  }
0x10d: {  	v10 =	vld.idx.msk [tilespmem:v20+s2+$0x0], $0xffff;
	v0 =	vmax.f32 v0, v6;
	v25 =	vmax.f32 v23, v14;
	v5 =	vmin.f32 v23, v14  }
0x10e: {  	v11 =	vld.idx.msk [tilespmem:v22+s2+$0x0], $0xffff;
	v0 =	vmax.f32 v0, v5;
	v27 =	vmin.f32 v25, v8;
	v6 =	vmax.f32 v25, v8  }
0x10f: {  	v7 =	vld.idx.msk [tilespmem:v24+s2+$0x0], $0xffff;
	v0 =	vmax.f32 v0, v27;
	v29 =	vmax.f32 v6, v13;
	v6 =	vmin.f32 v6, v13  }
0x110: {  	v14 =	vld.idx.msk [tilespmem:v26+s2+$0x0], $0xffff;
	v0 =	vmax.f32 v0, v6;
	v31 =	vmax.f32 v29, v12;
	v5 =	vmin.f32 v29, v12  }
0x111: {  	v8 =	vld.idx.msk [tilespmem:v28+s2+$0x0], $0xffff;
	v0 =	vmax.f32 v0, v5;
	v33 =	vmin.f32 v31, v9;
	v6 =	vmax.f32 v31, v9  }
0x112: {  	v13 =	vld.idx.msk [tilespmem:v30+s2+$0x0], $0xffff;
	v0 =	vmax.f32 v0, v33;
	v35 =	vmax.f32 v6, v10;
	v6 =	vmin.f32 v6, v10  }
0x113: {  	v12 =	vld.idx.msk [tilespmem:v32+s2+$0x0], $0xffff;
	v0 =	vmax.f32 v0, v6;
	v37 =	vmax.f32 v35, v11;
	v5 =	vmin.f32 v35, v11  }
0x114: {  	v9 =	vld.idx.msk [tilespmem:v34+s2+$0x0], $0xffff;
	v0 =	vmax.f32 v0, v5;
	v39 =	vmin.f32 v37, v7;
	v6 =	vmax.f32 v37, v7  }
0x115: {  	v10 =	vld.idx.msk [tilespmem:v36+s2+$0x0], $0xffff;
	v0 =	vmax.f32 v0, v39;
	v41 =	vmax.f32 v6, v14;
	v6 =	vmin.f32 v6, v14  }
0x116: {  	v2 =	vld.idx.msk [tilespmem:v2+s2+$0x0], $0xffff;
	v0 =	vmax.f32 v0, v6;
	v43 =	vmax.f32 v41, v8;
	v5 =	vmin.f32 v41, v8  }
0x117: {  	v11 =	vld.idx.msk [tilespmem:v38+s2+$0x0], $0xffff;
	v0 =	vmax.f32 v0, v5;
	v45 =	vmin.f32 v43, v13;
	v6 =	vmax.f32 v43, v13  }
0x118: {  	v7 =	vld.idx.msk [tilespmem:v40+s2+$0x0], $0xffff;
	v0 =	vmax.f32 v0, v45;
	v47 =	vmax.f32 v6, v12;
	v6 =	vmin.f32 v6, v12  }
0x119: {  	v1 =	vld.idx.msk [tilespmem:v1+s2+$0x0], $0xffff;
	v0 =	vmax.f32 v0, v6;
	v49 =	vmax.f32 v47, v9;
	v5 =	vmin.f32 v47, v9  }
0x11a: {  	v51 =	vld.idx.msk [tilespmem:v42+s2+$0x0], $0xffff;
	v0 =	vmax.f32 v0, v5;
	v50 =	vmax.f32 v49, v10;
	v6 =	vmin.f32 v49, v10  }
0x11b: {  	v53 =	vld.idx.msk [tilespmem:v44+s2+$0x0], $0xffff;
	v0 =	vmax.f32 v0, v6;
	v52 =	vmax.f32 v50, v2;
	v2 =	vmin.f32 v50, v2  }
0x11c: {  	v55 =	vld.idx.msk [tilespmem:v46+s2+$0x0], $0xffff;
	v0 =	vmax.f32 v0, v2;
	v54 =	vmax.f32 v52, v11;
	v6 =	vmin.f32 v52, v11  }
0x11d: {  	v57 =	vld.idx.msk [tilespmem:v48+s2+$0x0], $0xffff;
	v0 =	vmax.f32 v0, v6;
	v56 =	vmax.f32 v54, v7;
	v2 =	vmin.f32 v54, v7  }
0x11e: {  	v0 =	vmax.f32 v0, v2;
	v58 =	vmax.f32 v56, v1;
	v1 =	vmin.f32 v56, v1  }
0x11f: {  	v0 =	vmax.f32 v0, v1;
	v59 =	vmax.f32 v58, v51;
	v2 =	vmin.f32 v58, v51  }
0x120: {  	v0 =	vmax.f32 v0, v2;
	v60 =	vmax.f32 v59, v53;
	v1 =	vmin.f32 v59, v53  }
0x121: {  	v0 =	vmax.f32 v0, v1;
	v61 =	vmax.f32 v60, v55;
	v2 =	vmin.f32 v60, v55  }
0x122: {  	v0 =	vmax.f32 v0, v2;
	v62 =	vmin.f32 v61, v57  }
0x123: {  	v1 =	vmax.f32 v61, v57;
	v0 =	vmax.f32 v0, v62  }
0x124: {  	v0 =	vsub.f32 v0, v1;
	_ =	sdelay $0x1  }
0x125: {  	v0 =	vmul.f32 $1.442695020e+00, v0;
	_ =	sdelay $0x1  }
0x126: {  	(erf) = vpow2.f32 v0;
	_ =	sdelay $0x8  }
0x127: {  	v0 =	vpop (erf)  }
0x128: {  	v63 =	vadd.f32 $1.000000000e+00, v0;
	_ =	sdelay $0x1  }
0x129: {  	(erf) = vrcp.f32 v63;
	_ =	sdelay $0x8  }
0x12a: {  	v1 =	vpop (erf)  }
0x12b: {  	s8 =	sadd.s32 $0x1, s8;
	v0 =	vmul.f32 v1, v0  }
0x12c: {  	p0 =	sne.s32 s8, s5;
	[tilespmem:v4+s7+$0x0] =	vst.idx.msk $0xffff, v1  }
.Ltmp1:
0x12d: {  	[tilespmem:v3+s7+$0x0] =	vst.idx.msk $0xffff, v0;
	(pc) =	sbr.rel @p0 .LBB2_1-.Ltmp1, $4  }
0x12e: {  	[hbm4b:s4+s2] =	stream.linear.scatter [tilespmem:s7], [sflag:$0x1], $0x4000, $0x38;
	[tilespmem:$0x8000] =	vst v63  }
0x12f: {  	_ =	swait.ge [sflag:s6], $0x4000  }
0x130: {  	[sflag:s6] =	ssyncset.done $0x0  }
0x131: {  	[sflag:s6] =	ssyncadd.s32 $0xFFFFC000  }
0x132: {  	_ =	sfence.sel $0x180000  }
0x133: {  	[bflag:$0x0] =	sbarrier.arrive $0xFFFF  }
0x134: {  	p0 =	sne.s32 s1, $0x0;
	_ =	strace $0x90000050  }
0x135: {  	s0 =	sadd.s32 @!p0 $0x100000, s0;
	[bflag:$0x2] =	sbarrier.arrive $0xFFFF  }
0x136: {  	[sflag:s0] =	ssyncadd.tile.s32 @!p0 $0x1;
	_ =	shalt  }
.Lfunc_end2:
_tile_overlayer_lowered:
.L_overlay_start_2:
0x137: {  	(tag) =	ssettag $0x2  }
0x138: {  	s0 =	rddreg [dreg:$0x0];
	s2 =	stileid.u32  }
0x139: {  	s1 =	rddreg [dreg:$0x1];
	p0 =	sne.s32 s2, $0x0  }
0x13a: {  	s3 =	rddreg [dreg:$0x2];
	[bflag:$0x3] =	sbarrier.arrive $0xFFFF;
	s2 =	simm.s32 @!p0 $0x1C01  }
0x13b: {  	[timem:s3], [sflag:s2] =	dma.local @!p0 [hbm:s0], s1  }
0x13c: {  	s0 =	simm.s32 @!p0 $0x1  }
0x13d: {  	_ =	swait.ge @!p0 [sflag:s0], s1  }
0x13e: {  	s1 =	ssub.s32 @!p0 $0x0, s1;
	[sflag:s0] =	ssyncset.done @!p0 $0x0  }
0x13f: {  	[sflag:s0] =	ssyncadd.s32 @!p0 s1  }
0x140: {  	[bflag:$0x3] =	sbarrier.arrive $0xFFFF  }
0x141: {  	_ =	shalt  }

// kernel: kernel.13.cloned.1.call-start
scs
__scs_entry_jumppad:
0x0: {  	(pc) =	sbr.rel $0x88, $3  }
0x1: {  	(tag) =	ssettag $0x0;
	lr =	simm.s32 $0x1  }
0x2: {  	[smem:$0x3F9F] =	sst lr;
	_ =	strace $0xD0000000  }
0x3: {  	_ = 	snop  }
0x4: {  	_ = 	snop  }
0x5: {  	_ = 	snop  }
0x6: {  	_ = 	snop  }
0x7: {  	_ = 	snop  }
__scs_overlays_trampoline_lowered:
0x8: {  	[smem:$0x3FAE] =	sst s0  }
0x9: {  	[smem:$0x3FAF] =	sst s1  }
0xa: {  	[smem:$0x3FB0] =	sst s2  }
0xb: {  	[smem:$0x3FB1] =	sst s3  }
0xc: {  	[smem:$0x3FB2] =	sst s4  }
0xd: {  	[smem:$0x3FB3] =	sst s5  }
0xe: {  	[smem:$0x3FB4] =	sst s6  }
0xf: {  	[smem:$0x3FB5] =	sst s7  }
0x10: {  	[smem:$0x3FB6] =	sst s8  }
0x11: {  	[smem:$0x3FB7] =	sst s9;
	s0 =	simm.s32 @!p0 $0x0  }
0x12: {  	s1 =	sld [smem:$0x3F9D];
	s0 =	simm.s32 @p0 $0x1  }
0x13: {  	[smem:$0x3FB8] =	sst s0;
	s0 =	simm.s32 @!p1 $0x0  }
0x14: {  	s2 =	sld [smem:$0x3F9C];
	s0 =	simm.s32 @p1 $0x1  }
0x15: {  	[smem:$0x3FB9] =	sst s0;
	s0 =	simm.s32 @!p2 $0x0  }
0x16: {  	s3 =	sld [smem:$0x3FDB];
	s0 =	simm.s32 @p2 $0x1  }
0x17: {  	s4 =	simm.s32 $0x1BF5;
	[smem:$0x3FBB] =	sst s0  }
0x18: {  	s0 =	sld [smem:$0x3F9E];
	_ =	swait.ge [sflag:s4], $0x0  }
0x19: {  	s7 =	sld [smem:$0x3F9F]  }
0x1a: {  	s8 =	sadd.s32 $0xFFFFE003, lr  }
0x1b: {  	s9 =	sadd.s32 $0xFFFFFEF7, lr;
	s5 =	simm.s32 $0xFFFFFFFF;
	p2 =	slt.u32 s8, $0xFFFFF086  }
0x1c: {  	p1 =	slt.u32 s9, $0xF7A;
	s5 =	simm.s32 @!p2 $0x0  }
0x1d: {  	s5 =	simm.s32 @p1 $0x1;
	p0 =	seq.s32 s7, s2  }
0x1e: {  	s7 =	smul.u32 @!p0 $0xF7A, s2;
	p2 =	seq.s32 @!p0 s5, $0x0  }
0x1f: {  	s9 =	smul.u32 $0xF7A, s1;
	s8 =	simm.s32 @!p0 $0x1BF5;
	p2 =	por !p2, p0  }
0x20: {  	[sflag:s8] =	ssyncset.s32 @!p0 $0xFFFFF086;
	s6 =	sadd.s32 @!p0 s3, s7;
	s7 =	simm.s32 @!p0 $0x108  }
0x21: {  	s3 =	sadd.s32 s3, s9;
	s6 =	sadd.s32 @!p0 $0x88, s6;
	s7 =	simm.s32 @p2 $0x1082  }
0x22: {  	[simem:s7], [sflag:s8] =	dma.local @!p0 [hbm:s6], $0xF7A  }
0x23: {  	s9 =	sor.u32 $0xD0000000, s2;
	s6 =	simm.s32 $0x108;
	_ =	swait.ge @!p0 [sflag:s8], $0x0  }
0x24: {  	s3 =	sadd.s32 $0x88, s3;
	s6 =	simm.s32 @!p1 $0x1082;
	[sflag:s4] =	ssyncset.s32 $0xFFFFF086  }
0x25: {  	[simem:s6], [sflag:s4] =	dma.local [hbm:s3], $0xF7A  }
0x26: {  	[smem:$0x3F9F] =	sst s1;
	(tag) =	ssettag s2;
	_ =	strace s9  }
0x27: {  	s1 =	sld [smem:$0x3FAF]  }
0x28: {  	s2 =	sld [smem:$0x3FB0]  }
0x29: {  	s4 =	sld [smem:$0x3FB2]  }
0x2a: {  	p0 =	seq.s32 s5, $0x0;
	s5 =	sld [smem:$0x3FB3]  }
0x2b: {  	s6 =	sld [smem:$0x3FB4]  }
0x2c: {  	s7 =	sld [smem:$0x3FB5]  }
0x2d: {  	s3 =	simm.s32 $0x108;
	s8 =	sld [smem:$0x3FB6]  }
0x2e: {  	s3 =	simm.s32 @!p0 $0x1082;
	s9 =	sld [smem:$0x3FB7]  }
0x2f: {  	lr =	sadd.s32 s0, s3;
	s0 =	sld [smem:$0x3FAE]  }
0x30: {  	s3 =	sld [smem:$0x3FB1]  }
0x31: {  	[smem:$0x3FBA] =	sst s10  }
0x32: {  	s10 =	sld [smem:$0x3FB8];
	_ =	sdelay $0x3  }
0x33: {  	p0 =	seq.s32 s10, $0x1;
	s10 =	sld [smem:$0x3FBA];
	_ =	sdelay $0x3  }
0x34: {  	[smem:$0x3FBA] =	sst s10  }
0x35: {  	s10 =	sld [smem:$0x3FB9];
	_ =	sdelay $0x3  }
0x36: {  	p1 =	seq.s32 s10, $0x1;
	s10 =	sld [smem:$0x3FBA];
	_ =	sdelay $0x3  }
0x37: {  	[smem:$0x3FBA] =	sst s10  }
0x38: {  	s10 =	sld [smem:$0x3FBB]  }
0x39: {  	_ = 	snop;
	(pc) =	sbr.ind lr, $3  }
0x3a: {  	_ = 	snop  }
0x3b: {  	_ = 	snop  }
0x3c: {  	p2 =	seq.s32 s10, $0x1;
	s10 =	sld [smem:$0x3FBA]  }
0x3d: {  	_ =	shalt  }
0x3e: {  	_ =	shalt  }
0x3f: {  	_ =	shalt  }
0x40: {  	_ =	shalt  }
0x41: {  	_ =	shalt  }
0x42: {  	_ =	shalt  }
0x43: {  	_ =	shalt  }
0x44: {  	_ =	shalt  }
0x45: {  	_ =	shalt  }
0x46: {  	_ =	shalt  }
0x47: {  	_ =	shalt  }
0x48: {  	_ =	shalt  }
0x49: {  	_ =	shalt  }
0x4a: {  	_ =	shalt  }
0x4b: {  	_ =	shalt  }
0x4c: {  	_ =	shalt  }
0x4d: {  	_ =	shalt  }
0x4e: {  	_ =	shalt  }
0x4f: {  	_ =	shalt  }
0x50: {  	_ =	shalt  }
0x51: {  	_ =	shalt  }
0x52: {  	_ =	shalt  }
0x53: {  	_ =	shalt  }
0x54: {  	_ =	shalt  }
0x55: {  	_ =	shalt  }
0x56: {  	_ =	shalt  }
0x57: {  	_ =	shalt  }
0x58: {  	_ =	shalt  }
0x59: {  	_ =	shalt  }
0x5a: {  	_ =	shalt  }
0x5b: {  	_ =	shalt  }
0x5c: {  	_ =	shalt  }
0x5d: {  	_ =	shalt  }
0x5e: {  	_ =	shalt  }
0x5f: {  	_ =	shalt  }
0x60: {  	_ =	shalt  }
0x61: {  	_ =	shalt  }
0x62: {  	_ =	shalt  }
0x63: {  	_ =	shalt  }
0x64: {  	_ =	shalt  }
0x65: {  	_ =	shalt  }
0x66: {  	_ =	shalt  }
0x67: {  	_ =	shalt  }
0x68: {  	_ =	shalt  }
0x69: {  	_ =	shalt  }
0x6a: {  	_ =	shalt  }
0x6b: {  	_ =	shalt  }
0x6c: {  	_ =	shalt  }
0x6d: {  	_ =	shalt  }
0x6e: {  	_ =	shalt  }
0x6f: {  	_ =	shalt  }
0x70: {  	_ =	shalt  }
0x71: {  	_ =	shalt  }
0x72: {  	_ =	shalt  }
0x73: {  	_ =	shalt  }
0x74: {  	_ =	shalt  }
0x75: {  	_ =	shalt  }
0x76: {  	_ =	shalt  }
0x77: {  	_ =	shalt  }
0x78: {  	_ =	shalt  }
0x79: {  	_ =	shalt  }
0x7a: {  	_ =	shalt  }
0x7b: {  	_ =	shalt  }
0x7c: {  	_ =	shalt  }
0x7d: {  	_ =	shalt  }
0x7e: {  	_ =	shalt  }
0x7f: {  	_ =	shalt  }
0x80: {  	_ =	shalt  }
0x81: {  	_ =	shalt  }
0x82: {  	_ =	shalt  }
0x83: {  	_ =	shalt  }
0x84: {  	_ =	shalt  }
0x85: {  	_ =	shalt  }
0x86: {  	_ =	shalt  }
0x87: {  	_ =	shalt  }
.Lfunc_end0:
.L_simem_size_0:
called_computation.1_lowered:
.L_overlay_start_0:
0x88: {  	s2 =	sld [smem:$0x3FD9]  }
0x89: {  	s3 =	sld [smem:$0x3FFE];
	_ =	sdelay $0x1  }
0x8a: {  	s1 =	srdreg.scid  }
0x8b: {  	s0 =	sand.u32 $0x1, s1  }
0x8c: {  	s16 =	sshll.u32 s0, $0xA;
	s2 =	sadd.s32 s3, s2  }
0x8d: {  	s2 =	sadd.s32 s2, s16  }
0x8e: {  	[smem:$0x3FC6] =	sst s2  }
0x8f: {  	_ = 	snop  }
0x90: {  	(tm) =	ssettm $0x1  }
0x91: {  	s17 =	sld [smem:$0x3FFB];
	_ =	sdelay $0x3  }
0x92: {  	_ =	strace s17  }
0x93: {  	s2 =	sld [smem:$0x3FFC];
	_ =	sdelay $0x3  }
0x94: {  	_ =	strace s2  }
0x95: {  	s2 =	sld [smem:$0x3FFD];
	_ =	sdelay $0x3  }
0x96: {  	_ =	strace s2  }
0x97: {  	_ =	strace $0x8FFFFFFF  }
0x98: {  	s18 =	sld [smem:$0x3FDB];
	_ =	sdelay $0x1  }
0x99: {  	s19 =	simm.s32 $_scs_section_size  }
0x9a: {  	s4 =	simm.s32 $_size__tile_overlayer_lowered;
	s5 =	simm.s32 $_tile_overlayer_lowered  }
0x9b: {  	s22 =	simm.s32 $0x1BFF;
	s21 =	sshll.u32 s5, $0x1;
	s2 =	sadd.s32 s19, s18  }
0x9c: {  	s6 =	simm.s32 $0x0;
	s20 =	sshll.u32 s4, $0x1;
	s4 =	sadd.s32 s21, s2  }
0x9d: {  	[timem:s6], [sflag:s22] =	dma.local [hbm:s4], s20  }
0x9e: {  	_ =	swait.ge [sflag:s22], s20  }
0x9f: {  	s3 =	ssub.s32 $0x0, s20;
	[sflag:s22] =	ssyncset.done $0x0  }
0xa0: {  	[sflag:s22] =	ssyncadd.s32 s3;
	_ =	sdelay $0x1  }
0xa1: {  	s23 =	simm.s32 $0x1B8B  }
0xa2: {  	_ =	swait.ge [sflag:s23], $0x1  }
0xa3: {  	[sflag:s23] =	ssyncset.done $0x0  }
0xa4: {  	s25 =	simm.s32 $0x1B8E;
	s24 =	sld [smem:$0x3FFE];
	[sflag:s23] =	ssyncadd.s32 $0xFFFFFFFF  }
0xa5: {  	s26 =	simm.s32 $execute0_lowered;
	[smem:$0x3FD2] =	sst s25  }
0xa6: {  	s4 =	sshll.u32 s26, $0x1;
	_ =	strace $0x80000046;
	[dreg:$0x1] =	wrdreg $0xFFFFFFFF  }
0xa7: {  	s28 =	simm.s32 $_size_execute0_lowered;
	s2 =	sadd.s32 s2, s4;
	[dreg:$0x0] =	wrdreg $0x0  }
0xa8: {  	s4 =	sshll.u32 s28, $0x1;
	[dreg:$0x2] =	wrdreg s2  }
0xa9: {  	[dreg:$0x3] =	wrdreg s4  }
0xaa: {  	[dreg:$0x4] =	wrdreg $0xC0  }
0xab: {  	_ =	task [dreg:s6], $0x5FFFF  }
0xac: {  	[dreg:$0x1] =	wrdreg $0xFFFFFFFF  }
0xad: {  	[dreg:$0x0] =	wrdreg $0x60  }
0xae: {  	[dreg:$0x2] =	wrdreg s24  }
0xaf: {  	[dreg:$0x3] =	wrdreg $0xA  }
0xb0: {  	_ =	task.clear_ibuf [dreg:s6], $0x4FFFF;
	_ =	strace $0x90000046  }
0xb1: {  	s29 =	simm.s32 $0xA;
	_ =	strace $0x80000048  }
0xb2: {  	_ =	swait.ge [sflag:s29], $0x1  }
0xb3: {  	[sflag:s29] =	ssyncadd.s32 $0xFFFFFFFF  }
0xb4: {  	_ =	strace $0x90000048  }
0xb5: {  	_ =	sfence  }
0xb6: {  	s30 =	sld [smem:$0x0];
	_ =	sdelay $0x2  }
0xb7: {  	s31 =	sshll.u32 s1, $0xD;
	s1 =	sshrl.u32 s1, $0x2  }
0xb8: {  	s3 =	sand.u32 $0x4000, s31;
	s1 =	sadd.s32 s1, s30  }
0xb9: {  	s0 =	sor.u32 s3, s0;
	s1 =	sshll.u32 s1, $0x11  }
0xba: {  	s0 =	sor.u32 s1, s0  }
0xbb: {  	s0 =	sadd.s32 $0x8F2B, s0  }
0xbc: {  	[sflag:s0] =	ssyncadd.remote.s32 $0x1  }
0xbd: {  	_ =	sfence.sel $0xFFFF  }
0xbe: {  	[dreg:$0x0] =	wrdreg $0xFFFFFFFF;
	(pc) =	sbr.abs _section_cstart, $3  }
0xbf: {  	[dreg:$0x1] =	wrdreg $0xFFFFFFFF  }
0xc0: {  	_ =	task.clear_ibuf [dreg:s6], $0x2FFFF;
	_ =	strace $0x9FFFFFFF  }
0xc1: {  	(tm) =	ssettm $0x7FFFFFFF  }
tec
execute0_lowered:
.L_overlay_start_1:
0x0: {  	(tag) =	ssettag $0x1  }
0x1: {  	s3 =	rddreg [dreg:$0x0]  }
0x2: {  	s0 =	rddreg [dreg:$0x1];
	s4 =	srdreg.scid  }
0x3: {  	s2 =	simm.s32 $0x0;
	s1 =	stileid.u32;
	s4 =	sand.u32 $0x1, s4  }
0x4: {  	s7 =	simm.s32 $0x4000;
	s5 =	sshll.u32 s1, $0xC;
	s6 =	sshll.u32 s4, $0xB  }
0x5: {  	v0 =	vlaneseq.u32;
	s8 =	simm.s32 $0x0;
	s4 =	ssub.s32 $0x2, s4;
	s5 =	sor.u32 s6, s5  }
0x6: {  	[smem:$0x7FF] =	sst s2;
	v16 =	vmul.u32 $0x80, v0;
	s31 =	sshrl.u32 s4, $0x1;
	s5 =	sadd.s32 s5, s3  }
0x7: {  	_ =	strace $0x80000047;
	s6 =	ssub.s32 s4, s31;
	s3 =	sadd.s32 $0x401200, s5  }
0x8: {  	[tilespmem:$0x1FFF0] =	vst v16;
	s4 =	sadd.s32 $0x1200, s5;
	s5 =	smax.u32 s6, $0x1;
	s6 =	simm.s32 $0x1  }
.LBB2_1:
0x9: {  	v1 =	vmov s2  }
0xa: {  	v1 =	vshll.u32 v1, $0x7  }
0xb: {  	v2 =	vor.u32 v16, v1  }
0xc: {  	[tilespmem:s2], [sflag:$0x1] =	stream.linear.gather [hbm4b:s3+s2], $0x4000, $0x38;
	v17 =	vor.u32 $0x1, v2;
	[tilespmem:$0x8000] =	vst v63  }
0xd: {  	_ =	swait.ge [sflag:s6], $0x4000;
	v3 =	vor.u32 $0x2, v2  }
0xe: {  	[sflag:s6] =	ssyncset.done $0x0;
	v4 =	vor.u32 $0x3, v2  }
0xf: {  	[sflag:s6] =	ssyncadd.s32 $0xFFFFC000;
	v5 =	vor.u32 $0x4, v2  }
0x10: {  	v6 =	vld.idx.msk [tilespmem:v2+s2+$0x0], $0xffff  }
0x11: {  	v8 =	vor.u32 $0x5, v2;
	v7 =	vld.idx.msk [tilespmem:v17+s2+$0x0], $0xffff  }
0x12: {  	v10 =	vor.u32 $0x6, v2;
	v9 =	vld.idx.msk [tilespmem:v3+s2+$0x0], $0xffff  }
0x13: {  	v4 =	vld.idx.msk [tilespmem:v4+s2+$0x0], $0xffff  }
0x14: {  	v11 =	vor.u32 $0x7, v2;
	v12 =	vor.u32 $0x8, v2;
	v15 =	vor.u32 $0xA, v2;
	v5 =	vld.idx.msk [tilespmem:v5+s2+$0x0], $0xffff  }
0x15: {  	v44 =	vor.u32 $0xC, v2;
	v46 =	vor.u32 $0xE, v2;
	v13 =	vmin.f32 v6, $-Inf  }
0x16: {  	v8 =	vld.idx.msk [tilespmem:v8+s2+$0x0], $0xffff;
	v14 =	vmax.f32 v6, v7;
	v6 =	vmin.f32 v6, v7;
	v7 =	vor.u32 $0x9, v2  }
0x17: {  	v10 =	vld.idx.msk [tilespmem:v10+s2+$0x0], $0xffff;
	v6 =	vmax.f32 v13, v6;
	v41 =	vmax.f32 v14, v9;
	v9 =	vmin.f32 v14, v9  }
0x18: {  	v42 =	vmax.f32 v41, v4;
	v13 =	vmin.f32 v41, v4;
	v6 =	vmax.f32 v6, v9  }
0x19: {  	v11 =	vld.idx.msk [tilespmem:v11+s2+$0x0], $0xffff;
	v9 =	vor.u32 $0xB, v2;
	v6 =	vmax.f32 v6, v13;
	v43 =	vmin.f32 v42, v5  }
0x1a: {  	v47 =	vor.u32 $0x10, v2;
	v12 =	vld.idx.msk [tilespmem:v12+s2+$0x0], $0xffff;
	v5 =	vmax.f32 v42, v5;
	v6 =	vmax.f32 v6, v43  }
0x1b: {  	v45 =	vmax.f32 v5, v8;
	v5 =	vmin.f32 v5, v8;
	v8 =	vor.u32 $0xD, v2;
	v7 =	vld.idx.msk [tilespmem:v7+s2+$0x0], $0xffff  }
0x1c: {  	v15 =	vld.idx.msk [tilespmem:v15+s2+$0x0], $0xffff;
	v5 =	vmax.f32 v6, v5;
	v6 =	vmax.f32 v45, v10;
	v10 =	vmin.f32 v45, v10  }
0x1d: {  	v48 =	vor.u32 $0x14, v2;
	v49 =	vor.u32 $0x16, v2;
	v5 =	vmax.f32 v5, v10  }
0x1e: {  	v10 =	vmin.f32 v6, v11;
	v6 =	vmax.f32 v6, v11;
	v11 =	vor.u32 $0xF, v2;
	v9 =	vld.idx.msk [tilespmem:v9+s2+$0x0], $0xffff  }
0x1f: {  	v14 =	vld.idx.msk [tilespmem:v44+s2+$0x0], $0xffff;
	v5 =	vmax.f32 v5, v10;
	v10 =	vmax.f32 v6, v12;
	v6 =	vmin.f32 v6, v12  }
0x20: {  	v5 =	vmax.f32 v5, v6;
	v6 =	vmax.f32 v10, v7;
	v7 =	vmin.f32 v10, v7  }
0x21: {  	v8 =	vld.idx.msk [tilespmem:v8+s2+$0x0], $0xffff;
	v10 =	vor.u32 $0x11, v2;
	v5 =	vmax.f32 v5, v7;
	v7 =	vmin.f32 v6, v15  }
0x22: {  	v13 =	vld.idx.msk [tilespmem:v46+s2+$0x0], $0xffff;
	v6 =	vmax.f32 v6, v15;
	v15 =	vor.u32 $0x12, v2;
	v5 =	vmax.f32 v5, v7  }
0x23: {  	v11 =	vld.idx.msk [tilespmem:v11+s2+$0x0], $0xffff;
	v7 =	vmax.f32 v6, v9;
	v6 =	vmin.f32 v6, v9;
	v9 =	vor.u32 $0x13, v2  }
0x24: {  	v12 =	vld.idx.msk [tilespmem:v47+s2+$0x0], $0xffff;
	v5 =	vmax.f32 v5, v6;
	v6 =	vmax.f32 v7, v14;
	v7 =	vmin.f32 v7, v14  }
0x25: {  	v50 =	vor.u32 $0x18, v2;
	v51 =	vor.u32 $0x1C, v2;
	v5 =	vmax.f32 v5, v7  }
0x26: {  	v7 =	vmin.f32 v6, v8;
	v6 =	vmax.f32 v6, v8;
	v8 =	vor.u32 $0x15, v2;
	v10 =	vld.idx.msk [tilespmem:v10+s2+$0x0], $0xffff  }
0x27: {  	v5 =	vmax.f32 v5, v7;
	v7 =	vmax.f32 v6, v13;
	v6 =	vmin.f32 v6, v13;
	v15 =	vld.idx.msk [tilespmem:v15+s2+$0x0], $0xffff  }
0x28: {  	v5 =	vmax.f32 v5, v6;
	v6 =	vmax.f32 v7, v11;
	v7 =	vmin.f32 v7, v11  }
0x29: {  	v11 =	vor.u32 $0x17, v2;
	v9 =	vld.idx.msk [tilespmem:v9+s2+$0x0], $0xffff;
	v5 =	vmax.f32 v5, v7;
	v7 =	vmin.f32 v6, v12  }
0x2a: {  	v52 =	vor.u32 $0x1E, v2;
	v14 =	vld.idx.msk [tilespmem:v48+s2+$0x0], $0xffff;
	v6 =	vmax.f32 v6, v12;
	v5 =	vmax.f32 v5, v7  }
0x2b: {  	v8 =	vld.idx.msk [tilespmem:v8+s2+$0x0], $0xffff;
	v7 =	vmax.f32 v6, v10;
	v6 =	vmin.f32 v6, v10;
	v10 =	vor.u32 $0x19, v2  }
0x2c: {  	v13 =	vld.idx.msk [tilespmem:v49+s2+$0x0], $0xffff;
	v5 =	vmax.f32 v5, v6;
	v6 =	vmax.f32 v7, v15;
	v7 =	vmin.f32 v7, v15  }
0x2d: {  	v53 =	vor.u32 $0x20, v2;
	v15 =	vor.u32 $0x1A, v2;
	v5 =	vmax.f32 v5, v7  }
0x2e: {  	v11 =	vld.idx.msk [tilespmem:v11+s2+$0x0], $0xffff;
	v7 =	vmin.f32 v6, v9;
	v6 =	vmax.f32 v6, v9;
	v9 =	vor.u32 $0x1B, v2  }
0x2f: {  	v12 =	vld.idx.msk [tilespmem:v50+s2+$0x0], $0xffff;
	v5 =	vmax.f32 v5, v7;
	v7 =	vmax.f32 v6, v14;
	v6 =	vmin.f32 v6, v14  }
0x30: {  	v5 =	vmax.f32 v5, v6;
	v6 =	vmax.f32 v7, v8;
	v7 =	vmin.f32 v7, v8;
	v10 =	vld.idx.msk [tilespmem:v10+s2+$0x0], $0xffff  }
0x31: {  	v8 =	vor.u32 $0x1D, v2;
	v5 =	vmax.f32 v5, v7;
	v7 =	vmin.f32 v6, v13  }
0x32: {  	v54 =	vor.u32 $0x24, v2;
	v6 =	vmax.f32 v6, v13;
	v15 =	vld.idx.msk [tilespmem:v15+s2+$0x0], $0xffff;
	v5 =	vmax.f32 v5, v7  }
0x33: {  	v7 =	vmax.f32 v6, v11;
	v6 =	vmin.f32 v6, v11;
	v11 =	vor.u32 $0x1F, v2;
	v9 =	vld.idx.msk [tilespmem:v9+s2+$0x0], $0xffff  }
0x34: {  	v14 =	vld.idx.msk [tilespmem:v51+s2+$0x0], $0xffff;
	v5 =	vmax.f32 v5, v6;
	v6 =	vmax.f32 v7, v12;
	v7 =	vmin.f32 v7, v12  }
0x35: {  	v55 =	vor.u32 $0x26, v2;
	v5 =	vmax.f32 v5, v7;
	v7 =	vmin.f32 v6, v10  }
0x36: {  	v8 =	vld.idx.msk [tilespmem:v8+s2+$0x0], $0xffff;
	v6 =	vmax.f32 v6, v10;
	v10 =	vor.u32 $0x21, v2;
	v5 =	vmax.f32 v5, v7  }
0x37: {  	v13 =	vld.idx.msk [tilespmem:v52+s2+$0x0], $0xffff;
	v7 =	vmax.f32 v6, v15;
	v6 =	vmin.f32 v6, v15;
	v15 =	vor.u32 $0x22, v2  }
0x38: {  	v5 =	vmax.f32 v5, v6;
	v6 =	vmax.f32 v7, v9;
	v7 =	vmin.f32 v7, v9  }
0x39: {  	v11 =	vld.idx.msk [tilespmem:v11+s2+$0x0], $0xffff;
	v9 =	vor.u32 $0x23, v2;
	v5 =	vmax.f32 v5, v7;
	v7 =	vmin.f32 v6, v14  }
0x3a: {  	v56 =	vor.u32 $0x28, v2;
	v12 =	vld.idx.msk [tilespmem:v53+s2+$0x0], $0xffff;
	v6 =	vmax.f32 v6, v14;
	v5 =	vmax.f32 v5, v7  }
0x3b: {  	v7 =	vmax.f32 v6, v8;
	v6 =	vmin.f32 v6, v8;
	v8 =	vor.u32 $0x25, v2;
	v10 =	vld.idx.msk [tilespmem:v10+s2+$0x0], $0xffff  }
0x3c: {  	v5 =	vmax.f32 v5, v6;
	v6 =	vmax.f32 v7, v13;
	v7 =	vmin.f32 v7, v13;
	v15 =	vld.idx.msk [tilespmem:v15+s2+$0x0], $0xffff  }
0x3d: {  	v57 =	vor.u32 $0x2C, v2;
	v58 =	vor.u32 $0x2E, v2;
	v5 =	vmax.f32 v5, v7  }
0x3e: {  	v7 =	vmin.f32 v6, v11;
	v6 =	vmax.f32 v6, v11;
	v11 =	vor.u32 $0x27, v2;
	v9 =	vld.idx.msk [tilespmem:v9+s2+$0x0], $0xffff  }
0x3f: {  	v14 =	vld.idx.msk [tilespmem:v54+s2+$0x0], $0xffff;
	v5 =	vmax.f32 v5, v7;
	v7 =	vmax.f32 v6, v12;
	v6 =	vmin.f32 v6, v12  }
0x40: {  	v5 =	vmax.f32 v5, v6;
	v6 =	vmax.f32 v7, v10;
	v7 =	vmin.f32 v7, v10  }
0x41: {  	v8 =	vld.idx.msk [tilespmem:v8+s2+$0x0], $0xffff;
	v10 =	vor.u32 $0x29, v2;
	v5 =	vmax.f32 v5, v7;
	v7 =	vmin.f32 v6, v15  }
0x42: {  	v13 =	vld.idx.msk [tilespmem:v55+s2+$0x0], $0xffff;
	v6 =	vmax.f32 v6, v15;
	v15 =	vor.u32 $0x2A, v2;
	v5 =	vmax.f32 v5, v7  }
0x43: {  	v11 =	vld.idx.msk [tilespmem:v11+s2+$0x0], $0xffff;
	v7 =	vmax.f32 v6, v9;
	v6 =	vmin.f32 v6, v9;
	v9 =	vor.u32 $0x2B, v2  }
0x44: {  	v12 =	vld.idx.msk [tilespmem:v56+s2+$0x0], $0xffff;
	v5 =	vmax.f32 v5, v6;
	v6 =	vmax.f32 v7, v14;
	v7 =	vmin.f32 v7, v14  }
0x45: {  	v59 =	vor.u32 $0x30, v2;
	v60 =	vor.u32 $0x34, v2;
	v5 =	vmax.f32 v5, v7  }
0x46: {  	v7 =	vmin.f32 v6, v8;
	v6 =	vmax.f32 v6, v8;
	v8 =	vor.u32 $0x2D, v2;
	v10 =	vld.idx.msk [tilespmem:v10+s2+$0x0], $0xffff  }
0x47: {  	v5 =	vmax.f32 v5, v7;
	v7 =	vmax.f32 v6, v13;
	v6 =	vmin.f32 v6, v13;
	v15 =	vld.idx.msk [tilespmem:v15+s2+$0x0], $0xffff  }
0x48: {  	v5 =	vmax.f32 v5, v6;
	v6 =	vmax.f32 v7, v11;
	v7 =	vmin.f32 v7, v11  }
0x49: {  	v11 =	vor.u32 $0x2F, v2;
	v9 =	vld.idx.msk [tilespmem:v9+s2+$0x0], $0xffff;
	v5 =	vmax.f32 v5, v7;
	v7 =	vmin.f32 v6, v12  }
0x4a: {  	v61 =	vor.u32 $0x36, v2;
	v14 =	vld.idx.msk [tilespmem:v57+s2+$0x0], $0xffff;
	v6 =	vmax.f32 v6, v12;
	v5 =	vmax.f32 v5, v7  }
0x4b: {  	v8 =	vld.idx.msk [tilespmem:v8+s2+$0x0], $0xffff;
	v7 =	vmax.f32 v6, v10;
	v6 =	vmin.f32 v6, v10;
	v10 =	vor.u32 $0x31, v2  }
0x4c: {  	v13 =	vld.idx.msk [tilespmem:v58+s2+$0x0], $0xffff;
	v5 =	vmax.f32 v5, v6;
	v6 =	vmax.f32 v7, v15;
	v7 =	vmin.f32 v7, v15  }
0x4d: {  	v62 =	vor.u32 $0x39, v2;
	v15 =	vor.u32 $0x32, v2;
	v5 =	vmax.f32 v5, v7  }
0x4e: {  	v11 =	vld.idx.msk [tilespmem:v11+s2+$0x0], $0xffff;
	v7 =	vmin.f32 v6, v9;
	v6 =	vmax.f32 v6, v9;
	v9 =	vor.u32 $0x33, v2  }
0x4f: {  	v12 =	vld.idx.msk [tilespmem:v59+s2+$0x0], $0xffff;
	v5 =	vmax.f32 v5, v7;
	v7 =	vmax.f32 v6, v14;
	v6 =	vmin.f32 v6, v14  }
0x50: {  	v5 =	vmax.f32 v5, v6;
	v6 =	vmax.f32 v7, v8;
	v7 =	vmin.f32 v7, v8;
	v10 =	vld.idx.msk [tilespmem:v10+s2+$0x0], $0xffff  }
0x51: {  	v8 =	vor.u32 $0x35, v2;
	v5 =	vmax.f32 v5, v7;
	v7 =	vmin.f32 v6, v13  }
0x52: {  	v4 =	vor.u32 $0x38, v2;
	v6 =	vmax.f32 v6, v13;
	v15 =	vld.idx.msk [tilespmem:v15+s2+$0x0], $0xffff;
	v5 =	vmax.f32 v5, v7  }
0x53: {  	v7 =	vmax.f32 v6, v11;
	v6 =	vmin.f32 v6, v11;
	v11 =	vor.u32 $0x37, v2;
	v9 =	vld.idx.msk [tilespmem:v9+s2+$0x0], $0xffff  }
0x54: {  	v14 =	vld.idx.msk [tilespmem:v60+s2+$0x0], $0xffff;
	v5 =	vmax.f32 v5, v6;
	v6 =	vmax.f32 v7, v12;
	v7 =	vmin.f32 v7, v12  }
0x55: {  	v3 =	vor.u32 $0x3B, v2;
	v5 =	vmax.f32 v5, v7;
	v7 =	vmin.f32 v6, v10  }
0x56: {  	v8 =	vld.idx.msk [tilespmem:v8+s2+$0x0], $0xffff;
	v6 =	vmax.f32 v6, v10;
	v10 =	vor.u32 $0x3A, v2;
	v5 =	vmax.f32 v5, v7  }
0x57: {  	v13 =	vld.idx.msk [tilespmem:v61+s2+$0x0], $0xffff;
	v7 =	vmax.f32 v6, v15;
	v6 =	vmin.f32 v6, v15;
	v15 =	vor.u32 $0x3C, v2  }
0x58: {  	v11 =	vld.idx.msk [tilespmem:v11+s2+$0x0], $0xffff;
	v5 =	vmax.f32 v5, v6;
	v6 =	vmax.f32 v7, v9;
	v7 =	vmin.f32 v7, v9  }
0x59: {  	v4 =	vld.idx.msk [tilespmem:v4+s2+$0x0], $0xffff;
	v9 =	vor.u32 $0x3D, v2;
	v5 =	vmax.f32 v5, v7;
	v7 =	vmin.f32 v6, v14  }
0x5a: {  	v63 =	vor.u32 $0x3E, v2;
	v12 =	vld.idx.msk [tilespmem:v62+s2+$0x0], $0xffff;
	v6 =	vmax.f32 v6, v14;
	v5 =	vmax.f32 v5, v7  }
0x5b: {  	v7 =	vmax.f32 v6, v8;
	v6 =	vmin.f32 v6, v8;
	v8 =	vor.u32 $0x3F, v2;
	v10 =	vld.idx.msk [tilespmem:v10+s2+$0x0], $0xffff  }
0x5c: {  	v3 =	vld.idx.msk [tilespmem:v3+s2+$0x0], $0xffff;
	v5 =	vmax.f32 v5, v6;
	v6 =	vmax.f32 v7, v13;
	v7 =	vmin.f32 v7, v13  }
0x5d: {  	v5 =	vmax.f32 v5, v7;
	v7 =	vmax.f32 v6, v11;
	v6 =	vmin.f32 v6, v11;
	v11 =	vld.idx.msk [tilespmem:v15+s2+$0x0], $0xffff  }
0x5e: {  	v5 =	vmax.f32 v5, v6;
	v6 =	vmax.f32 v7, v4;
	v4 =	vmin.f32 v7, v4;
	v7 =	vld.idx.msk [tilespmem:v9+s2+$0x0], $0xffff  }
0x5f: {  	v9 =	vld.idx.msk [tilespmem:v63+s2+$0x0], $0xffff;
	v4 =	vmax.f32 v5, v4;
	v5 =	vmax.f32 v6, v12;
	v6 =	vmin.f32 v6, v12  }
0x60: {  	v4 =	vmax.f32 v4, v6;
	v8 =	vld.idx.msk [tilespmem:v8+s2+$0x0], $0xffff;
	v6 =	vmax.f32 v5, v10;
	v5 =	vmin.f32 v5, v10  }
0x61: {  	v4 =	vmax.f32 v4, v5;
	v5 =	vmax.f32 v6, v3;
	v3 =	vmin.f32 v6, v3  }
0x62: {  	v3 =	vmax.f32 v4, v3;
	v4 =	vmax.f32 v5, v11;
	v5 =	vmin.f32 v5, v11  }
0x63: {  	v3 =	vmax.f32 v3, v5;
	v5 =	vmax.f32 v4, v7;
	v4 =	vmin.f32 v4, v7  }
0x64: {  	v3 =	vmax.f32 v3, v4;
	v4 =	vmax.f32 v5, v9;
	v5 =	vmin.f32 v5, v9  }
0x65: {  	v3 =	vmax.f32 v3, v5;
	v5 =	vmin.f32 v4, v8  }
0x66: {  	v4 =	vmax.f32 v4, v8;
	v3 =	vmax.f32 v3, v5  }
0x67: {  	v3 =	vsub.f32 v3, v4;
	_ =	sdelay $0x1  }
0x68: {  	v3 =	vmul.f32 $1.442695020e+00, v3;
	_ =	sdelay $0x1  }
0x69: {  	(erf) = vpow2.f32 v3;
	_ =	sdelay $0x7  }
0x6a: {  	s9 =	simm.s32 $0x10  }
0x6b: {  	v3 =	vmov s9;
	v11 =	vpop (erf)  }
0x6c: {  	v3 =	vshll.u32 v3, $0x7;
	v5 =	vadd.f32 $1.000000000e+00, v11  }
0x6d: {  	v4 =	vor.u32 v16, v3  }
0x6e: {  	s9 =	simm.s32 $0x20;
	v3 =	vor.u32 $0x1, v4;
	v10 =	vor.u32 $0x2, v4;
	(erf) = vrcp.f32 v5  }
.LBB2_2:
0x6f: {  	v12 =	vor.u32 $0x4, v4;
	v36 =	vor.u32 $0x5, v4  }
0x70: {  	v0 =	vor.u32 $0x3B, v4;
	v41 =	vor.u32 $0x7, v4;
	v44 =	vor.u32 $0x8, v4  }
0x71: {  	v6 =	vor.u32 $0x38, v4;
	v45 =	vor.u32 $0xA, v4;
	v46 =	vor.u32 $0xB, v4  }
0x72: {  	v7 =	vor.u32 $0x36, v4;
	v47 =	vor.u32 $0xD, v4;
	v48 =	vor.u32 $0xE, v4  }
0x73: {  	v8 =	vor.u32 $0x33, v4;
	v49 =	vor.u32 $0x10, v4;
	v50 =	vor.u32 $0x11, v4  }
0x74: {  	v9 =	vor.u32 $0x30, v4;
	v43 =	vor.u32 $0x13, v4;
	v42 =	vor.u32 $0x14, v4  }
0x75: {  	v16 =	vor.u32 $0x2C, v4;
	v39 =	vor.u32 $0x16, v4;
	v38 =	vor.u32 $0x17, v4  }
0x76: {  	v15 =	vor.u32 $0x2D, v4;
	v51 =	vor.u32 $0xF, v4;
	v37 =	vor.u32 $0x19, v4  }
0x77: {  	v35 =	vor.u32 $0x1A, v4;
	v34 =	vor.u32 $0x1C, v4;
	v33 =	vor.u32 $0x1D, v4;
	v13 =	vpop (erf)  }
0x78: {  	v23 =	vor.u32 $0x27, v4;
	v32 =	vor.u32 $0x1F, v4;
	v30 =	vor.u32 $0x20, v4;
	[tilespmem:v2+s7+$0x0] =	vst.idx.msk $0xffff, v13;
	v2 =	vmovc v4  }
0x79: {  	v11 =	vmul.f32 v13, v11;
	v52 =	vor.u32 $0x6, v2;
	v53 =	vor.u32 $0xC, v2  }
0x7a: {  	v29 =	vor.u32 $0x22, v2;
	v60 =	vor.u32 $0x3, v2;
	v54 =	vor.u32 $0x9, v2  }
0x7b: {  	v24 =	vor.u32 $0x2A, v2;
	v55 =	vor.u32 $0x12, v2;
	v26 =	vor.u32 $0x28, v2  }
0x7c: {  	v25 =	vor.u32 $0x29, v2;
	v31 =	vor.u32 $0x24, v2;
	v28 =	vor.u32 $0x25, v2;
	[tilespmem:v17+s7+$0x0] =	vst.idx.msk $0xffff, v11  }
0x7d: {  	v21 =	vor.u32 $0x2F, v2;
	v27 =	vor.u32 $0x26, v2;
	v20 =	vor.u32 $0x31, v2;
	v56 =	vld.idx.msk [tilespmem:v4+s2+$0x0], $0xffff  }
0x7e: {  	v19 =	vor.u32 $0x32, v2;
	v22 =	vor.u32 $0x2E, v2;
	v18 =	vor.u32 $0x34, v2;
	v57 =	vld.idx.msk [tilespmem:v3+s2+$0x0], $0xffff  }
0x7f: {  	[tilespmem:$0x1FFD0] =	vst v0;
	v0 =	vmovc v3;
	v14 =	vor.u32 $0x37, v2;
	v62 =	vor.u32 $0x18, v2;
	v40 =	vor.u32 $0x21, v2;
	v58 =	vld.idx.msk [tilespmem:v10+s2+$0x0], $0xffff  }
0x80: {  	[tilespmem:$0x1FFE0] =	vst v0;
	v13 =	vor.u32 $0x39, v2;
	v5 =	vor.u32 $0x3F, v2;
	v0 =	vor.u32 $0x1E, v2;
	v61 =	vld.idx.msk [tilespmem:v12+s2+$0x0], $0xffff  }
0x81: {  	v17 =	vor.u32 $0x35, v2;
	v11 =	vor.u32 $0x3D, v2;
	v10 =	vor.u32 $0x3A, v2;
	v59 =	vld.idx.msk [tilespmem:v60+s2+$0x0], $0xffff  }
0x82: {  	v63 =	vld.idx.msk [tilespmem:v36+s2+$0x0], $0xffff;
	v3 =	vor.u32 $0x1B, v2;
	v4 =	vor.u32 $0x3E, v2;
	v12 =	vor.u32 $0x3C, v2  }
0x83: {  	v44 =	vld.idx.msk [tilespmem:v44+s2+$0x0], $0xffff;
	v36 =	vmin.f32 v56, $-Inf;
	v1 =	vmax.f32 v56, v57;
	v56 =	vmin.f32 v56, v57  }
0x84: {  	v52 =	vld.idx.msk [tilespmem:v52+s2+$0x0], $0xffff;
	v36 =	vmax.f32 v36, v56;
	v56 =	vmax.f32 v1, v58;
	v1 =	vmin.f32 v1, v58  }
0x85: {  	v60 =	vor.u32 $0x15, v2;
	v57 =	vld.idx.msk [tilespmem:v41+s2+$0x0], $0xffff;
	v41 =	vor.u32 $0x23, v2;
	v1 =	vmax.f32 v36, v1  }
0x86: {  	v45 =	vld.idx.msk [tilespmem:v45+s2+$0x0], $0xffff;
	v36 =	vor.u32 $0x2B, v2;
	v58 =	vmax.f32 v56, v59;
	v56 =	vmin.f32 v56, v59  }
0x87: {  	v54 =	vld.idx.msk [tilespmem:v54+s2+$0x0], $0xffff;
	v59 =	vmax.f32 v58, v61;
	v58 =	vmin.f32 v58, v61;
	v1 =	vmax.f32 v1, v56  }
0x88: {  	v46 =	vld.idx.msk [tilespmem:v46+s2+$0x0], $0xffff;
	v56 =	vmax.f32 v59, v63;
	v1 =	vmax.f32 v1, v58;
	v61 =	vmin.f32 v59, v63  }
0x89: {  	v47 =	vld.idx.msk [tilespmem:v47+s2+$0x0], $0xffff;
	v63 =	vmax.f32 v56, v52;
	v1 =	vmax.f32 v1, v61;
	v52 =	vmin.f32 v56, v52  }
0x8a: {  	v53 =	vld.idx.msk [tilespmem:v53+s2+$0x0], $0xffff;
	v56 =	vmax.f32 v63, v57;
	v1 =	vmax.f32 v1, v52;
	v61 =	vmin.f32 v63, v57  }
0x8b: {  	v48 =	vld.idx.msk [tilespmem:v48+s2+$0x0], $0xffff;
	v63 =	vmax.f32 v56, v44;
	v1 =	vmax.f32 v1, v61;
	v44 =	vmin.f32 v56, v44  }
0x8c: {  	v51 =	vld.idx.msk [tilespmem:v51+s2+$0x0], $0xffff;
	v61 =	vmax.f32 v63, v54;
	v1 =	vmax.f32 v1, v44;
	v63 =	vmin.f32 v63, v54  }
0x8d: {  	v49 =	vld.idx.msk [tilespmem:v49+s2+$0x0], $0xffff;
	v57 =	vmax.f32 v61, v45;
	v1 =	vmax.f32 v1, v63;
	v58 =	vmin.f32 v61, v45  }
0x8e: {  	v50 =	vld.idx.msk [tilespmem:v50+s2+$0x0], $0xffff;
	v59 =	vmax.f32 v57, v46;
	v1 =	vmax.f32 v1, v58;
	v61 =	vmin.f32 v57, v46  }
0x8f: {  	v43 =	vld.idx.msk [tilespmem:v43+s2+$0x0], $0xffff;
	v63 =	vmax.f32 v59, v53;
	v1 =	vmax.f32 v1, v61;
	v53 =	vmin.f32 v59, v53  }
0x90: {  	v52 =	vld.idx.msk [tilespmem:v55+s2+$0x0], $0xffff;
	v54 =	vmax.f32 v63, v47;
	v1 =	vmax.f32 v1, v53;
	v55 =	vmin.f32 v63, v47  }
0x91: {  	v42 =	vld.idx.msk [tilespmem:v42+s2+$0x0], $0xffff;
	v56 =	vmax.f32 v54, v48;
	v1 =	vmax.f32 v1, v55;
	v57 =	vmin.f32 v54, v48  }
0x92: {  	v39 =	vld.idx.msk [tilespmem:v39+s2+$0x0], $0xffff;
	v58 =	vmax.f32 v56, v51;
	v1 =	vmax.f32 v1, v57;
	v59 =	vmin.f32 v56, v51  }
0x93: {  	v47 =	vld.idx.msk [tilespmem:v60+s2+$0x0], $0xffff;
	v60 =	vmax.f32 v58, v49;
	v1 =	vmax.f32 v1, v59;
	v61 =	vmin.f32 v58, v49  }
0x94: {  	v38 =	vld.idx.msk [tilespmem:v38+s2+$0x0], $0xffff;
	v63 =	vmax.f32 v60, v50;
	v1 =	vmax.f32 v1, v61;
	v53 =	vmin.f32 v60, v50  }
0x95: {  	v37 =	vld.idx.msk [tilespmem:v37+s2+$0x0], $0xffff;
	v54 =	vmax.f32 v63, v52;
	v1 =	vmax.f32 v1, v53;
	v56 =	vmin.f32 v63, v52  }
0x96: {  	v55 =	vld.idx.msk [tilespmem:v62+s2+$0x0], $0xffff;
	v57 =	vmax.f32 v54, v43;
	v1 =	vmax.f32 v1, v56;
	v43 =	vmin.f32 v54, v43  }
0x97: {  	v35 =	vld.idx.msk [tilespmem:v35+s2+$0x0], $0xffff;
	v58 =	vmax.f32 v57, v42;
	v1 =	vmax.f32 v1, v43;
	v42 =	vmin.f32 v57, v42  }
0x98: {  	v34 =	vld.idx.msk [tilespmem:v34+s2+$0x0], $0xffff;
	v59 =	vmax.f32 v58, v47;
	v1 =	vmax.f32 v1, v42;
	v60 =	vmin.f32 v58, v47  }
0x99: {  	v3 =	vld.idx.msk [tilespmem:v3+s2+$0x0], $0xffff;
	v61 =	vmax.f32 v59, v39;
	v1 =	vmax.f32 v1, v60;
	v39 =	vmin.f32 v59, v39  }
0x9a: {  	v33 =	vld.idx.msk [tilespmem:v33+s2+$0x0], $0xffff;
	v62 =	vmax.f32 v61, v38;
	v1 =	vmax.f32 v1, v39;
	v38 =	vmin.f32 v61, v38  }
0x9b: {  	v32 =	vld.idx.msk [tilespmem:v32+s2+$0x0], $0xffff;
	v63 =	vmax.f32 v62, v55;
	v1 =	vmax.f32 v1, v38;
	v45 =	vmin.f32 v62, v55  }
0x9c: {  	v0 =	vld.idx.msk [tilespmem:v0+s2+$0x0], $0xffff;
	v46 =	vmax.f32 v63, v37;
	v1 =	vmax.f32 v1, v45;
	v37 =	vmin.f32 v63, v37  }
0x9d: {  	v30 =	vld.idx.msk [tilespmem:v30+s2+$0x0], $0xffff;
	v47 =	vmax.f32 v46, v35;
	v1 =	vmax.f32 v1, v37;
	v35 =	vmin.f32 v46, v35  }
0x9e: {  	v23 =	vld.idx.msk [tilespmem:v23+s2+$0x0], $0xffff;
	v48 =	vmax.f32 v47, v3;
	v1 =	vmax.f32 v1, v35;
	v3 =	vmin.f32 v47, v3  }
0x9f: {  	v49 =	vld.idx.msk [tilespmem:v40+s2+$0x0], $0xffff;
	v50 =	vmax.f32 v48, v34;
	v1 =	vmax.f32 v1, v3;
	v3 =	vmin.f32 v48, v34  }
0xa0: {  	v29 =	vld.idx.msk [tilespmem:v29+s2+$0x0], $0xffff;
	v51 =	vmax.f32 v50, v33;
	v1 =	vmax.f32 v1, v3;
	v3 =	vmin.f32 v50, v33  }
0xa1: {  	v52 =	vld.idx.msk [tilespmem:v41+s2+$0x0], $0xffff;
	v53 =	vmax.f32 v51, v0;
	v1 =	vmax.f32 v1, v3;
	v0 =	vmin.f32 v51, v0  }
0xa2: {  	v31 =	vld.idx.msk [tilespmem:v31+s2+$0x0], $0xffff;
	v3 =	vmax.f32 v53, v32;
	v0 =	vmax.f32 v1, v0;
	v1 =	vmin.f32 v53, v32  }
0xa3: {  	v28 =	vld.idx.msk [tilespmem:v28+s2+$0x0], $0xffff;
	v54 =	vmax.f32 v3, v30;
	v0 =	vmax.f32 v0, v1;
	v1 =	vmin.f32 v3, v30  }
0xa4: {  	v27 =	vld.idx.msk [tilespmem:v27+s2+$0x0], $0xffff;
	v3 =	vmax.f32 v54, v49;
	v0 =	vmax.f32 v0, v1;
	v1 =	vmin.f32 v54, v49  }
0xa5: {  	v16 =	vld.idx.msk [tilespmem:v16+s2+$0x0], $0xffff;
	v55 =	vmax.f32 v3, v29;
	v0 =	vmax.f32 v0, v1;
	v1 =	vmin.f32 v3, v29  }
0xa6: {  	v26 =	vld.idx.msk [tilespmem:v26+s2+$0x0], $0xffff;
	v3 =	vmax.f32 v55, v52;
	v0 =	vmax.f32 v0, v1;
	v1 =	vmin.f32 v55, v52  }
0xa7: {  	v25 =	vld.idx.msk [tilespmem:v25+s2+$0x0], $0xffff;
	v56 =	vmax.f32 v3, v31;
	v0 =	vmax.f32 v0, v1;
	v1 =	vmin.f32 v3, v31  }
0xa8: {  	v24 =	vld.idx.msk [tilespmem:v24+s2+$0x0], $0xffff;
	v3 =	vmax.f32 v56, v28;
	v0 =	vmax.f32 v0, v1;
	v1 =	vmin.f32 v56, v28  }
0xa9: {  	v57 =	vld.idx.msk [tilespmem:v36+s2+$0x0], $0xffff;
	v58 =	vmax.f32 v3, v27;
	v0 =	vmax.f32 v0, v1;
	v1 =	vmin.f32 v3, v27  }
0xaa: {  	v15 =	vld.idx.msk [tilespmem:v15+s2+$0x0], $0xffff;
	v3 =	vmax.f32 v58, v23;
	v0 =	vmax.f32 v0, v1;
	v1 =	vmin.f32 v58, v23  }
0xab: {  	v9 =	vld.idx.msk [tilespmem:v9+s2+$0x0], $0xffff;
	v59 =	vmax.f32 v3, v26;
	v0 =	vmax.f32 v0, v1;
	v1 =	vmin.f32 v3, v26  }
0xac: {  	v22 =	vld.idx.msk [tilespmem:v22+s2+$0x0], $0xffff;
	v3 =	vmax.f32 v59, v25;
	v0 =	vmax.f32 v0, v1;
	v1 =	vmin.f32 v59, v25  }
0xad: {  	v21 =	vld.idx.msk [tilespmem:v21+s2+$0x0], $0xffff;
	v60 =	vmax.f32 v3, v24;
	v0 =	vmax.f32 v0, v1;
	v1 =	vmin.f32 v3, v24  }
0xae: {  	v8 =	vld.idx.msk [tilespmem:v8+s2+$0x0], $0xffff;
	v3 =	vmax.f32 v60, v57;
	v0 =	vmax.f32 v0, v1;
	v1 =	vmin.f32 v60, v57  }
0xaf: {  	v20 =	vld.idx.msk [tilespmem:v20+s2+$0x0], $0xffff;
	v61 =	vmax.f32 v3, v16;
	v0 =	vmax.f32 v0, v1;
	v1 =	vmin.f32 v3, v16  }
0xb0: {  	v19 =	vld.idx.msk [tilespmem:v19+s2+$0x0], $0xffff;
	v3 =	vmax.f32 v61, v15;
	v0 =	vmax.f32 v0, v1;
	v1 =	vmin.f32 v61, v15  }
0xb1: {  	v63 =	vld [tilespmem:$0x1FFD0];
	v15 =	vmax.f32 v3, v22;
	v0 =	vmax.f32 v0, v1;
	v1 =	vmin.f32 v3, v22  }
0xb2: {  	v16 =	vld.idx.msk [tilespmem:v18+s2+$0x0], $0xffff;
	v3 =	vmax.f32 v15, v21;
	v0 =	vmax.f32 v0, v1;
	v1 =	vmin.f32 v15, v21  }
0xb3: {  	v17 =	vld.idx.msk [tilespmem:v17+s2+$0x0], $0xffff;
	v15 =	vmax.f32 v3, v9;
	v0 =	vmax.f32 v0, v1;
	v1 =	vmin.f32 v3, v9  }
0xb4: {  	v7 =	vld.idx.msk [tilespmem:v7+s2+$0x0], $0xffff;
	v3 =	vmax.f32 v15, v20;
	v0 =	vmax.f32 v0, v1;
	v1 =	vmin.f32 v15, v20  }
0xb5: {  	v9 =	vld.idx.msk [tilespmem:v14+s2+$0x0], $0xffff;
	v62 =	vmax.f32 v3, v19;
	v0 =	vmax.f32 v0, v1;
	v1 =	vmin.f32 v3, v19  }
0xb6: {  	v6 =	vld.idx.msk [tilespmem:v6+s2+$0x0], $0xffff;
	v3 =	vmax.f32 v62, v8;
	v0 =	vmax.f32 v0, v1;
	v1 =	vmin.f32 v62, v8  }
0xb7: {  	v13 =	vld.idx.msk [tilespmem:v13+s2+$0x0], $0xffff;
	v8 =	vmax.f32 v3, v16;
	v0 =	vmax.f32 v0, v1;
	v1 =	vmin.f32 v3, v16  }
0xb8: {  	v10 =	vld.idx.msk [tilespmem:v10+s2+$0x0], $0xffff;
	v3 =	vmax.f32 v8, v17;
	v0 =	vmax.f32 v0, v1;
	v1 =	vmin.f32 v8, v17  }
0xb9: {  	v14 =	vld.idx.msk [tilespmem:v63+s2+$0x0], $0xffff;
	v8 =	vmax.f32 v3, v7;
	v0 =	vmax.f32 v0, v1;
	v1 =	vmin.f32 v3, v7  }
0xba: {  	v12 =	vld.idx.msk [tilespmem:v12+s2+$0x0], $0xffff;
	v3 =	vmax.f32 v8, v9;
	v0 =	vmax.f32 v0, v1;
	v1 =	vmin.f32 v8, v9  }
0xbb: {  	v7 =	vld.idx.msk [tilespmem:v11+s2+$0x0], $0xffff;
	v8 =	vmax.f32 v3, v6;
	v0 =	vmax.f32 v0, v1;
	v1 =	vmin.f32 v3, v6  }
0xbc: {  	v4 =	vld.idx.msk [tilespmem:v4+s2+$0x0], $0xffff;
	v3 =	vmax.f32 v8, v13;
	v0 =	vmax.f32 v0, v1;
	v1 =	vmin.f32 v8, v13  }
0xbd: {  	v5 =	vld.idx.msk [tilespmem:v5+s2+$0x0], $0xffff;
	v6 =	vmax.f32 v3, v10;
	v0 =	vmax.f32 v0, v1;
	v1 =	vmin.f32 v3, v10  }
0xbe: {  	v3 =	vmax.f32 v6, v14;
	v0 =	vmax.f32 v0, v1;
	v1 =	vmin.f32 v6, v14  }
0xbf: {  	v6 =	vmax.f32 v3, v12;
	v0 =	vmax.f32 v0, v1;
	v1 =	vmin.f32 v3, v12  }
0xc0: {  	v3 =	vmax.f32 v6, v7;
	v0 =	vmax.f32 v0, v1;
	v1 =	vmin.f32 v6, v7  }
0xc1: {  	v6 =	vmax.f32 v3, v4;
	v0 =	vmax.f32 v0, v1;
	v1 =	vmin.f32 v3, v4  }
0xc2: {  	v0 =	vmax.f32 v0, v1;
	v1 =	vmin.f32 v6, v5  }
0xc3: {  	v3 =	vmax.f32 v6, v5;
	v0 =	vmax.f32 v0, v1  }
0xc4: {  	v0 =	vsub.f32 v0, v3;
	_ =	sdelay $0x1  }
0xc5: {  	v0 =	vmul.f32 $1.442695020e+00, v0;
	_ =	sdelay $0x1  }
0xc6: {  	(erf) = vpow2.f32 v0;
	_ =	sdelay $0x5  }
0xc7: {  	v16 =	vld [tilespmem:$0x1FFF0]  }
0xc8: {  	p0 =	sne.s32 s9, $0x70  }
.Ltmp0:
0xc9: {  	s10 =	smov.u32 s9;
	(pc) =	sbr.rel @p0 .LBB2_2-.Ltmp0, $4  }
0xca: {  	v0 =	vmov s10;
	v11 =	vpop (erf)  }
0xcb: {  	v0 =	vshll.u32 v0, $0x7;
	v1 =	vadd.f32 $1.000000000e+00, v11  }
0xcc: {  	v4 =	vor.u32 v16, v0  }
0xcd: {  	s9 =	sadd.s32 $0x10, s9;
	v17 =	vld [tilespmem:$0x1FFE0];
	v3 =	vor.u32 $0x1, v4;
	v10 =	vor.u32 $0x2, v4;
	(erf) = vrcp.f32 v1  }
0xce: {  	_ =	sdelay $0x7  }
0xcf: {  	v28 =	vor.u32 $0x3, v4;
	v29 =	vor.u32 $0x4, v4;
	v0 =	vpop (erf)  }
0xd0: {  	v7 =	vor.u32 $0x5, v4;
	v9 =	vor.u32 $0x6, v4;
	v1 =	vmul.f32 v0, v11  }
0xd1: {  	v30 =	vor.u32 $0x7, v4;
	v31 =	vor.u32 $0x8, v4;
	v33 =	vor.u32 $0x9, v4;
	[tilespmem:v2+s7+$0x0] =	vst.idx.msk $0xffff, v0  }
0xd2: {  	v14 =	vor.u32 $0xA, v4;
	v36 =	vor.u32 $0xB, v4;
	v38 =	vor.u32 $0xC, v4;
	[tilespmem:v17+s7+$0x0] =	vst.idx.msk $0xffff, v1  }
0xd3: {  	v40 =	vor.u32 $0xD, v4;
	v42 =	vor.u32 $0xE, v4;
	v44 =	vor.u32 $0xF, v4;
	v5 =	vld.idx.msk [tilespmem:v4+s2+$0x0], $0xffff  }
0xd4: {  	v46 =	vor.u32 $0x10, v4;
	v48 =	vor.u32 $0x11, v4;
	v50 =	vor.u32 $0x12, v4;
	v6 =	vld.idx.msk [tilespmem:v3+s2+$0x0], $0xffff  }
0xd5: {  	v52 =	vor.u32 $0x13, v4;
	v54 =	vor.u32 $0x14, v4;
	v56 =	vor.u32 $0x15, v4;
	v8 =	vld.idx.msk [tilespmem:v10+s2+$0x0], $0xffff  }
0xd6: {  	v58 =	vor.u32 $0x16, v4;
	v60 =	vor.u32 $0x17, v4;
	v62 =	vor.u32 $0x18, v4;
	v0 =	vld.idx.msk [tilespmem:v28+s2+$0x0], $0xffff  }
0xd7: {  	v20 =	vor.u32 $0x19, v4;
	v22 =	vor.u32 $0x1A, v4;
	v24 =	vor.u32 $0x1B, v4;
	v12 =	vld.idx.msk [tilespmem:v29+s2+$0x0], $0xffff  }
0xd8: {  	v26 =	vor.u32 $0x1C, v4;
	v2 =	vor.u32 $0x38, v4;
	v1 =	vor.u32 $0x3B, v4;
	v7 =	vld.idx.msk [tilespmem:v7+s2+$0x0], $0xffff  }
0xd9: {  	v9 =	vld.idx.msk [tilespmem:v9+s2+$0x0], $0xffff;
	v32 =	vmin.f32 v5, $-Inf;
	v13 =	vmax.f32 v5, v6;
	v5 =	vmin.f32 v5, v6  }
0xda: {  	v10 =	vld.idx.msk [tilespmem:v30+s2+$0x0], $0xffff;
	v28 =	vor.u32 $0x1D, v4;
	v30 =	vor.u32 $0x1E, v4;
	v5 =	vmax.f32 v32, v5  }
0xdb: {  	v11 =	vld.idx.msk [tilespmem:v31+s2+$0x0], $0xffff;
	v34 =	vmax.f32 v13, v8;
	v8 =	vmin.f32 v13, v8;
	v32 =	vor.u32 $0x1F, v4  }
0xdc: {  	v13 =	vld.idx.msk [tilespmem:v38+s2+$0x0], $0xffff;
	v38 =	vor.u32 $0x22, v4;
	v35 =	vmax.f32 v34, v0;
	v0 =	vmin.f32 v34, v0  }
0xdd: {  	v5 =	vmax.f32 v5, v8;
	v8 =	vld.idx.msk [tilespmem:v36+s2+$0x0], $0xffff;
	v34 =	vor.u32 $0x20, v4;
	v36 =	vor.u32 $0x21, v4  }
0xde: {  	v14 =	vld.idx.msk [tilespmem:v14+s2+$0x0], $0xffff;
	v0 =	vmax.f32 v5, v0;
	v37 =	vmin.f32 v35, v12;
	v12 =	vmax.f32 v35, v12  }
0xdf: {  	v6 =	vld.idx.msk [tilespmem:v33+s2+$0x0], $0xffff;
	v0 =	vmax.f32 v0, v37;
	v39 =	vmax.f32 v12, v7;
	v7 =	vmin.f32 v12, v7  }
0xe0: {  	v12 =	vld.idx.msk [tilespmem:v40+s2+$0x0], $0xffff;
	v40 =	vor.u32 $0x23, v4;
	v0 =	vmax.f32 v0, v7;
	v5 =	vmin.f32 v39, v9  }
0xe1: {  	v41 =	vmax.f32 v39, v9;
	v9 =	vld.idx.msk [tilespmem:v42+s2+$0x0], $0xffff;
	v42 =	vor.u32 $0x24, v4;
	v0 =	vmax.f32 v0, v5  }
0xe2: {  	v43 =	vmin.f32 v41, v10;
	v7 =	vmax.f32 v41, v10;
	v10 =	vld.idx.msk [tilespmem:v44+s2+$0x0], $0xffff;
	v44 =	vor.u32 $0x25, v4  }
0xe3: {  	v0 =	vmax.f32 v0, v43;
	v45 =	vmax.f32 v7, v11;
	v7 =	vmin.f32 v7, v11  }
0xe4: {  	v11 =	vld.idx.msk [tilespmem:v46+s2+$0x0], $0xffff;
	v46 =	vor.u32 $0x26, v4;
	v0 =	vmax.f32 v0, v7;
	v5 =	vmin.f32 v45, v6  }
0xe5: {  	v47 =	vmax.f32 v45, v6;
	v6 =	vld.idx.msk [tilespmem:v48+s2+$0x0], $0xffff;
	v48 =	vor.u32 $0x27, v4;
	v0 =	vmax.f32 v0, v5  }
0xe6: {  	v49 =	vmin.f32 v47, v14;
	v7 =	vmax.f32 v47, v14;
	v14 =	vld.idx.msk [tilespmem:v50+s2+$0x0], $0xffff;
	v50 =	vor.u32 $0x28, v4  }
0xe7: {  	v0 =	vmax.f32 v0, v49;
	v51 =	vmax.f32 v7, v8;
	v7 =	vmin.f32 v7, v8  }
0xe8: {  	v8 =	vld.idx.msk [tilespmem:v52+s2+$0x0], $0xffff;
	v52 =	vor.u32 $0x29, v4;
	v0 =	vmax.f32 v0, v7;
	v5 =	vmin.f32 v51, v13  }
0xe9: {  	v53 =	vmax.f32 v51, v13;
	v13 =	vld.idx.msk [tilespmem:v54+s2+$0x0], $0xffff;
	v54 =	vor.u32 $0x2A, v4;
	v0 =	vmax.f32 v0, v5  }
0xea: {  	v55 =	vmin.f32 v53, v12;
	v7 =	vmax.f32 v53, v12;
	v12 =	vld.idx.msk [tilespmem:v56+s2+$0x0], $0xffff;
	v56 =	vor.u32 $0x2B, v4  }
0xeb: {  	v0 =	vmax.f32 v0, v55;
	v57 =	vmax.f32 v7, v9;
	v7 =	vmin.f32 v7, v9  }
0xec: {  	v9 =	vld.idx.msk [tilespmem:v58+s2+$0x0], $0xffff;
	v58 =	vor.u32 $0x2C, v4;
	v0 =	vmax.f32 v0, v7;
	v5 =	vmin.f32 v57, v10  }
0xed: {  	v59 =	vmax.f32 v57, v10;
	v10 =	vld.idx.msk [tilespmem:v60+s2+$0x0], $0xffff;
	v60 =	vor.u32 $0x2D, v4;
	v0 =	vmax.f32 v0, v5  }
0xee: {  	v61 =	vmin.f32 v59, v11;
	v7 =	vmax.f32 v59, v11;
	v11 =	vld.idx.msk [tilespmem:v62+s2+$0x0], $0xffff;
	v62 =	vor.u32 $0x2E, v4  }
0xef: {  	v0 =	vmax.f32 v0, v61;
	v63 =	vmax.f32 v7, v6;
	v6 =	vmin.f32 v7, v6  }
0xf0: {  	v7 =	vld.idx.msk [tilespmem:v20+s2+$0x0], $0xffff;
	v20 =	vor.u32 $0x2F, v4;
	v0 =	vmax.f32 v0, v6;
	v5 =	vmin.f32 v63, v14  }
0xf1: {  	v21 =	vmax.f32 v63, v14;
	v14 =	vld.idx.msk [tilespmem:v22+s2+$0x0], $0xffff;
	v22 =	vor.u32 $0x30, v4;
	v0 =	vmax.f32 v0, v5  }
0xf2: {  	v23 =	vmin.f32 v21, v8;
	v6 =	vmax.f32 v21, v8;
	v8 =	vld.idx.msk [tilespmem:v24+s2+$0x0], $0xffff;
	v24 =	vor.u32 $0x31, v4  }
0xf3: {  	v0 =	vmax.f32 v0, v23;
	v25 =	vmax.f32 v6, v13;
	v6 =	vmin.f32 v6, v13  }
0xf4: {  	v13 =	vld.idx.msk [tilespmem:v26+s2+$0x0], $0xffff;
	v26 =	vor.u32 $0x32, v4;
	v0 =	vmax.f32 v0, v6;
	v5 =	vmin.f32 v25, v12  }
0xf5: {  	v27 =	vmax.f32 v25, v12;
	v12 =	vld.idx.msk [tilespmem:v28+s2+$0x0], $0xffff;
	v28 =	vor.u32 $0x33, v4;
	v0 =	vmax.f32 v0, v5  }
0xf6: {  	v29 =	vmin.f32 v27, v9;
	v6 =	vmax.f32 v27, v9;
	v9 =	vld.idx.msk [tilespmem:v30+s2+$0x0], $0xffff;
	v30 =	vor.u32 $0x34, v4  }
0xf7: {  	v0 =	vmax.f32 v0, v29;
	v31 =	vmax.f32 v6, v10;
	v6 =	vmin.f32 v6, v10  }
0xf8: {  	v10 =	vld.idx.msk [tilespmem:v32+s2+$0x0], $0xffff;
	v32 =	vor.u32 $0x35, v4;
	v0 =	vmax.f32 v0, v6;
	v5 =	vmin.f32 v31, v11  }
0xf9: {  	v33 =	vmax.f32 v31, v11;
	v11 =	vld.idx.msk [tilespmem:v34+s2+$0x0], $0xffff;
	v34 =	vor.u32 $0x36, v4;
	v0 =	vmax.f32 v0, v5  }
0xfa: {  	v35 =	vmin.f32 v33, v7;
	v6 =	vmax.f32 v33, v7;
	v7 =	vld.idx.msk [tilespmem:v36+s2+$0x0], $0xffff;
	v36 =	vor.u32 $0x37, v4  }
0xfb: {  	v0 =	vmax.f32 v0, v35;
	v37 =	vmax.f32 v6, v14;
	v6 =	vmin.f32 v6, v14  }
0xfc: {  	v14 =	vld.idx.msk [tilespmem:v38+s2+$0x0], $0xffff;
	v38 =	vor.u32 $0x39, v4;
	v0 =	vmax.f32 v0, v6;
	v5 =	vmin.f32 v37, v8  }
0xfd: {  	v39 =	vmax.f32 v37, v8;
	v8 =	vld.idx.msk [tilespmem:v40+s2+$0x0], $0xffff;
	v40 =	vor.u32 $0x3A, v4;
	v0 =	vmax.f32 v0, v5  }
0xfe: {  	v41 =	vmin.f32 v39, v13;
	v6 =	vmax.f32 v39, v13;
	v13 =	vld.idx.msk [tilespmem:v42+s2+$0x0], $0xffff;
	v42 =	vor.u32 $0x3C, v4  }
0xff: {  	v0 =	vmax.f32 v0, v41;
	v43 =	vmax.f32 v6, v12;
	v6 =	vmin.f32 v6, v12  }
0x100: {  	v12 =	vld.idx.msk [tilespmem:v44+s2+$0x0], $0xffff;
	v44 =	vor.u32 $0x3D, v4;
	v0 =	vmax.f32 v0, v6;
	v5 =	vmin.f32 v43, v9  }
0x101: {  	v45 =	vmax.f32 v43, v9;
	v9 =	vld.idx.msk [tilespmem:v46+s2+$0x0], $0xffff;
	v46 =	vor.u32 $0x3E, v4;
	v0 =	vmax.f32 v0, v5  }
0x102: {  	v47 =	vmin.f32 v45, v10;
	v6 =	vmax.f32 v45, v10;
	v10 =	vld.idx.msk [tilespmem:v48+s2+$0x0], $0xffff;
	v48 =	vor.u32 $0x3F, v4  }
0x103: {  	v0 =	vmax.f32 v0, v47;
	v49 =	vmax.f32 v6, v11;
	v6 =	vmin.f32 v6, v11  }
0x104: {  	v0 =	vmax.f32 v0, v6;
	v51 =	vmax.f32 v49, v7;
	v5 =	vmin.f32 v49, v7  }
0x105: {  	v0 =	vmax.f32 v0, v5;
	v53 =	vmin.f32 v51, v14;
	v6 =	vmax.f32 v51, v14  }
0x106: {  	v11 =	vld.idx.msk [tilespmem:v50+s2+$0x0], $0xffff;
	v0 =	vmax.f32 v0, v53;
	v55 =	vmax.f32 v6, v8;
	v6 =	vmin.f32 v6, v8  }
0x107: {  	v7 =	vld.idx.msk [tilespmem:v52+s2+$0x0], $0xffff;
	v0 =	vmax.f32 v0, v6;
	v57 =	vmax.f32 v55, v13;
	v5 =	vmin.f32 v55, v13  }
0x108: {  	v14 =	vld.idx.msk [tilespmem:v54+s2+$0x0], $0xffff;
	v0 =	vmax.f32 v0, v5;
	v59 =	vmin.f32 v57, v12;
	v6 =	vmax.f32 v57, v12  }
0x109: {  	v8 =	vld.idx.msk [tilespmem:v56+s2+$0x0], $0xffff;
	v0 =	vmax.f32 v0, v59;
	v61 =	vmax.f32 v6, v9;
	v6 =	vmin.f32 v6, v9  }
0x10a: {  	v13 =	vld.idx.msk [tilespmem:v58+s2+$0x0], $0xffff;
	v0 =	vmax.f32 v0, v6;
	v63 =	vmax.f32 v61, v10;
	v5 =	vmin.f32 v61, v10  }
0x10b: {  	v12 =	vld.idx.msk [tilespmem:v60+s2+$0x0], $0xffff;
	v0 =	vmax.f32 v0, v5;
	v21 =	vmin.f32 v63, v11;
	v6 =	vmax.f32 v63, v11  }
0x10c: {  	v9 =	vld.idx.msk [tilespmem:v62+s2+$0x0], $0xffff;
	v0 =	vmax.f32 v0, v21;
	v23 =	vmax.f32 v6, v7;
	v6 =	vmin.f32 v6, v7  }
0x10d: {  	v10 =	vld.idx.msk [tilespmem:v20+s2+$0x0], $0xffff;
	v0 =	vmax.f32 v0, v6;
	v25 =	vmax.f32 v23, v14;
	v5 =	vmin.f32 v23, v14  }
0x10e: {  	v11 =	vld.idx.msk [tilespmem:v22+s2+$0x0], $0xffff;
	v0 =	vmax.f32 v0, v5;
	v27 =	vmin.f32 v25, v8;
	v6 =	vmax.f32 v25, v8  }
0x10f: {  	v7 =	vld.idx.msk [tilespmem:v24+s2+$0x0], $0xffff;
	v0 =	vmax.f32 v0, v27;
	v29 =	vmax.f32 v6, v13;
	v6 =	vmin.f32 v6, v13  }
0x110: {  	v14 =	vld.idx.msk [tilespmem:v26+s2+$0x0], $0xffff;
	v0 =	vmax.f32 v0, v6;
	v31 =	vmax.f32 v29, v12;
	v5 =	vmin.f32 v29, v12  }
0x111: {  	v8 =	vld.idx.msk [tilespmem:v28+s2+$0x0], $0xffff;
	v0 =	vmax.f32 v0, v5;
	v33 =	vmin.f32 v31, v9;
	v6 =	vmax.f32 v31, v9  }
0x112: {  	v13 =	vld.idx.msk [tilespmem:v30+s2+$0x0], $0xffff;
	v0 =	vmax.f32 v0, v33;
	v35 =	vmax.f32 v6, v10;
	v6 =	vmin.f32 v6, v10  }
0x113: {  	v12 =	vld.idx.msk [tilespmem:v32+s2+$0x0], $0xffff;
	v0 =	vmax.f32 v0, v6;
	v37 =	vmax.f32 v35, v11;
	v5 =	vmin.f32 v35, v11  }
0x114: {  	v9 =	vld.idx.msk [tilespmem:v34+s2+$0x0], $0xffff;
	v0 =	vmax.f32 v0, v5;
	v39 =	vmin.f32 v37, v7;
	v6 =	vmax.f32 v37, v7  }
0x115: {  	v10 =	vld.idx.msk [tilespmem:v36+s2+$0x0], $0xffff;
	v0 =	vmax.f32 v0, v39;
	v41 =	vmax.f32 v6, v14;
	v6 =	vmin.f32 v6, v14  }
0x116: {  	v2 =	vld.idx.msk [tilespmem:v2+s2+$0x0], $0xffff;
	v0 =	vmax.f32 v0, v6;
	v43 =	vmax.f32 v41, v8;
	v5 =	vmin.f32 v41, v8  }
0x117: {  	v11 =	vld.idx.msk [tilespmem:v38+s2+$0x0], $0xffff;
	v0 =	vmax.f32 v0, v5;
	v45 =	vmin.f32 v43, v13;
	v6 =	vmax.f32 v43, v13  }
0x118: {  	v7 =	vld.idx.msk [tilespmem:v40+s2+$0x0], $0xffff;
	v0 =	vmax.f32 v0, v45;
	v47 =	vmax.f32 v6, v12;
	v6 =	vmin.f32 v6, v12  }
0x119: {  	v1 =	vld.idx.msk [tilespmem:v1+s2+$0x0], $0xffff;
	v0 =	vmax.f32 v0, v6;
	v49 =	vmax.f32 v47, v9;
	v5 =	vmin.f32 v47, v9  }
0x11a: {  	v51 =	vld.idx.msk [tilespmem:v42+s2+$0x0], $0xffff;
	v0 =	vmax.f32 v0, v5;
	v50 =	vmax.f32 v49, v10;
	v6 =	vmin.f32 v49, v10  }
0x11b: {  	v53 =	vld.idx.msk [tilespmem:v44+s2+$0x0], $0xffff;
	v0 =	vmax.f32 v0, v6;
	v52 =	vmax.f32 v50, v2;
	v2 =	vmin.f32 v50, v2  }
0x11c: {  	v55 =	vld.idx.msk [tilespmem:v46+s2+$0x0], $0xffff;
	v0 =	vmax.f32 v0, v2;
	v54 =	vmax.f32 v52, v11;
	v6 =	vmin.f32 v52, v11  }
0x11d: {  	v57 =	vld.idx.msk [tilespmem:v48+s2+$0x0], $0xffff;
	v0 =	vmax.f32 v0, v6;
	v56 =	vmax.f32 v54, v7;
	v2 =	vmin.f32 v54, v7  }
0x11e: {  	v0 =	vmax.f32 v0, v2;
	v58 =	vmax.f32 v56, v1;
	v1 =	vmin.f32 v56, v1  }
0x11f: {  	v0 =	vmax.f32 v0, v1;
	v59 =	vmax.f32 v58, v51;
	v2 =	vmin.f32 v58, v51  }
0x120: {  	v0 =	vmax.f32 v0, v2;
	v60 =	vmax.f32 v59, v53;
	v1 =	vmin.f32 v59, v53  }
0x121: {  	v0 =	vmax.f32 v0, v1;
	v61 =	vmax.f32 v60, v55;
	v2 =	vmin.f32 v60, v55  }
0x122: {  	v0 =	vmax.f32 v0, v2;
	v62 =	vmin.f32 v61, v57  }
0x123: {  	v1 =	vmax.f32 v61, v57;
	v0 =	vmax.f32 v0, v62  }
0x124: {  	v0 =	vsub.f32 v0, v1;
	_ =	sdelay $0x1  }
0x125: {  	v0 =	vmul.f32 $1.442695020e+00, v0;
	_ =	sdelay $0x1  }
0x126: {  	(erf) = vpow2.f32 v0;
	_ =	sdelay $0x8  }
0x127: {  	v0 =	vpop (erf)  }
0x128: {  	v63 =	vadd.f32 $1.000000000e+00, v0;
	_ =	sdelay $0x1  }
0x129: {  	(erf) = vrcp.f32 v63;
	_ =	sdelay $0x8  }
0x12a: {  	v1 =	vpop (erf)  }
0x12b: {  	s8 =	sadd.s32 $0x1, s8;
	v0 =	vmul.f32 v1, v0  }
0x12c: {  	p0 =	sne.s32 s8, s5;
	[tilespmem:v4+s7+$0x0] =	vst.idx.msk $0xffff, v1  }
.Ltmp1:
0x12d: {  	[tilespmem:v3+s7+$0x0] =	vst.idx.msk $0xffff, v0;
	(pc) =	sbr.rel @p0 .LBB2_1-.Ltmp1, $4  }
0x12e: {  	[hbm4b:s4+s2] =	stream.linear.scatter [tilespmem:s7], [sflag:$0x1], $0x4000, $0x38;
	[tilespmem:$0x8000] =	vst v63  }
0x12f: {  	_ =	swait.ge [sflag:s6], $0x4000  }
0x130: {  	[sflag:s6] =	ssyncset.done $0x0  }
0x131: {  	[sflag:s6] =	ssyncadd.s32 $0xFFFFC000  }
0x132: {  	_ =	sfence.sel $0x180000  }
0x133: {  	[bflag:$0x0] =	sbarrier.arrive $0xFFFF  }
0x134: {  	p0 =	sne.s32 s1, $0x0;
	_ =	strace $0x90000047  }
0x135: {  	s0 =	sadd.s32 @!p0 $0x100000, s0;
	[bflag:$0x2] =	sbarrier.arrive $0xFFFF  }
0x136: {  	[sflag:s0] =	ssyncadd.tile.s32 @!p0 $0x1;
	_ =	shalt  }
.Lfunc_end2:
_tile_overlayer_lowered:
.L_overlay_start_2:
0x137: {  	(tag) =	ssettag $0x2  }
0x138: {  	s0 =	rddreg [dreg:$0x0];
	s2 =	stileid.u32  }
0x139: {  	s1 =	rddreg [dreg:$0x1];
	p0 =	sne.s32 s2, $0x0  }
0x13a: {  	s3 =	rddreg [dreg:$0x2];
	[bflag:$0x3] =	sbarrier.arrive $0xFFFF;
	s2 =	simm.s32 @!p0 $0x1C01  }
0x13b: {  	[timem:s3], [sflag:s2] =	dma.local @!p0 [hbm:s0], s1  }
0x13c: {  	s0 =	simm.s32 @!p0 $0x1  }
0x13d: {  	_ =	swait.ge @!p0 [sflag:s0], s1  }
0x13e: {  	s1 =	ssub.s32 @!p0 $0x0, s1;
	[sflag:s0] =	ssyncset.done @!p0 $0x0  }
0x13f: {  	[sflag:s0] =	ssyncadd.s32 @!p0 s1  }
0x140: {  	[bflag:$0x3] =	sbarrier.arrive $0xFFFF  }
0x141: {  	_ =	shalt  }

// kernel: kernel.16.cloned.1.call-start
scs
__scs_entry_jumppad:
0x0: {  	(pc) =	sbr.rel $0x88, $3  }
0x1: {  	(tag) =	ssettag $0x0;
	lr =	simm.s32 $0x1  }
0x2: {  	[smem:$0x3F9F] =	sst lr;
	_ =	strace $0xD0000000  }
0x3: {  	_ = 	snop  }
0x4: {  	_ = 	snop  }
0x5: {  	_ = 	snop  }
0x6: {  	_ = 	snop  }
0x7: {  	_ = 	snop  }
__scs_overlays_trampoline_lowered:
0x8: {  	[smem:$0x3FAE] =	sst s0  }
0x9: {  	[smem:$0x3FAF] =	sst s1  }
0xa: {  	[smem:$0x3FB0] =	sst s2  }
0xb: {  	[smem:$0x3FB1] =	sst s3  }
0xc: {  	[smem:$0x3FB2] =	sst s4  }
0xd: {  	[smem:$0x3FB3] =	sst s5  }
0xe: {  	[smem:$0x3FB4] =	sst s6  }
0xf: {  	[smem:$0x3FB5] =	sst s7  }
0x10: {  	[smem:$0x3FB6] =	sst s8  }
0x11: {  	[smem:$0x3FB7] =	sst s9;
	s0 =	simm.s32 @!p0 $0x0  }
0x12: {  	s1 =	sld [smem:$0x3F9D];
	s0 =	simm.s32 @p0 $0x1  }
0x13: {  	[smem:$0x3FB8] =	sst s0;
	s0 =	simm.s32 @!p1 $0x0  }
0x14: {  	s2 =	sld [smem:$0x3F9C];
	s0 =	simm.s32 @p1 $0x1  }
0x15: {  	[smem:$0x3FB9] =	sst s0;
	s0 =	simm.s32 @!p2 $0x0  }
0x16: {  	s3 =	sld [smem:$0x3FDB];
	s0 =	simm.s32 @p2 $0x1  }
0x17: {  	s4 =	simm.s32 $0x1BF5;
	[smem:$0x3FBB] =	sst s0  }
0x18: {  	s0 =	sld [smem:$0x3F9E];
	_ =	swait.ge [sflag:s4], $0x0  }
0x19: {  	s7 =	sld [smem:$0x3F9F]  }
0x1a: {  	s8 =	sadd.s32 $0xFFFFE003, lr  }
0x1b: {  	s9 =	sadd.s32 $0xFFFFFEF7, lr;
	s5 =	simm.s32 $0xFFFFFFFF;
	p2 =	slt.u32 s8, $0xFFFFF086  }
0x1c: {  	p1 =	slt.u32 s9, $0xF7A;
	s5 =	simm.s32 @!p2 $0x0  }
0x1d: {  	s5 =	simm.s32 @p1 $0x1;
	p0 =	seq.s32 s7, s2  }
0x1e: {  	s7 =	smul.u32 @!p0 $0xF7A, s2;
	p2 =	seq.s32 @!p0 s5, $0x0  }
0x1f: {  	s9 =	smul.u32 $0xF7A, s1;
	s8 =	simm.s32 @!p0 $0x1BF5;
	p2 =	por !p2, p0  }
0x20: {  	[sflag:s8] =	ssyncset.s32 @!p0 $0xFFFFF086;
	s6 =	sadd.s32 @!p0 s3, s7;
	s7 =	simm.s32 @!p0 $0x108  }
0x21: {  	s3 =	sadd.s32 s3, s9;
	s6 =	sadd.s32 @!p0 $0x88, s6;
	s7 =	simm.s32 @p2 $0x1082  }
0x22: {  	[simem:s7], [sflag:s8] =	dma.local @!p0 [hbm:s6], $0xF7A  }
0x23: {  	s9 =	sor.u32 $0xD0000000, s2;
	s6 =	simm.s32 $0x108;
	_ =	swait.ge @!p0 [sflag:s8], $0x0  }
0x24: {  	s3 =	sadd.s32 $0x88, s3;
	s6 =	simm.s32 @!p1 $0x1082;
	[sflag:s4] =	ssyncset.s32 $0xFFFFF086  }
0x25: {  	[simem:s6], [sflag:s4] =	dma.local [hbm:s3], $0xF7A  }
0x26: {  	[smem:$0x3F9F] =	sst s1;
	(tag) =	ssettag s2;
	_ =	strace s9  }
0x27: {  	s1 =	sld [smem:$0x3FAF]  }
0x28: {  	s2 =	sld [smem:$0x3FB0]  }
0x29: {  	s4 =	sld [smem:$0x3FB2]  }
0x2a: {  	p0 =	seq.s32 s5, $0x0;
	s5 =	sld [smem:$0x3FB3]  }
0x2b: {  	s6 =	sld [smem:$0x3FB4]  }
0x2c: {  	s7 =	sld [smem:$0x3FB5]  }
0x2d: {  	s3 =	simm.s32 $0x108;
	s8 =	sld [smem:$0x3FB6]  }
0x2e: {  	s3 =	simm.s32 @!p0 $0x1082;
	s9 =	sld [smem:$0x3FB7]  }
0x2f: {  	lr =	sadd.s32 s0, s3;
	s0 =	sld [smem:$0x3FAE]  }
0x30: {  	s3 =	sld [smem:$0x3FB1]  }
0x31: {  	[smem:$0x3FBA] =	sst s10  }
0x32: {  	s10 =	sld [smem:$0x3FB8];
	_ =	sdelay $0x3  }
0x33: {  	p0 =	seq.s32 s10, $0x1;
	s10 =	sld [smem:$0x3FBA];
	_ =	sdelay $0x3  }
0x34: {  	[smem:$0x3FBA] =	sst s10  }
0x35: {  	s10 =	sld [smem:$0x3FB9];
	_ =	sdelay $0x3  }
0x36: {  	p1 =	seq.s32 s10, $0x1;
	s10 =	sld [smem:$0x3FBA];
	_ =	sdelay $0x3  }
0x37: {  	[smem:$0x3FBA] =	sst s10  }
0x38: {  	s10 =	sld [smem:$0x3FBB]  }
0x39: {  	_ = 	snop;
	(pc) =	sbr.ind lr, $3  }
0x3a: {  	_ = 	snop  }
0x3b: {  	_ = 	snop  }
0x3c: {  	p2 =	seq.s32 s10, $0x1;
	s10 =	sld [smem:$0x3FBA]  }
0x3d: {  	_ =	shalt  }
0x3e: {  	_ =	shalt  }
0x3f: {  	_ =	shalt  }
0x40: {  	_ =	shalt  }
0x41: {  	_ =	shalt  }
0x42: {  	_ =	shalt  }
0x43: {  	_ =	shalt  }
0x44: {  	_ =	shalt  }
0x45: {  	_ =	shalt  }
0x46: {  	_ =	shalt  }
0x47: {  	_ =	shalt  }
0x48: {  	_ =	shalt  }
0x49: {  	_ =	shalt  }
0x4a: {  	_ =	shalt  }
0x4b: {  	_ =	shalt  }
0x4c: {  	_ =	shalt  }
0x4d: {  	_ =	shalt  }
0x4e: {  	_ =	shalt  }
0x4f: {  	_ =	shalt  }
0x50: {  	_ =	shalt  }
0x51: {  	_ =	shalt  }
0x52: {  	_ =	shalt  }
0x53: {  	_ =	shalt  }
0x54: {  	_ =	shalt  }
0x55: {  	_ =	shalt  }
0x56: {  	_ =	shalt  }
0x57: {  	_ =	shalt  }
0x58: {  	_ =	shalt  }
0x59: {  	_ =	shalt  }
0x5a: {  	_ =	shalt  }
0x5b: {  	_ =	shalt  }
0x5c: {  	_ =	shalt  }
0x5d: {  	_ =	shalt  }
0x5e: {  	_ =	shalt  }
0x5f: {  	_ =	shalt  }
0x60: {  	_ =	shalt  }
0x61: {  	_ =	shalt  }
0x62: {  	_ =	shalt  }
0x63: {  	_ =	shalt  }
0x64: {  	_ =	shalt  }
0x65: {  	_ =	shalt  }
0x66: {  	_ =	shalt  }
0x67: {  	_ =	shalt  }
0x68: {  	_ =	shalt  }
0x69: {  	_ =	shalt  }
0x6a: {  	_ =	shalt  }
0x6b: {  	_ =	shalt  }
0x6c: {  	_ =	shalt  }
0x6d: {  	_ =	shalt  }
0x6e: {  	_ =	shalt  }
0x6f: {  	_ =	shalt  }
0x70: {  	_ =	shalt  }
0x71: {  	_ =	shalt  }
0x72: {  	_ =	shalt  }
0x73: {  	_ =	shalt  }
0x74: {  	_ =	shalt  }
0x75: {  	_ =	shalt  }
0x76: {  	_ =	shalt  }
0x77: {  	_ =	shalt  }
0x78: {  	_ =	shalt  }
0x79: {  	_ =	shalt  }
0x7a: {  	_ =	shalt  }
0x7b: {  	_ =	shalt  }
0x7c: {  	_ =	shalt  }
0x7d: {  	_ =	shalt  }
0x7e: {  	_ =	shalt  }
0x7f: {  	_ =	shalt  }
0x80: {  	_ =	shalt  }
0x81: {  	_ =	shalt  }
0x82: {  	_ =	shalt  }
0x83: {  	_ =	shalt  }
0x84: {  	_ =	shalt  }
0x85: {  	_ =	shalt  }
0x86: {  	_ =	shalt  }
0x87: {  	_ =	shalt  }
.Lfunc_end0:
.L_simem_size_0:
called_computation.2_lowered:
.L_overlay_start_0:
0x88: {  	s2 =	sld [smem:$0x3FD9]  }
0x89: {  	s3 =	sld [smem:$0x3FFE];
	_ =	sdelay $0x1  }
0x8a: {  	s1 =	srdreg.scid  }
0x8b: {  	s0 =	sand.u32 $0x1, s1  }
0x8c: {  	s17 =	sshll.u32 s0, $0xA;
	s2 =	sadd.s32 s3, s2  }
0x8d: {  	s2 =	sadd.s32 s2, s17  }
0x8e: {  	[smem:$0x3FC6] =	sst s2  }
0x8f: {  	_ = 	snop  }
0x90: {  	(tm) =	ssettm $0x1  }
0x91: {  	s18 =	sld [smem:$0x3FFB];
	_ =	sdelay $0x3  }
0x92: {  	_ =	strace s18  }
0x93: {  	s2 =	sld [smem:$0x3FFC];
	_ =	sdelay $0x3  }
0x94: {  	_ =	strace s2  }
0x95: {  	s2 =	sld [smem:$0x3FFD];
	_ =	sdelay $0x3  }
0x96: {  	_ =	strace s2  }
0x97: {  	_ =	strace $0x8FFFFFFF  }
0x98: {  	s19 =	sld [smem:$0x3FDB];
	_ =	sdelay $0x1  }
0x99: {  	s20 =	simm.s32 $_scs_section_size  }
0x9a: {  	s4 =	simm.s32 $_size__tile_overlayer_lowered;
	s5 =	simm.s32 $_tile_overlayer_lowered  }
0x9b: {  	s6 =	simm.s32 $0x1BFF;
	s21 =	sshll.u32 s5, $0x1;
	s3 =	sadd.s32 s20, s19  }
0x9c: {  	s22 =	simm.s32 $0x0;
	s4 =	sshll.u32 s4, $0x1;
	s5 =	sadd.s32 s21, s3  }
0x9d: {  	[timem:s22], [sflag:s6] =	dma.local [hbm:s5], s4  }
0x9e: {  	_ =	swait.ge [sflag:s6], s4  }
0x9f: {  	s4 =	ssub.s32 $0x0, s4;
	[sflag:s6] =	ssyncset.done $0x0  }
0xa0: {  	[sflag:s6] =	ssyncadd.s32 s4;
	_ =	sdelay $0x1  }
0xa1: {  	s23 =	simm.s32 $0x1B8B  }
0xa2: {  	_ =	swait.ge [sflag:s23], $0x1  }
0xa3: {  	[sflag:s23] =	ssyncset.done $0x0  }
0xa4: {  	[sflag:s23] =	ssyncadd.s32 $0xFFFFFFFF  }
0xa5: {  	s4 =	sld [smem:$0x0]  }
0xa6: {  	s5 =	sand.u32 $0xFFFFFFFE, s1  }
0xa7: {  	p0 =	sne.s32 s1, s5  }
0xa8: {  	s5 =	sshll.u32 @p0 s5, $0xE  }
0xa9: {  	s5 =	sadd.s32 @p0 $0x11B8D, s5;
	s6 =	sshll.u32 @p0 s4, $0x11  }
0xaa: {  	s5 =	sor.u32 @p0 s6, s5  }
0xab: {  	[sflag:s5] =	ssyncadd.remote.s32 @p0 $0x1;
	_ =	sdelay $0x1  }
0xac: {  	s5 =	simm.s32 @p0 $0x1B8D  }
0xad: {  	_ =	swait.eq @p0 [sflag:s5], $0x1  }
0xae: {  	[sflag:s5] =	ssyncadd.s32 @p0 $0xFFFFFFFF  }
0xaf: {  	s6 =	sshll.u32 @!p0 s1, $0xE  }
0xb0: {  	s6 =	sor.u32 @!p0 $0x4000, s6;
	s5 =	simm.s32 @!p0 $0x1B8D  }
0xb1: {  	s4 =	sshll.u32 @!p0 s4, $0x11;
	s6 =	sadd.s32 @!p0 $0x11B8D, s6;
	_ =	swait.eq @!p0 [sflag:s5], $0x1  }
0xb2: {  	s4 =	sor.u32 @!p0 s4, s6;
	[sflag:s5] =	ssyncadd.s32 @!p0 $0xFFFFFFFF  }
0xb3: {  	s25 =	simm.s32 $0x1B8E;
	s24 =	sld [smem:$0x3FFE];
	[sflag:s4] =	ssyncadd.remote.s32 @!p0 $0x1  }
0xb4: {  	s26 =	simm.s32 $execute0_lowered;
	[smem:$0x3FD2] =	sst s25  }
0xb5: {  	s5 =	sshll.u32 s26, $0x1;
	_ =	strace $0x80000049;
	[dreg:$0x1] =	wrdreg $0xFFFFFFFF  }
0xb6: {  	s28 =	simm.s32 $_size_execute0_lowered;
	s3 =	sadd.s32 s3, s5;
	[dreg:$0x0] =	wrdreg $0x0  }
0xb7: {  	s5 =	sshll.u32 s28, $0x1;
	[dreg:$0x2] =	wrdreg s3  }
0xb8: {  	[dreg:$0x3] =	wrdreg s5  }
0xb9: {  	[dreg:$0x4] =	wrdreg $0xC0  }
0xba: {  	_ =	task [dreg:s22], $0x5FFFF  }
0xbb: {  	[dreg:$0x1] =	wrdreg $0xFFFFFFFF  }
0xbc: {  	[dreg:$0x0] =	wrdreg $0x60  }
0xbd: {  	[dreg:$0x2] =	wrdreg s24  }
0xbe: {  	[dreg:$0x3] =	wrdreg $0xB  }
0xbf: {  	_ =	task.clear_ibuf [dreg:s22], $0x4FFFF;
	_ =	strace $0x90000049  }
0xc0: {  	s29 =	simm.s32 $0xB;
	_ =	strace $0x8000004B  }
0xc1: {  	_ =	swait.ge [sflag:s29], $0x1  }
0xc2: {  	[sflag:s29] =	ssyncadd.s32 $0xFFFFFFFF  }
0xc3: {  	_ =	strace $0x9000004B  }
0xc4: {  	_ =	sfence  }
0xc5: {  	s30 =	sld [smem:$0x0];
	_ =	sdelay $0x2  }
0xc6: {  	s31 =	sshll.u32 s1, $0xD;
	s1 =	sshrl.u32 s1, $0x2  }
0xc7: {  	s4 =	sand.u32 $0x4000, s31;
	s1 =	sadd.s32 s1, s30  }
0xc8: {  	s0 =	sor.u32 s4, s0;
	s1 =	sshll.u32 s1, $0x11  }
0xc9: {  	s0 =	sor.u32 s1, s0  }
0xca: {  	s0 =	sadd.s32 $0x8F2B, s0  }
0xcb: {  	[sflag:s0] =	ssyncadd.remote.s32 $0x1  }
0xcc: {  	_ =	sfence.sel $0xFFFF  }
0xcd: {  	[dreg:$0x0] =	wrdreg $0xFFFFFFFF;
	(pc) =	sbr.abs _section_cstart, $3  }
0xce: {  	[dreg:$0x1] =	wrdreg $0xFFFFFFFF  }
0xcf: {  	_ =	task.clear_ibuf [dreg:s22], $0x2FFFF;
	_ =	strace $0x9FFFFFFF  }
0xd0: {  	(tm) =	ssettm $0x7FFFFFFF  }
0xd1: {  	_ =	shalt  }
tec
execute0_lowered:
.L_overlay_start_1:
0x0: {  	(tag) =	ssettag $0x1  }
0x1: {  	s3 =	rddreg [dreg:$0x0]  }
0x2: {  	s0 =	rddreg [dreg:$0x1];
	s4 =	srdreg.scid  }
0x3: {  	s2 =	simm.s32 $0x0;
	s1 =	stileid.u32;
	s4 =	sand.u32 $0x1, s4  }
0x4: {  	s7 =	simm.s32 $0x4000;
	s5 =	sshll.u32 s1, $0xC;
	s6 =	sshll.u32 s4, $0xB  }
0x5: {  	v0 =	vlaneseq.u32;
	s8 =	simm.s32 $0x0;
	s4 =	ssub.s32 $0x2, s4;
	s5 =	sor.u32 s6, s5  }
0x6: {  	[smem:$0x7FF] =	sst s2;
	v16 =	vmul.u32 $0x80, v0;
	s31 =	sshrl.u32 s4, $0x1;
	s5 =	sadd.s32 s5, s3  }
0x7: {  	_ =	strace $0x8000004A;
	s6 =	ssub.s32 s4, s31;
	s3 =	sadd.s32 $0x11200, s5  }
0x8: {  	[tilespmem:$0x1FFF0] =	vst v16;
	s4 =	sadd.s32 $0x21200, s5;
	s5 =	smax.u32 s6, $0x1;
	s6 =	simm.s32 $0x1  }
.LBB2_1:
0x9: {  	v1 =	vmov s2  }
0xa: {  	v1 =	vshll.u32 v1, $0x7  }
0xb: {  	v2 =	vor.u32 v16, v1  }
0xc: {  	[tilespmem:s2], [sflag:$0x1] =	stream.linear.gather [hbm4b:s3+s2], $0x4000, $0x38;
	v17 =	vor.u32 $0x1, v2;
	[tilespmem:$0x8000] =	vst v63  }
0xd: {  	_ =	swait.ge [sflag:s6], $0x4000;
	v3 =	vor.u32 $0x2, v2  }
0xe: {  	[sflag:s6] =	ssyncset.done $0x0;
	v4 =	vor.u32 $0x3, v2  }
0xf: {  	[sflag:s6] =	ssyncadd.s32 $0xFFFFC000;
	v5 =	vor.u32 $0x4, v2  }
0x10: {  	v6 =	vld.idx.msk [tilespmem:v2+s2+$0x0], $0xffff  }
0x11: {  	v8 =	vor.u32 $0x5, v2;
	v7 =	vld.idx.msk [tilespmem:v17+s2+$0x0], $0xffff  }
0x12: {  	v10 =	vor.u32 $0x6, v2;
	v9 =	vld.idx.msk [tilespmem:v3+s2+$0x0], $0xffff  }
0x13: {  	v4 =	vld.idx.msk [tilespmem:v4+s2+$0x0], $0xffff  }
0x14: {  	v11 =	vor.u32 $0x7, v2;
	v12 =	vor.u32 $0x8, v2;
	v15 =	vor.u32 $0xA, v2;
	v5 =	vld.idx.msk [tilespmem:v5+s2+$0x0], $0xffff  }
0x15: {  	v44 =	vor.u32 $0xC, v2;
	v46 =	vor.u32 $0xE, v2;
	v13 =	vmin.f32 v6, $-Inf  }
0x16: {  	v8 =	vld.idx.msk [tilespmem:v8+s2+$0x0], $0xffff;
	v14 =	vmax.f32 v6, v7;
	v6 =	vmin.f32 v6, v7;
	v7 =	vor.u32 $0x9, v2  }
0x17: {  	v10 =	vld.idx.msk [tilespmem:v10+s2+$0x0], $0xffff;
	v6 =	vmax.f32 v13, v6;
	v41 =	vmax.f32 v14, v9;
	v9 =	vmin.f32 v14, v9  }
0x18: {  	v42 =	vmax.f32 v41, v4;
	v13 =	vmin.f32 v41, v4;
	v6 =	vmax.f32 v6, v9  }
0x19: {  	v11 =	vld.idx.msk [tilespmem:v11+s2+$0x0], $0xffff;
	v9 =	vor.u32 $0xB, v2;
	v6 =	vmax.f32 v6, v13;
	v43 =	vmin.f32 v42, v5  }
0x1a: {  	v47 =	vor.u32 $0x10, v2;
	v12 =	vld.idx.msk [tilespmem:v12+s2+$0x0], $0xffff;
	v5 =	vmax.f32 v42, v5;
	v6 =	vmax.f32 v6, v43  }
0x1b: {  	v45 =	vmax.f32 v5, v8;
	v5 =	vmin.f32 v5, v8;
	v8 =	vor.u32 $0xD, v2;
	v7 =	vld.idx.msk [tilespmem:v7+s2+$0x0], $0xffff  }
0x1c: {  	v15 =	vld.idx.msk [tilespmem:v15+s2+$0x0], $0xffff;
	v5 =	vmax.f32 v6, v5;
	v6 =	vmax.f32 v45, v10;
	v10 =	vmin.f32 v45, v10  }
0x1d: {  	v48 =	vor.u32 $0x14, v2;
	v49 =	vor.u32 $0x16, v2;
	v5 =	vmax.f32 v5, v10  }
0x1e: {  	v10 =	vmin.f32 v6, v11;
	v6 =	vmax.f32 v6, v11;
	v11 =	vor.u32 $0xF, v2;
	v9 =	vld.idx.msk [tilespmem:v9+s2+$0x0], $0xffff  }
0x1f: {  	v14 =	vld.idx.msk [tilespmem:v44+s2+$0x0], $0xffff;
	v5 =	vmax.f32 v5, v10;
	v10 =	vmax.f32 v6, v12;
	v6 =	vmin.f32 v6, v12  }
0x20: {  	v5 =	vmax.f32 v5, v6;
	v6 =	vmax.f32 v10, v7;
	v7 =	vmin.f32 v10, v7  }
0x21: {  	v8 =	vld.idx.msk [tilespmem:v8+s2+$0x0], $0xffff;
	v10 =	vor.u32 $0x11, v2;
	v5 =	vmax.f32 v5, v7;
	v7 =	vmin.f32 v6, v15  }
0x22: {  	v13 =	vld.idx.msk [tilespmem:v46+s2+$0x0], $0xffff;
	v6 =	vmax.f32 v6, v15;
	v15 =	vor.u32 $0x12, v2;
	v5 =	vmax.f32 v5, v7  }
0x23: {  	v11 =	vld.idx.msk [tilespmem:v11+s2+$0x0], $0xffff;
	v7 =	vmax.f32 v6, v9;
	v6 =	vmin.f32 v6, v9;
	v9 =	vor.u32 $0x13, v2  }
0x24: {  	v12 =	vld.idx.msk [tilespmem:v47+s2+$0x0], $0xffff;
	v5 =	vmax.f32 v5, v6;
	v6 =	vmax.f32 v7, v14;
	v7 =	vmin.f32 v7, v14  }
0x25: {  	v50 =	vor.u32 $0x18, v2;
	v51 =	vor.u32 $0x1C, v2;
	v5 =	vmax.f32 v5, v7  }
0x26: {  	v7 =	vmin.f32 v6, v8;
	v6 =	vmax.f32 v6, v8;
	v8 =	vor.u32 $0x15, v2;
	v10 =	vld.idx.msk [tilespmem:v10+s2+$0x0], $0xffff  }
0x27: {  	v5 =	vmax.f32 v5, v7;
	v7 =	vmax.f32 v6, v13;
	v6 =	vmin.f32 v6, v13;
	v15 =	vld.idx.msk [tilespmem:v15+s2+$0x0], $0xffff  }
0x28: {  	v5 =	vmax.f32 v5, v6;
	v6 =	vmax.f32 v7, v11;
	v7 =	vmin.f32 v7, v11  }
0x29: {  	v11 =	vor.u32 $0x17, v2;
	v9 =	vld.idx.msk [tilespmem:v9+s2+$0x0], $0xffff;
	v5 =	vmax.f32 v5, v7;
	v7 =	vmin.f32 v6, v12  }
0x2a: {  	v52 =	vor.u32 $0x1E, v2;
	v14 =	vld.idx.msk [tilespmem:v48+s2+$0x0], $0xffff;
	v6 =	vmax.f32 v6, v12;
	v5 =	vmax.f32 v5, v7  }
0x2b: {  	v8 =	vld.idx.msk [tilespmem:v8+s2+$0x0], $0xffff;
	v7 =	vmax.f32 v6, v10;
	v6 =	vmin.f32 v6, v10;
	v10 =	vor.u32 $0x19, v2  }
0x2c: {  	v13 =	vld.idx.msk [tilespmem:v49+s2+$0x0], $0xffff;
	v5 =	vmax.f32 v5, v6;
	v6 =	vmax.f32 v7, v15;
	v7 =	vmin.f32 v7, v15  }
0x2d: {  	v53 =	vor.u32 $0x20, v2;
	v15 =	vor.u32 $0x1A, v2;
	v5 =	vmax.f32 v5, v7  }
0x2e: {  	v11 =	vld.idx.msk [tilespmem:v11+s2+$0x0], $0xffff;
	v7 =	vmin.f32 v6, v9;
	v6 =	vmax.f32 v6, v9;
	v9 =	vor.u32 $0x1B, v2  }
0x2f: {  	v12 =	vld.idx.msk [tilespmem:v50+s2+$0x0], $0xffff;
	v5 =	vmax.f32 v5, v7;
	v7 =	vmax.f32 v6, v14;
	v6 =	vmin.f32 v6, v14  }
0x30: {  	v5 =	vmax.f32 v5, v6;
	v6 =	vmax.f32 v7, v8;
	v7 =	vmin.f32 v7, v8;
	v10 =	vld.idx.msk [tilespmem:v10+s2+$0x0], $0xffff  }
0x31: {  	v8 =	vor.u32 $0x1D, v2;
	v5 =	vmax.f32 v5, v7;
	v7 =	vmin.f32 v6, v13  }
0x32: {  	v54 =	vor.u32 $0x24, v2;
	v6 =	vmax.f32 v6, v13;
	v15 =	vld.idx.msk [tilespmem:v15+s2+$0x0], $0xffff;
	v5 =	vmax.f32 v5, v7  }
0x33: {  	v7 =	vmax.f32 v6, v11;
	v6 =	vmin.f32 v6, v11;
	v11 =	vor.u32 $0x1F, v2;
	v9 =	vld.idx.msk [tilespmem:v9+s2+$0x0], $0xffff  }
0x34: {  	v14 =	vld.idx.msk [tilespmem:v51+s2+$0x0], $0xffff;
	v5 =	vmax.f32 v5, v6;
	v6 =	vmax.f32 v7, v12;
	v7 =	vmin.f32 v7, v12  }
0x35: {  	v55 =	vor.u32 $0x26, v2;
	v5 =	vmax.f32 v5, v7;
	v7 =	vmin.f32 v6, v10  }
0x36: {  	v8 =	vld.idx.msk [tilespmem:v8+s2+$0x0], $0xffff;
	v6 =	vmax.f32 v6, v10;
	v10 =	vor.u32 $0x21, v2;
	v5 =	vmax.f32 v5, v7  }
0x37: {  	v13 =	vld.idx.msk [tilespmem:v52+s2+$0x0], $0xffff;
	v7 =	vmax.f32 v6, v15;
	v6 =	vmin.f32 v6, v15;
	v15 =	vor.u32 $0x22, v2  }
0x38: {  	v5 =	vmax.f32 v5, v6;
	v6 =	vmax.f32 v7, v9;
	v7 =	vmin.f32 v7, v9  }
0x39: {  	v11 =	vld.idx.msk [tilespmem:v11+s2+$0x0], $0xffff;
	v9 =	vor.u32 $0x23, v2;
	v5 =	vmax.f32 v5, v7;
	v7 =	vmin.f32 v6, v14  }
0x3a: {  	v56 =	vor.u32 $0x28, v2;
	v12 =	vld.idx.msk [tilespmem:v53+s2+$0x0], $0xffff;
	v6 =	vmax.f32 v6, v14;
	v5 =	vmax.f32 v5, v7  }
0x3b: {  	v7 =	vmax.f32 v6, v8;
	v6 =	vmin.f32 v6, v8;
	v8 =	vor.u32 $0x25, v2;
	v10 =	vld.idx.msk [tilespmem:v10+s2+$0x0], $0xffff  }
0x3c: {  	v5 =	vmax.f32 v5, v6;
	v6 =	vmax.f32 v7, v13;
	v7 =	vmin.f32 v7, v13;
	v15 =	vld.idx.msk [tilespmem:v15+s2+$0x0], $0xffff  }
0x3d: {  	v57 =	vor.u32 $0x2C, v2;
	v58 =	vor.u32 $0x2E, v2;
	v5 =	vmax.f32 v5, v7  }
0x3e: {  	v7 =	vmin.f32 v6, v11;
	v6 =	vmax.f32 v6, v11;
	v11 =	vor.u32 $0x27, v2;
	v9 =	vld.idx.msk [tilespmem:v9+s2+$0x0], $0xffff  }
0x3f: {  	v14 =	vld.idx.msk [tilespmem:v54+s2+$0x0], $0xffff;
	v5 =	vmax.f32 v5, v7;
	v7 =	vmax.f32 v6, v12;
	v6 =	vmin.f32 v6, v12  }
0x40: {  	v5 =	vmax.f32 v5, v6;
	v6 =	vmax.f32 v7, v10;
	v7 =	vmin.f32 v7, v10  }
0x41: {  	v8 =	vld.idx.msk [tilespmem:v8+s2+$0x0], $0xffff;
	v10 =	vor.u32 $0x29, v2;
	v5 =	vmax.f32 v5, v7;
	v7 =	vmin.f32 v6, v15  }
0x42: {  	v13 =	vld.idx.msk [tilespmem:v55+s2+$0x0], $0xffff;
	v6 =	vmax.f32 v6, v15;
	v15 =	vor.u32 $0x2A, v2;
	v5 =	vmax.f32 v5, v7  }
0x43: {  	v11 =	vld.idx.msk [tilespmem:v11+s2+$0x0], $0xffff;
	v7 =	vmax.f32 v6, v9;
	v6 =	vmin.f32 v6, v9;
	v9 =	vor.u32 $0x2B, v2  }
0x44: {  	v12 =	vld.idx.msk [tilespmem:v56+s2+$0x0], $0xffff;
	v5 =	vmax.f32 v5, v6;
	v6 =	vmax.f32 v7, v14;
	v7 =	vmin.f32 v7, v14  }
0x45: {  	v59 =	vor.u32 $0x30, v2;
	v60 =	vor.u32 $0x34, v2;
	v5 =	vmax.f32 v5, v7  }
0x46: {  	v7 =	vmin.f32 v6, v8;
	v6 =	vmax.f32 v6, v8;
	v8 =	vor.u32 $0x2D, v2;
	v10 =	vld.idx.msk [tilespmem:v10+s2+$0x0], $0xffff  }
0x47: {  	v5 =	vmax.f32 v5, v7;
	v7 =	vmax.f32 v6, v13;
	v6 =	vmin.f32 v6, v13;
	v15 =	vld.idx.msk [tilespmem:v15+s2+$0x0], $0xffff  }
0x48: {  	v5 =	vmax.f32 v5, v6;
	v6 =	vmax.f32 v7, v11;
	v7 =	vmin.f32 v7, v11  }
0x49: {  	v11 =	vor.u32 $0x2F, v2;
	v9 =	vld.idx.msk [tilespmem:v9+s2+$0x0], $0xffff;
	v5 =	vmax.f32 v5, v7;
	v7 =	vmin.f32 v6, v12  }
0x4a: {  	v61 =	vor.u32 $0x36, v2;
	v14 =	vld.idx.msk [tilespmem:v57+s2+$0x0], $0xffff;
	v6 =	vmax.f32 v6, v12;
	v5 =	vmax.f32 v5, v7  }
0x4b: {  	v8 =	vld.idx.msk [tilespmem:v8+s2+$0x0], $0xffff;
	v7 =	vmax.f32 v6, v10;
	v6 =	vmin.f32 v6, v10;
	v10 =	vor.u32 $0x31, v2  }
0x4c: {  	v13 =	vld.idx.msk [tilespmem:v58+s2+$0x0], $0xffff;
	v5 =	vmax.f32 v5, v6;
	v6 =	vmax.f32 v7, v15;
	v7 =	vmin.f32 v7, v15  }
0x4d: {  	v62 =	vor.u32 $0x39, v2;
	v15 =	vor.u32 $0x32, v2;
	v5 =	vmax.f32 v5, v7  }
0x4e: {  	v11 =	vld.idx.msk [tilespmem:v11+s2+$0x0], $0xffff;
	v7 =	vmin.f32 v6, v9;
	v6 =	vmax.f32 v6, v9;
	v9 =	vor.u32 $0x33, v2  }
0x4f: {  	v12 =	vld.idx.msk [tilespmem:v59+s2+$0x0], $0xffff;
	v5 =	vmax.f32 v5, v7;
	v7 =	vmax.f32 v6, v14;
	v6 =	vmin.f32 v6, v14  }
0x50: {  	v5 =	vmax.f32 v5, v6;
	v6 =	vmax.f32 v7, v8;
	v7 =	vmin.f32 v7, v8;
	v10 =	vld.idx.msk [tilespmem:v10+s2+$0x0], $0xffff  }
0x51: {  	v8 =	vor.u32 $0x35, v2;
	v5 =	vmax.f32 v5, v7;
	v7 =	vmin.f32 v6, v13  }
0x52: {  	v4 =	vor.u32 $0x38, v2;
	v6 =	vmax.f32 v6, v13;
	v15 =	vld.idx.msk [tilespmem:v15+s2+$0x0], $0xffff;
	v5 =	vmax.f32 v5, v7  }
0x53: {  	v7 =	vmax.f32 v6, v11;
	v6 =	vmin.f32 v6, v11;
	v11 =	vor.u32 $0x37, v2;
	v9 =	vld.idx.msk [tilespmem:v9+s2+$0x0], $0xffff  }
0x54: {  	v14 =	vld.idx.msk [tilespmem:v60+s2+$0x0], $0xffff;
	v5 =	vmax.f32 v5, v6;
	v6 =	vmax.f32 v7, v12;
	v7 =	vmin.f32 v7, v12  }
0x55: {  	v3 =	vor.u32 $0x3B, v2;
	v5 =	vmax.f32 v5, v7;
	v7 =	vmin.f32 v6, v10  }
0x56: {  	v8 =	vld.idx.msk [tilespmem:v8+s2+$0x0], $0xffff;
	v6 =	vmax.f32 v6, v10;
	v10 =	vor.u32 $0x3A, v2;
	v5 =	vmax.f32 v5, v7  }
0x57: {  	v13 =	vld.idx.msk [tilespmem:v61+s2+$0x0], $0xffff;
	v7 =	vmax.f32 v6, v15;
	v6 =	vmin.f32 v6, v15;
	v15 =	vor.u32 $0x3C, v2  }
0x58: {  	v11 =	vld.idx.msk [tilespmem:v11+s2+$0x0], $0xffff;
	v5 =	vmax.f32 v5, v6;
	v6 =	vmax.f32 v7, v9;
	v7 =	vmin.f32 v7, v9  }
0x59: {  	v4 =	vld.idx.msk [tilespmem:v4+s2+$0x0], $0xffff;
	v9 =	vor.u32 $0x3D, v2;
	v5 =	vmax.f32 v5, v7;
	v7 =	vmin.f32 v6, v14  }
0x5a: {  	v63 =	vor.u32 $0x3E, v2;
	v12 =	vld.idx.msk [tilespmem:v62+s2+$0x0], $0xffff;
	v6 =	vmax.f32 v6, v14;
	v5 =	vmax.f32 v5, v7  }
0x5b: {  	v7 =	vmax.f32 v6, v8;
	v6 =	vmin.f32 v6, v8;
	v8 =	vor.u32 $0x3F, v2;
	v10 =	vld.idx.msk [tilespmem:v10+s2+$0x0], $0xffff  }
0x5c: {  	v3 =	vld.idx.msk [tilespmem:v3+s2+$0x0], $0xffff;
	v5 =	vmax.f32 v5, v6;
	v6 =	vmax.f32 v7, v13;
	v7 =	vmin.f32 v7, v13  }
0x5d: {  	v5 =	vmax.f32 v5, v7;
	v7 =	vmax.f32 v6, v11;
	v6 =	vmin.f32 v6, v11;
	v11 =	vld.idx.msk [tilespmem:v15+s2+$0x0], $0xffff  }
0x5e: {  	v5 =	vmax.f32 v5, v6;
	v6 =	vmax.f32 v7, v4;
	v4 =	vmin.f32 v7, v4;
	v7 =	vld.idx.msk [tilespmem:v9+s2+$0x0], $0xffff  }
0x5f: {  	v9 =	vld.idx.msk [tilespmem:v63+s2+$0x0], $0xffff;
	v4 =	vmax.f32 v5, v4;
	v5 =	vmax.f32 v6, v12;
	v6 =	vmin.f32 v6, v12  }
0x60: {  	v4 =	vmax.f32 v4, v6;
	v8 =	vld.idx.msk [tilespmem:v8+s2+$0x0], $0xffff;
	v6 =	vmax.f32 v5, v10;
	v5 =	vmin.f32 v5, v10  }
0x61: {  	v4 =	vmax.f32 v4, v5;
	v5 =	vmax.f32 v6, v3;
	v3 =	vmin.f32 v6, v3  }
0x62: {  	v3 =	vmax.f32 v4, v3;
	v4 =	vmax.f32 v5, v11;
	v5 =	vmin.f32 v5, v11  }
0x63: {  	v3 =	vmax.f32 v3, v5;
	v5 =	vmax.f32 v4, v7;
	v4 =	vmin.f32 v4, v7  }
0x64: {  	v3 =	vmax.f32 v3, v4;
	v4 =	vmax.f32 v5, v9;
	v5 =	vmin.f32 v5, v9  }
0x65: {  	v3 =	vmax.f32 v3, v5;
	v5 =	vmin.f32 v4, v8  }
0x66: {  	v4 =	vmax.f32 v4, v8;
	v3 =	vmax.f32 v3, v5  }
0x67: {  	v3 =	vsub.f32 v3, v4;
	_ =	sdelay $0x1  }
0x68: {  	v3 =	vmul.f32 $1.442695020e+00, v3;
	_ =	sdelay $0x1  }
0x69: {  	(erf) = vpow2.f32 v3;
	_ =	sdelay $0x7  }
0x6a: {  	s9 =	simm.s32 $0x10  }
0x6b: {  	v3 =	vmov s9;
	v11 =	vpop (erf)  }
0x6c: {  	v3 =	vshll.u32 v3, $0x7;
	v5 =	vadd.f32 $1.000000000e+00, v11  }
0x6d: {  	v4 =	vor.u32 v16, v3  }
0x6e: {  	s9 =	simm.s32 $0x20;
	v3 =	vor.u32 $0x1, v4;
	v10 =	vor.u32 $0x2, v4;
	(erf) = vrcp.f32 v5  }
.LBB2_2:
0x6f: {  	v12 =	vor.u32 $0x4, v4;
	v36 =	vor.u32 $0x5, v4  }
0x70: {  	v0 =	vor.u32 $0x3B, v4;
	v41 =	vor.u32 $0x7, v4;
	v44 =	vor.u32 $0x8, v4  }
0x71: {  	v6 =	vor.u32 $0x38, v4;
	v45 =	vor.u32 $0xA, v4;
	v46 =	vor.u32 $0xB, v4  }
0x72: {  	v7 =	vor.u32 $0x36, v4;
	v47 =	vor.u32 $0xD, v4;
	v48 =	vor.u32 $0xE, v4  }
0x73: {  	v8 =	vor.u32 $0x33, v4;
	v49 =	vor.u32 $0x10, v4;
	v50 =	vor.u32 $0x11, v4  }
0x74: {  	v9 =	vor.u32 $0x30, v4;
	v43 =	vor.u32 $0x13, v4;
	v42 =	vor.u32 $0x14, v4  }
0x75: {  	v16 =	vor.u32 $0x2C, v4;
	v39 =	vor.u32 $0x16, v4;
	v38 =	vor.u32 $0x17, v4  }
0x76: {  	v15 =	vor.u32 $0x2D, v4;
	v51 =	vor.u32 $0xF, v4;
	v37 =	vor.u32 $0x19, v4  }
0x77: {  	v35 =	vor.u32 $0x1A, v4;
	v34 =	vor.u32 $0x1C, v4;
	v33 =	vor.u32 $0x1D, v4;
	v13 =	vpop (erf)  }
0x78: {  	v23 =	vor.u32 $0x27, v4;
	v32 =	vor.u32 $0x1F, v4;
	v30 =	vor.u32 $0x20, v4;
	[tilespmem:v2+s7+$0x0] =	vst.idx.msk $0xffff, v13;
	v2 =	vmovc v4  }
0x79: {  	v11 =	vmul.f32 v13, v11;
	v52 =	vor.u32 $0x6, v2;
	v53 =	vor.u32 $0xC, v2  }
0x7a: {  	v29 =	vor.u32 $0x22, v2;
	v60 =	vor.u32 $0x3, v2;
	v54 =	vor.u32 $0x9, v2  }
0x7b: {  	v24 =	vor.u32 $0x2A, v2;
	v55 =	vor.u32 $0x12, v2;
	v26 =	vor.u32 $0x28, v2  }
0x7c: {  	v25 =	vor.u32 $0x29, v2;
	v31 =	vor.u32 $0x24, v2;
	v28 =	vor.u32 $0x25, v2;
	[tilespmem:v17+s7+$0x0] =	vst.idx.msk $0xffff, v11  }
0x7d: {  	v21 =	vor.u32 $0x2F, v2;
	v27 =	vor.u32 $0x26, v2;
	v20 =	vor.u32 $0x31, v2;
	v56 =	vld.idx.msk [tilespmem:v4+s2+$0x0], $0xffff  }
0x7e: {  	v19 =	vor.u32 $0x32, v2;
	v22 =	vor.u32 $0x2E, v2;
	v18 =	vor.u32 $0x34, v2;
	v57 =	vld.idx.msk [tilespmem:v3+s2+$0x0], $0xffff  }
0x7f: {  	[tilespmem:$0x1FFD0] =	vst v0;
	v0 =	vmovc v3;
	v14 =	vor.u32 $0x37, v2;
	v62 =	vor.u32 $0x18, v2;
	v40 =	vor.u32 $0x21, v2;
	v58 =	vld.idx.msk [tilespmem:v10+s2+$0x0], $0xffff  }
0x80: {  	[tilespmem:$0x1FFE0] =	vst v0;
	v13 =	vor.u32 $0x39, v2;
	v5 =	vor.u32 $0x3F, v2;
	v0 =	vor.u32 $0x1E, v2;
	v61 =	vld.idx.msk [tilespmem:v12+s2+$0x0], $0xffff  }
0x81: {  	v17 =	vor.u32 $0x35, v2;
	v11 =	vor.u32 $0x3D, v2;
	v10 =	vor.u32 $0x3A, v2;
	v59 =	vld.idx.msk [tilespmem:v60+s2+$0x0], $0xffff  }
0x82: {  	v63 =	vld.idx.msk [tilespmem:v36+s2+$0x0], $0xffff;
	v3 =	vor.u32 $0x1B, v2;
	v4 =	vor.u32 $0x3E, v2;
	v12 =	vor.u32 $0x3C, v2  }
0x83: {  	v44 =	vld.idx.msk [tilespmem:v44+s2+$0x0], $0xffff;
	v36 =	vmin.f32 v56, $-Inf;
	v1 =	vmax.f32 v56, v57;
	v56 =	vmin.f32 v56, v57  }
0x84: {  	v52 =	vld.idx.msk [tilespmem:v52+s2+$0x0], $0xffff;
	v36 =	vmax.f32 v36, v56;
	v56 =	vmax.f32 v1, v58;
	v1 =	vmin.f32 v1, v58  }
0x85: {  	v60 =	vor.u32 $0x15, v2;
	v57 =	vld.idx.msk [tilespmem:v41+s2+$0x0], $0xffff;
	v41 =	vor.u32 $0x23, v2;
	v1 =	vmax.f32 v36, v1  }
0x86: {  	v45 =	vld.idx.msk [tilespmem:v45+s2+$0x0], $0xffff;
	v36 =	vor.u32 $0x2B, v2;
	v58 =	vmax.f32 v56, v59;
	v56 =	vmin.f32 v56, v59  }
0x87: {  	v54 =	vld.idx.msk [tilespmem:v54+s2+$0x0], $0xffff;
	v59 =	vmax.f32 v58, v61;
	v58 =	vmin.f32 v58, v61;
	v1 =	vmax.f32 v1, v56  }
0x88: {  	v46 =	vld.idx.msk [tilespmem:v46+s2+$0x0], $0xffff;
	v56 =	vmax.f32 v59, v63;
	v1 =	vmax.f32 v1, v58;
	v61 =	vmin.f32 v59, v63  }
0x89: {  	v47 =	vld.idx.msk [tilespmem:v47+s2+$0x0], $0xffff;
	v63 =	vmax.f32 v56, v52;
	v1 =	vmax.f32 v1, v61;
	v52 =	vmin.f32 v56, v52  }
0x8a: {  	v53 =	vld.idx.msk [tilespmem:v53+s2+$0x0], $0xffff;
	v56 =	vmax.f32 v63, v57;
	v1 =	vmax.f32 v1, v52;
	v61 =	vmin.f32 v63, v57  }
0x8b: {  	v48 =	vld.idx.msk [tilespmem:v48+s2+$0x0], $0xffff;
	v63 =	vmax.f32 v56, v44;
	v1 =	vmax.f32 v1, v61;
	v44 =	vmin.f32 v56, v44  }
0x8c: {  	v51 =	vld.idx.msk [tilespmem:v51+s2+$0x0], $0xffff;
	v61 =	vmax.f32 v63, v54;
	v1 =	vmax.f32 v1, v44;
	v63 =	vmin.f32 v63, v54  }
0x8d: {  	v49 =	vld.idx.msk [tilespmem:v49+s2+$0x0], $0xffff;
	v57 =	vmax.f32 v61, v45;
	v1 =	vmax.f32 v1, v63;
	v58 =	vmin.f32 v61, v45  }
0x8e: {  	v50 =	vld.idx.msk [tilespmem:v50+s2+$0x0], $0xffff;
	v59 =	vmax.f32 v57, v46;
	v1 =	vmax.f32 v1, v58;
	v61 =	vmin.f32 v57, v46  }
0x8f: {  	v43 =	vld.idx.msk [tilespmem:v43+s2+$0x0], $0xffff;
	v63 =	vmax.f32 v59, v53;
	v1 =	vmax.f32 v1, v61;
	v53 =	vmin.f32 v59, v53  }
0x90: {  	v52 =	vld.idx.msk [tilespmem:v55+s2+$0x0], $0xffff;
	v54 =	vmax.f32 v63, v47;
	v1 =	vmax.f32 v1, v53;
	v55 =	vmin.f32 v63, v47  }
0x91: {  	v42 =	vld.idx.msk [tilespmem:v42+s2+$0x0], $0xffff;
	v56 =	vmax.f32 v54, v48;
	v1 =	vmax.f32 v1, v55;
	v57 =	vmin.f32 v54, v48  }
0x92: {  	v39 =	vld.idx.msk [tilespmem:v39+s2+$0x0], $0xffff;
	v58 =	vmax.f32 v56, v51;
	v1 =	vmax.f32 v1, v57;
	v59 =	vmin.f32 v56, v51  }
0x93: {  	v47 =	vld.idx.msk [tilespmem:v60+s2+$0x0], $0xffff;
	v60 =	vmax.f32 v58, v49;
	v1 =	vmax.f32 v1, v59;
	v61 =	vmin.f32 v58, v49  }
0x94: {  	v38 =	vld.idx.msk [tilespmem:v38+s2+$0x0], $0xffff;
	v63 =	vmax.f32 v60, v50;
	v1 =	vmax.f32 v1, v61;
	v53 =	vmin.f32 v60, v50  }
0x95: {  	v37 =	vld.idx.msk [tilespmem:v37+s2+$0x0], $0xffff;
	v54 =	vmax.f32 v63, v52;
	v1 =	vmax.f32 v1, v53;
	v56 =	vmin.f32 v63, v52  }
0x96: {  	v55 =	vld.idx.msk [tilespmem:v62+s2+$0x0], $0xffff;
	v57 =	vmax.f32 v54, v43;
	v1 =	vmax.f32 v1, v56;
	v43 =	vmin.f32 v54, v43  }
0x97: {  	v35 =	vld.idx.msk [tilespmem:v35+s2+$0x0], $0xffff;
	v58 =	vmax.f32 v57, v42;
	v1 =	vmax.f32 v1, v43;
	v42 =	vmin.f32 v57, v42  }
0x98: {  	v34 =	vld.idx.msk [tilespmem:v34+s2+$0x0], $0xffff;
	v59 =	vmax.f32 v58, v47;
	v1 =	vmax.f32 v1, v42;
	v60 =	vmin.f32 v58, v47  }
0x99: {  	v3 =	vld.idx.msk [tilespmem:v3+s2+$0x0], $0xffff;
	v61 =	vmax.f32 v59, v39;
	v1 =	vmax.f32 v1, v60;
	v39 =	vmin.f32 v59, v39  }
0x9a: {  	v33 =	vld.idx.msk [tilespmem:v33+s2+$0x0], $0xffff;
	v62 =	vmax.f32 v61, v38;
	v1 =	vmax.f32 v1, v39;
	v38 =	vmin.f32 v61, v38  }
0x9b: {  	v32 =	vld.idx.msk [tilespmem:v32+s2+$0x0], $0xffff;
	v63 =	vmax.f32 v62, v55;
	v1 =	vmax.f32 v1, v38;
	v45 =	vmin.f32 v62, v55  }
0x9c: {  	v0 =	vld.idx.msk [tilespmem:v0+s2+$0x0], $0xffff;
	v46 =	vmax.f32 v63, v37;
	v1 =	vmax.f32 v1, v45;
	v37 =	vmin.f32 v63, v37  }
0x9d: {  	v30 =	vld.idx.msk [tilespmem:v30+s2+$0x0], $0xffff;
	v47 =	vmax.f32 v46, v35;
	v1 =	vmax.f32 v1, v37;
	v35 =	vmin.f32 v46, v35  }
0x9e: {  	v23 =	vld.idx.msk [tilespmem:v23+s2+$0x0], $0xffff;
	v48 =	vmax.f32 v47, v3;
	v1 =	vmax.f32 v1, v35;
	v3 =	vmin.f32 v47, v3  }
0x9f: {  	v49 =	vld.idx.msk [tilespmem:v40+s2+$0x0], $0xffff;
	v50 =	vmax.f32 v48, v34;
	v1 =	vmax.f32 v1, v3;
	v3 =	vmin.f32 v48, v34  }
0xa0: {  	v29 =	vld.idx.msk [tilespmem:v29+s2+$0x0], $0xffff;
	v51 =	vmax.f32 v50, v33;
	v1 =	vmax.f32 v1, v3;
	v3 =	vmin.f32 v50, v33  }
0xa1: {  	v52 =	vld.idx.msk [tilespmem:v41+s2+$0x0], $0xffff;
	v53 =	vmax.f32 v51, v0;
	v1 =	vmax.f32 v1, v3;
	v0 =	vmin.f32 v51, v0  }
0xa2: {  	v31 =	vld.idx.msk [tilespmem:v31+s2+$0x0], $0xffff;
	v3 =	vmax.f32 v53, v32;
	v0 =	vmax.f32 v1, v0;
	v1 =	vmin.f32 v53, v32  }
0xa3: {  	v28 =	vld.idx.msk [tilespmem:v28+s2+$0x0], $0xffff;
	v54 =	vmax.f32 v3, v30;
	v0 =	vmax.f32 v0, v1;
	v1 =	vmin.f32 v3, v30  }
0xa4: {  	v27 =	vld.idx.msk [tilespmem:v27+s2+$0x0], $0xffff;
	v3 =	vmax.f32 v54, v49;
	v0 =	vmax.f32 v0, v1;
	v1 =	vmin.f32 v54, v49  }
0xa5: {  	v16 =	vld.idx.msk [tilespmem:v16+s2+$0x0], $0xffff;
	v55 =	vmax.f32 v3, v29;
	v0 =	vmax.f32 v0, v1;
	v1 =	vmin.f32 v3, v29  }
0xa6: {  	v26 =	vld.idx.msk [tilespmem:v26+s2+$0x0], $0xffff;
	v3 =	vmax.f32 v55, v52;
	v0 =	vmax.f32 v0, v1;
	v1 =	vmin.f32 v55, v52  }
0xa7: {  	v25 =	vld.idx.msk [tilespmem:v25+s2+$0x0], $0xffff;
	v56 =	vmax.f32 v3, v31;
	v0 =	vmax.f32 v0, v1;
	v1 =	vmin.f32 v3, v31  }
0xa8: {  	v24 =	vld.idx.msk [tilespmem:v24+s2+$0x0], $0xffff;
	v3 =	vmax.f32 v56, v28;
	v0 =	vmax.f32 v0, v1;
	v1 =	vmin.f32 v56, v28  }
0xa9: {  	v57 =	vld.idx.msk [tilespmem:v36+s2+$0x0], $0xffff;
	v58 =	vmax.f32 v3, v27;
	v0 =	vmax.f32 v0, v1;
	v1 =	vmin.f32 v3, v27  }
0xaa: {  	v15 =	vld.idx.msk [tilespmem:v15+s2+$0x0], $0xffff;
	v3 =	vmax.f32 v58, v23;
	v0 =	vmax.f32 v0, v1;
	v1 =	vmin.f32 v58, v23  }
0xab: {  	v9 =	vld.idx.msk [tilespmem:v9+s2+$0x0], $0xffff;
	v59 =	vmax.f32 v3, v26;
	v0 =	vmax.f32 v0, v1;
	v1 =	vmin.f32 v3, v26  }
0xac: {  	v22 =	vld.idx.msk [tilespmem:v22+s2+$0x0], $0xffff;
	v3 =	vmax.f32 v59, v25;
	v0 =	vmax.f32 v0, v1;
	v1 =	vmin.f32 v59, v25  }
0xad: {  	v21 =	vld.idx.msk [tilespmem:v21+s2+$0x0], $0xffff;
	v60 =	vmax.f32 v3, v24;
	v0 =	vmax.f32 v0, v1;
	v1 =	vmin.f32 v3, v24  }
0xae: {  	v8 =	vld.idx.msk [tilespmem:v8+s2+$0x0], $0xffff;
	v3 =	vmax.f32 v60, v57;
	v0 =	vmax.f32 v0, v1;
	v1 =	vmin.f32 v60, v57  }
0xaf: {  	v20 =	vld.idx.msk [tilespmem:v20+s2+$0x0], $0xffff;
	v61 =	vmax.f32 v3, v16;
	v0 =	vmax.f32 v0, v1;
	v1 =	vmin.f32 v3, v16  }
0xb0: {  	v19 =	vld.idx.msk [tilespmem:v19+s2+$0x0], $0xffff;
	v3 =	vmax.f32 v61, v15;
	v0 =	vmax.f32 v0, v1;
	v1 =	vmin.f32 v61, v15  }
0xb1: {  	v63 =	vld [tilespmem:$0x1FFD0];
	v15 =	vmax.f32 v3, v22;
	v0 =	vmax.f32 v0, v1;
	v1 =	vmin.f32 v3, v22  }
0xb2: {  	v16 =	vld.idx.msk [tilespmem:v18+s2+$0x0], $0xffff;
	v3 =	vmax.f32 v15, v21;
	v0 =	vmax.f32 v0, v1;
	v1 =	vmin.f32 v15, v21  }
0xb3: {  	v17 =	vld.idx.msk [tilespmem:v17+s2+$0x0], $0xffff;
	v15 =	vmax.f32 v3, v9;
	v0 =	vmax.f32 v0, v1;
	v1 =	vmin.f32 v3, v9  }
0xb4: {  	v7 =	vld.idx.msk [tilespmem:v7+s2+$0x0], $0xffff;
	v3 =	vmax.f32 v15, v20;
	v0 =	vmax.f32 v0, v1;
	v1 =	vmin.f32 v15, v20  }
0xb5: {  	v9 =	vld.idx.msk [tilespmem:v14+s2+$0x0], $0xffff;
	v62 =	vmax.f32 v3, v19;
	v0 =	vmax.f32 v0, v1;
	v1 =	vmin.f32 v3, v19  }
0xb6: {  	v6 =	vld.idx.msk [tilespmem:v6+s2+$0x0], $0xffff;
	v3 =	vmax.f32 v62, v8;
	v0 =	vmax.f32 v0, v1;
	v1 =	vmin.f32 v62, v8  }
0xb7: {  	v13 =	vld.idx.msk [tilespmem:v13+s2+$0x0], $0xffff;
	v8 =	vmax.f32 v3, v16;
	v0 =	vmax.f32 v0, v1;
	v1 =	vmin.f32 v3, v16  }
0xb8: {  	v10 =	vld.idx.msk [tilespmem:v10+s2+$0x0], $0xffff;
	v3 =	vmax.f32 v8, v17;
	v0 =	vmax.f32 v0, v1;
	v1 =	vmin.f32 v8, v17  }
0xb9: {  	v14 =	vld.idx.msk [tilespmem:v63+s2+$0x0], $0xffff;
	v8 =	vmax.f32 v3, v7;
	v0 =	vmax.f32 v0, v1;
	v1 =	vmin.f32 v3, v7  }
0xba: {  	v12 =	vld.idx.msk [tilespmem:v12+s2+$0x0], $0xffff;
	v3 =	vmax.f32 v8, v9;
	v0 =	vmax.f32 v0, v1;
	v1 =	vmin.f32 v8, v9  }
0xbb: {  	v7 =	vld.idx.msk [tilespmem:v11+s2+$0x0], $0xffff;
	v8 =	vmax.f32 v3, v6;
	v0 =	vmax.f32 v0, v1;
	v1 =	vmin.f32 v3, v6  }
0xbc: {  	v4 =	vld.idx.msk [tilespmem:v4+s2+$0x0], $0xffff;
	v3 =	vmax.f32 v8, v13;
	v0 =	vmax.f32 v0, v1;
	v1 =	vmin.f32 v8, v13  }
0xbd: {  	v5 =	vld.idx.msk [tilespmem:v5+s2+$0x0], $0xffff;
	v6 =	vmax.f32 v3, v10;
	v0 =	vmax.f32 v0, v1;
	v1 =	vmin.f32 v3, v10  }
0xbe: {  	v3 =	vmax.f32 v6, v14;
	v0 =	vmax.f32 v0, v1;
	v1 =	vmin.f32 v6, v14  }
0xbf: {  	v6 =	vmax.f32 v3, v12;
	v0 =	vmax.f32 v0, v1;
	v1 =	vmin.f32 v3, v12  }
0xc0: {  	v3 =	vmax.f32 v6, v7;
	v0 =	vmax.f32 v0, v1;
	v1 =	vmin.f32 v6, v7  }
0xc1: {  	v6 =	vmax.f32 v3, v4;
	v0 =	vmax.f32 v0, v1;
	v1 =	vmin.f32 v3, v4  }
0xc2: {  	v0 =	vmax.f32 v0, v1;
	v1 =	vmin.f32 v6, v5  }
0xc3: {  	v3 =	vmax.f32 v6, v5;
	v0 =	vmax.f32 v0, v1  }
0xc4: {  	v0 =	vsub.f32 v0, v3;
	_ =	sdelay $0x1  }
0xc5: {  	v0 =	vmul.f32 $1.442695020e+00, v0;
	_ =	sdelay $0x1  }
0xc6: {  	(erf) = vpow2.f32 v0;
	_ =	sdelay $0x5  }
0xc7: {  	v16 =	vld [tilespmem:$0x1FFF0]  }
0xc8: {  	p0 =	sne.s32 s9, $0x70  }
.Ltmp0:
0xc9: {  	s10 =	smov.u32 s9;
	(pc) =	sbr.rel @p0 .LBB2_2-.Ltmp0, $4  }
0xca: {  	v0 =	vmov s10;
	v11 =	vpop (erf)  }
0xcb: {  	v0 =	vshll.u32 v0, $0x7;
	v1 =	vadd.f32 $1.000000000e+00, v11  }
0xcc: {  	v4 =	vor.u32 v16, v0  }
0xcd: {  	s9 =	sadd.s32 $0x10, s9;
	v17 =	vld [tilespmem:$0x1FFE0];
	v3 =	vor.u32 $0x1, v4;
	v10 =	vor.u32 $0x2, v4;
	(erf) = vrcp.f32 v1  }
0xce: {  	_ =	sdelay $0x7  }
0xcf: {  	v28 =	vor.u32 $0x3, v4;
	v29 =	vor.u32 $0x4, v4;
	v0 =	vpop (erf)  }
0xd0: {  	v7 =	vor.u32 $0x5, v4;
	v9 =	vor.u32 $0x6, v4;
	v1 =	vmul.f32 v0, v11  }
0xd1: {  	v30 =	vor.u32 $0x7, v4;
	v31 =	vor.u32 $0x8, v4;
	v33 =	vor.u32 $0x9, v4;
	[tilespmem:v2+s7+$0x0] =	vst.idx.msk $0xffff, v0  }
0xd2: {  	v14 =	vor.u32 $0xA, v4;
	v36 =	vor.u32 $0xB, v4;
	v38 =	vor.u32 $0xC, v4;
	[tilespmem:v17+s7+$0x0] =	vst.idx.msk $0xffff, v1  }
0xd3: {  	v40 =	vor.u32 $0xD, v4;
	v42 =	vor.u32 $0xE, v4;
	v44 =	vor.u32 $0xF, v4;
	v5 =	vld.idx.msk [tilespmem:v4+s2+$0x0], $0xffff  }
0xd4: {  	v46 =	vor.u32 $0x10, v4;
	v48 =	vor.u32 $0x11, v4;
	v50 =	vor.u32 $0x12, v4;
	v6 =	vld.idx.msk [tilespmem:v3+s2+$0x0], $0xffff  }
0xd5: {  	v52 =	vor.u32 $0x13, v4;
	v54 =	vor.u32 $0x14, v4;
	v56 =	vor.u32 $0x15, v4;
	v8 =	vld.idx.msk [tilespmem:v10+s2+$0x0], $0xffff  }
0xd6: {  	v58 =	vor.u32 $0x16, v4;
	v60 =	vor.u32 $0x17, v4;
	v62 =	vor.u32 $0x18, v4;
	v0 =	vld.idx.msk [tilespmem:v28+s2+$0x0], $0xffff  }
0xd7: {  	v20 =	vor.u32 $0x19, v4;
	v22 =	vor.u32 $0x1A, v4;
	v24 =	vor.u32 $0x1B, v4;
	v12 =	vld.idx.msk [tilespmem:v29+s2+$0x0], $0xffff  }
0xd8: {  	v26 =	vor.u32 $0x1C, v4;
	v2 =	vor.u32 $0x38, v4;
	v1 =	vor.u32 $0x3B, v4;
	v7 =	vld.idx.msk [tilespmem:v7+s2+$0x0], $0xffff  }
0xd9: {  	v9 =	vld.idx.msk [tilespmem:v9+s2+$0x0], $0xffff;
	v32 =	vmin.f32 v5, $-Inf;
	v13 =	vmax.f32 v5, v6;
	v5 =	vmin.f32 v5, v6  }
0xda: {  	v10 =	vld.idx.msk [tilespmem:v30+s2+$0x0], $0xffff;
	v28 =	vor.u32 $0x1D, v4;
	v30 =	vor.u32 $0x1E, v4;
	v5 =	vmax.f32 v32, v5  }
0xdb: {  	v11 =	vld.idx.msk [tilespmem:v31+s2+$0x0], $0xffff;
	v34 =	vmax.f32 v13, v8;
	v8 =	vmin.f32 v13, v8;
	v32 =	vor.u32 $0x1F, v4  }
0xdc: {  	v13 =	vld.idx.msk [tilespmem:v38+s2+$0x0], $0xffff;
	v38 =	vor.u32 $0x22, v4;
	v35 =	vmax.f32 v34, v0;
	v0 =	vmin.f32 v34, v0  }
0xdd: {  	v5 =	vmax.f32 v5, v8;
	v8 =	vld.idx.msk [tilespmem:v36+s2+$0x0], $0xffff;
	v34 =	vor.u32 $0x20, v4;
	v36 =	vor.u32 $0x21, v4  }
0xde: {  	v14 =	vld.idx.msk [tilespmem:v14+s2+$0x0], $0xffff;
	v0 =	vmax.f32 v5, v0;
	v37 =	vmin.f32 v35, v12;
	v12 =	vmax.f32 v35, v12  }
0xdf: {  	v6 =	vld.idx.msk [tilespmem:v33+s2+$0x0], $0xffff;
	v0 =	vmax.f32 v0, v37;
	v39 =	vmax.f32 v12, v7;
	v7 =	vmin.f32 v12, v7  }
0xe0: {  	v12 =	vld.idx.msk [tilespmem:v40+s2+$0x0], $0xffff;
	v40 =	vor.u32 $0x23, v4;
	v0 =	vmax.f32 v0, v7;
	v5 =	vmin.f32 v39, v9  }
0xe1: {  	v41 =	vmax.f32 v39, v9;
	v9 =	vld.idx.msk [tilespmem:v42+s2+$0x0], $0xffff;
	v42 =	vor.u32 $0x24, v4;
	v0 =	vmax.f32 v0, v5  }
0xe2: {  	v43 =	vmin.f32 v41, v10;
	v7 =	vmax.f32 v41, v10;
	v10 =	vld.idx.msk [tilespmem:v44+s2+$0x0], $0xffff;
	v44 =	vor.u32 $0x25, v4  }
0xe3: {  	v0 =	vmax.f32 v0, v43;
	v45 =	vmax.f32 v7, v11;
	v7 =	vmin.f32 v7, v11  }
0xe4: {  	v11 =	vld.idx.msk [tilespmem:v46+s2+$0x0], $0xffff;
	v46 =	vor.u32 $0x26, v4;
	v0 =	vmax.f32 v0, v7;
	v5 =	vmin.f32 v45, v6  }
0xe5: {  	v47 =	vmax.f32 v45, v6;
	v6 =	vld.idx.msk [tilespmem:v48+s2+$0x0], $0xffff;
	v48 =	vor.u32 $0x27, v4;
	v0 =	vmax.f32 v0, v5  }
0xe6: {  	v49 =	vmin.f32 v47, v14;
	v7 =	vmax.f32 v47, v14;
	v14 =	vld.idx.msk [tilespmem:v50+s2+$0x0], $0xffff;
	v50 =	vor.u32 $0x28, v4  }
0xe7: {  	v0 =	vmax.f32 v0, v49;
	v51 =	vmax.f32 v7, v8;
	v7 =	vmin.f32 v7, v8  }
0xe8: {  	v8 =	vld.idx.msk [tilespmem:v52+s2+$0x0], $0xffff;
	v52 =	vor.u32 $0x29, v4;
	v0 =	vmax.f32 v0, v7;
	v5 =	vmin.f32 v51, v13  }
0xe9: {  	v53 =	vmax.f32 v51, v13;
	v13 =	vld.idx.msk [tilespmem:v54+s2+$0x0], $0xffff;
	v54 =	vor.u32 $0x2A, v4;
	v0 =	vmax.f32 v0, v5  }
0xea: {  	v55 =	vmin.f32 v53, v12;
	v7 =	vmax.f32 v53, v12;
	v12 =	vld.idx.msk [tilespmem:v56+s2+$0x0], $0xffff;
	v56 =	vor.u32 $0x2B, v4  }
0xeb: {  	v0 =	vmax.f32 v0, v55;
	v57 =	vmax.f32 v7, v9;
	v7 =	vmin.f32 v7, v9  }
0xec: {  	v9 =	vld.idx.msk [tilespmem:v58+s2+$0x0], $0xffff;
	v58 =	vor.u32 $0x2C, v4;
	v0 =	vmax.f32 v0, v7;
	v5 =	vmin.f32 v57, v10  }
0xed: {  	v59 =	vmax.f32 v57, v10;
	v10 =	vld.idx.msk [tilespmem:v60+s2+$0x0], $0xffff;
	v60 =	vor.u32 $0x2D, v4;
	v0 =	vmax.f32 v0, v5  }
0xee: {  	v61 =	vmin.f32 v59, v11;
	v7 =	vmax.f32 v59, v11;
	v11 =	vld.idx.msk [tilespmem:v62+s2+$0x0], $0xffff;
	v62 =	vor.u32 $0x2E, v4  }
0xef: {  	v0 =	vmax.f32 v0, v61;
	v63 =	vmax.f32 v7, v6;
	v6 =	vmin.f32 v7, v6  }
0xf0: {  	v7 =	vld.idx.msk [tilespmem:v20+s2+$0x0], $0xffff;
	v20 =	vor.u32 $0x2F, v4;
	v0 =	vmax.f32 v0, v6;
	v5 =	vmin.f32 v63, v14  }
0xf1: {  	v21 =	vmax.f32 v63, v14;
	v14 =	vld.idx.msk [tilespmem:v22+s2+$0x0], $0xffff;
	v22 =	vor.u32 $0x30, v4;
	v0 =	vmax.f32 v0, v5  }
0xf2: {  	v23 =	vmin.f32 v21, v8;
	v6 =	vmax.f32 v21, v8;
	v8 =	vld.idx.msk [tilespmem:v24+s2+$0x0], $0xffff;
	v24 =	vor.u32 $0x31, v4  }
0xf3: {  	v0 =	vmax.f32 v0, v23;
	v25 =	vmax.f32 v6, v13;
	v6 =	vmin.f32 v6, v13  }
0xf4: {  	v13 =	vld.idx.msk [tilespmem:v26+s2+$0x0], $0xffff;
	v26 =	vor.u32 $0x32, v4;
	v0 =	vmax.f32 v0, v6;
	v5 =	vmin.f32 v25, v12  }
0xf5: {  	v27 =	vmax.f32 v25, v12;
	v12 =	vld.idx.msk [tilespmem:v28+s2+$0x0], $0xffff;
	v28 =	vor.u32 $0x33, v4;
	v0 =	vmax.f32 v0, v5  }
0xf6: {  	v29 =	vmin.f32 v27, v9;
	v6 =	vmax.f32 v27, v9;
	v9 =	vld.idx.msk [tilespmem:v30+s2+$0x0], $0xffff;
	v30 =	vor.u32 $0x34, v4  }
0xf7: {  	v0 =	vmax.f32 v0, v29;
	v31 =	vmax.f32 v6, v10;
	v6 =	vmin.f32 v6, v10  }
0xf8: {  	v10 =	vld.idx.msk [tilespmem:v32+s2+$0x0], $0xffff;
	v32 =	vor.u32 $0x35, v4;
	v0 =	vmax.f32 v0, v6;
	v5 =	vmin.f32 v31, v11  }
0xf9: {  	v33 =	vmax.f32 v31, v11;
	v11 =	vld.idx.msk [tilespmem:v34+s2+$0x0], $0xffff;
	v34 =	vor.u32 $0x36, v4;
	v0 =	vmax.f32 v0, v5  }
0xfa: {  	v35 =	vmin.f32 v33, v7;
	v6 =	vmax.f32 v33, v7;
	v7 =	vld.idx.msk [tilespmem:v36+s2+$0x0], $0xffff;
	v36 =	vor.u32 $0x37, v4  }
0xfb: {  	v0 =	vmax.f32 v0, v35;
	v37 =	vmax.f32 v6, v14;
	v6 =	vmin.f32 v6, v14  }
0xfc: {  	v14 =	vld.idx.msk [tilespmem:v38+s2+$0x0], $0xffff;
	v38 =	vor.u32 $0x39, v4;
	v0 =	vmax.f32 v0, v6;
	v5 =	vmin.f32 v37, v8  }
0xfd: {  	v39 =	vmax.f32 v37, v8;
	v8 =	vld.idx.msk [tilespmem:v40+s2+$0x0], $0xffff;
	v40 =	vor.u32 $0x3A, v4;
	v0 =	vmax.f32 v0, v5  }
0xfe: {  	v41 =	vmin.f32 v39, v13;
	v6 =	vmax.f32 v39, v13;
	v13 =	vld.idx.msk [tilespmem:v42+s2+$0x0], $0xffff;
	v42 =	vor.u32 $0x3C, v4  }
0xff: {  	v0 =	vmax.f32 v0, v41;
	v43 =	vmax.f32 v6, v12;
	v6 =	vmin.f32 v6, v12  }
0x100: {  	v12 =	vld.idx.msk [tilespmem:v44+s2+$0x0], $0xffff;
	v44 =	vor.u32 $0x3D, v4;
	v0 =	vmax.f32 v0, v6;
	v5 =	vmin.f32 v43, v9  }
0x101: {  	v45 =	vmax.f32 v43, v9;
	v9 =	vld.idx.msk [tilespmem:v46+s2+$0x0], $0xffff;
	v46 =	vor.u32 $0x3E, v4;
	v0 =	vmax.f32 v0, v5  }
0x102: {  	v47 =	vmin.f32 v45, v10;
	v6 =	vmax.f32 v45, v10;
	v10 =	vld.idx.msk [tilespmem:v48+s2+$0x0], $0xffff;
	v48 =	vor.u32 $0x3F, v4  }
0x103: {  	v0 =	vmax.f32 v0, v47;
	v49 =	vmax.f32 v6, v11;
	v6 =	vmin.f32 v6, v11  }
0x104: {  	v0 =	vmax.f32 v0, v6;
	v51 =	vmax.f32 v49, v7;
	v5 =	vmin.f32 v49, v7  }
0x105: {  	v0 =	vmax.f32 v0, v5;
	v53 =	vmin.f32 v51, v14;
	v6 =	vmax.f32 v51, v14  }
0x106: {  	v11 =	vld.idx.msk [tilespmem:v50+s2+$0x0], $0xffff;
	v0 =	vmax.f32 v0, v53;
	v55 =	vmax.f32 v6, v8;
	v6 =	vmin.f32 v6, v8  }
0x107: {  	v7 =	vld.idx.msk [tilespmem:v52+s2+$0x0], $0xffff;
	v0 =	vmax.f32 v0, v6;
	v57 =	vmax.f32 v55, v13;
	v5 =	vmin.f32 v55, v13  }
0x108: {  	v14 =	vld.idx.msk [tilespmem:v54+s2+$0x0], $0xffff;
	v0 =	vmax.f32 v0, v5;
	v59 =	vmin.f32 v57, v12;
	v6 =	vmax.f32 v57, v12  }
0x109: {  	v8 =	vld.idx.msk [tilespmem:v56+s2+$0x0], $0xffff;
	v0 =	vmax.f32 v0, v59;
	v61 =	vmax.f32 v6, v9;
	v6 =	vmin.f32 v6, v9  }
0x10a: {  	v13 =	vld.idx.msk [tilespmem:v58+s2+$0x0], $0xffff;
	v0 =	vmax.f32 v0, v6;
	v63 =	vmax.f32 v61, v10;
	v5 =	vmin.f32 v61, v10  }
0x10b: {  	v12 =	vld.idx.msk [tilespmem:v60+s2+$0x0], $0xffff;
	v0 =	vmax.f32 v0, v5;
	v21 =	vmin.f32 v63, v11;
	v6 =	vmax.f32 v63, v11  }
0x10c: {  	v9 =	vld.idx.msk [tilespmem:v62+s2+$0x0], $0xffff;
	v0 =	vmax.f32 v0, v21;
	v23 =	vmax.f32 v6, v7;
	v6 =	vmin.f32 v6, v7  }
0x10d: {  	v10 =	vld.idx.msk [tilespmem:v20+s2+$0x0], $0xffff;
	v0 =	vmax.f32 v0, v6;
	v25 =	vmax.f32 v23, v14;
	v5 =	vmin.f32 v23, v14  }
0x10e: {  	v11 =	vld.idx.msk [tilespmem:v22+s2+$0x0], $0xffff;
	v0 =	vmax.f32 v0, v5;
	v27 =	vmin.f32 v25, v8;
	v6 =	vmax.f32 v25, v8  }
0x10f: {  	v7 =	vld.idx.msk [tilespmem:v24+s2+$0x0], $0xffff;
	v0 =	vmax.f32 v0, v27;
	v29 =	vmax.f32 v6, v13;
	v6 =	vmin.f32 v6, v13  }
0x110: {  	v14 =	vld.idx.msk [tilespmem:v26+s2+$0x0], $0xffff;
	v0 =	vmax.f32 v0, v6;
	v31 =	vmax.f32 v29, v12;
	v5 =	vmin.f32 v29, v12  }
0x111: {  	v8 =	vld.idx.msk [tilespmem:v28+s2+$0x0], $0xffff;
	v0 =	vmax.f32 v0, v5;
	v33 =	vmin.f32 v31, v9;
	v6 =	vmax.f32 v31, v9  }
0x112: {  	v13 =	vld.idx.msk [tilespmem:v30+s2+$0x0], $0xffff;
	v0 =	vmax.f32 v0, v33;
	v35 =	vmax.f32 v6, v10;
	v6 =	vmin.f32 v6, v10  }
0x113: {  	v12 =	vld.idx.msk [tilespmem:v32+s2+$0x0], $0xffff;
	v0 =	vmax.f32 v0, v6;
	v37 =	vmax.f32 v35, v11;
	v5 =	vmin.f32 v35, v11  }
0x114: {  	v9 =	vld.idx.msk [tilespmem:v34+s2+$0x0], $0xffff;
	v0 =	vmax.f32 v0, v5;
	v39 =	vmin.f32 v37, v7;
	v6 =	vmax.f32 v37, v7  }
0x115: {  	v10 =	vld.idx.msk [tilespmem:v36+s2+$0x0], $0xffff;
	v0 =	vmax.f32 v0, v39;
	v41 =	vmax.f32 v6, v14;
	v6 =	vmin.f32 v6, v14  }
0x116: {  	v2 =	vld.idx.msk [tilespmem:v2+s2+$0x0], $0xffff;
	v0 =	vmax.f32 v0, v6;
	v43 =	vmax.f32 v41, v8;
	v5 =	vmin.f32 v41, v8  }
0x117: {  	v11 =	vld.idx.msk [tilespmem:v38+s2+$0x0], $0xffff;
	v0 =	vmax.f32 v0, v5;
	v45 =	vmin.f32 v43, v13;
	v6 =	vmax.f32 v43, v13  }
0x118: {  	v7 =	vld.idx.msk [tilespmem:v40+s2+$0x0], $0xffff;
	v0 =	vmax.f32 v0, v45;
	v47 =	vmax.f32 v6, v12;
	v6 =	vmin.f32 v6, v12  }
0x119: {  	v1 =	vld.idx.msk [tilespmem:v1+s2+$0x0], $0xffff;
	v0 =	vmax.f32 v0, v6;
	v49 =	vmax.f32 v47, v9;
	v5 =	vmin.f32 v47, v9  }
0x11a: {  	v51 =	vld.idx.msk [tilespmem:v42+s2+$0x0], $0xffff;
	v0 =	vmax.f32 v0, v5;
	v50 =	vmax.f32 v49, v10;
	v6 =	vmin.f32 v49, v10  }
0x11b: {  	v53 =	vld.idx.msk [tilespmem:v44+s2+$0x0], $0xffff;
	v0 =	vmax.f32 v0, v6;
	v52 =	vmax.f32 v50, v2;
	v2 =	vmin.f32 v50, v2  }
0x11c: {  	v55 =	vld.idx.msk [tilespmem:v46+s2+$0x0], $0xffff;
	v0 =	vmax.f32 v0, v2;
	v54 =	vmax.f32 v52, v11;
	v6 =	vmin.f32 v52, v11  }
0x11d: {  	v57 =	vld.idx.msk [tilespmem:v48+s2+$0x0], $0xffff;
	v0 =	vmax.f32 v0, v6;
	v56 =	vmax.f32 v54, v7;
	v2 =	vmin.f32 v54, v7  }
0x11e: {  	v0 =	vmax.f32 v0, v2;
	v58 =	vmax.f32 v56, v1;
	v1 =	vmin.f32 v56, v1  }
0x11f: {  	v0 =	vmax.f32 v0, v1;
	v59 =	vmax.f32 v58, v51;
	v2 =	vmin.f32 v58, v51  }
0x120: {  	v0 =	vmax.f32 v0, v2;
	v60 =	vmax.f32 v59, v53;
	v1 =	vmin.f32 v59, v53  }
0x121: {  	v0 =	vmax.f32 v0, v1;
	v61 =	vmax.f32 v60, v55;
	v2 =	vmin.f32 v60, v55  }
0x122: {  	v0 =	vmax.f32 v0, v2;
	v62 =	vmin.f32 v61, v57  }
0x123: {  	v1 =	vmax.f32 v61, v57;
	v0 =	vmax.f32 v0, v62  }
0x124: {  	v0 =	vsub.f32 v0, v1;
	_ =	sdelay $0x1  }
0x125: {  	v0 =	vmul.f32 $1.442695020e+00, v0;
	_ =	sdelay $0x1  }
0x126: {  	(erf) = vpow2.f32 v0;
	_ =	sdelay $0x8  }
0x127: {  	v0 =	vpop (erf)  }
0x128: {  	v63 =	vadd.f32 $1.000000000e+00, v0;
	_ =	sdelay $0x1  }
0x129: {  	(erf) = vrcp.f32 v63;
	_ =	sdelay $0x8  }
0x12a: {  	v1 =	vpop (erf)  }
0x12b: {  	s8 =	sadd.s32 $0x1, s8;
	v0 =	vmul.f32 v1, v0  }
0x12c: {  	p0 =	sne.s32 s8, s5;
	[tilespmem:v4+s7+$0x0] =	vst.idx.msk $0xffff, v1  }
.Ltmp1:
0x12d: {  	[tilespmem:v3+s7+$0x0] =	vst.idx.msk $0xffff, v0;
	(pc) =	sbr.rel @p0 .LBB2_1-.Ltmp1, $4  }
0x12e: {  	[hbm4b:s4+s2] =	stream.linear.scatter [tilespmem:s7], [sflag:$0x1], $0x4000, $0x38;
	[tilespmem:$0x8000] =	vst v63  }
0x12f: {  	_ =	swait.ge [sflag:s6], $0x4000  }
0x130: {  	[sflag:s6] =	ssyncset.done $0x0  }
0x131: {  	[sflag:s6] =	ssyncadd.s32 $0xFFFFC000  }
0x132: {  	_ =	sfence.sel $0x180000  }
0x133: {  	[bflag:$0x0] =	sbarrier.arrive $0xFFFF  }
0x134: {  	p0 =	sne.s32 s1, $0x0;
	_ =	strace $0x9000004A  }
0x135: {  	s0 =	sadd.s32 @!p0 $0x100000, s0;
	[bflag:$0x2] =	sbarrier.arrive $0xFFFF  }
0x136: {  	[sflag:s0] =	ssyncadd.tile.s32 @!p0 $0x1;
	_ =	shalt  }
.Lfunc_end2:
_tile_overlayer_lowered:
.L_overlay_start_2:
0x137: {  	(tag) =	ssettag $0x2  }
0x138: {  	s0 =	rddreg [dreg:$0x0];
	s2 =	stileid.u32  }
0x139: {  	s1 =	rddreg [dreg:$0x1];
	p0 =	sne.s32 s2, $0x0  }
0x13a: {  	s3 =	rddreg [dreg:$0x2];
	[bflag:$0x3] =	sbarrier.arrive $0xFFFF;
	s2 =	simm.s32 @!p0 $0x1C01  }
0x13b: {  	[timem:s3], [sflag:s2] =	dma.local @!p0 [hbm:s0], s1  }
0x13c: {  	s0 =	simm.s32 @!p0 $0x1  }
0x13d: {  	_ =	swait.ge @!p0 [sflag:s0], s1  }
0x13e: {  	s1 =	ssub.s32 @!p0 $0x0, s1;
	[sflag:s0] =	ssyncset.done @!p0 $0x0  }
0x13f: {  	[sflag:s0] =	ssyncadd.s32 @!p0 s1  }
0x140: {  	[bflag:$0x3] =	sbarrier.arrive $0xFFFF  }
0x141: {  	_ =	shalt  }

// kernel: kernel.19.cloned.1.call-start
scs
__scs_entry_jumppad:
0x0: {  	(pc) =	sbr.rel $0x88, $3  }
0x1: {  	(tag) =	ssettag $0x0;
	lr =	simm.s32 $0x1  }
0x2: {  	[smem:$0x3F9F] =	sst lr;
	_ =	strace $0xD0000000  }
0x3: {  	_ = 	snop  }
0x4: {  	_ = 	snop  }
0x5: {  	_ = 	snop  }
0x6: {  	_ = 	snop  }
0x7: {  	_ = 	snop  }
__scs_overlays_trampoline_lowered:
0x8: {  	[smem:$0x3FAE] =	sst s0  }
0x9: {  	[smem:$0x3FAF] =	sst s1  }
0xa: {  	[smem:$0x3FB0] =	sst s2  }
0xb: {  	[smem:$0x3FB1] =	sst s3  }
0xc: {  	[smem:$0x3FB2] =	sst s4  }
0xd: {  	[smem:$0x3FB3] =	sst s5  }
0xe: {  	[smem:$0x3FB4] =	sst s6  }
0xf: {  	[smem:$0x3FB5] =	sst s7  }
0x10: {  	[smem:$0x3FB6] =	sst s8  }
0x11: {  	[smem:$0x3FB7] =	sst s9;
	s0 =	simm.s32 @!p0 $0x0  }
0x12: {  	s1 =	sld [smem:$0x3F9D];
	s0 =	simm.s32 @p0 $0x1  }
0x13: {  	[smem:$0x3FB8] =	sst s0;
	s0 =	simm.s32 @!p1 $0x0  }
0x14: {  	s2 =	sld [smem:$0x3F9C];
	s0 =	simm.s32 @p1 $0x1  }
0x15: {  	[smem:$0x3FB9] =	sst s0;
	s0 =	simm.s32 @!p2 $0x0  }
0x16: {  	s3 =	sld [smem:$0x3FDB];
	s0 =	simm.s32 @p2 $0x1  }
0x17: {  	s4 =	simm.s32 $0x1BF5;
	[smem:$0x3FBB] =	sst s0  }
0x18: {  	s0 =	sld [smem:$0x3F9E];
	_ =	swait.ge [sflag:s4], $0x0  }
0x19: {  	s7 =	sld [smem:$0x3F9F]  }
0x1a: {  	s8 =	sadd.s32 $0xFFFFE003, lr  }
0x1b: {  	s9 =	sadd.s32 $0xFFFFFEF7, lr;
	s5 =	simm.s32 $0xFFFFFFFF;
	p2 =	slt.u32 s8, $0xFFFFF086  }
0x1c: {  	p1 =	slt.u32 s9, $0xF7A;
	s5 =	simm.s32 @!p2 $0x0  }
0x1d: {  	s5 =	simm.s32 @p1 $0x1;
	p0 =	seq.s32 s7, s2  }
0x1e: {  	s7 =	smul.u32 @!p0 $0xF7A, s2;
	p2 =	seq.s32 @!p0 s5, $0x0  }
0x1f: {  	s9 =	smul.u32 $0xF7A, s1;
	s8 =	simm.s32 @!p0 $0x1BF5;
	p2 =	por !p2, p0  }
0x20: {  	[sflag:s8] =	ssyncset.s32 @!p0 $0xFFFFF086;
	s6 =	sadd.s32 @!p0 s3, s7;
	s7 =	simm.s32 @!p0 $0x108  }
0x21: {  	s3 =	sadd.s32 s3, s9;
	s6 =	sadd.s32 @!p0 $0x88, s6;
	s7 =	simm.s32 @p2 $0x1082  }
0x22: {  	[simem:s7], [sflag:s8] =	dma.local @!p0 [hbm:s6], $0xF7A  }
0x23: {  	s9 =	sor.u32 $0xD0000000, s2;
	s6 =	simm.s32 $0x108;
	_ =	swait.ge @!p0 [sflag:s8], $0x0  }
0x24: {  	s3 =	sadd.s32 $0x88, s3;
	s6 =	simm.s32 @!p1 $0x1082;
	[sflag:s4] =	ssyncset.s32 $0xFFFFF086  }
0x25: {  	[simem:s6], [sflag:s4] =	dma.local [hbm:s3], $0xF7A  }
0x26: {  	[smem:$0x3F9F] =	sst s1;
	(tag) =	ssettag s2;
	_ =	strace s9  }
0x27: {  	s1 =	sld [smem:$0x3FAF]  }
0x28: {  	s2 =	sld [smem:$0x3FB0]  }
0x29: {  	s4 =	sld [smem:$0x3FB2]  }
0x2a: {  	p0 =	seq.s32 s5, $0x0;
	s5 =	sld [smem:$0x3FB3]  }
0x2b: {  	s6 =	sld [smem:$0x3FB4]  }
0x2c: {  	s7 =	sld [smem:$0x3FB5]  }
0x2d: {  	s3 =	simm.s32 $0x108;
	s8 =	sld [smem:$0x3FB6]  }
0x2e: {  	s3 =	simm.s32 @!p0 $0x1082;
	s9 =	sld [smem:$0x3FB7]  }
0x2f: {  	lr =	sadd.s32 s0, s3;
	s0 =	sld [smem:$0x3FAE]  }
0x30: {  	s3 =	sld [smem:$0x3FB1]  }
0x31: {  	[smem:$0x3FBA] =	sst s10  }
0x32: {  	s10 =	sld [smem:$0x3FB8];
	_ =	sdelay $0x3  }
0x33: {  	p0 =	seq.s32 s10, $0x1;
	s10 =	sld [smem:$0x3FBA];
	_ =	sdelay $0x3  }
0x34: {  	[smem:$0x3FBA] =	sst s10  }
0x35: {  	s10 =	sld [smem:$0x3FB9];
	_ =	sdelay $0x3  }
0x36: {  	p1 =	seq.s32 s10, $0x1;
	s10 =	sld [smem:$0x3FBA];
	_ =	sdelay $0x3  }
0x37: {  	[smem:$0x3FBA] =	sst s10  }
0x38: {  	s10 =	sld [smem:$0x3FBB]  }
0x39: {  	_ = 	snop;
	(pc) =	sbr.ind lr, $3  }
0x3a: {  	_ = 	snop  }
0x3b: {  	_ = 	snop  }
0x3c: {  	p2 =	seq.s32 s10, $0x1;
	s10 =	sld [smem:$0x3FBA]  }
0x3d: {  	_ =	shalt  }
0x3e: {  	_ =	shalt  }
0x3f: {  	_ =	shalt  }
0x40: {  	_ =	shalt  }
0x41: {  	_ =	shalt  }
0x42: {  	_ =	shalt  }
0x43: {  	_ =	shalt  }
0x44: {  	_ =	shalt  }
0x45: {  	_ =	shalt  }
0x46: {  	_ =	shalt  }
0x47: {  	_ =	shalt  }
0x48: {  	_ =	shalt  }
0x49: {  	_ =	shalt  }
0x4a: {  	_ =	shalt  }
0x4b: {  	_ =	shalt  }
0x4c: {  	_ =	shalt  }
0x4d: {  	_ =	shalt  }
0x4e: {  	_ =	shalt  }
0x4f: {  	_ =	shalt  }
0x50: {  	_ =	shalt  }
0x51: {  	_ =	shalt  }
0x52: {  	_ =	shalt  }
0x53: {  	_ =	shalt  }
0x54: {  	_ =	shalt  }
0x55: {  	_ =	shalt  }
0x56: {  	_ =	shalt  }
0x57: {  	_ =	shalt  }
0x58: {  	_ =	shalt  }
0x59: {  	_ =	shalt  }
0x5a: {  	_ =	shalt  }
0x5b: {  	_ =	shalt  }
0x5c: {  	_ =	shalt  }
0x5d: {  	_ =	shalt  }
0x5e: {  	_ =	shalt  }
0x5f: {  	_ =	shalt  }
0x60: {  	_ =	shalt  }
0x61: {  	_ =	shalt  }
0x62: {  	_ =	shalt  }
0x63: {  	_ =	shalt  }
0x64: {  	_ =	shalt  }
0x65: {  	_ =	shalt  }
0x66: {  	_ =	shalt  }
0x67: {  	_ =	shalt  }
0x68: {  	_ =	shalt  }
0x69: {  	_ =	shalt  }
0x6a: {  	_ =	shalt  }
0x6b: {  	_ =	shalt  }
0x6c: {  	_ =	shalt  }
0x6d: {  	_ =	shalt  }
0x6e: {  	_ =	shalt  }
0x6f: {  	_ =	shalt  }
0x70: {  	_ =	shalt  }
0x71: {  	_ =	shalt  }
0x72: {  	_ =	shalt  }
0x73: {  	_ =	shalt  }
0x74: {  	_ =	shalt  }
0x75: {  	_ =	shalt  }
0x76: {  	_ =	shalt  }
0x77: {  	_ =	shalt  }
0x78: {  	_ =	shalt  }
0x79: {  	_ =	shalt  }
0x7a: {  	_ =	shalt  }
0x7b: {  	_ =	shalt  }
0x7c: {  	_ =	shalt  }
0x7d: {  	_ =	shalt  }
0x7e: {  	_ =	shalt  }
0x7f: {  	_ =	shalt  }
0x80: {  	_ =	shalt  }
0x81: {  	_ =	shalt  }
0x82: {  	_ =	shalt  }
0x83: {  	_ =	shalt  }
0x84: {  	_ =	shalt  }
0x85: {  	_ =	shalt  }
0x86: {  	_ =	shalt  }
0x87: {  	_ =	shalt  }
.Lfunc_end0:
.L_simem_size_0:
called_computation.3_lowered:
.L_overlay_start_0:
0x88: {  	s2 =	sld [smem:$0x3FD9]  }
0x89: {  	s3 =	sld [smem:$0x3FFE];
	_ =	sdelay $0x1  }
0x8a: {  	s1 =	srdreg.scid  }
0x8b: {  	s0 =	sand.u32 $0x1, s1  }
0x8c: {  	s17 =	sshll.u32 s0, $0xA;
	s2 =	sadd.s32 s3, s2  }
0x8d: {  	s2 =	sadd.s32 s2, s17  }
0x8e: {  	[smem:$0x3FC6] =	sst s2  }
0x8f: {  	_ = 	snop  }
0x90: {  	(tm) =	ssettm $0x1  }
0x91: {  	s18 =	sld [smem:$0x3FFB];
	_ =	sdelay $0x3  }
0x92: {  	_ =	strace s18  }
0x93: {  	s2 =	sld [smem:$0x3FFC];
	_ =	sdelay $0x3  }
0x94: {  	_ =	strace s2  }
0x95: {  	s2 =	sld [smem:$0x3FFD];
	_ =	sdelay $0x3  }
0x96: {  	_ =	strace s2  }
0x97: {  	_ =	strace $0x8FFFFFFF  }
0x98: {  	s19 =	sld [smem:$0x3FDB];
	_ =	sdelay $0x1  }
0x99: {  	s20 =	simm.s32 $_scs_section_size  }
0x9a: {  	s4 =	simm.s32 $_size__tile_overlayer_lowered;
	s5 =	simm.s32 $_tile_overlayer_lowered  }
0x9b: {  	s6 =	simm.s32 $0x1BFF;
	s21 =	sshll.u32 s5, $0x1;
	s3 =	sadd.s32 s20, s19  }
0x9c: {  	s22 =	simm.s32 $0x0;
	s4 =	sshll.u32 s4, $0x1;
	s5 =	sadd.s32 s21, s3  }
0x9d: {  	[timem:s22], [sflag:s6] =	dma.local [hbm:s5], s4  }
0x9e: {  	_ =	swait.ge [sflag:s6], s4  }
0x9f: {  	s4 =	ssub.s32 $0x0, s4;
	[sflag:s6] =	ssyncset.done $0x0  }
0xa0: {  	[sflag:s6] =	ssyncadd.s32 s4;
	_ =	sdelay $0x1  }
0xa1: {  	s23 =	simm.s32 $0x1B8B  }
0xa2: {  	_ =	swait.ge [sflag:s23], $0x1  }
0xa3: {  	[sflag:s23] =	ssyncset.done $0x0  }
0xa4: {  	[sflag:s23] =	ssyncadd.s32 $0xFFFFFFFF  }
0xa5: {  	s4 =	sld [smem:$0x0]  }
0xa6: {  	s5 =	sand.u32 $0xFFFFFFFE, s1  }
0xa7: {  	p0 =	sne.s32 s1, s5  }
0xa8: {  	s5 =	sshll.u32 @p0 s5, $0xE  }
0xa9: {  	s5 =	sadd.s32 @p0 $0x11B8D, s5;
	s6 =	sshll.u32 @p0 s4, $0x11  }
0xaa: {  	s5 =	sor.u32 @p0 s6, s5  }
0xab: {  	[sflag:s5] =	ssyncadd.remote.s32 @p0 $0x1;
	_ =	sdelay $0x1  }
0xac: {  	s5 =	simm.s32 @p0 $0x1B8D  }
0xad: {  	_ =	swait.eq @p0 [sflag:s5], $0x1  }
0xae: {  	[sflag:s5] =	ssyncadd.s32 @p0 $0xFFFFFFFF  }
0xaf: {  	s6 =	sshll.u32 @!p0 s1, $0xE  }
0xb0: {  	s6 =	sor.u32 @!p0 $0x4000, s6;
	s5 =	simm.s32 @!p0 $0x1B8D  }
0xb1: {  	s4 =	sshll.u32 @!p0 s4, $0x11;
	s6 =	sadd.s32 @!p0 $0x11B8D, s6;
	_ =	swait.eq @!p0 [sflag:s5], $0x1  }
0xb2: {  	s4 =	sor.u32 @!p0 s4, s6;
	[sflag:s5] =	ssyncadd.s32 @!p0 $0xFFFFFFFF  }
0xb3: {  	s25 =	simm.s32 $0x1B8E;
	s24 =	sld [smem:$0x3FFE];
	[sflag:s4] =	ssyncadd.remote.s32 @!p0 $0x1  }
0xb4: {  	s26 =	simm.s32 $execute0_lowered;
	[smem:$0x3FD2] =	sst s25  }
0xb5: {  	s5 =	sshll.u32 s26, $0x1;
	_ =	strace $0x8000004C;
	[dreg:$0x1] =	wrdreg $0xFFFFFFFF  }
0xb6: {  	s28 =	simm.s32 $_size_execute0_lowered;
	s3 =	sadd.s32 s3, s5;
	[dreg:$0x0] =	wrdreg $0x0  }
0xb7: {  	s5 =	sshll.u32 s28, $0x1;
	[dreg:$0x2] =	wrdreg s3  }
0xb8: {  	[dreg:$0x3] =	wrdreg s5  }
0xb9: {  	[dreg:$0x4] =	wrdreg $0xC0  }
0xba: {  	_ =	task [dreg:s22], $0x5FFFF  }
0xbb: {  	[dreg:$0x1] =	wrdreg $0xFFFFFFFF  }
0xbc: {  	[dreg:$0x0] =	wrdreg $0x60  }
0xbd: {  	[dreg:$0x2] =	wrdreg s24  }
0xbe: {  	[dreg:$0x3] =	wrdreg $0xC  }
0xbf: {  	_ =	task.clear_ibuf [dreg:s22], $0x4FFFF;
	_ =	strace $0x9000004C  }
0xc0: {  	s29 =	simm.s32 $0xC;
	_ =	strace $0x8000004E  }
0xc1: {  	_ =	swait.ge [sflag:s29], $0x1  }
0xc2: {  	[sflag:s29] =	ssyncadd.s32 $0xFFFFFFFF  }
0xc3: {  	_ =	strace $0x9000004E  }
0xc4: {  	_ =	sfence  }
0xc5: {  	s30 =	sld [smem:$0x0];
	_ =	sdelay $0x2  }
0xc6: {  	s31 =	sshll.u32 s1, $0xD;
	s1 =	sshrl.u32 s1, $0x2  }
0xc7: {  	s4 =	sand.u32 $0x4000, s31;
	s1 =	sadd.s32 s1, s30  }
0xc8: {  	s0 =	sor.u32 s4, s0;
	s1 =	sshll.u32 s1, $0x11  }
0xc9: {  	s0 =	sor.u32 s1, s0  }
0xca: {  	s0 =	sadd.s32 $0x8F2B, s0  }
0xcb: {  	[sflag:s0] =	ssyncadd.remote.s32 $0x1  }
0xcc: {  	_ =	sfence.sel $0xFFFF  }
0xcd: {  	[dreg:$0x0] =	wrdreg $0xFFFFFFFF;
	(pc) =	sbr.abs _section_cstart, $3  }
0xce: {  	[dreg:$0x1] =	wrdreg $0xFFFFFFFF  }
0xcf: {  	_ =	task.clear_ibuf [dreg:s22], $0x2FFFF;
	_ =	strace $0x9FFFFFFF  }
0xd0: {  	(tm) =	ssettm $0x7FFFFFFF  }
0xd1: {  	_ =	shalt  }
tec
execute0_lowered:
.L_overlay_start_1:
0x0: {  	(tag) =	ssettag $0x1  }
0x1: {  	s3 =	rddreg [dreg:$0x0]  }
0x2: {  	s0 =	rddreg [dreg:$0x1];
	s4 =	srdreg.scid  }
0x3: {  	s2 =	simm.s32 $0x0;
	s1 =	stileid.u32;
	s4 =	sand.u32 $0x1, s4  }
0x4: {  	s7 =	simm.s32 $0x4000;
	s5 =	sshll.u32 s1, $0xC;
	s6 =	sshll.u32 s4, $0xB  }
0x5: {  	v0 =	vlaneseq.u32;
	s8 =	simm.s32 $0x0;
	s4 =	ssub.s32 $0x2, s4;
	s5 =	sor.u32 s6, s5  }
0x6: {  	[smem:$0x7FF] =	sst s2;
	v16 =	vmul.u32 $0x80, v0;
	s31 =	sshrl.u32 s4, $0x1;
	s5 =	sadd.s32 s5, s3  }
0x7: {  	_ =	strace $0x8000004D;
	s6 =	ssub.s32 s4, s31;
	s3 =	sadd.s32 $0x31200, s5  }
0x8: {  	[tilespmem:$0x1FFF0] =	vst v16;
	s4 =	sadd.s32 $0x41200, s5;
	s5 =	smax.u32 s6, $0x1;
	s6 =	simm.s32 $0x1  }
.LBB2_1:
0x9: {  	v1 =	vmov s2  }
0xa: {  	v1 =	vshll.u32 v1, $0x7  }
0xb: {  	v2 =	vor.u32 v16, v1  }
0xc: {  	[tilespmem:s2], [sflag:$0x1] =	stream.linear.gather [hbm4b:s3+s2], $0x4000, $0x38;
	v17 =	vor.u32 $0x1, v2;
	[tilespmem:$0x8000] =	vst v63  }
0xd: {  	_ =	swait.ge [sflag:s6], $0x4000;
	v3 =	vor.u32 $0x2, v2  }
0xe: {  	[sflag:s6] =	ssyncset.done $0x0;
	v4 =	vor.u32 $0x3, v2  }
0xf: {  	[sflag:s6] =	ssyncadd.s32 $0xFFFFC000;
	v5 =	vor.u32 $0x4, v2  }
0x10: {  	v6 =	vld.idx.msk [tilespmem:v2+s2+$0x0], $0xffff  }
0x11: {  	v8 =	vor.u32 $0x5, v2;
	v7 =	vld.idx.msk [tilespmem:v17+s2+$0x0], $0xffff  }
0x12: {  	v10 =	vor.u32 $0x6, v2;
	v9 =	vld.idx.msk [tilespmem:v3+s2+$0x0], $0xffff  }
0x13: {  	v4 =	vld.idx.msk [tilespmem:v4+s2+$0x0], $0xffff  }
0x14: {  	v11 =	vor.u32 $0x7, v2;
	v12 =	vor.u32 $0x8, v2;
	v15 =	vor.u32 $0xA, v2;
	v5 =	vld.idx.msk [tilespmem:v5+s2+$0x0], $0xffff  }
0x15: {  	v44 =	vor.u32 $0xC, v2;
	v46 =	vor.u32 $0xE, v2;
	v13 =	vmin.f32 v6, $-Inf  }
0x16: {  	v8 =	vld.idx.msk [tilespmem:v8+s2+$0x0], $0xffff;
	v14 =	vmax.f32 v6, v7;
	v6 =	vmin.f32 v6, v7;
	v7 =	vor.u32 $0x9, v2  }
0x17: {  	v10 =	vld.idx.msk [tilespmem:v10+s2+$0x0], $0xffff;
	v6 =	vmax.f32 v13, v6;
	v41 =	vmax.f32 v14, v9;
	v9 =	vmin.f32 v14, v9  }
0x18: {  	v42 =	vmax.f32 v41, v4;
	v13 =	vmin.f32 v41, v4;
	v6 =	vmax.f32 v6, v9  }
0x19: {  	v11 =	vld.idx.msk [tilespmem:v11+s2+$0x0], $0xffff;
	v9 =	vor.u32 $0xB, v2;
	v6 =	vmax.f32 v6, v13;
	v43 =	vmin.f32 v42, v5  }
0x1a: {  	v47 =	vor.u32 $0x10, v2;
	v12 =	vld.idx.msk [tilespmem:v12+s2+$0x0], $0xffff;
	v5 =	vmax.f32 v42, v5;
	v6 =	vmax.f32 v6, v43  }
0x1b: {  	v45 =	vmax.f32 v5, v8;
	v5 =	vmin.f32 v5, v8;
	v8 =	vor.u32 $0xD, v2;
	v7 =	vld.idx.msk [tilespmem:v7+s2+$0x0], $0xffff  }
0x1c: {  	v15 =	vld.idx.msk [tilespmem:v15+s2+$0x0], $0xffff;
	v5 =	vmax.f32 v6, v5;
	v6 =	vmax.f32 v45, v10;
	v10 =	vmin.f32 v45, v10  }
0x1d: {  	v48 =	vor.u32 $0x14, v2;
	v49 =	vor.u32 $0x16, v2;
	v5 =	vmax.f32 v5, v10  }
0x1e: {  	v10 =	vmin.f32 v6, v11;
	v6 =	vmax.f32 v6, v11;
	v11 =	vor.u32 $0xF, v2;
	v9 =	vld.idx.msk [tilespmem:v9+s2+$0x0], $0xffff  }
0x1f: {  	v14 =	vld.idx.msk [tilespmem:v44+s2+$0x0], $0xffff;
	v5 =	vmax.f32 v5, v10;
	v10 =	vmax.f32 v6, v12;
	v6 =	vmin.f32 v6, v12  }
0x20: {  	v5 =	vmax.f32 v5, v6;
	v6 =	vmax.f32 v10, v7;
	v7 =	vmin.f32 v10, v7  }
0x21: {  	v8 =	vld.idx.msk [tilespmem:v8+s2+$0x0], $0xffff;
	v10 =	vor.u32 $0x11, v2;
	v5 =	vmax.f32 v5, v7;
	v7 =	vmin.f32 v6, v15  }
0x22: {  	v13 =	vld.idx.msk [tilespmem:v46+s2+$0x0], $0xffff;
	v6 =	vmax.f32 v6, v15;
	v15 =	vor.u32 $0x12, v2;
	v5 =	vmax.f32 v5, v7  }
0x23: {  	v11 =	vld.idx.msk [tilespmem:v11+s2+$0x0], $0xffff;
	v7 =	vmax.f32 v6, v9;
	v6 =	vmin.f32 v6, v9;
	v9 =	vor.u32 $0x13, v2  }
0x24: {  	v12 =	vld.idx.msk [tilespmem:v47+s2+$0x0], $0xffff;
	v5 =	vmax.f32 v5, v6;
	v6 =	vmax.f32 v7, v14;
	v7 =	vmin.f32 v7, v14  }
0x25: {  	v50 =	vor.u32 $0x18, v2;
	v51 =	vor.u32 $0x1C, v2;
	v5 =	vmax.f32 v5, v7  }
0x26: {  	v7 =	vmin.f32 v6, v8;
	v6 =	vmax.f32 v6, v8;
	v8 =	vor.u32 $0x15, v2;
	v10 =	vld.idx.msk [tilespmem:v10+s2+$0x0], $0xffff  }
0x27: {  	v5 =	vmax.f32 v5, v7;
	v7 =	vmax.f32 v6, v13;
	v6 =	vmin.f32 v6, v13;
	v15 =	vld.idx.msk [tilespmem:v15+s2+$0x0], $0xffff  }
0x28: {  	v5 =	vmax.f32 v5, v6;
	v6 =	vmax.f32 v7, v11;
	v7 =	vmin.f32 v7, v11  }
0x29: {  	v11 =	vor.u32 $0x17, v2;
	v9 =	vld.idx.msk [tilespmem:v9+s2+$0x0], $0xffff;
	v5 =	vmax.f32 v5, v7;
	v7 =	vmin.f32 v6, v12  }
0x2a: {  	v52 =	vor.u32 $0x1E, v2;
	v14 =	vld.idx.msk [tilespmem:v48+s2+$0x0], $0xffff;
	v6 =	vmax.f32 v6, v12;
	v5 =	vmax.f32 v5, v7  }
0x2b: {  	v8 =	vld.idx.msk [tilespmem:v8+s2+$0x0], $0xffff;
	v7 =	vmax.f32 v6, v10;
	v6 =	vmin.f32 v6, v10;
	v10 =	vor.u32 $0x19, v2  }
0x2c: {  	v13 =	vld.idx.msk [tilespmem:v49+s2+$0x0], $0xffff;
	v5 =	vmax.f32 v5, v6;
	v6 =	vmax.f32 v7, v15;
	v7 =	vmin.f32 v7, v15  }
0x2d: {  	v53 =	vor.u32 $0x20, v2;
	v15 =	vor.u32 $0x1A, v2;
	v5 =	vmax.f32 v5, v7  }
0x2e: {  	v11 =	vld.idx.msk [tilespmem:v11+s2+$0x0], $0xffff;
	v7 =	vmin.f32 v6, v9;
	v6 =	vmax.f32 v6, v9;
	v9 =	vor.u32 $0x1B, v2  }
0x2f: {  	v12 =	vld.idx.msk [tilespmem:v50+s2+$0x0], $0xffff;
	v5 =	vmax.f32 v5, v7;
	v7 =	vmax.f32 v6, v14;
	v6 =	vmin.f32 v6, v14  }
0x30: {  	v5 =	vmax.f32 v5, v6;
	v6 =	vmax.f32 v7, v8;
	v7 =	vmin.f32 v7, v8;
	v10 =	vld.idx.msk [tilespmem:v10+s2+$0x0], $0xffff  }
0x31: {  	v8 =	vor.u32 $0x1D, v2;
	v5 =	vmax.f32 v5, v7;
	v7 =	vmin.f32 v6, v13  }
0x32: {  	v54 =	vor.u32 $0x24, v2;
	v6 =	vmax.f32 v6, v13;
	v15 =	vld.idx.msk [tilespmem:v15+s2+$0x0], $0xffff;
	v5 =	vmax.f32 v5, v7  }
0x33: {  	v7 =	vmax.f32 v6, v11;
	v6 =	vmin.f32 v6, v11;
	v11 =	vor.u32 $0x1F, v2;
	v9 =	vld.idx.msk [tilespmem:v9+s2+$0x0], $0xffff  }
0x34: {  	v14 =	vld.idx.msk [tilespmem:v51+s2+$0x0], $0xffff;
	v5 =	vmax.f32 v5, v6;
	v6 =	vmax.f32 v7, v12;
	v7 =	vmin.f32 v7, v12  }
0x35: {  	v55 =	vor.u32 $0x26, v2;
	v5 =	vmax.f32 v5, v7;
	v7 =	vmin.f32 v6, v10  }
0x36: {  	v8 =	vld.idx.msk [tilespmem:v8+s2+$0x0], $0xffff;
	v6 =	vmax.f32 v6, v10;
	v10 =	vor.u32 $0x21, v2;
	v5 =	vmax.f32 v5, v7  }
0x37: {  	v13 =	vld.idx.msk [tilespmem:v52+s2+$0x0], $0xffff;
	v7 =	vmax.f32 v6, v15;
	v6 =	vmin.f32 v6, v15;
	v15 =	vor.u32 $0x22, v2  }
0x38: {  	v5 =	vmax.f32 v5, v6;
	v6 =	vmax.f32 v7, v9;
	v7 =	vmin.f32 v7, v9  }
0x39: {  	v11 =	vld.idx.msk [tilespmem:v11+s2+$0x0], $0xffff;
	v9 =	vor.u32 $0x23, v2;
	v5 =	vmax.f32 v5, v7;
	v7 =	vmin.f32 v6, v14  }
0x3a: {  	v56 =	vor.u32 $0x28, v2;
	v12 =	vld.idx.msk [tilespmem:v53+s2+$0x0], $0xffff;
	v6 =	vmax.f32 v6, v14;
	v5 =	vmax.f32 v5, v7  }
0x3b: {  	v7 =	vmax.f32 v6, v8;
	v6 =	vmin.f32 v6, v8;
	v8 =	vor.u32 $0x25, v2;
	v10 =	vld.idx.msk [tilespmem:v10+s2+$0x0], $0xffff  }
0x3c: {  	v5 =	vmax.f32 v5, v6;
	v6 =	vmax.f32 v7, v13;
	v7 =	vmin.f32 v7, v13;
	v15 =	vld.idx.msk [tilespmem:v15+s2+$0x0], $0xffff  }
0x3d: {  	v57 =	vor.u32 $0x2C, v2;
	v58 =	vor.u32 $0x2E, v2;
	v5 =	vmax.f32 v5, v7  }
0x3e: {  	v7 =	vmin.f32 v6, v11;
	v6 =	vmax.f32 v6, v11;
	v11 =	vor.u32 $0x27, v2;
	v9 =	vld.idx.msk [tilespmem:v9+s2+$0x0], $0xffff  }
0x3f: {  	v14 =	vld.idx.msk [tilespmem:v54+s2+$0x0], $0xffff;
	v5 =	vmax.f32 v5, v7;
	v7 =	vmax.f32 v6, v12;
	v6 =	vmin.f32 v6, v12  }
0x40: {  	v5 =	vmax.f32 v5, v6;
	v6 =	vmax.f32 v7, v10;
	v7 =	vmin.f32 v7, v10  }
0x41: {  	v8 =	vld.idx.msk [tilespmem:v8+s2+$0x0], $0xffff;
	v10 =	vor.u32 $0x29, v2;
	v5 =	vmax.f32 v5, v7;
	v7 =	vmin.f32 v6, v15  }
0x42: {  	v13 =	vld.idx.msk [tilespmem:v55+s2+$0x0], $0xffff;
	v6 =	vmax.f32 v6, v15;
	v15 =	vor.u32 $0x2A, v2;
	v5 =	vmax.f32 v5, v7  }
0x43: {  	v11 =	vld.idx.msk [tilespmem:v11+s2+$0x0], $0xffff;
	v7 =	vmax.f32 v6, v9;
	v6 =	vmin.f32 v6, v9;
	v9 =	vor.u32 $0x2B, v2  }
0x44: {  	v12 =	vld.idx.msk [tilespmem:v56+s2+$0x0], $0xffff;
	v5 =	vmax.f32 v5, v6;
	v6 =	vmax.f32 v7, v14;
	v7 =	vmin.f32 v7, v14  }
0x45: {  	v59 =	vor.u32 $0x30, v2;
	v60 =	vor.u32 $0x34, v2;
	v5 =	vmax.f32 v5, v7  }
0x46: {  	v7 =	vmin.f32 v6, v8;
	v6 =	vmax.f32 v6, v8;
	v8 =	vor.u32 $0x2D, v2;
	v10 =	vld.idx.msk [tilespmem:v10+s2+$0x0], $0xffff  }
0x47: {  	v5 =	vmax.f32 v5, v7;
	v7 =	vmax.f32 v6, v13;
	v6 =	vmin.f32 v6, v13;
	v15 =	vld.idx.msk [tilespmem:v15+s2+$0x0], $0xffff  }
0x48: {  	v5 =	vmax.f32 v5, v6;
	v6 =	vmax.f32 v7, v11;
	v7 =	vmin.f32 v7, v11  }
0x49: {  	v11 =	vor.u32 $0x2F, v2;
	v9 =	vld.idx.msk [tilespmem:v9+s2+$0x0], $0xffff;
	v5 =	vmax.f32 v5, v7;
	v7 =	vmin.f32 v6, v12  }
0x4a: {  	v61 =	vor.u32 $0x36, v2;
	v14 =	vld.idx.msk [tilespmem:v57+s2+$0x0], $0xffff;
	v6 =	vmax.f32 v6, v12;
	v5 =	vmax.f32 v5, v7  }
0x4b: {  	v8 =	vld.idx.msk [tilespmem:v8+s2+$0x0], $0xffff;
	v7 =	vmax.f32 v6, v10;
	v6 =	vmin.f32 v6, v10;
	v10 =	vor.u32 $0x31, v2  }
0x4c: {  	v13 =	vld.idx.msk [tilespmem:v58+s2+$0x0], $0xffff;
	v5 =	vmax.f32 v5, v6;
	v6 =	vmax.f32 v7, v15;
	v7 =	vmin.f32 v7, v15  }
0x4d: {  	v62 =	vor.u32 $0x39, v2;
	v15 =	vor.u32 $0x32, v2;
	v5 =	vmax.f32 v5, v7  }
0x4e: {  	v11 =	vld.idx.msk [tilespmem:v11+s2+$0x0], $0xffff;
	v7 =	vmin.f32 v6, v9;
	v6 =	vmax.f32 v6, v9;
	v9 =	vor.u32 $0x33, v2  }
0x4f: {  	v12 =	vld.idx.msk [tilespmem:v59+s2+$0x0], $0xffff;
	v5 =	vmax.f32 v5, v7;
	v7 =	vmax.f32 v6, v14;
	v6 =	vmin.f32 v6, v14  }
0x50: {  	v5 =	vmax.f32 v5, v6;
	v6 =	vmax.f32 v7, v8;
	v7 =	vmin.f32 v7, v8;
	v10 =	vld.idx.msk [tilespmem:v10+s2+$0x0], $0xffff  }
0x51: {  	v8 =	vor.u32 $0x35, v2;
	v5 =	vmax.f32 v5, v7;
	v7 =	vmin.f32 v6, v13  }
0x52: {  	v4 =	vor.u32 $0x38, v2;
	v6 =	vmax.f32 v6, v13;
	v15 =	vld.idx.msk [tilespmem:v15+s2+$0x0], $0xffff;
	v5 =	vmax.f32 v5, v7  }
0x53: {  	v7 =	vmax.f32 v6, v11;
	v6 =	vmin.f32 v6, v11;
	v11 =	vor.u32 $0x37, v2;
	v9 =	vld.idx.msk [tilespmem:v9+s2+$0x0], $0xffff  }
0x54: {  	v14 =	vld.idx.msk [tilespmem:v60+s2+$0x0], $0xffff;
	v5 =	vmax.f32 v5, v6;
	v6 =	vmax.f32 v7, v12;
	v7 =	vmin.f32 v7, v12  }
0x55: {  	v3 =	vor.u32 $0x3B, v2;
	v5 =	vmax.f32 v5, v7;
	v7 =	vmin.f32 v6, v10  }
0x56: {  	v8 =	vld.idx.msk [tilespmem:v8+s2+$0x0], $0xffff;
	v6 =	vmax.f32 v6, v10;
	v10 =	vor.u32 $0x3A, v2;
	v5 =	vmax.f32 v5, v7  }
0x57: {  	v13 =	vld.idx.msk [tilespmem:v61+s2+$0x0], $0xffff;
	v7 =	vmax.f32 v6, v15;
	v6 =	vmin.f32 v6, v15;
	v15 =	vor.u32 $0x3C, v2  }
0x58: {  	v11 =	vld.idx.msk [tilespmem:v11+s2+$0x0], $0xffff;
	v5 =	vmax.f32 v5, v6;
	v6 =	vmax.f32 v7, v9;
	v7 =	vmin.f32 v7, v9  }
0x59: {  	v4 =	vld.idx.msk [tilespmem:v4+s2+$0x0], $0xffff;
	v9 =	vor.u32 $0x3D, v2;
	v5 =	vmax.f32 v5, v7;
	v7 =	vmin.f32 v6, v14  }
0x5a: {  	v63 =	vor.u32 $0x3E, v2;
	v12 =	vld.idx.msk [tilespmem:v62+s2+$0x0], $0xffff;
	v6 =	vmax.f32 v6, v14;
	v5 =	vmax.f32 v5, v7  }
0x5b: {  	v7 =	vmax.f32 v6, v8;
	v6 =	vmin.f32 v6, v8;
	v8 =	vor.u32 $0x3F, v2;
	v10 =	vld.idx.msk [tilespmem:v10+s2+$0x0], $0xffff  }
0x5c: {  	v3 =	vld.idx.msk [tilespmem:v3+s2+$0x0], $0xffff;
	v5 =	vmax.f32 v5, v6;
	v6 =	vmax.f32 v7, v13;
	v7 =	vmin.f32 v7, v13  }
0x5d: {  	v5 =	vmax.f32 v5, v7;
	v7 =	vmax.f32 v6, v11;
	v6 =	vmin.f32 v6, v11;
	v11 =	vld.idx.msk [tilespmem:v15+s2+$0x0], $0xffff  }
0x5e: {  	v5 =	vmax.f32 v5, v6;
	v6 =	vmax.f32 v7, v4;
	v4 =	vmin.f32 v7, v4;
	v7 =	vld.idx.msk [tilespmem:v9+s2+$0x0], $0xffff  }
0x5f: {  	v9 =	vld.idx.msk [tilespmem:v63+s2+$0x0], $0xffff;
	v4 =	vmax.f32 v5, v4;
	v5 =	vmax.f32 v6, v12;
	v6 =	vmin.f32 v6, v12  }
0x60: {  	v4 =	vmax.f32 v4, v6;
	v8 =	vld.idx.msk [tilespmem:v8+s2+$0x0], $0xffff;
	v6 =	vmax.f32 v5, v10;
	v5 =	vmin.f32 v5, v10  }
0x61: {  	v4 =	vmax.f32 v4, v5;
	v5 =	vmax.f32 v6, v3;
	v3 =	vmin.f32 v6, v3  }
0x62: {  	v3 =	vmax.f32 v4, v3;
	v4 =	vmax.f32 v5, v11;
	v5 =	vmin.f32 v5, v11  }
0x63: {  	v3 =	vmax.f32 v3, v5;
	v5 =	vmax.f32 v4, v7;
	v4 =	vmin.f32 v4, v7  }
0x64: {  	v3 =	vmax.f32 v3, v4;
	v4 =	vmax.f32 v5, v9;
	v5 =	vmin.f32 v5, v9  }
0x65: {  	v3 =	vmax.f32 v3, v5;
	v5 =	vmin.f32 v4, v8  }
0x66: {  	v4 =	vmax.f32 v4, v8;
	v3 =	vmax.f32 v3, v5  }
0x67: {  	v3 =	vsub.f32 v3, v4;
	_ =	sdelay $0x1  }
0x68: {  	v3 =	vmul.f32 $1.442695020e+00, v3;
	_ =	sdelay $0x1  }
0x69: {  	(erf) = vpow2.f32 v3;
	_ =	sdelay $0x7  }
0x6a: {  	s9 =	simm.s32 $0x10  }
0x6b: {  	v3 =	vmov s9;
	v11 =	vpop (erf)  }
0x6c: {  	v3 =	vshll.u32 v3, $0x7;
	v5 =	vadd.f32 $1.000000000e+00, v11  }
0x6d: {  	v4 =	vor.u32 v16, v3  }
0x6e: {  	s9 =	simm.s32 $0x20;
	v3 =	vor.u32 $0x1, v4;
	v10 =	vor.u32 $0x2, v4;
	(erf) = vrcp.f32 v5  }
.LBB2_2:
0x6f: {  	v12 =	vor.u32 $0x4, v4;
	v36 =	vor.u32 $0x5, v4  }
0x70: {  	v0 =	vor.u32 $0x3B, v4;
	v41 =	vor.u32 $0x7, v4;
	v44 =	vor.u32 $0x8, v4  }
0x71: {  	v6 =	vor.u32 $0x38, v4;
	v45 =	vor.u32 $0xA, v4;
	v46 =	vor.u32 $0xB, v4  }
0x72: {  	v7 =	vor.u32 $0x36, v4;
	v47 =	vor.u32 $0xD, v4;
	v48 =	vor.u32 $0xE, v4  }
0x73: {  	v8 =	vor.u32 $0x33, v4;
	v49 =	vor.u32 $0x10, v4;
	v50 =	vor.u32 $0x11, v4  }
0x74: {  	v9 =	vor.u32 $0x30, v4;
	v43 =	vor.u32 $0x13, v4;
	v42 =	vor.u32 $0x14, v4  }
0x75: {  	v16 =	vor.u32 $0x2C, v4;
	v39 =	vor.u32 $0x16, v4;
	v38 =	vor.u32 $0x17, v4  }
0x76: {  	v15 =	vor.u32 $0x2D, v4;
	v51 =	vor.u32 $0xF, v4;
	v37 =	vor.u32 $0x19, v4  }
0x77: {  	v35 =	vor.u32 $0x1A, v4;
	v34 =	vor.u32 $0x1C, v4;
	v33 =	vor.u32 $0x1D, v4;
	v13 =	vpop (erf)  }
0x78: {  	v23 =	vor.u32 $0x27, v4;
	v32 =	vor.u32 $0x1F, v4;
	v30 =	vor.u32 $0x20, v4;
	[tilespmem:v2+s7+$0x0] =	vst.idx.msk $0xffff, v13;
	v2 =	vmovc v4  }
0x79: {  	v11 =	vmul.f32 v13, v11;
	v52 =	vor.u32 $0x6, v2;
	v53 =	vor.u32 $0xC, v2  }
0x7a: {  	v29 =	vor.u32 $0x22, v2;
	v60 =	vor.u32 $0x3, v2;
	v54 =	vor.u32 $0x9, v2  }
0x7b: {  	v24 =	vor.u32 $0x2A, v2;
	v55 =	vor.u32 $0x12, v2;
	v26 =	vor.u32 $0x28, v2  }
0x7c: {  	v25 =	vor.u32 $0x29, v2;
	v31 =	vor.u32 $0x24, v2;
	v28 =	vor.u32 $0x25, v2;
	[tilespmem:v17+s7+$0x0] =	vst.idx.msk $0xffff, v11  }
0x7d: {  	v21 =	vor.u32 $0x2F, v2;
	v27 =	vor.u32 $0x26, v2;
	v20 =	vor.u32 $0x31, v2;
	v56 =	vld.idx.msk [tilespmem:v4+s2+$0x0], $0xffff  }
0x7e: {  	v19 =	vor.u32 $0x32, v2;
	v22 =	vor.u32 $0x2E, v2;
	v18 =	vor.u32 $0x34, v2;
	v57 =	vld.idx.msk [tilespmem:v3+s2+$0x0], $0xffff  }
0x7f: {  	[tilespmem:$0x1FFD0] =	vst v0;
	v0 =	vmovc v3;
	v14 =	vor.u32 $0x37, v2;
	v62 =	vor.u32 $0x18, v2;
	v40 =	vor.u32 $0x21, v2;
	v58 =	vld.idx.msk [tilespmem:v10+s2+$0x0], $0xffff  }
0x80: {  	[tilespmem:$0x1FFE0] =	vst v0;
	v13 =	vor.u32 $0x39, v2;
	v5 =	vor.u32 $0x3F, v2;
	v0 =	vor.u32 $0x1E, v2;
	v61 =	vld.idx.msk [tilespmem:v12+s2+$0x0], $0xffff  }
0x81: {  	v17 =	vor.u32 $0x35, v2;
	v11 =	vor.u32 $0x3D, v2;
	v10 =	vor.u32 $0x3A, v2;
	v59 =	vld.idx.msk [tilespmem:v60+s2+$0x0], $0xffff  }
0x82: {  	v63 =	vld.idx.msk [tilespmem:v36+s2+$0x0], $0xffff;
	v3 =	vor.u32 $0x1B, v2;
	v4 =	vor.u32 $0x3E, v2;
	v12 =	vor.u32 $0x3C, v2  }
0x83: {  	v44 =	vld.idx.msk [tilespmem:v44+s2+$0x0], $0xffff;
	v36 =	vmin.f32 v56, $-Inf;
	v1 =	vmax.f32 v56, v57;
	v56 =	vmin.f32 v56, v57  }
0x84: {  	v52 =	vld.idx.msk [tilespmem:v52+s2+$0x0], $0xffff;
	v36 =	vmax.f32 v36, v56;
	v56 =	vmax.f32 v1, v58;
	v1 =	vmin.f32 v1, v58  }
0x85: {  	v60 =	vor.u32 $0x15, v2;
	v57 =	vld.idx.msk [tilespmem:v41+s2+$0x0], $0xffff;
	v41 =	vor.u32 $0x23, v2;
	v1 =	vmax.f32 v36, v1  }
0x86: {  	v45 =	vld.idx.msk [tilespmem:v45+s2+$0x0], $0xffff;
	v36 =	vor.u32 $0x2B, v2;
	v58 =	vmax.f32 v56, v59;
	v56 =	vmin.f32 v56, v59  }
0x87: {  	v54 =	vld.idx.msk [tilespmem:v54+s2+$0x0], $0xffff;
	v59 =	vmax.f32 v58, v61;
	v58 =	vmin.f32 v58, v61;
	v1 =	vmax.f32 v1, v56  }
0x88: {  	v46 =	vld.idx.msk [tilespmem:v46+s2+$0x0], $0xffff;
	v56 =	vmax.f32 v59, v63;
	v1 =	vmax.f32 v1, v58;
	v61 =	vmin.f32 v59, v63  }
0x89: {  	v47 =	vld.idx.msk [tilespmem:v47+s2+$0x0], $0xffff;
	v63 =	vmax.f32 v56, v52;
	v1 =	vmax.f32 v1, v61;
	v52 =	vmin.f32 v56, v52  }
0x8a: {  	v53 =	vld.idx.msk [tilespmem:v53+s2+$0x0], $0xffff;
	v56 =	vmax.f32 v63, v57;
	v1 =	vmax.f32 v1, v52;
	v61 =	vmin.f32 v63, v57  }
0x8b: {  	v48 =	vld.idx.msk [tilespmem:v48+s2+$0x0], $0xffff;
	v63 =	vmax.f32 v56, v44;
	v1 =	vmax.f32 v1, v61;
	v44 =	vmin.f32 v56, v44  }
0x8c: {  	v51 =	vld.idx.msk [tilespmem:v51+s2+$0x0], $0xffff;
	v61 =	vmax.f32 v63, v54;
	v1 =	vmax.f32 v1, v44;
	v63 =	vmin.f32 v63, v54  }
0x8d: {  	v49 =	vld.idx.msk [tilespmem:v49+s2+$0x0], $0xffff;
	v57 =	vmax.f32 v61, v45;
	v1 =	vmax.f32 v1, v63;
	v58 =	vmin.f32 v61, v45  }
0x8e: {  	v50 =	vld.idx.msk [tilespmem:v50+s2+$0x0], $0xffff;
	v59 =	vmax.f32 v57, v46;
	v1 =	vmax.f32 v1, v58;
	v61 =	vmin.f32 v57, v46  }
0x8f: {  	v43 =	vld.idx.msk [tilespmem:v43+s2+$0x0], $0xffff;
	v63 =	vmax.f32 v59, v53;
	v1 =	vmax.f32 v1, v61;
	v53 =	vmin.f32 v59, v53  }
0x90: {  	v52 =	vld.idx.msk [tilespmem:v55+s2+$0x0], $0xffff;
	v54 =	vmax.f32 v63, v47;
	v1 =	vmax.f32 v1, v53;
	v55 =	vmin.f32 v63, v47  }
0x91: {  	v42 =	vld.idx.msk [tilespmem:v42+s2+$0x0], $0xffff;
	v56 =	vmax.f32 v54, v48;
	v1 =	vmax.f32 v1, v55;
	v57 =	vmin.f32 v54, v48  }
0x92: {  	v39 =	vld.idx.msk [tilespmem:v39+s2+$0x0], $0xffff;
	v58 =	vmax.f32 v56, v51;
	v1 =	vmax.f32 v1, v57;
	v59 =	vmin.f32 v56, v51  }
0x93: {  	v47 =	vld.idx.msk [tilespmem:v60+s2+$0x0], $0xffff;
	v60 =	vmax.f32 v58, v49;
	v1 =	vmax.f32 v1, v59;
	v61 =	vmin.f32 v58, v49  }
0x94: {  	v38 =	vld.idx.msk [tilespmem:v38+s2+$0x0], $0xffff;
	v63 =	vmax.f32 v60, v50;
	v1 =	vmax.f32 v1, v61;
	v53 =	vmin.f32 v60, v50  }
0x95: {  	v37 =	vld.idx.msk [tilespmem:v37+s2+$0x0], $0xffff;
	v54 =	vmax.f32 v63, v52;
	v1 =	vmax.f32 v1, v53;
	v56 =	vmin.f32 v63, v52  }
0x96: {  	v55 =	vld.idx.msk [tilespmem:v62+s2+$0x0], $0xffff;
	v57 =	vmax.f32 v54, v43;
	v1 =	vmax.f32 v1, v56;
	v43 =	vmin.f32 v54, v43  }
0x97: {  	v35 =	vld.idx.msk [tilespmem:v35+s2+$0x0], $0xffff;
	v58 =	vmax.f32 v57, v42;
	v1 =	vmax.f32 v1, v43;
	v42 =	vmin.f32 v57, v42  }
0x98: {  	v34 =	vld.idx.msk [tilespmem:v34+s2+$0x0], $0xffff;
	v59 =	vmax.f32 v58, v47;
	v1 =	vmax.f32 v1, v42;
	v60 =	vmin.f32 v58, v47  }
0x99: {  	v3 =	vld.idx.msk [tilespmem:v3+s2+$0x0], $0xffff;
	v61 =	vmax.f32 v59, v39;
	v1 =	vmax.f32 v1, v60;
	v39 =	vmin.f32 v59, v39  }
0x9a: {  	v33 =	vld.idx.msk [tilespmem:v33+s2+$0x0], $0xffff;
	v62 =	vmax.f32 v61, v38;
	v1 =	vmax.f32 v1, v39;
	v38 =	vmin.f32 v61, v38  }
0x9b: {  	v32 =	vld.idx.msk [tilespmem:v32+s2+$0x0], $0xffff;
	v63 =	vmax.f32 v62, v55;
	v1 =	vmax.f32 v1, v38;
	v45 =	vmin.f32 v62, v55  }
0x9c: {  	v0 =	vld.idx.msk [tilespmem:v0+s2+$0x0], $0xffff;
	v46 =	vmax.f32 v63, v37;
	v1 =	vmax.f32 v1, v45;
	v37 =	vmin.f32 v63, v37  }
0x9d: {  	v30 =	vld.idx.msk [tilespmem:v30+s2+$0x0], $0xffff;
	v47 =	vmax.f32 v46, v35;
	v1 =	vmax.f32 v1, v37;
	v35 =	vmin.f32 v46, v35  }
0x9e: {  	v23 =	vld.idx.msk [tilespmem:v23+s2+$0x0], $0xffff;
	v48 =	vmax.f32 v47, v3;
	v1 =	vmax.f32 v1, v35;
	v3 =	vmin.f32 v47, v3  }
0x9f: {  	v49 =	vld.idx.msk [tilespmem:v40+s2+$0x0], $0xffff;
	v50 =	vmax.f32 v48, v34;
	v1 =	vmax.f32 v1, v3;
	v3 =	vmin.f32 v48, v34  }
0xa0: {  	v29 =	vld.idx.msk [tilespmem:v29+s2+$0x0], $0xffff;
	v51 =	vmax.f32 v50, v33;
	v1 =	vmax.f32 v1, v3;
	v3 =	vmin.f32 v50, v33  }
0xa1: {  	v52 =	vld.idx.msk [tilespmem:v41+s2+$0x0], $0xffff;
	v53 =	vmax.f32 v51, v0;
	v1 =	vmax.f32 v1, v3;
	v0 =	vmin.f32 v51, v0  }
0xa2: {  	v31 =	vld.idx.msk [tilespmem:v31+s2+$0x0], $0xffff;
	v3 =	vmax.f32 v53, v32;
	v0 =	vmax.f32 v1, v0;
	v1 =	vmin.f32 v53, v32  }
0xa3: {  	v28 =	vld.idx.msk [tilespmem:v28+s2+$0x0], $0xffff;
	v54 =	vmax.f32 v3, v30;
	v0 =	vmax.f32 v0, v1;
	v1 =	vmin.f32 v3, v30  }
0xa4: {  	v27 =	vld.idx.msk [tilespmem:v27+s2+$0x0], $0xffff;
	v3 =	vmax.f32 v54, v49;
	v0 =	vmax.f32 v0, v1;
	v1 =	vmin.f32 v54, v49  }
0xa5: {  	v16 =	vld.idx.msk [tilespmem:v16+s2+$0x0], $0xffff;
	v55 =	vmax.f32 v3, v29;
	v0 =	vmax.f32 v0, v1;
	v1 =	vmin.f32 v3, v29  }
0xa6: {  	v26 =	vld.idx.msk [tilespmem:v26+s2+$0x0], $0xffff;
	v3 =	vmax.f32 v55, v52;
	v0 =	vmax.f32 v0, v1;
	v1 =	vmin.f32 v55, v52  }
0xa7: {  	v25 =	vld.idx.msk [tilespmem:v25+s2+$0x0], $0xffff;
	v56 =	vmax.f32 v3, v31;
	v0 =	vmax.f32 v0, v1;
	v1 =	vmin.f32 v3, v31  }
0xa8: {  	v24 =	vld.idx.msk [tilespmem:v24+s2+$0x0], $0xffff;
	v3 =	vmax.f32 v56, v28;
	v0 =	vmax.f32 v0, v1;
	v1 =	vmin.f32 v56, v28  }
0xa9: {  	v57 =	vld.idx.msk [tilespmem:v36+s2+$0x0], $0xffff;
	v58 =	vmax.f32 v3, v27;
	v0 =	vmax.f32 v0, v1;
	v1 =	vmin.f32 v3, v27  }
0xaa: {  	v15 =	vld.idx.msk [tilespmem:v15+s2+$0x0], $0xffff;
	v3 =	vmax.f32 v58, v23;
	v0 =	vmax.f32 v0, v1;
	v1 =	vmin.f32 v58, v23  }
0xab: {  	v9 =	vld.idx.msk [tilespmem:v9+s2+$0x0], $0xffff;
	v59 =	vmax.f32 v3, v26;
	v0 =	vmax.f32 v0, v1;
	v1 =	vmin.f32 v3, v26  }
0xac: {  	v22 =	vld.idx.msk [tilespmem:v22+s2+$0x0], $0xffff;
	v3 =	vmax.f32 v59, v25;
	v0 =	vmax.f32 v0, v1;
	v1 =	vmin.f32 v59, v25  }
0xad: {  	v21 =	vld.idx.msk [tilespmem:v21+s2+$0x0], $0xffff;
	v60 =	vmax.f32 v3, v24;
	v0 =	vmax.f32 v0, v1;
	v1 =	vmin.f32 v3, v24  }
0xae: {  	v8 =	vld.idx.msk [tilespmem:v8+s2+$0x0], $0xffff;
	v3 =	vmax.f32 v60, v57;
	v0 =	vmax.f32 v0, v1;
	v1 =	vmin.f32 v60, v57  }
0xaf: {  	v20 =	vld.idx.msk [tilespmem:v20+s2+$0x0], $0xffff;
	v61 =	vmax.f32 v3, v16;
	v0 =	vmax.f32 v0, v1;
	v1 =	vmin.f32 v3, v16  }
0xb0: {  	v19 =	vld.idx.msk [tilespmem:v19+s2+$0x0], $0xffff;
	v3 =	vmax.f32 v61, v15;
	v0 =	vmax.f32 v0, v1;
	v1 =	vmin.f32 v61, v15  }
0xb1: {  	v63 =	vld [tilespmem:$0x1FFD0];
	v15 =	vmax.f32 v3, v22;
	v0 =	vmax.f32 v0, v1;
	v1 =	vmin.f32 v3, v22  }
0xb2: {  	v16 =	vld.idx.msk [tilespmem:v18+s2+$0x0], $0xffff;
	v3 =	vmax.f32 v15, v21;
	v0 =	vmax.f32 v0, v1;
	v1 =	vmin.f32 v15, v21  }
0xb3: {  	v17 =	vld.idx.msk [tilespmem:v17+s2+$0x0], $0xffff;
	v15 =	vmax.f32 v3, v9;
	v0 =	vmax.f32 v0, v1;
	v1 =	vmin.f32 v3, v9  }
0xb4: {  	v7 =	vld.idx.msk [tilespmem:v7+s2+$0x0], $0xffff;
	v3 =	vmax.f32 v15, v20;
	v0 =	vmax.f32 v0, v1;
	v1 =	vmin.f32 v15, v20  }
0xb5: {  	v9 =	vld.idx.msk [tilespmem:v14+s2+$0x0], $0xffff;
	v62 =	vmax.f32 v3, v19;
	v0 =	vmax.f32 v0, v1;
	v1 =	vmin.f32 v3, v19  }
0xb6: {  	v6 =	vld.idx.msk [tilespmem:v6+s2+$0x0], $0xffff;
	v3 =	vmax.f32 v62, v8;
	v0 =	vmax.f32 v0, v1;
	v1 =	vmin.f32 v62, v8  }
0xb7: {  	v13 =	vld.idx.msk [tilespmem:v13+s2+$0x0], $0xffff;
	v8 =	vmax.f32 v3, v16;
	v0 =	vmax.f32 v0, v1;
	v1 =	vmin.f32 v3, v16  }
0xb8: {  	v10 =	vld.idx.msk [tilespmem:v10+s2+$0x0], $0xffff;
	v3 =	vmax.f32 v8, v17;
	v0 =	vmax.f32 v0, v1;
	v1 =	vmin.f32 v8, v17  }
0xb9: {  	v14 =	vld.idx.msk [tilespmem:v63+s2+$0x0], $0xffff;
	v8 =	vmax.f32 v3, v7;
	v0 =	vmax.f32 v0, v1;
	v1 =	vmin.f32 v3, v7  }
0xba: {  	v12 =	vld.idx.msk [tilespmem:v12+s2+$0x0], $0xffff;
	v3 =	vmax.f32 v8, v9;
	v0 =	vmax.f32 v0, v1;
	v1 =	vmin.f32 v8, v9  }
0xbb: {  	v7 =	vld.idx.msk [tilespmem:v11+s2+$0x0], $0xffff;
	v8 =	vmax.f32 v3, v6;
	v0 =	vmax.f32 v0, v1;
	v1 =	vmin.f32 v3, v6  }
0xbc: {  	v4 =	vld.idx.msk [tilespmem:v4+s2+$0x0], $0xffff;
	v3 =	vmax.f32 v8, v13;
	v0 =	vmax.f32 v0, v1;
	v1 =	vmin.f32 v8, v13  }
0xbd: {  	v5 =	vld.idx.msk [tilespmem:v5+s2+$0x0], $0xffff;
	v6 =	vmax.f32 v3, v10;
	v0 =	vmax.f32 v0, v1;
	v1 =	vmin.f32 v3, v10  }
0xbe: {  	v3 =	vmax.f32 v6, v14;
	v0 =	vmax.f32 v0, v1;
	v1 =	vmin.f32 v6, v14  }
0xbf: {  	v6 =	vmax.f32 v3, v12;
	v0 =	vmax.f32 v0, v1;
	v1 =	vmin.f32 v3, v12  }
0xc0: {  	v3 =	vmax.f32 v6, v7;
	v0 =	vmax.f32 v0, v1;
	v1 =	vmin.f32 v6, v7  }
0xc1: {  	v6 =	vmax.f32 v3, v4;
	v0 =	vmax.f32 v0, v1;
	v1 =	vmin.f32 v3, v4  }
0xc2: {  	v0 =	vmax.f32 v0, v1;
	v1 =	vmin.f32 v6, v5  }
0xc3: {  	v3 =	vmax.f32 v6, v5;
	v0 =	vmax.f32 v0, v1  }
0xc4: {  	v0 =	vsub.f32 v0, v3;
	_ =	sdelay $0x1  }
0xc5: {  	v0 =	vmul.f32 $1.442695020e+00, v0;
	_ =	sdelay $0x1  }
0xc6: {  	(erf) = vpow2.f32 v0;
	_ =	sdelay $0x5  }
0xc7: {  	v16 =	vld [tilespmem:$0x1FFF0]  }
0xc8: {  	p0 =	sne.s32 s9, $0x70  }
.Ltmp0:
0xc9: {  	s10 =	smov.u32 s9;
	(pc) =	sbr.rel @p0 .LBB2_2-.Ltmp0, $4  }
0xca: {  	v0 =	vmov s10;
	v11 =	vpop (erf)  }
0xcb: {  	v0 =	vshll.u32 v0, $0x7;
	v1 =	vadd.f32 $1.000000000e+00, v11  }
0xcc: {  	v4 =	vor.u32 v16, v0  }
0xcd: {  	s9 =	sadd.s32 $0x10, s9;
	v17 =	vld [tilespmem:$0x1FFE0];
	v3 =	vor.u32 $0x1, v4;
	v10 =	vor.u32 $0x2, v4;
	(erf) = vrcp.f32 v1  }
0xce: {  	_ =	sdelay $0x7  }
0xcf: {  	v28 =	vor.u32 $0x3, v4;
	v29 =	vor.u32 $0x4, v4;
	v0 =	vpop (erf)  }
0xd0: {  	v7 =	vor.u32 $0x5, v4;
	v9 =	vor.u32 $0x6, v4;
	v1 =	vmul.f32 v0, v11  }
0xd1: {  	v30 =	vor.u32 $0x7, v4;
	v31 =	vor.u32 $0x8, v4;
	v33 =	vor.u32 $0x9, v4;
	[tilespmem:v2+s7+$0x0] =	vst.idx.msk $0xffff, v0  }
0xd2: {  	v14 =	vor.u32 $0xA, v4;
	v36 =	vor.u32 $0xB, v4;
	v38 =	vor.u32 $0xC, v4;
	[tilespmem:v17+s7+$0x0] =	vst.idx.msk $0xffff, v1  }
0xd3: {  	v40 =	vor.u32 $0xD, v4;
	v42 =	vor.u32 $0xE, v4;
	v44 =	vor.u32 $0xF, v4;
	v5 =	vld.idx.msk [tilespmem:v4+s2+$0x0], $0xffff  }
0xd4: {  	v46 =	vor.u32 $0x10, v4;
	v48 =	vor.u32 $0x11, v4;
	v50 =	vor.u32 $0x12, v4;
	v6 =	vld.idx.msk [tilespmem:v3+s2+$0x0], $0xffff  }
0xd5: {  	v52 =	vor.u32 $0x13, v4;
	v54 =	vor.u32 $0x14, v4;
	v56 =	vor.u32 $0x15, v4;
	v8 =	vld.idx.msk [tilespmem:v10+s2+$0x0], $0xffff  }
0xd6: {  	v58 =	vor.u32 $0x16, v4;
	v60 =	vor.u32 $0x17, v4;
	v62 =	vor.u32 $0x18, v4;
	v0 =	vld.idx.msk [tilespmem:v28+s2+$0x0], $0xffff  }
0xd7: {  	v20 =	vor.u32 $0x19, v4;
	v22 =	vor.u32 $0x1A, v4;
	v24 =	vor.u32 $0x1B, v4;
	v12 =	vld.idx.msk [tilespmem:v29+s2+$0x0], $0xffff  }
0xd8: {  	v26 =	vor.u32 $0x1C, v4;
	v2 =	vor.u32 $0x38, v4;
	v1 =	vor.u32 $0x3B, v4;
	v7 =	vld.idx.msk [tilespmem:v7+s2+$0x0], $0xffff  }
0xd9: {  	v9 =	vld.idx.msk [tilespmem:v9+s2+$0x0], $0xffff;
	v32 =	vmin.f32 v5, $-Inf;
	v13 =	vmax.f32 v5, v6;
	v5 =	vmin.f32 v5, v6  }
0xda: {  	v10 =	vld.idx.msk [tilespmem:v30+s2+$0x0], $0xffff;
	v28 =	vor.u32 $0x1D, v4;
	v30 =	vor.u32 $0x1E, v4;
	v5 =	vmax.f32 v32, v5  }
0xdb: {  	v11 =	vld.idx.msk [tilespmem:v31+s2+$0x0], $0xffff;
	v34 =	vmax.f32 v13, v8;
	v8 =	vmin.f32 v13, v8;
	v32 =	vor.u32 $0x1F, v4  }
0xdc: {  	v13 =	vld.idx.msk [tilespmem:v38+s2+$0x0], $0xffff;
	v38 =	vor.u32 $0x22, v4;
	v35 =	vmax.f32 v34, v0;
	v0 =	vmin.f32 v34, v0  }
0xdd: {  	v5 =	vmax.f32 v5, v8;
	v8 =	vld.idx.msk [tilespmem:v36+s2+$0x0], $0xffff;
	v34 =	vor.u32 $0x20, v4;
	v36 =	vor.u32 $0x21, v4  }
0xde: {  	v14 =	vld.idx.msk [tilespmem:v14+s2+$0x0], $0xffff;
	v0 =	vmax.f32 v5, v0;
	v37 =	vmin.f32 v35, v12;
	v12 =	vmax.f32 v35, v12  }
0xdf: {  	v6 =	vld.idx.msk [tilespmem:v33+s2+$0x0], $0xffff;
	v0 =	vmax.f32 v0, v37;
	v39 =	vmax.f32 v12, v7;
	v7 =	vmin.f32 v12, v7  }
0xe0: {  	v12 =	vld.idx.msk [tilespmem:v40+s2+$0x0], $0xffff;
	v40 =	vor.u32 $0x23, v4;
	v0 =	vmax.f32 v0, v7;
	v5 =	vmin.f32 v39, v9  }
0xe1: {  	v41 =	vmax.f32 v39, v9;
	v9 =	vld.idx.msk [tilespmem:v42+s2+$0x0], $0xffff;
	v42 =	vor.u32 $0x24, v4;
	v0 =	vmax.f32 v0, v5  }
0xe2: {  	v43 =	vmin.f32 v41, v10;
	v7 =	vmax.f32 v41, v10;
	v10 =	vld.idx.msk [tilespmem:v44+s2+$0x0], $0xffff;
	v44 =	vor.u32 $0x25, v4  }
0xe3: {  	v0 =	vmax.f32 v0, v43;
	v45 =	vmax.f32 v7, v11;
	v7 =	vmin.f32 v7, v11  }
0xe4: {  	v11 =	vld.idx.msk [tilespmem:v46+s2+$0x0], $0xffff;
	v46 =	vor.u32 $0x26, v4;
	v0 =	vmax.f32 v0, v7;
	v5 =	vmin.f32 v45, v6  }
0xe5: {  	v47 =	vmax.f32 v45, v6;
	v6 =	vld.idx.msk [tilespmem:v48+s2+$0x0], $0xffff;
	v48 =	vor.u32 $0x27, v4;
	v0 =	vmax.f32 v0, v5  }
0xe6: {  	v49 =	vmin.f32 v47, v14;
	v7 =	vmax.f32 v47, v14;
	v14 =	vld.idx.msk [tilespmem:v50+s2+$0x0], $0xffff;
	v50 =	vor.u32 $0x28, v4  }
0xe7: {  	v0 =	vmax.f32 v0, v49;
	v51 =	vmax.f32 v7, v8;
	v7 =	vmin.f32 v7, v8  }
0xe8: {  	v8 =	vld.idx.msk [tilespmem:v52+s2+$0x0], $0xffff;
	v52 =	vor.u32 $0x29, v4;
	v0 =	vmax.f32 v0, v7;
	v5 =	vmin.f32 v51, v13  }
0xe9: {  	v53 =	vmax.f32 v51, v13;
	v13 =	vld.idx.msk [tilespmem:v54+s2+$0x0], $0xffff;
	v54 =	vor.u32 $0x2A, v4;
	v0 =	vmax.f32 v0, v5  }
0xea: {  	v55 =	vmin.f32 v53, v12;
	v7 =	vmax.f32 v53, v12;
	v12 =	vld.idx.msk [tilespmem:v56+s2+$0x0], $0xffff;
	v56 =	vor.u32 $0x2B, v4  }
0xeb: {  	v0 =	vmax.f32 v0, v55;
	v57 =	vmax.f32 v7, v9;
	v7 =	vmin.f32 v7, v9  }
0xec: {  	v9 =	vld.idx.msk [tilespmem:v58+s2+$0x0], $0xffff;
	v58 =	vor.u32 $0x2C, v4;
	v0 =	vmax.f32 v0, v7;
	v5 =	vmin.f32 v57, v10  }
0xed: {  	v59 =	vmax.f32 v57, v10;
	v10 =	vld.idx.msk [tilespmem:v60+s2+$0x0], $0xffff;
	v60 =	vor.u32 $0x2D, v4;
	v0 =	vmax.f32 v0, v5  }
0xee: {  	v61 =	vmin.f32 v59, v11;
	v7 =	vmax.f32 v59, v11;
	v11 =	vld.idx.msk [tilespmem:v62+s2+$0x0], $0xffff;
	v62 =	vor.u32 $0x2E, v4  }
0xef: {  	v0 =	vmax.f32 v0, v61;
	v63 =	vmax.f32 v7, v6;
	v6 =	vmin.f32 v7, v6  }
0xf0: {  	v7 =	vld.idx.msk [tilespmem:v20+s2+$0x0], $0xffff;
	v20 =	vor.u32 $0x2F, v4;
	v0 =	vmax.f32 v0, v6;
	v5 =	vmin.f32 v63, v14  }
0xf1: {  	v21 =	vmax.f32 v63, v14;
	v14 =	vld.idx.msk [tilespmem:v22+s2+$0x0], $0xffff;
	v22 =	vor.u32 $0x30, v4;
	v0 =	vmax.f32 v0, v5  }
0xf2: {  	v23 =	vmin.f32 v21, v8;
	v6 =	vmax.f32 v21, v8;
	v8 =	vld.idx.msk [tilespmem:v24+s2+$0x0], $0xffff;
	v24 =	vor.u32 $0x31, v4  }
0xf3: {  	v0 =	vmax.f32 v0, v23;
	v25 =	vmax.f32 v6, v13;
	v6 =	vmin.f32 v6, v13  }
0xf4: {  	v13 =	vld.idx.msk [tilespmem:v26+s2+$0x0], $0xffff;
	v26 =	vor.u32 $0x32, v4;
	v0 =	vmax.f32 v0, v6;
	v5 =	vmin.f32 v25, v12  }
0xf5: {  	v27 =	vmax.f32 v25, v12;
	v12 =	vld.idx.msk [tilespmem:v28+s2+$0x0], $0xffff;
	v28 =	vor.u32 $0x33, v4;
	v0 =	vmax.f32 v0, v5  }
0xf6: {  	v29 =	vmin.f32 v27, v9;
	v6 =	vmax.f32 v27, v9;
	v9 =	vld.idx.msk [tilespmem:v30+s2+$0x0], $0xffff;
	v30 =	vor.u32 $0x34, v4  }
0xf7: {  	v0 =	vmax.f32 v0, v29;
	v31 =	vmax.f32 v6, v10;
	v6 =	vmin.f32 v6, v10  }
0xf8: {  	v10 =	vld.idx.msk [tilespmem:v32+s2+$0x0], $0xffff;
	v32 =	vor.u32 $0x35, v4;
	v0 =	vmax.f32 v0, v6;
	v5 =	vmin.f32 v31, v11  }
0xf9: {  	v33 =	vmax.f32 v31, v11;
	v11 =	vld.idx.msk [tilespmem:v34+s2+$0x0], $0xffff;
	v34 =	vor.u32 $0x36, v4;
	v0 =	vmax.f32 v0, v5  }
0xfa: {  	v35 =	vmin.f32 v33, v7;
	v6 =	vmax.f32 v33, v7;
	v7 =	vld.idx.msk [tilespmem:v36+s2+$0x0], $0xffff;
	v36 =	vor.u32 $0x37, v4  }
0xfb: {  	v0 =	vmax.f32 v0, v35;
	v37 =	vmax.f32 v6, v14;
	v6 =	vmin.f32 v6, v14  }
0xfc: {  	v14 =	vld.idx.msk [tilespmem:v38+s2+$0x0], $0xffff;
	v38 =	vor.u32 $0x39, v4;
	v0 =	vmax.f32 v0, v6;
	v5 =	vmin.f32 v37, v8  }
0xfd: {  	v39 =	vmax.f32 v37, v8;
	v8 =	vld.idx.msk [tilespmem:v40+s2+$0x0], $0xffff;
	v40 =	vor.u32 $0x3A, v4;
	v0 =	vmax.f32 v0, v5  }
0xfe: {  	v41 =	vmin.f32 v39, v13;
	v6 =	vmax.f32 v39, v13;
	v13 =	vld.idx.msk [tilespmem:v42+s2+$0x0], $0xffff;
	v42 =	vor.u32 $0x3C, v4  }
0xff: {  	v0 =	vmax.f32 v0, v41;
	v43 =	vmax.f32 v6, v12;
	v6 =	vmin.f32 v6, v12  }
0x100: {  	v12 =	vld.idx.msk [tilespmem:v44+s2+$0x0], $0xffff;
	v44 =	vor.u32 $0x3D, v4;
	v0 =	vmax.f32 v0, v6;
	v5 =	vmin.f32 v43, v9  }
0x101: {  	v45 =	vmax.f32 v43, v9;
	v9 =	vld.idx.msk [tilespmem:v46+s2+$0x0], $0xffff;
	v46 =	vor.u32 $0x3E, v4;
	v0 =	vmax.f32 v0, v5  }
0x102: {  	v47 =	vmin.f32 v45, v10;
	v6 =	vmax.f32 v45, v10;
	v10 =	vld.idx.msk [tilespmem:v48+s2+$0x0], $0xffff;
	v48 =	vor.u32 $0x3F, v4  }
0x103: {  	v0 =	vmax.f32 v0, v47;
	v49 =	vmax.f32 v6, v11;
	v6 =	vmin.f32 v6, v11  }
0x104: {  	v0 =	vmax.f32 v0, v6;
	v51 =	vmax.f32 v49, v7;
	v5 =	vmin.f32 v49, v7  }
0x105: {  	v0 =	vmax.f32 v0, v5;
	v53 =	vmin.f32 v51, v14;
	v6 =	vmax.f32 v51, v14  }
0x106: {  	v11 =	vld.idx.msk [tilespmem:v50+s2+$0x0], $0xffff;
	v0 =	vmax.f32 v0, v53;
	v55 =	vmax.f32 v6, v8;
	v6 =	vmin.f32 v6, v8  }
0x107: {  	v7 =	vld.idx.msk [tilespmem:v52+s2+$0x0], $0xffff;
	v0 =	vmax.f32 v0, v6;
	v57 =	vmax.f32 v55, v13;
	v5 =	vmin.f32 v55, v13  }
0x108: {  	v14 =	vld.idx.msk [tilespmem:v54+s2+$0x0], $0xffff;
	v0 =	vmax.f32 v0, v5;
	v59 =	vmin.f32 v57, v12;
	v6 =	vmax.f32 v57, v12  }
0x109: {  	v8 =	vld.idx.msk [tilespmem:v56+s2+$0x0], $0xffff;
	v0 =	vmax.f32 v0, v59;
	v61 =	vmax.f32 v6, v9;
	v6 =	vmin.f32 v6, v9  }
0x10a: {  	v13 =	vld.idx.msk [tilespmem:v58+s2+$0x0], $0xffff;
	v0 =	vmax.f32 v0, v6;
	v63 =	vmax.f32 v61, v10;
	v5 =	vmin.f32 v61, v10  }
0x10b: {  	v12 =	vld.idx.msk [tilespmem:v60+s2+$0x0], $0xffff;
	v0 =	vmax.f32 v0, v5;
	v21 =	vmin.f32 v63, v11;
	v6 =	vmax.f32 v63, v11  }
0x10c: {  	v9 =	vld.idx.msk [tilespmem:v62+s2+$0x0], $0xffff;
	v0 =	vmax.f32 v0, v21;
	v23 =	vmax.f32 v6, v7;
	v6 =	vmin.f32 v6, v7  }
0x10d: {  	v10 =	vld.idx.msk [tilespmem:v20+s2+$0x0], $0xffff;
	v0 =	vmax.f32 v0, v6;
	v25 =	vmax.f32 v23, v14;
	v5 =	vmin.f32 v23, v14  }
0x10e: {  	v11 =	vld.idx.msk [tilespmem:v22+s2+$0x0], $0xffff;
	v0 =	vmax.f32 v0, v5;
	v27 =	vmin.f32 v25, v8;
	v6 =	vmax.f32 v25, v8  }
0x10f: {  	v7 =	vld.idx.msk [tilespmem:v24+s2+$0x0], $0xffff;
	v0 =	vmax.f32 v0, v27;
	v29 =	vmax.f32 v6, v13;
	v6 =	vmin.f32 v6, v13  }
0x110: {  	v14 =	vld.idx.msk [tilespmem:v26+s2+$0x0], $0xffff;
	v0 =	vmax.f32 v0, v6;
	v31 =	vmax.f32 v29, v12;
	v5 =	vmin.f32 v29, v12  }
0x111: {  	v8 =	vld.idx.msk [tilespmem:v28+s2+$0x0], $0xffff;
	v0 =	vmax.f32 v0, v5;
	v33 =	vmin.f32 v31, v9;
	v6 =	vmax.f32 v31, v9  }
0x112: {  	v13 =	vld.idx.msk [tilespmem:v30+s2+$0x0], $0xffff;
	v0 =	vmax.f32 v0, v33;
	v35 =	vmax.f32 v6, v10;
	v6 =	vmin.f32 v6, v10  }
0x113: {  	v12 =	vld.idx.msk [tilespmem:v32+s2+$0x0], $0xffff;
	v0 =	vmax.f32 v0, v6;
	v37 =	vmax.f32 v35, v11;
	v5 =	vmin.f32 v35, v11  }
0x114: {  	v9 =	vld.idx.msk [tilespmem:v34+s2+$0x0], $0xffff;
	v0 =	vmax.f32 v0, v5;
	v39 =	vmin.f32 v37, v7;
	v6 =	vmax.f32 v37, v7  }
0x115: {  	v10 =	vld.idx.msk [tilespmem:v36+s2+$0x0], $0xffff;
	v0 =	vmax.f32 v0, v39;
	v41 =	vmax.f32 v6, v14;
	v6 =	vmin.f32 v6, v14  }
0x116: {  	v2 =	vld.idx.msk [tilespmem:v2+s2+$0x0], $0xffff;
	v0 =	vmax.f32 v0, v6;
	v43 =	vmax.f32 v41, v8;
	v5 =	vmin.f32 v41, v8  }
0x117: {  	v11 =	vld.idx.msk [tilespmem:v38+s2+$0x0], $0xffff;
	v0 =	vmax.f32 v0, v5;
	v45 =	vmin.f32 v43, v13;
	v6 =	vmax.f32 v43, v13  }
0x118: {  	v7 =	vld.idx.msk [tilespmem:v40+s2+$0x0], $0xffff;
	v0 =	vmax.f32 v0, v45;
	v47 =	vmax.f32 v6, v12;
	v6 =	vmin.f32 v6, v12  }
0x119: {  	v1 =	vld.idx.msk [tilespmem:v1+s2+$0x0], $0xffff;
	v0 =	vmax.f32 v0, v6;
	v49 =	vmax.f32 v47, v9;
	v5 =	vmin.f32 v47, v9  }
0x11a: {  	v51 =	vld.idx.msk [tilespmem:v42+s2+$0x0], $0xffff;
	v0 =	vmax.f32 v0, v5;
	v50 =	vmax.f32 v49, v10;
	v6 =	vmin.f32 v49, v10  }
0x11b: {  	v53 =	vld.idx.msk [tilespmem:v44+s2+$0x0], $0xffff;
	v0 =	vmax.f32 v0, v6;
	v52 =	vmax.f32 v50, v2;
	v2 =	vmin.f32 v50, v2  }
0x11c: {  	v55 =	vld.idx.msk [tilespmem:v46+s2+$0x0], $0xffff;
	v0 =	vmax.f32 v0, v2;
	v54 =	vmax.f32 v52, v11;
	v6 =	vmin.f32 v52, v11  }
0x11d: {  	v57 =	vld.idx.msk [tilespmem:v48+s2+$0x0], $0xffff;
	v0 =	vmax.f32 v0, v6;
	v56 =	vmax.f32 v54, v7;
	v2 =	vmin.f32 v54, v7  }
0x11e: {  	v0 =	vmax.f32 v0, v2;
	v58 =	vmax.f32 v56, v1;
	v1 =	vmin.f32 v56, v1  }
0x11f: {  	v0 =	vmax.f32 v0, v1;
	v59 =	vmax.f32 v58, v51;
	v2 =	vmin.f32 v58, v51  }
0x120: {  	v0 =	vmax.f32 v0, v2;
	v60 =	vmax.f32 v59, v53;
	v1 =	vmin.f32 v59, v53  }
0x121: {  	v0 =	vmax.f32 v0, v1;
	v61 =	vmax.f32 v60, v55;
	v2 =	vmin.f32 v60, v55  }
0x122: {  	v0 =	vmax.f32 v0, v2;
	v62 =	vmin.f32 v61, v57  }
0x123: {  	v1 =	vmax.f32 v61, v57;
	v0 =	vmax.f32 v0, v62  }
0x124: {  	v0 =	vsub.f32 v0, v1;
	_ =	sdelay $0x1  }
0x125: {  	v0 =	vmul.f32 $1.442695020e+00, v0;
	_ =	sdelay $0x1  }
0x126: {  	(erf) = vpow2.f32 v0;
	_ =	sdelay $0x8  }
0x127: {  	v0 =	vpop (erf)  }
0x128: {  	v63 =	vadd.f32 $1.000000000e+00, v0;
	_ =	sdelay $0x1  }
0x129: {  	(erf) = vrcp.f32 v63;
	_ =	sdelay $0x8  }
0x12a: {  	v1 =	vpop (erf)  }
0x12b: {  	s8 =	sadd.s32 $0x1, s8;
	v0 =	vmul.f32 v1, v0  }
0x12c: {  	p0 =	sne.s32 s8, s5;
	[tilespmem:v4+s7+$0x0] =	vst.idx.msk $0xffff, v1  }
.Ltmp1:
0x12d: {  	[tilespmem:v3+s7+$0x0] =	vst.idx.msk $0xffff, v0;
	(pc) =	sbr.rel @p0 .LBB2_1-.Ltmp1, $4  }
0x12e: {  	[hbm4b:s4+s2] =	stream.linear.scatter [tilespmem:s7], [sflag:$0x1], $0x4000, $0x38;
	[tilespmem:$0x8000] =	vst v63  }
0x12f: {  	_ =	swait.ge [sflag:s6], $0x4000  }
0x130: {  	[sflag:s6] =	ssyncset.done $0x0  }
0x131: {  	[sflag:s6] =	ssyncadd.s32 $0xFFFFC000  }
0x132: {  	_ =	sfence.sel $0x180000  }
0x133: {  	[bflag:$0x0] =	sbarrier.arrive $0xFFFF  }
0x134: {  	p0 =	sne.s32 s1, $0x0;
	_ =	strace $0x9000004D  }
0x135: {  	s0 =	sadd.s32 @!p0 $0x100000, s0;
	[bflag:$0x2] =	sbarrier.arrive $0xFFFF  }
0x136: {  	[sflag:s0] =	ssyncadd.tile.s32 @!p0 $0x1;
	_ =	shalt  }
.Lfunc_end2:
_tile_overlayer_lowered:
.L_overlay_start_2:
0x137: {  	(tag) =	ssettag $0x2  }
0x138: {  	s0 =	rddreg [dreg:$0x0];
	s2 =	stileid.u32  }
0x139: {  	s1 =	rddreg [dreg:$0x1];
	p0 =	sne.s32 s2, $0x0  }
0x13a: {  	s3 =	rddreg [dreg:$0x2];
	[bflag:$0x3] =	sbarrier.arrive $0xFFFF;
	s2 =	simm.s32 @!p0 $0x1C01  }
0x13b: {  	[timem:s3], [sflag:s2] =	dma.local @!p0 [hbm:s0], s1  }
0x13c: {  	s0 =	simm.s32 @!p0 $0x1  }
0x13d: {  	_ =	swait.ge @!p0 [sflag:s0], s1  }
0x13e: {  	s1 =	ssub.s32 @!p0 $0x0, s1;
	[sflag:s0] =	ssyncset.done @!p0 $0x0  }
0x13f: {  	[sflag:s0] =	ssyncadd.s32 @!p0 s1  }
0x140: {  	[bflag:$0x3] =	sbarrier.arrive $0xFFFF  }
0x141: {  	_ =	shalt  }

</sc_bundles>
